<compile_context>
chip_gen: v7x
topology: tpu7x:2x2x1
jax: 0.10.2.dev20260603
libtpu: 0.0.44.dev20260713+nightly
codegen_flags: <defaults>
</compile_context>

<pallas_src>
import functools

import jax
import jax.numpy as jnp
from jax import lax
from jax.experimental import pallas as pl
from jax.experimental.pallas import tpu as pltpu
from jax.experimental.pallas import tpu_sc as plsc

_PC = pl.pallas_call

N = 8192
N1, N1P = 1639, 1664
N2, N2P = 410, 512
K = 64
R1SQ = 0.2 * 0.2
R2SQ = 0.4 * 0.4
BIGI = 2**30
HIGHEST = jax.lax.Precision.HIGHEST
DEF = jax.lax.Precision.DEFAULT


def _ids2d(rows, cols):
    return (lax.broadcasted_iota(jnp.int32, (rows, cols), 0) * cols
            + lax.broadcasted_iota(jnp.int32, (rows, cols), 1))


def _fps_body(n_valid, n_samples, q_rows, pos_ref, q_ref):
    rows = pos_ref.shape[1]
    px, py, pz = pos_ref[0], pos_ref[1], pos_ref[2]
    ids = _ids2d(rows, 128)
    col = lax.broadcasted_iota(jnp.int32, (1, 128), 1)

    lx, ly, lz = px[0, 0], py[0, 0], pz[0, 0]
    min_d = jnp.where(ids < n_valid, jnp.inf, -1.0)

    for r in range(q_rows):
        gbase = r * 128
        pad = jnp.where(col + gbase >= n_samples, 4.0, 0.0)
        qxr, qyr, qzr = pad, pad, pad
        if r == 0:
            qxr = jnp.where(col == 0, lx, qxr)
            qyr = jnp.where(col == 0, ly, qyr)
            qzr = jnp.where(col == 0, lz, qzr)

        def body(i, c, gbase=gbase):
            min_d, lx, ly, lz, qxr, qyr, qzr = c
            d = (px - lx) ** 2 + (py - ly) ** 2 + (pz - lz) ** 2
            min_d = jnp.minimum(min_d, d)
            m = jnp.max(min_d)
            nxt = jnp.min(jnp.where(min_d == m, ids, BIGI))
            rid = nxt // 128
            selc = col == (nxt - rid * 128)
            pxr = pos_ref[0, pl.ds(rid, 1), :]
            pyr = pos_ref[1, pl.ds(rid, 1), :]
            pzr = pos_ref[2, pl.ds(rid, 1), :]
            lx = jnp.sum(jnp.where(selc, pxr, 0.0))
            ly = jnp.sum(jnp.where(selc, pyr, 0.0))
            lz = jnp.sum(jnp.where(selc, pzr, 0.0))
            keep = (col == i) & (gbase + i < n_samples)
            qxr = jnp.where(keep, lx, qxr)
            qyr = jnp.where(keep, ly, qyr)
            qzr = jnp.where(keep, lz, qzr)
            return (min_d, lx, ly, lz, qxr, qyr, qzr)

        start = 1 if r == 0 else 0
        min_d, lx, ly, lz, qxr, qyr, qzr = lax.fori_loop(
            start, 128, body, (min_d, lx, ly, lz, qxr, qyr, qzr))
        q_ref[0, pl.ds(r, 1), :] = qxr
        q_ref[1, pl.ds(r, 1), :] = qyr
        q_ref[2, pl.ds(r, 1), :] = qzr


def _fps(pos_grid, n_valid, n_samples, q_rows):
    return _PC(
        functools.partial(_fps_body, n_valid, n_samples, q_rows),
        out_shape=jax.ShapeDtypeStruct((3, q_rows, 128), jnp.float32),
    )(pos_grid)


def _thresh_body(r_sq, n_cand, qp_ref, pt_ref, d2_ref, t_ref):
    qx, qy, qz = qp_ref[:, 0:1], qp_ref[:, 1:2], qp_ref[:, 2:3]
    px, py, pz = pt_ref[0:1, :], pt_ref[1:2, :], pt_ref[2:3, :]
    d2 = (qx - px) ** 2 + (qy - py) ** 2 + (qz - pz) ** 2
    cid = lax.broadcasted_iota(jnp.int32, d2.shape, 1)
    d2 = jnp.where((d2 <= r_sq) & (cid < n_cand), d2, jnp.inf)
    d2_ref[...] = d2
    bits = lax.bitcast_convert_type(d2, jnp.int32)

    def body(b, r):
        cand = r | (jnp.int32(1) << (30 - b))
        cnt = jnp.sum((bits < cand[:, None]).astype(jnp.int32), axis=1)
        return jnp.where(cnt < K, cand, r)

    r = lax.fori_loop(0, 31, body, jnp.zeros((d2.shape[0],), jnp.int32))
    t_ref[...] = jnp.minimum(lax.bitcast_convert_type(r, jnp.float32),
                             jnp.float32(r_sq))


def _thresh(qpad, pos_t, r_sq, n_cand, blk=128):
    nq = qpad.shape[0]
    nc = pos_t.shape[1]
    return _PC(
        functools.partial(_thresh_body, r_sq, n_cand),
        grid=(nq // blk,),
        in_specs=[pl.BlockSpec((blk, 8), lambda i: (i, 0)),
                  pl.BlockSpec((3, nc), lambda i: (0, 0))],
        out_specs=(pl.BlockSpec((blk, nc), lambda i: (i, 0)),
                   pl.BlockSpec((blk,), lambda i: (i,))),
        out_shape=(jax.ShapeDtypeStruct((nq, nc), jnp.float32),
                   jax.ShapeDtypeStruct((nq,), jnp.float32)),
    )(qpad, pos_t)


def _sc_compact(d2, t, n_cand_pad):
    nq = d2.shape[0]
    info = plsc.get_sparse_core_info()
    nw = info.num_cores * info.num_subcores
    qpw = nq // nw
    nvec = n_cand_pad // 16
    mesh = plsc.VectorSubcoreMesh(core_axis_name="c", subcore_axis_name="s")

    @functools.partial(
        pl.kernel, mesh=mesh,
        compiler_params=pltpu.CompilerParams(needs_layout_passes=False),
        out_type=jax.ShapeDtypeStruct((nq, 128), jnp.int32),
        scratch_types=[
            pltpu.VMEM((n_cand_pad,), jnp.float32),
            pltpu.VMEM((n_cand_pad + 16,), jnp.int32),
            pltpu.VMEM((128,), jnp.int32),
            pltpu.VMEM((nq,), jnp.float32),
        ],
    )
    def k(d2_hbm, t_hbm, nbr_hbm, row_v, obuf_v, orow_v, t_v):
        wid = lax.axis_index("s") * info.num_cores + lax.axis_index("c")
        base = wid * qpw
        pltpu.sync_copy(t_hbm, t_v)
        zero16 = jnp.zeros((16,), jnp.int32)
        iota16 = lax.iota(jnp.int32, 16)

        def per_query(qi, _):
            pltpu.sync_copy(d2_hbm.at[base + qi], row_v)
            tvec = t_v[pl.ds((base + qi) // 16 * 16, 16)]
            tq = lax.gather(
                tvec, jnp.full((16, 1), (base + qi) % 16, jnp.int32),
                dimension_numbers=lax.GatherDimensionNumbers(
                    offset_dims=(), collapsed_slice_dims=(0,),
                    start_index_map=(0,)),
                slice_sizes=(1,),
                mode=lax.GatherScatterMode.PROMISE_IN_BOUNDS)

            def step(j, carry):
                o, idxv = carry
                v = row_v[pl.ds(j * 16, 16)]
                m = v <= tq
                plsc.store_compressed(obuf_v.at[pl.ds(o, 16)], idxv, mask=m)
                o = o + plsc.all_reduce_population_count(m)[0]
                return (o, idxv + 16)

            for z in range(5):
                obuf_v[pl.ds(z * 16, 16)] = zero16
            o, _ = lax.fori_loop(0, nvec, step, (jnp.int32(0), iota16),
                                 unroll=4)
            for z in range(4):
                orow_v[pl.ds(z * 16, 16)] = obuf_v[pl.ds(z * 16, 16)]
            orow_v[pl.ds(64, 16)] = jnp.minimum(o, K) + zero16
            for z in range(5, 8):
                orow_v[pl.ds(z * 16, 16)] = zero16
            pltpu.sync_copy(orow_v, nbr_hbm.at[base + qi])
            return 0

        lax.fori_loop(0, qpw, per_query, 0)

    return k(d2, t)


def _sc_gather(table, idx):
    b = idx.shape[0]
    d = table.shape[1]
    info = plsc.get_sparse_core_info()
    nw = info.num_cores * info.num_subcores
    bpw = b // nw
    chunk = bpw
    while chunk * d * 4 > 220 * 1024:
        chunk //= 2
    nchunk = bpw // chunk
    mesh = plsc.VectorSubcoreMesh(core_axis_name="c", subcore_axis_name="s")

    @functools.partial(
        pl.kernel, mesh=mesh,
        compiler_params=pltpu.CompilerParams(needs_layout_passes=False,
                                             use_tc_tiling_on_sc=False),
        out_type=jax.ShapeDtypeStruct((b, d), jnp.float32),
        scratch_types=[
            pltpu.VMEM((bpw,), jnp.int32),
            pltpu.VMEM((chunk, d), jnp.float32),
            pltpu.VMEM((chunk, d), jnp.float32),
            pltpu.SemaphoreType.DMA,
            pltpu.SemaphoreType.DMA,
        ],
    )
    def k(tab_hbm, idx_hbm, out_hbm, idx_v, rows_v0, rows_v1, sem0, sem1):
        wid = lax.axis_index("s") * info.num_cores + lax.axis_index("c")
        base = wid * bpw
        pltpu.sync_copy(idx_hbm.at[pl.ds(base, bpw)], idx_v)
        bufs, sems = (rows_v0, rows_v1), (sem0, sem1)

        def start(c):
            return pltpu.async_copy(
                tab_hbm.at[idx_v.at[pl.ds(c * chunk, chunk)]],
                bufs[c % 2], sems[c % 2])

        pend = start(0)
        for c in range(nchunk):
            pend.wait()
            if c + 1 < nchunk:
                pend = start(c + 1)
            pltpu.sync_copy(bufs[c % 2],
                            out_hbm.at[pl.ds(base + c * chunk, chunk)])

    return k(table, idx)


def _conv_body(qb, g_ref, q_ref, cnt_ref, w1_ref, b1_ref, w2_ref, b2_ref,
               w3_ref, b3_ref, o_ref):
    rows = qb * K
    qw = q_ref.shape[1]
    rep = (lax.broadcasted_iota(jnp.int32, (rows, qb), 0) // K
           == lax.broadcasted_iota(jnp.int32, (rows, qb), 1))
    qrep = jnp.dot(rep.astype(jnp.float32), q_ref[...], precision=HIGHEST)
    in1 = g_ref[..., :qw] - qrep
    h = jnp.maximum(jnp.dot(in1, w1_ref[...], precision=DEF)
                    + b1_ref[...], 0.0)
    h = jnp.maximum(jnp.dot(h, w2_ref[...], precision=DEF)
                    + b2_ref[...], 0.0)
    h = jnp.dot(h, w3_ref[...], precision=DEF) + b3_ref[...]
    ch = h.shape[1]
    h3 = h.reshape(qb, K, ch)
    slot = lax.broadcasted_iota(jnp.int32, (qb, K, 1), 1)
    valid = slot < cnt_ref[...][:, :, None]
    h3 = jnp.where(valid, h3, -1e30)
    out = jnp.max(h3, axis=1)
    o_ref[...] = jnp.where(out <= -1e29, 0.0, out)


def _conv(g, qslab, cnt, w1p, b1, w2, b2, w3, b3, qb=16):
    nq = qslab.shape[0]
    return _PC(
        functools.partial(_conv_body, qb),
        grid=(nq // qb,),
        in_specs=[pl.BlockSpec((qb * K, g.shape[1]), lambda i: (i, 0)),
                  pl.BlockSpec((qb, qslab.shape[1]), lambda i: (i, 0)),
                  pl.BlockSpec((qb, 1), lambda i: (i, 0)),
                  pl.BlockSpec(w1p.shape, lambda i: (0, 0)),
                  pl.BlockSpec((1, w1p.shape[1]), lambda i: (0, 0)),
                  pl.BlockSpec(w2.shape, lambda i: (0, 0)),
                  pl.BlockSpec((1, w2.shape[1]), lambda i: (0, 0)),
                  pl.BlockSpec(w3.shape, lambda i: (0, 0)),
                  pl.BlockSpec((1, w3.shape[1]), lambda i: (0, 0))],
        out_specs=pl.BlockSpec((qb, w3.shape[1]), lambda i: (i, 0)),
        out_shape=jax.ShapeDtypeStruct((nq, w3.shape[1]), jnp.float32),
    )(g, qslab, cnt[:, None], w1p, b1[None, :], w2, b2[None, :],
      w3, b3[None, :])


def _sa3fp3_body(n_valid, x2_ref, q2_ref, w0a_ref, w0b_ref, b0_ref, w1_ref,
                 b1_ref, w2_ref, b2_ref, fa_ref, fb_ref, fb0_ref, fc_ref,
                 fb1_ref, f3_ref):
    x2 = x2_ref[...]
    h = jnp.maximum(jnp.dot(x2, w0a_ref[...], precision=DEF)
                    + jnp.dot(q2_ref[...], w0b_ref[...],
                              precision=DEF) + b0_ref[...], 0.0)
    h = jnp.maximum(jnp.dot(h, w1_ref[...], precision=DEF)
                    + b1_ref[...], 0.0)
    h = jnp.dot(h, w2_ref[...], precision=DEF) + b2_ref[...]
    rid = lax.broadcasted_iota(jnp.int32, h.shape, 0)
    h = jnp.where(rid < n_valid, h, -jnp.inf)
    g = jnp.max(h, axis=0, keepdims=True)
    t = jnp.dot(g, fa_ref[...], precision=DEF) + fb0_ref[...]
    f = jnp.maximum(jnp.dot(x2, fb_ref[...], precision=DEF) + t, 0.0)
    f3_ref[...] = jnp.dot(f, fc_ref[...], precision=DEF) + fb1_ref[...]


def _sa3fp3(x2, q2pad, sa3, fp3):
    (w0, b0), (w1, b1), (w2, b2) = sa3
    (f0, fb0), (fc, fb1) = fp3
    fa, fb = f0[:1024, :], f0[1024:, :]
    w0a = w0[:256, :]
    w0b = jnp.zeros((8, 256), jnp.float32).at[:3, :].set(w0[256:, :])
    nq = x2.shape[0]
    return _PC(
        functools.partial(_sa3fp3_body, N2),
        out_shape=jax.ShapeDtypeStruct((nq, fc.shape[1]), jnp.float32),
    )(x2, q2pad, w0a, w0b, b0[None, :], w1, b1[None, :], w2, b2[None, :],
      fa, fb, fb0[None, :], fc, fb1[None, :])


def _knn3(tp_ref, st_ref, n_src):
    qx, qy, qz = tp_ref[:, 0:1], tp_ref[:, 1:2], tp_ref[:, 2:3]
    px, py, pz = st_ref[0:1, :], st_ref[1:2, :], st_ref[2:3, :]
    d2 = (qx - px) ** 2 + (qy - py) ** 2 + (qz - pz) ** 2
    cid = lax.broadcasted_iota(jnp.int32, d2.shape, 1)
    d2 = jnp.where(cid < n_src, d2, jnp.inf)
    wmat = jnp.zeros(d2.shape, jnp.float32)
    sumw = jnp.zeros((d2.shape[0], 1), jnp.float32)
    for _ in range(3):
        m = jnp.min(d2, axis=1, keepdims=True)
        idx = jnp.min(jnp.where(d2 == m, cid, BIGI), axis=1, keepdims=True)
        w = 1.0 / jnp.maximum(m, 1e-16)
        wmat = wmat + jnp.where(cid == idx, w, 0.0)
        sumw = sumw + w
        d2 = jnp.where(cid == idx, jnp.inf, d2)
    return wmat, sumw


def _knn_fp2_body(n_src, tp_ref, st_ref, f_ref, x1_ref, v0a_ref, v0b_ref,
                  c0_ref, v1_ref, c1_ref, o_ref):
    wmat, sumw = _knn3(tp_ref, st_ref, n_src)
    xi = jnp.dot(wmat, f_ref[...], precision=HIGHEST) / sumw
    h = jnp.maximum(jnp.dot(xi, v0a_ref[...], precision=DEF)
                    + jnp.dot(x1_ref[...], v0b_ref[...], precision=DEF)
                    + c0_ref[...], 0.0)
    o_ref[...] = jnp.dot(h, v1_ref[...], precision=DEF) + c1_ref[...]


def _knn_fp2(tpad, s_t, f3, x1, fp2, n_src, blk=128):
    (v0, c0), (v1, c1) = fp2
    v0a, v0b = v0[:256, :], v0[256:, :]
    nt = tpad.shape[0]
    ns = s_t.shape[1]
    return _PC(
        functools.partial(_knn_fp2_body, n_src),
        grid=(nt // blk,),
        in_specs=[pl.BlockSpec((blk, 8), lambda i: (i, 0)),
                  pl.BlockSpec((3, ns), lambda i: (0, 0)),
                  pl.BlockSpec(f3.shape, lambda i: (0, 0)),
                  pl.BlockSpec((blk, x1.shape[1]), lambda i: (i, 0)),
                  pl.BlockSpec(v0a.shape, lambda i: (0, 0)),
                  pl.BlockSpec(v0b.shape, lambda i: (0, 0)),
                  pl.BlockSpec((1, v0.shape[1]), lambda i: (0, 0)),
                  pl.BlockSpec(v1.shape, lambda i: (0, 0)),
                  pl.BlockSpec((1, v1.shape[1]), lambda i: (0, 0))],
        out_specs=pl.BlockSpec((blk, v1.shape[1]), lambda i: (i, 0)),
        out_shape=jax.ShapeDtypeStruct((nt, v1.shape[1]), jnp.float32),
    )(tpad, s_t, f3, x1, v0a, v0b, c0[None, :], v1, c1[None, :])


def _knn_fp1_head_body(n_src, tp_ref, xf_ref, st_ref, f_ref, u0a_ref,
                       u0b_ref, d0_ref, u1_ref, d1_ref, u2_ref, d2r_ref,
                       h0_ref, e0_ref, h1_ref, e1_ref, h2_ref, e2_ref,
                       o_ref):
    wmat, sumw = _knn3(tp_ref, st_ref, n_src)
    xi = jnp.dot(wmat, f_ref[...], precision=HIGHEST) / sumw
    h = jnp.maximum(jnp.dot(xi, u0a_ref[...], precision=DEF)
                    + jnp.dot(xf_ref[...], u0b_ref[...], precision=DEF)
                    + d0_ref[...], 0.0)
    h = jnp.maximum(jnp.dot(h, u1_ref[...], precision=DEF)
                    + d1_ref[...], 0.0)
    h = jnp.dot(h, u2_ref[...], precision=DEF) + d2r_ref[...]
    h = jnp.maximum(jnp.dot(h, h0_ref[...], precision=DEF)
                    + e0_ref[...], 0.0)
    h = jnp.maximum(jnp.dot(h, h1_ref[...], precision=DEF)
                    + e1_ref[...], 0.0)
    o_ref[...] = jnp.dot(h, h2_ref[...], precision=DEF) + e2_ref[...]


def _knn_fp1_head(ppad, xfpad, s_t, f2, fp1, head, n_src, blk=128):
    (u0, d0), (u1, d1), (u2, d2) = fp1
    (h0, e0), (h1, e1), (h2, e2) = head
    u0a = u0[:128, :]
    u0b = jnp.zeros((8, 128), jnp.float32).at[:3, :].set(u0[128:, :])
    h2p = jnp.zeros((128, 128), jnp.float32).at[:, :13].set(h2)
    e2p = jnp.zeros((128,), jnp.float32).at[:13].set(e2)
    nt = ppad.shape[0]
    ns = s_t.shape[1]
    args = (ppad, xfpad, s_t, f2, u0a, u0b, d0[None, :], u1, d1[None, :],
            u2, d2[None, :], h0, e0[None, :], h1, e1[None, :], h2p,
            e2p[None, :])
    specs = [pl.BlockSpec((blk, 8), lambda i: (i, 0)),
             pl.BlockSpec((blk, 8), lambda i: (i, 0)),
             pl.BlockSpec((3, ns), lambda i: (0, 0)),
             pl.BlockSpec(f2.shape, lambda i: (0, 0))]
    for a in args[4:]:
        specs.append(pl.BlockSpec(a.shape, lambda i: (0, 0)))
    return _PC(
        functools.partial(_knn_fp1_head_body, n_src),
        grid=(nt // blk,),
        in_specs=specs,
        out_specs=pl.BlockSpec((blk, 128), lambda i: (i, 0)),
        out_shape=jax.ShapeDtypeStruct((nt, 128), jnp.float32),
    )(*args)


def _pad_rows(a, n):
    return jnp.zeros((n, a.shape[1]), a.dtype).at[:a.shape[0], :].set(a)


def kernel(x, pos, batch, params):
    del batch
    f32 = jnp.float32
    pos_grid = pos.T.reshape(3, 64, 128)

    q1g = _fps(pos_grid, N, N1, N1P // 128)
    q2g = _fps(q1g, N1, N2, N2P // 128)
    q1pad = jnp.zeros((N1P, 8), f32).at[:, :3].set(q1g.reshape(3, N1P).T)
    q2pad = jnp.zeros((N2P, 8), f32).at[:, :3].set(q2g.reshape(3, N2P).T)
    pos_t = pos.T
    q1_t = q1g.reshape(3, N1P)
    q2_t = q2g.reshape(3, N2P)

    sa1 = params['sa1']
    w1 = sa1[0][0]
    t1tab = (jnp.zeros((N, 16), f32)
             .at[:, 0:3].set(x).at[:, 8:11].set(pos))
    q1slab = jnp.zeros((N1P, 16), f32).at[:, 8:11].set(
        q1g.reshape(3, N1P).T)
    w1p = (jnp.zeros((16, 64), f32)
           .at[0:3, :].set(w1[0:3, :]).at[8:11, :].set(w1[3:6, :]))
    d2_1, t1 = _thresh(q1pad, pos_t, R1SQ, N)
    pk1 = _sc_compact(d2_1, t1, N)
    nbr1, cnt1 = pk1[:, :K], pk1[:, K]
    g1 = _sc_gather(t1tab, nbr1.reshape(-1))
    x1 = _conv(g1, q1slab, cnt1, w1p, sa1[0][1], sa1[1][0], sa1[1][1],
               sa1[2][0], sa1[2][1])

    sa2 = params['sa2']
    w2 = sa2[0][0]
    t2tab = (jnp.zeros((N1P, 136), f32)
             .at[:, 0:128].set(x1).at[:, 128:131].set(q1g.reshape(3, N1P).T))
    q2slab = jnp.zeros((N2P, 136), f32).at[:, 128:131].set(
        q2g.reshape(3, N2P).T)
    w2p = jnp.zeros((136, 128), f32).at[0:131, :].set(w2)
    d2_2, t2 = _thresh(q2pad, q1_t, R2SQ, N1)
    pk2 = _sc_compact(d2_2, t2, N1P)
    nbr2, cnt2 = pk2[:, :K], pk2[:, K]
    g2 = _sc_gather(t2tab, nbr2.reshape(-1))
    x2 = _conv(g2, q2slab, cnt2, w2p, sa2[0][1], sa2[1][0], sa2[1][1],
               sa2[2][0], sa2[2][1])

    f3 = _sa3fp3(x2, q2pad, params['sa3'], params['fp3'])

    f2 = _knn_fp2(q1pad, q2_t, f3, x1, params['fp2'], N2)

    ppad = jnp.zeros((N, 8), f32).at[:, :3].set(pos)
    xfpad = jnp.zeros((N, 8), f32).at[:, :3].set(x)
    out = _knn_fp1_head(ppad, xfpad, q1_t, f2, params['fp1'],
                        params['head'], N1)
    return out[:, :13]


def _prep2_body(x1_ref, q1_ref, q2_ref, wx_ref, wp_ref, b_ref,
                a_ref, c_ref):
    a_ref[...] = (jnp.dot(x1_ref[...], wx_ref[...], precision=HIGHEST)
                  + jnp.dot(q1_ref[...], wp_ref[...], precision=HIGHEST))
    c_ref[...] = (b_ref[...]
                  - jnp.dot(q2_ref[...], wp_ref[...], precision=HIGHEST))


def _prep2(x1, q1pad, q2pad, wx, wp_pad, b):
    return _PC(
        _prep2_body,
        out_shape=(jax.ShapeDtypeStruct((N1P, wx.shape[1]), jnp.float32),
                   jax.ShapeDtypeStruct((N2P, wx.shape[1]), jnp.float32)),
    )(x1, q1pad, q2pad, wx, wp_pad, b[None, :])

# --- scband reference (transcript-rebuilt; emitter-appended) ---
"""Pipeline reference for scband-point-net2-segmentation-43894565765763 (READ-ONLY COPY).

The authoritative reference and input builder live on the scoring server;
editing this copy changes nothing except your own understanding.
"""

import math
import jax, jax.numpy as jnp
import numpy as np

N = 8192
IN_CH = 3
OUT_CH = 13

def init_mlp(key, channels):
    params = []
    for i in range(len(channels) - 1):
        key, k1 = jax.random.split(key)
        w = jax.random.normal(k1, (channels[i], channels[i + 1]), dtype=jnp.float32) / np.sqrt(channels[i])
        b = jnp.zeros((channels[i + 1],), dtype=jnp.float32)
        params.append((w, b))
    return params

def mlp_apply(params, x):
    n = len(params)
    for i, (w, b) in enumerate(params):
        x = x @ w + b
        if i < n - 1:
            x = jax.nn.relu(x)
    return x

def fps(pos, n_samples):
    n = pos.shape[0]
    min_d = jnp.full((n,), jnp.inf, dtype=jnp.float32)
    idxs = jnp.zeros((n_samples,), dtype=jnp.int32)
    def body(i, carry):
        min_d, idxs, last = carry
        d = jnp.sum((pos - pos[last]) ** 2, axis=1)
        min_d = jnp.minimum(min_d, d)
        nxt = jnp.argmax(min_d).astype(jnp.int32)
        idxs = idxs.at[i].set(nxt)
        return (min_d, idxs, nxt)
    _, idxs, _ = jax.lax.fori_loop(1, n_samples, body, (min_d, idxs, jnp.int32(0)))
    return idxs

def radius_query(pos, q_pos, r, k):
    d2 = jnp.sum((q_pos[:, None, :] - pos[None, :, :]) ** 2, axis=-1)
    within = d2 <= r * r
    neg = jnp.where(within, -d2, -jnp.inf)
    vals, nbr = jax.lax.top_k(neg, k)
    valid = vals > -jnp.inf
    return nbr, valid

def pointnet_conv(x, pos, q_pos, nbr, valid, params):
    x_j = x[nbr]
    rel = pos[nbr] - q_pos[:, None, :]
    h = mlp_apply(params, jnp.concatenate([x_j, rel], axis=-1))
    h = jnp.where(valid[:, :, None], h, -1e30)
    out = jnp.max(h, axis=1)
    out = jnp.where(out <= -1e29, 0.0, out)
    return out

def knn_interpolate(x, pos, pos_skip, k):
    d2 = jnp.sum((pos_skip[:, None, :] - pos[None, :, :]) ** 2, axis=-1)
    neg, idx = jax.lax.top_k(-d2, k)
    d2k = jnp.maximum(-neg, 1e-16)
    w = 1.0 / d2k
    y = jnp.sum(w[:, :, None] * x[idx], axis=1) / jnp.sum(w, axis=1, keepdims=True)
    return y

def pointnet2_forward(x, pos, batch, params):
    n1 = int(math.ceil(0.2 * pos.shape[0]))
    idx1 = fps(jax.lax.stop_gradient(pos), n1)
    q1 = pos[idx1]
    nbr1, val1 = radius_query(pos, q1, 0.2, 64)
    x1 = pointnet_conv(x, pos, q1, nbr1, val1, params['sa1'])
    n2 = int(math.ceil(0.25 * n1))
    idx2 = fps(jax.lax.stop_gradient(q1), n2)
    q2 = q1[idx2]
    nbr2, val2 = radius_query(q1, q2, 0.4, 64)
    x2 = pointnet_conv(x1, q1, q2, nbr2, val2, params['sa2'])
    h = mlp_apply(params['sa3'], jnp.concatenate([x2, q2], axis=1))
    g = jnp.max(h, axis=0, keepdims=True)
    g_pos = jnp.zeros((1, 3), dtype=jnp.float32)
    xi = knn_interpolate(g, g_pos, q2, 1)
    f3 = mlp_apply(params['fp3'], jnp.concatenate([xi, x2], axis=1))
    xi = knn_interpolate(f3, q2, q1, 3)
    f2 = mlp_apply(params['fp2'], jnp.concatenate([xi, x1], axis=1))
    xi = knn_interpolate(f2, q1, pos, 3)
    f1 = mlp_apply(params['fp1'], jnp.concatenate([xi, x], axis=1))
    return mlp_apply(params['head'], f1)

def setup_inputs(seed: int = 0):
    key = jax.random.key(seed)
    kx, kp, kw = jax.random.split(key, 3)
    x = jax.random.normal(kx, (N, IN_CH), dtype=jnp.float32)
    pos = jax.random.uniform(kp, (N, 3), dtype=jnp.float32)
    batch = jnp.zeros((N,), dtype=jnp.int32)
    ks = jax.random.split(kw, 7)
    params = {
        'sa1': init_mlp(ks[0], [IN_CH + 3, 64, 64, 128]),
        'sa2': init_mlp(ks[1], [128 + 3, 128, 128, 256]),
        'sa3': init_mlp(ks[2], [256 + 3, 256, 512, 1024]),
        'fp3': init_mlp(ks[3], [1024 + 256, 256, 256]),
        'fp2': init_mlp(ks[4], [256 + 128, 256, 128]),
        'fp1': init_mlp(ks[5], [128 + IN_CH, 128, 128, 128]),
        'head': init_mlp(ks[6], [128, 128, 128, OUT_CH]),
    }
    return {'x': x, 'pos': pos, 'batch': batch, 'params': params}

def reference(x, pos, batch, params):
    return pointnet2_forward(x, pos, batch, params)

if __name__ == "__main__":
    import jax
    _d = setup_inputs()
    print(jax.jit(kernel)(*tuple(_d.values())))

</pallas_src>

<mosaic_0001>
#map = affine_map<(d0, d1) -> (0, 0)>
#map1 = affine_map<(d0, d1) -> (0)>
module attributes {stable_mosaic.version = 14 : i64} {
  func.func @k(%arg0: i32, %arg1: i32, %arg2: memref<1664x136xf32, #tpu.memory_space<hbm>>, %arg3: memref<32768xi32, #tpu.memory_space<hbm>>, %arg4: memref<32768x136xf32, #tpu.memory_space<hbm>>, %arg5: memref<1024xi32, #tpu.memory_space<vmem>>, %arg6: memref<256x136xf32, #tpu.memory_space<vmem>>, %arg7: memref<256x136xf32, #tpu.memory_space<vmem>>, %arg8: memref<!tpu.dma_semaphore, #tpu.memory_space<semaphore_mem>>, %arg9: memref<!tpu.dma_semaphore, #tpu.memory_space<semaphore_mem>>) attributes {dimension_semantics = [#tpu.dimension_semantics<core_parallel>, #tpu.dimension_semantics<subcore_parallel>], iteration_bounds = array<i64: 2, 16>, scalar_prefetch = 0 : i64, scratch_operands = 5 : i64, tpu.core_type = #tpu.core_type<sc_vector_subcore>, window_params = [{transform_indices = #map}, {transform_indices = #map1}, {transform_indices = #map}]} {
    %mul3A = arith.constant 2 : i32
    %mul3A_0 = arith.muli %arg1, %mul3A : i32
    %add3A = arith.addi %mul3A_0, %arg0 : i32
    %mul3A_1 = arith.constant 1024 : i32
    %mul3A_2 = arith.muli %add3A, %mul3A_1 : i32
    "tpu.region"() ({
      %run_scoped3A = tpu.sem_alloc : memref<!tpu.dma_semaphore, #tpu.memory_space<semaphore_mem>>
      %dma_start3A_49 = tpu.memref_slice %arg3[%mul3A_2] : memref<32768xi32, #tpu.memory_space<hbm>> -> memref<1024xi32, #tpu.memory_space<hbm>>
      %dma_start3A_50 = tpu.memref_slice %arg3[%mul3A_2] : memref<32768xi32, #tpu.memory_space<hbm>> -> memref<1024xi32, #tpu.memory_space<hbm>>
      tpu.enqueue_dma source(%dma_start3A_50 : memref<1024xi32, #tpu.memory_space<hbm>>) target(%arg5 : memref<1024xi32, #tpu.memory_space<vmem>>) target_semaphore(%run_scoped3A : memref<!tpu.dma_semaphore, #tpu.memory_space<semaphore_mem>>)
      %dma_wait3A_51 = tpu.memref_slice %arg3[%mul3A_2] : memref<32768xi32, #tpu.memory_space<hbm>> -> memref<1024xi32, #tpu.memory_space<hbm>>
      %dma_wait3A_52 = tpu.memref_slice %arg3[%mul3A_2] : memref<32768xi32, #tpu.memory_space<hbm>> -> memref<1024xi32, #tpu.memory_space<hbm>>
      tpu.wait_dma2 semaphore(%run_scoped3A : memref<!tpu.dma_semaphore, #tpu.memory_space<semaphore_mem>>) src(%dma_wait3A_52 : memref<1024xi32, #tpu.memory_space<hbm>>) dst(%arg5 : memref<1024xi32, #tpu.memory_space<vmem>>)
      tpu.yield
    }) : () -> ()
    %dma_start3A = arith.constant 0 : i32
    %dma_start3A_3 = tpu.memref_slice %arg5[%dma_start3A] : memref<1024xi32, #tpu.memory_space<vmem>> -> memref<256xi32, #tpu.memory_space<vmem>>
    %dma_start3A_4 = arith.constant 0 : i32
    %dma_start3A_5 = arith.constant 0 : i32
    %dma_start3A_6 = tpu.memref_slice %arg2[%dma_start3A_4, %dma_start3A_5] : memref<1664x136xf32, #tpu.memory_space<hbm>> -> memref<1664x136xf32, #tpu.memory_space<hbm>>
    tpu.enqueue_indirect_dma source(%dma_start3A_6 : memref<1664x136xf32, #tpu.memory_space<hbm>>) target(%arg6 : memref<256x136xf32, #tpu.memory_space<vmem>>) offsets(%dma_start3A_3 : memref<256xi32, #tpu.memory_space<vmem>>) semaphore(%arg8 : memref<!tpu.dma_semaphore, #tpu.memory_space<semaphore_mem>>)
    %dma_wait3A = arith.constant 0 : i32
    %dma_wait3A_7 = tpu.memref_slice %arg5[%dma_wait3A] : memref<1024xi32, #tpu.memory_space<vmem>> -> memref<256xi32, #tpu.memory_space<vmem>>
    %dma_wait3A_8 = arith.constant 0 : i32
    %dma_wait3A_9 = arith.constant 0 : i32
    %dma_wait3A_10 = tpu.memref_slice %arg2[%dma_wait3A_8, %dma_wait3A_9] : memref<1664x136xf32, #tpu.memory_space<hbm>> -> memref<1664x136xf32, #tpu.memory_space<hbm>>
    tpu.wait_indirect_dma semaphore(%arg8 : memref<!tpu.dma_semaphore, #tpu.memory_space<semaphore_mem>>) src(%dma_wait3A_10 : memref<1664x136xf32, #tpu.memory_space<hbm>>) dst(%arg6 : memref<256x136xf32, #tpu.memory_space<vmem>>)
    %dma_start3A_11 = arith.constant 256 : i32
    %dma_start3A_12 = tpu.memref_slice %arg5[%dma_start3A_11] : memref<1024xi32, #tpu.memory_space<vmem>> -> memref<256xi32, #tpu.memory_space<vmem>>
    %dma_start3A_13 = arith.constant 0 : i32
    %dma_start3A_14 = arith.constant 0 : i32
    %dma_start3A_15 = tpu.memref_slice %arg2[%dma_start3A_13, %dma_start3A_14] : memref<1664x136xf32, #tpu.memory_space<hbm>> -> memref<1664x136xf32, #tpu.memory_space<hbm>>
    tpu.enqueue_indirect_dma source(%dma_start3A_15 : memref<1664x136xf32, #tpu.memory_space<hbm>>) target(%arg7 : memref<256x136xf32, #tpu.memory_space<vmem>>) offsets(%dma_start3A_12 : memref<256xi32, #tpu.memory_space<vmem>>) semaphore(%arg9 : memref<!tpu.dma_semaphore, #tpu.memory_space<semaphore_mem>>)
    %add3A_16 = arith.constant 0 : i32
    %add3A_17 = arith.addi %mul3A_2, %add3A_16 : i32
    "tpu.region"() ({
      %run_scoped3A = tpu.sem_alloc : memref<!tpu.dma_semaphore, #tpu.memory_space<semaphore_mem>>
      %dma_start3A_49 = arith.constant 0 : i32
      %dma_start3A_50 = tpu.memref_slice %arg4[%add3A_17, %dma_start3A_49] : memref<32768x136xf32, #tpu.memory_space<hbm>> -> memref<256x136xf32, #tpu.memory_space<hbm>>
      %dma_start3A_51 = arith.constant 0 : i32
      %dma_start3A_52 = tpu.memref_slice %arg4[%add3A_17, %dma_start3A_51] : memref<32768x136xf32, #tpu.memory_space<hbm>> -> memref<256x136xf32, #tpu.memory_space<hbm>>
      tpu.enqueue_dma source(%arg6 : memref<256x136xf32, #tpu.memory_space<vmem>>) target(%dma_start3A_52 : memref<256x136xf32, #tpu.memory_space<hbm>>) target_semaphore(%run_scoped3A : memref<!tpu.dma_semaphore, #tpu.memory_space<semaphore_mem>>)
      %dma_wait3A_53 = arith.constant 0 : i32
      %dma_wait3A_54 = tpu.memref_slice %arg4[%add3A_17, %dma_wait3A_53] : memref<32768x136xf32, #tpu.memory_space<hbm>> -> memref<256x136xf32, #tpu.memory_space<hbm>>
      %dma_wait3A_55 = arith.constant 0 : i32
      %dma_wait3A_56 = tpu.memref_slice %arg4[%add3A_17, %dma_wait3A_55] : memref<32768x136xf32, #tpu.memory_space<hbm>> -> memref<256x136xf32, #tpu.memory_space<hbm>>
      tpu.wait_dma2 semaphore(%run_scoped3A : memref<!tpu.dma_semaphore, #tpu.memory_space<semaphore_mem>>) src(%arg6 : memref<256x136xf32, #tpu.memory_space<vmem>>) dst(%dma_wait3A_56 : memref<256x136xf32, #tpu.memory_space<hbm>>)
      tpu.yield
    }) : () -> ()
    %dma_wait3A_18 = arith.constant 256 : i32
    %dma_wait3A_19 = tpu.memref_slice %arg5[%dma_wait3A_18] : memref<1024xi32, #tpu.memory_space<vmem>> -> memref<256xi32, #tpu.memory_space<vmem>>
    %dma_wait3A_20 = arith.constant 0 : i32
    %dma_wait3A_21 = arith.constant 0 : i32
    %dma_wait3A_22 = tpu.memref_slice %arg2[%dma_wait3A_20, %dma_wait3A_21] : memref<1664x136xf32, #tpu.memory_space<hbm>> -> memref<1664x136xf32, #tpu.memory_space<hbm>>
    tpu.wait_indirect_dma semaphore(%arg9 : memref<!tpu.dma_semaphore, #tpu.memory_space<semaphore_mem>>) src(%dma_wait3A_22 : memref<1664x136xf32, #tpu.memory_space<hbm>>) dst(%arg7 : memref<256x136xf32, #tpu.memory_space<vmem>>)
    %dma_start3A_23 = arith.constant 512 : i32
    %dma_start3A_24 = tpu.memref_slice %arg5[%dma_start3A_23] : memref<1024xi32, #tpu.memory_space<vmem>> -> memref<256xi32, #tpu.memory_space<vmem>>
    %dma_start3A_25 = arith.constant 0 : i32
    %dma_start3A_26 = arith.constant 0 : i32
    %dma_start3A_27 = tpu.memref_slice %arg2[%dma_start3A_25, %dma_start3A_26] : memref<1664x136xf32, #tpu.memory_space<hbm>> -> memref<1664x136xf32, #tpu.memory_space<hbm>>
    tpu.enqueue_indirect_dma source(%dma_start3A_27 : memref<1664x136xf32, #tpu.memory_space<hbm>>) target(%arg6 : memref<256x136xf32, #tpu.memory_space<vmem>>) offsets(%dma_start3A_24 : memref<256xi32, #tpu.memory_space<vmem>>) semaphore(%arg8 : memref<!tpu.dma_semaphore, #tpu.memory_space<semaphore_mem>>)
    %add3A_28 = arith.constant 256 : i32
    %add3A_29 = arith.addi %mul3A_2, %add3A_28 : i32
    "tpu.region"() ({
      %run_scoped3A = tpu.sem_alloc : memref<!tpu.dma_semaphore, #tpu.memory_space<semaphore_mem>>
      %dma_start3A_49 = arith.constant 0 : i32
      %dma_start3A_50 = tpu.memref_slice %arg4[%add3A_29, %dma_start3A_49] : memref<32768x136xf32, #tpu.memory_space<hbm>> -> memref<256x136xf32, #tpu.memory_space<hbm>>
      %dma_start3A_51 = arith.constant 0 : i32
      %dma_start3A_52 = tpu.memref_slice %arg4[%add3A_29, %dma_start3A_51] : memref<32768x136xf32, #tpu.memory_space<hbm>> -> memref<256x136xf32, #tpu.memory_space<hbm>>
      tpu.enqueue_dma source(%arg7 : memref<256x136xf32, #tpu.memory_space<vmem>>) target(%dma_start3A_52 : memref<256x136xf32, #tpu.memory_space<hbm>>) target_semaphore(%run_scoped3A : memref<!tpu.dma_semaphore, #tpu.memory_space<semaphore_mem>>)
      %dma_wait3A_53 = arith.constant 0 : i32
      %dma_wait3A_54 = tpu.memref_slice %arg4[%add3A_29, %dma_wait3A_53] : memref<32768x136xf32, #tpu.memory_space<hbm>> -> memref<256x136xf32, #tpu.memory_space<hbm>>
      %dma_wait3A_55 = arith.constant 0 : i32
      %dma_wait3A_56 = tpu.memref_slice %arg4[%add3A_29, %dma_wait3A_55] : memref<32768x136xf32, #tpu.memory_space<hbm>> -> memref<256x136xf32, #tpu.memory_space<hbm>>
      tpu.wait_dma2 semaphore(%run_scoped3A : memref<!tpu.dma_semaphore, #tpu.memory_space<semaphore_mem>>) src(%arg7 : memref<256x136xf32, #tpu.memory_space<vmem>>) dst(%dma_wait3A_56 : memref<256x136xf32, #tpu.memory_space<hbm>>)
      tpu.yield
    }) : () -> ()
    %dma_wait3A_30 = arith.constant 512 : i32
    %dma_wait3A_31 = tpu.memref_slice %arg5[%dma_wait3A_30] : memref<1024xi32, #tpu.memory_space<vmem>> -> memref<256xi32, #tpu.memory_space<vmem>>
    %dma_wait3A_32 = arith.constant 0 : i32
    %dma_wait3A_33 = arith.constant 0 : i32
    %dma_wait3A_34 = tpu.memref_slice %arg2[%dma_wait3A_32, %dma_wait3A_33] : memref<1664x136xf32, #tpu.memory_space<hbm>> -> memref<1664x136xf32, #tpu.memory_space<hbm>>
    tpu.wait_indirect_dma semaphore(%arg8 : memref<!tpu.dma_semaphore, #tpu.memory_space<semaphore_mem>>) src(%dma_wait3A_34 : memref<1664x136xf32, #tpu.memory_space<hbm>>) dst(%arg6 : memref<256x136xf32, #tpu.memory_space<vmem>>)
    %dma_start3A_35 = arith.constant 768 : i32
    %dma_start3A_36 = tpu.memref_slice %arg5[%dma_start3A_35] : memref<1024xi32, #tpu.memory_space<vmem>> -> memref<256xi32, #tpu.memory_space<vmem>>
    %dma_start3A_37 = arith.constant 0 : i32
    %dma_start3A_38 = arith.constant 0 : i32
    %dma_start3A_39 = tpu.memref_slice %arg2[%dma_start3A_37, %dma_start3A_38] : memref<1664x136xf32, #tpu.memory_space<hbm>> -> memref<1664x136xf32, #tpu.memory_space<hbm>>
    tpu.enqueue_indirect_dma source(%dma_start3A_39 : memref<1664x136xf32, #tpu.memory_space<hbm>>) target(%arg7 : memref<256x136xf32, #tpu.memory_space<vmem>>) offsets(%dma_start3A_36 : memref<256xi32, #tpu.memory_space<vmem>>) semaphore(%arg9 : memref<!tpu.dma_semaphore, #tpu.memory_space<semaphore_mem>>)
    %add3A_40 = arith.constant 512 : i32
    %add3A_41 = arith.addi %mul3A_2, %add3A_40 : i32
    "tpu.region"() ({
      %run_scoped3A = tpu.sem_alloc : memref<!tpu.dma_semaphore, #tpu.memory_space<semaphore_mem>>
      %dma_start3A_49 = arith.constant 0 : i32
      %dma_start3A_50 = tpu.memref_slice %arg4[%add3A_41, %dma_start3A_49] : memref<32768x136xf32, #tpu.memory_space<hbm>> -> memref<256x136xf32, #tpu.memory_space<hbm>>
      %dma_start3A_51 = arith.constant 0 : i32
      %dma_start3A_52 = tpu.memref_slice %arg4[%add3A_41, %dma_start3A_51] : memref<32768x136xf32, #tpu.memory_space<hbm>> -> memref<256x136xf32, #tpu.memory_space<hbm>>
      tpu.enqueue_dma source(%arg6 : memref<256x136xf32, #tpu.memory_space<vmem>>) target(%dma_start3A_52 : memref<256x136xf32, #tpu.memory_space<hbm>>) target_semaphore(%run_scoped3A : memref<!tpu.dma_semaphore, #tpu.memory_space<semaphore_mem>>)
      %dma_wait3A_53 = arith.constant 0 : i32
      %dma_wait3A_54 = tpu.memref_slice %arg4[%add3A_41, %dma_wait3A_53] : memref<32768x136xf32, #tpu.memory_space<hbm>> -> memref<256x136xf32, #tpu.memory_space<hbm>>
      %dma_wait3A_55 = arith.constant 0 : i32
      %dma_wait3A_56 = tpu.memref_slice %arg4[%add3A_41, %dma_wait3A_55] : memref<32768x136xf32, #tpu.memory_space<hbm>> -> memref<256x136xf32, #tpu.memory_space<hbm>>
      tpu.wait_dma2 semaphore(%run_scoped3A : memref<!tpu.dma_semaphore, #tpu.memory_space<semaphore_mem>>) src(%arg6 : memref<256x136xf32, #tpu.memory_space<vmem>>) dst(%dma_wait3A_56 : memref<256x136xf32, #tpu.memory_space<hbm>>)
      tpu.yield
    }) : () -> ()
    %dma_wait3A_42 = arith.constant 768 : i32
    %dma_wait3A_43 = tpu.memref_slice %arg5[%dma_wait3A_42] : memref<1024xi32, #tpu.memory_space<vmem>> -> memref<256xi32, #tpu.memory_space<vmem>>
    %dma_wait3A_44 = arith.constant 0 : i32
    %dma_wait3A_45 = arith.constant 0 : i32
    %dma_wait3A_46 = tpu.memref_slice %arg2[%dma_wait3A_44, %dma_wait3A_45] : memref<1664x136xf32, #tpu.memory_space<hbm>> -> memref<1664x136xf32, #tpu.memory_space<hbm>>
    tpu.wait_indirect_dma semaphore(%arg9 : memref<!tpu.dma_semaphore, #tpu.memory_space<semaphore_mem>>) src(%dma_wait3A_46 : memref<1664x136xf32, #tpu.memory_space<hbm>>) dst(%arg7 : memref<256x136xf32, #tpu.memory_space<vmem>>)
    %add3A_47 = arith.constant 768 : i32
    %add3A_48 = arith.addi %mul3A_2, %add3A_47 : i32
    "tpu.region"() ({
      %run_scoped3A = tpu.sem_alloc : memref<!tpu.dma_semaphore, #tpu.memory_space<semaphore_mem>>
      %dma_start3A_49 = arith.constant 0 : i32
      %dma_start3A_50 = tpu.memref_slice %arg4[%add3A_48, %dma_start3A_49] : memref<32768x136xf32, #tpu.memory_space<hbm>> -> memref<256x136xf32, #tpu.memory_space<hbm>>
      %dma_start3A_51 = arith.constant 0 : i32
      %dma_start3A_52 = tpu.memref_slice %arg4[%add3A_48, %dma_start3A_51] : memref<32768x136xf32, #tpu.memory_space<hbm>> -> memref<256x136xf32, #tpu.memory_space<hbm>>
      tpu.enqueue_dma source(%arg7 : memref<256x136xf32, #tpu.memory_space<vmem>>) target(%dma_start3A_52 : memref<256x136xf32, #tpu.memory_space<hbm>>) target_semaphore(%run_scoped3A : memref<!tpu.dma_semaphore, #tpu.memory_space<semaphore_mem>>)
      %dma_wait3A_53 = arith.constant 0 : i32
      %dma_wait3A_54 = tpu.memref_slice %arg4[%add3A_48, %dma_wait3A_53] : memref<32768x136xf32, #tpu.memory_space<hbm>> -> memref<256x136xf32, #tpu.memory_space<hbm>>
      %dma_wait3A_55 = arith.constant 0 : i32
      %dma_wait3A_56 = tpu.memref_slice %arg4[%add3A_48, %dma_wait3A_55] : memref<32768x136xf32, #tpu.memory_space<hbm>> -> memref<256x136xf32, #tpu.memory_space<hbm>>
      tpu.wait_dma2 semaphore(%run_scoped3A : memref<!tpu.dma_semaphore, #tpu.memory_space<semaphore_mem>>) src(%arg7 : memref<256x136xf32, #tpu.memory_space<vmem>>) dst(%dma_wait3A_56 : memref<256x136xf32, #tpu.memory_space<hbm>>)
      tpu.yield
    }) : () -> ()
    return
  }
}

#map = affine_map<(d0, d1) -> (0, 0)>
#map1 = affine_map<(d0, d1) -> (0)>
module attributes {stable_mosaic.version = 14 : i64} {
  func.func @k(%arg0: i32, %arg1: i32, %arg2: memref<1664x8192xf32, #tpu.memory_space<hbm>>, %arg3: memref<1664xf32, #tpu.memory_space<hbm>>, %arg4: memref<1664x128xi32, #tpu.memory_space<hbm>>, %arg5: memref<8192xf32, #tpu.memory_space<vmem>>, %arg6: memref<8208xi32, #tpu.memory_space<vmem>>, %arg7: memref<128xi32, #tpu.memory_space<vmem>>, %arg8: memref<1664xf32, #tpu.memory_space<vmem>>) attributes {dimension_semantics = [#tpu.dimension_semantics<core_parallel>, #tpu.dimension_semantics<subcore_parallel>], iteration_bounds = array<i64: 2, 16>, scalar_prefetch = 0 : i64, scratch_operands = 4 : i64, tpu.core_type = #tpu.core_type<sc_vector_subcore>, window_params = [{transform_indices = #map}, {transform_indices = #map1}, {transform_indices = #map}]} {
    %mul3A = arith.constant 2 : i32
    %mul3A_0 = arith.muli %arg1, %mul3A : i32
    %add3A = arith.addi %mul3A_0, %arg0 : i32
    %mul3A_1 = arith.constant 52 : i32
    %mul3A_2 = arith.muli %add3A, %mul3A_1 : i32
    "tpu.region"() ({
      %run_scoped3A = tpu.sem_alloc : memref<!tpu.dma_semaphore, #tpu.memory_space<semaphore_mem>>
      tpu.enqueue_dma source(%arg3 : memref<1664xf32, #tpu.memory_space<hbm>>) target(%arg8 : memref<1664xf32, #tpu.memory_space<vmem>>) target_semaphore(%run_scoped3A : memref<!tpu.dma_semaphore, #tpu.memory_space<semaphore_mem>>)
      tpu.wait_dma2 semaphore(%run_scoped3A : memref<!tpu.dma_semaphore, #tpu.memory_space<semaphore_mem>>) src(%arg3 : memref<1664xf32, #tpu.memory_space<hbm>>) dst(%arg8 : memref<1664xf32, #tpu.memory_space<vmem>>)
      tpu.yield
    }) : () -> ()
    %broadcast_in_dim3A = arith.constant 0 : i32
    %broadcast_in_dim3A_3 = vector.broadcast %broadcast_in_dim3A : i32 to vector<16xi32>
    %iota3A = tpu.iota {dimensions = array<i32: 0>} : vector<16xi32>
    %scan3A = arith.constant 0 : i32
    %scan3A_4 = arith.constant 0 : i32
    %scan3A_5 = arith.constant 52 : i32
    %scan3A_6 = arith.addi %scan3A_4, %scan3A_5 : i32
    %scan3A_7 = arith.constant 1 : i32
    %scan3A_8 = scf.for %scan3A_10 = %scan3A_4 to %scan3A_6 step %scan3A_7 iter_args(%scan3A_11 = %scan3A) -> (i32)  : i32 {
      %add3A_12 = arith.addi %mul3A_2, %scan3A_10 : i32
      "tpu.region"() ({
        %run_scoped3A = tpu.sem_alloc : memref<!tpu.dma_semaphore, #tpu.memory_space<semaphore_mem>>
        %dma_start3A = arith.constant 0 : i32
        %dma_start3A_95 = tpu.memref_slice %arg2[%add3A_12, %dma_start3A] : memref<1664x8192xf32, #tpu.memory_space<hbm>> -> memref<1x8192xf32, #tpu.memory_space<hbm>>
        %dma_start3A_96 = tpu.memref_squeeze %dma_start3A_95 : memref<1x8192xf32, #tpu.memory_space<hbm>> -> memref<8192xf32, #tpu.memory_space<hbm>>
        %dma_start3A_97 = arith.constant 0 : i32
        %dma_start3A_98 = tpu.memref_slice %arg2[%add3A_12, %dma_start3A_97] : memref<1664x8192xf32, #tpu.memory_space<hbm>> -> memref<1x8192xf32, #tpu.memory_space<hbm>>
        %dma_start3A_99 = tpu.memref_squeeze %dma_start3A_98 : memref<1x8192xf32, #tpu.memory_space<hbm>> -> memref<8192xf32, #tpu.memory_space<hbm>>
        tpu.enqueue_dma source(%dma_start3A_99 : memref<8192xf32, #tpu.memory_space<hbm>>) target(%arg5 : memref<8192xf32, #tpu.memory_space<vmem>>) target_semaphore(%run_scoped3A : memref<!tpu.dma_semaphore, #tpu.memory_space<semaphore_mem>>)
        %dma_wait3A = arith.constant 0 : i32
        %dma_wait3A_100 = tpu.memref_slice %arg2[%add3A_12, %dma_wait3A] : memref<1664x8192xf32, #tpu.memory_space<hbm>> -> memref<1x8192xf32, #tpu.memory_space<hbm>>
        %dma_wait3A_101 = tpu.memref_squeeze %dma_wait3A_100 : memref<1x8192xf32, #tpu.memory_space<hbm>> -> memref<8192xf32, #tpu.memory_space<hbm>>
        %dma_wait3A_102 = arith.constant 0 : i32
        %dma_wait3A_103 = tpu.memref_slice %arg2[%add3A_12, %dma_wait3A_102] : memref<1664x8192xf32, #tpu.memory_space<hbm>> -> memref<1x8192xf32, #tpu.memory_space<hbm>>
        %dma_wait3A_104 = tpu.memref_squeeze %dma_wait3A_103 : memref<1x8192xf32, #tpu.memory_space<hbm>> -> memref<8192xf32, #tpu.memory_space<hbm>>
        tpu.wait_dma2 semaphore(%run_scoped3A : memref<!tpu.dma_semaphore, #tpu.memory_space<semaphore_mem>>) src(%dma_wait3A_104 : memref<8192xf32, #tpu.memory_space<hbm>>) dst(%arg5 : memref<8192xf32, #tpu.memory_space<vmem>>)
        tpu.yield
      }) : () -> ()
      %add3A_13 = arith.addi %mul3A_2, %scan3A_10 : i32
      %jit3A = arith.constant 16 : i32
      %div3A = arith.divsi %add3A_13, %jit3A : i32
      %sign3A = arith.constant 0 : i32
      %sign3A_14 = arith.cmpi sgt, %add3A_13, %sign3A : i32
      %sign3A_15 = arith.extui %sign3A_14 : i1 to i32
      %sign3A_16 = arith.constant 0 : i32
      %sign3A_17 = arith.cmpi slt, %add3A_13, %sign3A_16 : i32
      %sign3A_18 = arith.extui %sign3A_17 : i1 to i32
      %sign3A_19 = arith.subi %sign3A_15, %sign3A_18 : i32
      %sign3A_20 = arith.constant 0 : i32
      %sign3A_21 = arith.cmpi sgt, %jit3A, %sign3A_20 : i32
      %sign3A_22 = arith.extui %sign3A_21 : i1 to i32
      %sign3A_23 = arith.constant 0 : i32
      %sign3A_24 = arith.cmpi slt, %jit3A, %sign3A_23 : i32
      %sign3A_25 = arith.extui %sign3A_24 : i1 to i32
      %sign3A_26 = arith.subi %sign3A_22, %sign3A_25 : i32
      %ne3A = arith.cmpi ne, %sign3A_19, %sign3A_26 : i32
      %rem3A = arith.remsi %add3A_13, %jit3A : i32
      %ne3A_27 = arith.constant 0 : i32
      %ne3A_28 = arith.cmpi ne, %rem3A, %ne3A_27 : i32
      %and3A = arith.andi %ne3A, %ne3A_28 : i1
      %sub3A = arith.constant 1 : i32
      %sub3A_29 = arith.subi %div3A, %sub3A : i32
      %select_n3A = arith.select %and3A, %sub3A_29, %div3A : i32
      %mul3A_30 = arith.constant 16 : i32
      %mul3A_31 = arith.muli %select_n3A, %mul3A_30 : i32
      %get3A = arith.index_cast %mul3A_31 : i32 to index
      %get3A_32 = tpu.vector_load %arg8[%get3A] {strides = array<i32>} : memref<1664xf32, #tpu.memory_space<vmem>>, vector<16xf32>,
      %add3A_33 = arith.addi %mul3A_2, %scan3A_10 : i32
      %jit3A_34 = arith.constant 16 : i32
      %eq3A = arith.constant 0 : i32
      %eq3A_35 = arith.cmpi eq, %jit3A_34, %eq3A : i32
      %jit3A_36 = arith.constant 1 : i32
      %select_n3A_37 = arith.select %eq3A_35, %jit3A_36, %jit3A_34 : i32
      %rem3A_38 = arith.remsi %add3A_33, %select_n3A_37 : i32
      %ne3A_39 = arith.constant 0 : i32
      %ne3A_40 = arith.cmpi ne, %rem3A_38, %ne3A_39 : i32
      %lt3A = arith.constant 0 : i32
      %lt3A_41 = arith.cmpi slt, %rem3A_38, %lt3A : i32
      %lt3A_42 = arith.constant 0 : i32
      %lt3A_43 = arith.cmpi slt, %select_n3A_37, %lt3A_42 : i32
      %ne3A_44 = arith.xori %lt3A_41, %lt3A_43 : i1
      %and3A_45 = arith.andi %ne3A_44, %ne3A_40 : i1
      %add3A_46 = arith.addi %rem3A_38, %select_n3A_37 : i32
      %select_n3A_47 = arith.select %and3A_45, %add3A_46, %rem3A_38 : i32
      %broadcast_in_dim3A_48 = vector.broadcast %select_n3A_47 : i32 to vector<16x1xi32>
      %gather3A = vector.shape_cast %broadcast_in_dim3A_48 : vector<16x1xi32> to vector<16xi32>
      %gather3A_49 = tpu.dynamic_gather %get3A_32[%gather3A] in [0] : vector<16xf32>, vector<16xi32> -> vector<16xf32>
      %swap3A = arith.constant 0 : index
      %swap3A_50 = tpu.vector_load %arg6[%swap3A] {strides = array<i32>} : memref<8208xi32, #tpu.memory_space<vmem>>, vector<16xi32>,
      tpu.vector_store %arg6[%swap3A], %broadcast_in_dim3A_3 {strides = array<i32>} : memref<8208xi32, #tpu.memory_space<vmem>>, vector<16xi32>,
      %swap3A_51 = arith.constant 16 : index
      %swap3A_52 = tpu.vector_load %arg6[%swap3A_51] {strides = array<i32>} : memref<8208xi32, #tpu.memory_space<vmem>>, vector<16xi32>,
      tpu.vector_store %arg6[%swap3A_51], %broadcast_in_dim3A_3 {strides = array<i32>} : memref<8208xi32, #tpu.memory_space<vmem>>, vector<16xi32>,
      %swap3A_53 = arith.constant 32 : index
      %swap3A_54 = tpu.vector_load %arg6[%swap3A_53] {strides = array<i32>} : memref<8208xi32, #tpu.memory_space<vmem>>, vector<16xi32>,
      tpu.vector_store %arg6[%swap3A_53], %broadcast_in_dim3A_3 {strides = array<i32>} : memref<8208xi32, #tpu.memory_space<vmem>>, vector<16xi32>,
      %swap3A_55 = arith.constant 48 : index
      %swap3A_56 = tpu.vector_load %arg6[%swap3A_55] {strides = array<i32>} : memref<8208xi32, #tpu.memory_space<vmem>>, vector<16xi32>,
      tpu.vector_store %arg6[%swap3A_55], %broadcast_in_dim3A_3 {strides = array<i32>} : memref<8208xi32, #tpu.memory_space<vmem>>, vector<16xi32>,
      %swap3A_57 = arith.constant 64 : index
      %swap3A_58 = tpu.vector_load %arg6[%swap3A_57] {strides = array<i32>} : memref<8208xi32, #tpu.memory_space<vmem>>, vector<16xi32>,
      tpu.vector_store %arg6[%swap3A_57], %broadcast_in_dim3A_3 {strides = array<i32>} : memref<8208xi32, #tpu.memory_space<vmem>>, vector<16xi32>,
      %scan3A_59 = arith.constant 0 : i32
      %scan3A_60 = arith.constant 0 : i32
      %scan3A_61 = arith.constant 512 : i32
      %scan3A_62 = arith.addi %scan3A_60, %scan3A_61 : i32
      %scan3A_63 = arith.constant 4 : i32
      %scan3A_64:2 = scf.for %scan3A_95 = %scan3A_60 to %scan3A_62 step %scan3A_63 iter_args(%scan3A_96 = %scan3A_59, %scan3A_97 = %iota3A) -> (i32, vector<16xi32>)  : i32 {
        %mul3A_98 = arith.constant 16 : i32
        %mul3A_99 = arith.muli %scan3A_95, %mul3A_98 : i32
        %get3A_100 = arith.index_cast %mul3A_99 : i32 to index
        %get3A_101 = tpu.vector_load %arg5[%get3A_100] {strides = array<i32>} : memref<8192xf32, #tpu.memory_space<vmem>>, vector<16xf32>,
        %le3A = arith.cmpf ole, %get3A_101, %gather3A_49 : vector<16xf32>
        %swap3A_102 = arith.index_cast %scan3A_96 : i32 to index
        %swap3A_103 = tpu.vector_load %arg6[%swap3A_102] masked %le3A {strides = array<i32>} : memref<8208xi32, #tpu.memory_space<vmem>>, vector<16xi32>, vector<16xi1>
        tpu.vector_store %arg6[%swap3A_102], %scan3A_97 masked %le3A {strides = array<i32>} : memref<8208xi32, #tpu.memory_space<vmem>>, vector<16xi32>, vector<16xi1>
        %all_reduce_population_count3A = tpu.all_reduce %le3A {dim = 0 : i64, kind = #tpu.reduction_kind<sum>} : vector<16xi1> -> vector<16xi32>
        %slice3A = vector.extract_strided_slice %all_reduce_population_count3A {offsets = [0], sizes = [1], strides = [1]} : vector<16xi32> to vector<1xi32>
        %squeeze3A = vector.extract %slice3A[0] : i32 from vector<1xi32>
        %add3A_104 = arith.addi %scan3A_96, %squeeze3A : i32
        %add3A_105 = arith.constant 16 : i32
        %add3A_106 = vector.broadcast %add3A_105 : i32 to vector<16xi32>
        %add3A_107 = arith.addi %scan3A_97, %add3A_106 : vector<16xi32>
        %scan3A_108 = arith.constant 1 : i32
        %scan3A_109 = arith.addi %scan3A_95, %scan3A_108 : i32
        %mul3A_110 = arith.constant 16 : i32
        %mul3A_111 = arith.muli %scan3A_109, %mul3A_110 : i32
        %get3A_112 = arith.index_cast %mul3A_111 : i32 to index
        %get3A_113 = tpu.vector_load %arg5[%get3A_112] {strides = array<i32>} : memref<8192xf32, #tpu.memory_space<vmem>>, vector<16xf32>,
        %le3A_114 = arith.cmpf ole, %get3A_113, %gather3A_49 : vector<16xf32>
        %swap3A_115 = arith.index_cast %add3A_104 : i32 to index
        %swap3A_116 = tpu.vector_load %arg6[%swap3A_115] masked %le3A_114 {strides = array<i32>} : memref<8208xi32, #tpu.memory_space<vmem>>, vector<16xi32>, vector<16xi1>
        tpu.vector_store %arg6[%swap3A_115], %add3A_107 masked %le3A_114 {strides = array<i32>} : memref<8208xi32, #tpu.memory_space<vmem>>, vector<16xi32>, vector<16xi1>
        %all_reduce_population_count3A_117 = tpu.all_reduce %le3A_114 {dim = 0 : i64, kind = #tpu.reduction_kind<sum>} : vector<16xi1> -> vector<16xi32>
        %slice3A_118 = vector.extract_strided_slice %all_reduce_population_count3A_117 {offsets = [0], sizes = [1], strides = [1]} : vector<16xi32> to vector<1xi32>
        %squeeze3A_119 = vector.extract %slice3A_118[0] : i32 from vector<1xi32>
        %add3A_120 = arith.addi %add3A_104, %squeeze3A_119 : i32
        %add3A_121 = arith.constant 16 : i32
        %add3A_122 = vector.broadcast %add3A_121 : i32 to vector<16xi32>
        %add3A_123 = arith.addi %add3A_107, %add3A_122 : vector<16xi32>
        %scan3A_124 = arith.constant 2 : i32
        %scan3A_125 = arith.addi %scan3A_95, %scan3A_124 : i32
        %mul3A_126 = arith.constant 16 : i32
        %mul3A_127 = arith.muli %scan3A_125, %mul3A_126 : i32
        %get3A_128 = arith.index_cast %mul3A_127 : i32 to index
        %get3A_129 = tpu.vector_load %arg5[%get3A_128] {strides = array<i32>} : memref<8192xf32, #tpu.memory_space<vmem>>, vector<16xf32>,
        %le3A_130 = arith.cmpf ole, %get3A_129, %gather3A_49 : vector<16xf32>
        %swap3A_131 = arith.index_cast %add3A_120 : i32 to index
        %swap3A_132 = tpu.vector_load %arg6[%swap3A_131] masked %le3A_130 {strides = array<i32>} : memref<8208xi32, #tpu.memory_space<vmem>>, vector<16xi32>, vector<16xi1>
        tpu.vector_store %arg6[%swap3A_131], %add3A_123 masked %le3A_130 {strides = array<i32>} : memref<8208xi32, #tpu.memory_space<vmem>>, vector<16xi32>, vector<16xi1>
        %all_reduce_population_count3A_133 = tpu.all_reduce %le3A_130 {dim = 0 : i64, kind = #tpu.reduction_kind<sum>} : vector<16xi1> -> vector<16xi32>
        %slice3A_134 = vector.extract_strided_slice %all_reduce_population_count3A_133 {offsets = [0], sizes = [1], strides = [1]} : vector<16xi32> to vector<1xi32>
        %squeeze3A_135 = vector.extract %slice3A_134[0] : i32 from vector<1xi32>
        %add3A_136 = arith.addi %add3A_120, %squeeze3A_135 : i32
        %add3A_137 = arith.constant 16 : i32
        %add3A_138 = vector.broadcast %add3A_137 : i32 to vector<16xi32>
        %add3A_139 = arith.addi %add3A_123, %add3A_138 : vector<16xi32>
        %scan3A_140 = arith.constant 3 : i32
        %scan3A_141 = arith.addi %scan3A_95, %scan3A_140 : i32
        %mul3A_142 = arith.constant 16 : i32
        %mul3A_143 = arith.muli %scan3A_141, %mul3A_142 : i32
        %get3A_144 = arith.index_cast %mul3A_143 : i32 to index
        %get3A_145 = tpu.vector_load %arg5[%get3A_144] {strides = array<i32>} : memref<8192xf32, #tpu.memory_space<vmem>>, vector<16xf32>,
        %le3A_146 = arith.cmpf ole, %get3A_145, %gather3A_49 : vector<16xf32>
        %swap3A_147 = arith.index_cast %add3A_136 : i32 to index
        %swap3A_148 = tpu.vector_load %arg6[%swap3A_147] masked %le3A_146 {strides = array<i32>} : memref<8208xi32, #tpu.memory_space<vmem>>, vector<16xi32>, vector<16xi1>
        tpu.vector_store %arg6[%swap3A_147], %add3A_139 masked %le3A_146 {strides = array<i32>} : memref<8208xi32, #tpu.memory_space<vmem>>, vector<16xi32>, vector<16xi1>
        %all_reduce_population_count3A_149 = tpu.all_reduce %le3A_146 {dim = 0 : i64, kind = #tpu.reduction_kind<sum>} : vector<16xi1> -> vector<16xi32>
        %slice3A_150 = vector.extract_strided_slice %all_reduce_population_count3A_149 {offsets = [0], sizes = [1], strides = [1]} : vector<16xi32> to vector<1xi32>
        %squeeze3A_151 = vector.extract %slice3A_150[0] : i32 from vector<1xi32>
        %add3A_152 = arith.addi %add3A_136, %squeeze3A_151 : i32
        %add3A_153 = arith.constant 16 : i32
        %add3A_154 = vector.broadcast %add3A_153 : i32 to vector<16xi32>
        %add3A_155 = arith.addi %add3A_139, %add3A_154 : vector<16xi32>
        scf.yield %add3A_152, %add3A_155 : i32, vector<16xi32>
      }
      %scan3A_65 = arith.constant 512 : i32
      %get3A_66 = arith.constant 0 : index
      %get3A_67 = tpu.vector_load %arg6[%get3A_66] {strides = array<i32>} : memref<8208xi32, #tpu.memory_space<vmem>>, vector<16xi32>,
      %swap3A_68 = arith.constant 0 : index
      %swap3A_69 = tpu.vector_load %arg7[%swap3A_68] {strides = array<i32>} : memref<128xi32, #tpu.memory_space<vmem>>, vector<16xi32>,
      tpu.vector_store %arg7[%swap3A_68], %get3A_67 {strides = array<i32>} : memref<128xi32, #tpu.memory_space<vmem>>, vector<16xi32>,
      %get3A_70 = arith.constant 16 : index
      %get3A_71 = tpu.vector_load %arg6[%get3A_70] {strides = array<i32>} : memref<8208xi32, #tpu.memory_space<vmem>>, vector<16xi32>,
      %swap3A_72 = arith.constant 16 : index
      %swap3A_73 = tpu.vector_load %arg7[%swap3A_72] {strides = array<i32>} : memref<128xi32, #tpu.memory_space<vmem>>, vector<16xi32>,
      tpu.vector_store %arg7[%swap3A_72], %get3A_71 {strides = array<i32>} : memref<128xi32, #tpu.memory_space<vmem>>, vector<16xi32>,
      %get3A_74 = arith.constant 32 : index
      %get3A_75 = tpu.vector_load %arg6[%get3A_74] {strides = array<i32>} : memref<8208xi32, #tpu.memory_space<vmem>>, vector<16xi32>,
      %swap3A_76 = arith.constant 32 : index
      %swap3A_77 = tpu.vector_load %arg7[%swap3A_76] {strides = array<i32>} : memref<128xi32, #tpu.memory_space<vmem>>, vector<16xi32>,
      tpu.vector_store %arg7[%swap3A_76], %get3A_75 {strides = array<i32>} : memref<128xi32, #tpu.memory_space<vmem>>, vector<16xi32>,
      %get3A_78 = arith.constant 48 : index
      %get3A_79 = tpu.vector_load %arg6[%get3A_78] {strides = array<i32>} : memref<8208xi32, #tpu.memory_space<vmem>>, vector<16xi32>,
      %swap3A_80 = arith.constant 48 : index
      %swap3A_81 = tpu.vector_load %arg7[%swap3A_80] {strides = array<i32>} : memref<128xi32, #tpu.memory_space<vmem>>, vector<16xi32>,
      tpu.vector_store %arg7[%swap3A_80], %get3A_79 {strides = array<i32>} : memref<128xi32, #tpu.memory_space<vmem>>, vector<16xi32>,
      %min3A = arith.constant 64 : i32
      %min3A_82 = arith.minsi %scan3A_64#0, %min3A : i32
      %add3A_83 = vector.broadcast %min3A_82 : i32 to vector<16xi32>
      %add3A_84 = arith.addi %add3A_83, %broadcast_in_dim3A_3 : vector<16xi32>
      %swap3A_85 = arith.constant 64 : index
      %swap3A_86 = tpu.vector_load %arg7[%swap3A_85] {strides = array<i32>} : memref<128xi32, #tpu.memory_space<vmem>>, vector<16xi32>,
      tpu.vector_store %arg7[%swap3A_85], %add3A_84 {strides = array<i32>} : memref<128xi32, #tpu.memory_space<vmem>>, vector<16xi32>,
      %swap3A_87 = arith.constant 80 : index
      %swap3A_88 = tpu.vector_load %arg7[%swap3A_87] {strides = array<i32>} : memref<128xi32, #tpu.memory_space<vmem>>, vector<16xi32>,
      tpu.vector_store %arg7[%swap3A_87], %broadcast_in_dim3A_3 {strides = array<i32>} : memref<128xi32, #tpu.memory_space<vmem>>, vector<16xi32>,
      %swap3A_89 = arith.constant 96 : index
      %swap3A_90 = tpu.vector_load %arg7[%swap3A_89] {strides = array<i32>} : memref<128xi32, #tpu.memory_space<vmem>>, vector<16xi32>,
      tpu.vector_store %arg7[%swap3A_89], %broadcast_in_dim3A_3 {strides = array<i32>} : memref<128xi32, #tpu.memory_space<vmem>>, vector<16xi32>,
      %swap3A_91 = arith.constant 112 : index
      %swap3A_92 = tpu.vector_load %arg7[%swap3A_91] {strides = array<i32>} : memref<128xi32, #tpu.memory_space<vmem>>, vector<16xi32>,
      tpu.vector_store %arg7[%swap3A_91], %broadcast_in_dim3A_3 {strides = array<i32>} : memref<128xi32, #tpu.memory_space<vmem>>, vector<16xi32>,
      %add3A_93 = arith.addi %mul3A_2, %scan3A_10 : i32
      "tpu.region"() ({
        %run_scoped3A = tpu.sem_alloc : memref<!tpu.dma_semaphore, #tpu.memory_space<semaphore_mem>>
        %dma_start3A = arith.constant 0 : i32
        %dma_start3A_95 = tpu.memref_slice %arg4[%add3A_93, %dma_start3A] : memref<1664x128xi32, #tpu.memory_space<hbm>> -> memref<1x128xi32, #tpu.memory_space<hbm>>
        %dma_start3A_96 = tpu.memref_squeeze %dma_start3A_95 : memref<1x128xi32, #tpu.memory_space<hbm>> -> memref<128xi32, #tpu.memory_space<hbm>>
        %dma_start3A_97 = arith.constant 0 : i32
        %dma_start3A_98 = tpu.memref_slice %arg4[%add3A_93, %dma_start3A_97] : memref<1664x128xi32, #tpu.memory_space<hbm>> -> memref<1x128xi32, #tpu.memory_space<hbm>>
        %dma_start3A_99 = tpu.memref_squeeze %dma_start3A_98 : memref<1x128xi32, #tpu.memory_space<hbm>> -> memref<128xi32, #tpu.memory_space<hbm>>
        tpu.enqueue_dma source(%arg7 : memref<128xi32, #tpu.memory_space<vmem>>) target(%dma_start3A_99 : memref<128xi32, #tpu.memory_space<hbm>>) target_semaphore(%run_scoped3A : memref<!tpu.dma_semaphore, #tpu.memory_space<semaphore_mem>>)
        %dma_wait3A = arith.constant 0 : i32
        %dma_wait3A_100 = tpu.memref_slice %arg4[%add3A_93, %dma_wait3A] : memref<1664x128xi32, #tpu.memory_space<hbm>> -> memref<1x128xi32, #tpu.memory_space<hbm>>
        %dma_wait3A_101 = tpu.memref_squeeze %dma_wait3A_100 : memref<1x128xi32, #tpu.memory_space<hbm>> -> memref<128xi32, #tpu.memory_space<hbm>>
        %dma_wait3A_102 = arith.constant 0 : i32
        %dma_wait3A_103 = tpu.memref_slice %arg4[%add3A_93, %dma_wait3A_102] : memref<1664x128xi32, #tpu.memory_space<hbm>> -> memref<1x128xi32, #tpu.memory_space<hbm>>
        %dma_wait3A_104 = tpu.memref_squeeze %dma_wait3A_103 : memref<1x128xi32, #tpu.memory_space<hbm>> -> memref<128xi32, #tpu.memory_space<hbm>>
        tpu.wait_dma2 semaphore(%run_scoped3A : memref<!tpu.dma_semaphore, #tpu.memory_space<semaphore_mem>>) src(%arg7 : memref<128xi32, #tpu.memory_space<vmem>>) dst(%dma_wait3A_104 : memref<128xi32, #tpu.memory_space<hbm>>)
        tpu.yield
      }) : () -> ()
      %scan3A_94 = arith.constant 0 : i32
      scf.yield %scan3A_94 : i32
    }
    %scan3A_9 = arith.constant 52 : i32
    return
  }
}

#map = affine_map<(d0, d1) -> (0, 0)>
#map1 = affine_map<(d0, d1) -> (0)>
module attributes {stable_mosaic.version = 14 : i64} {
  func.func @k(%arg0: i32, %arg1: i32, %arg2: memref<8192x16xf32, #tpu.memory_space<hbm>>, %arg3: memref<106496xi32, #tpu.memory_space<hbm>>, %arg4: memref<106496x16xf32, #tpu.memory_space<hbm>>, %arg5: memref<3328xi32, #tpu.memory_space<vmem>>, %arg6: memref<3328x16xf32, #tpu.memory_space<vmem>>, %arg7: memref<3328x16xf32, #tpu.memory_space<vmem>>, %arg8: memref<!tpu.dma_semaphore, #tpu.memory_space<semaphore_mem>>, %arg9: memref<!tpu.dma_semaphore, #tpu.memory_space<semaphore_mem>>) attributes {dimension_semantics = [#tpu.dimension_semantics<core_parallel>, #tpu.dimension_semantics<subcore_parallel>], iteration_bounds = array<i64: 2, 16>, scalar_prefetch = 0 : i64, scratch_operands = 5 : i64, tpu.core_type = #tpu.core_type<sc_vector_subcore>, window_params = [{transform_indices = #map}, {transform_indices = #map1}, {transform_indices = #map}]} {
    %mul3A = arith.constant 2 : i32
    %mul3A_0 = arith.muli %arg1, %mul3A : i32
    %add3A = arith.addi %mul3A_0, %arg0 : i32
    %mul3A_1 = arith.constant 3328 : i32
    %mul3A_2 = arith.muli %add3A, %mul3A_1 : i32
    "tpu.region"() ({
      %run_scoped3A = tpu.sem_alloc : memref<!tpu.dma_semaphore, #tpu.memory_space<semaphore_mem>>
      %dma_start3A_13 = tpu.memref_slice %arg3[%mul3A_2] : memref<106496xi32, #tpu.memory_space<hbm>> -> memref<3328xi32, #tpu.memory_space<hbm>>
      %dma_start3A_14 = tpu.memref_slice %arg3[%mul3A_2] : memref<106496xi32, #tpu.memory_space<hbm>> -> memref<3328xi32, #tpu.memory_space<hbm>>
      tpu.enqueue_dma source(%dma_start3A_14 : memref<3328xi32, #tpu.memory_space<hbm>>) target(%arg5 : memref<3328xi32, #tpu.memory_space<vmem>>) target_semaphore(%run_scoped3A : memref<!tpu.dma_semaphore, #tpu.memory_space<semaphore_mem>>)
      %dma_wait3A_15 = tpu.memref_slice %arg3[%mul3A_2] : memref<106496xi32, #tpu.memory_space<hbm>> -> memref<3328xi32, #tpu.memory_space<hbm>>
      %dma_wait3A_16 = tpu.memref_slice %arg3[%mul3A_2] : memref<106496xi32, #tpu.memory_space<hbm>> -> memref<3328xi32, #tpu.memory_space<hbm>>
      tpu.wait_dma2 semaphore(%run_scoped3A : memref<!tpu.dma_semaphore, #tpu.memory_space<semaphore_mem>>) src(%dma_wait3A_16 : memref<3328xi32, #tpu.memory_space<hbm>>) dst(%arg5 : memref<3328xi32, #tpu.memory_space<vmem>>)
      tpu.yield
    }) : () -> ()
    %dma_start3A = arith.constant 0 : i32
    %dma_start3A_3 = tpu.memref_slice %arg5[%dma_start3A] : memref<3328xi32, #tpu.memory_space<vmem>> -> memref<3328xi32, #tpu.memory_space<vmem>>
    %dma_start3A_4 = arith.constant 0 : i32
    %dma_start3A_5 = arith.constant 0 : i32
    %dma_start3A_6 = tpu.memref_slice %arg2[%dma_start3A_4, %dma_start3A_5] : memref<8192x16xf32, #tpu.memory_space<hbm>> -> memref<8192x16xf32, #tpu.memory_space<hbm>>
    tpu.enqueue_indirect_dma source(%dma_start3A_6 : memref<8192x16xf32, #tpu.memory_space<hbm>>) target(%arg6 : memref<3328x16xf32, #tpu.memory_space<vmem>>) offsets(%dma_start3A_3 : memref<3328xi32, #tpu.memory_space<vmem>>) semaphore(%arg8 : memref<!tpu.dma_semaphore, #tpu.memory_space<semaphore_mem>>)
    %dma_wait3A = arith.constant 0 : i32
    %dma_wait3A_7 = tpu.memref_slice %arg5[%dma_wait3A] : memref<3328xi32, #tpu.memory_space<vmem>> -> memref<3328xi32, #tpu.memory_space<vmem>>
    %dma_wait3A_8 = arith.constant 0 : i32
    %dma_wait3A_9 = arith.constant 0 : i32
    %dma_wait3A_10 = tpu.memref_slice %arg2[%dma_wait3A_8, %dma_wait3A_9] : memref<8192x16xf32, #tpu.memory_space<hbm>> -> memref<8192x16xf32, #tpu.memory_space<hbm>>
    tpu.wait_indirect_dma semaphore(%arg8 : memref<!tpu.dma_semaphore, #tpu.memory_space<semaphore_mem>>) src(%dma_wait3A_10 : memref<8192x16xf32, #tpu.memory_space<hbm>>) dst(%arg6 : memref<3328x16xf32, #tpu.memory_space<vmem>>)
    %add3A_11 = arith.constant 0 : i32
    %add3A_12 = arith.addi %mul3A_2, %add3A_11 : i32
    "tpu.region"() ({
      %run_scoped3A = tpu.sem_alloc : memref<!tpu.dma_semaphore, #tpu.memory_space<semaphore_mem>>
      %dma_start3A_13 = arith.constant 0 : i32
      %dma_start3A_14 = tpu.memref_slice %arg4[%add3A_12, %dma_start3A_13] : memref<106496x16xf32, #tpu.memory_space<hbm>> -> memref<3328x16xf32, #tpu.memory_space<hbm>>
      %dma_start3A_15 = arith.constant 0 : i32
      %dma_start3A_16 = tpu.memref_slice %arg4[%add3A_12, %dma_start3A_15] : memref<106496x16xf32, #tpu.memory_space<hbm>> -> memref<3328x16xf32, #tpu.memory_space<hbm>>
      tpu.enqueue_dma source(%arg6 : memref<3328x16xf32, #tpu.memory_space<vmem>>) target(%dma_start3A_16 : memref<3328x16xf32, #tpu.memory_space<hbm>>) target_semaphore(%run_scoped3A : memref<!tpu.dma_semaphore, #tpu.memory_space<semaphore_mem>>)
      %dma_wait3A_17 = arith.constant 0 : i32
      %dma_wait3A_18 = tpu.memref_slice %arg4[%add3A_12, %dma_wait3A_17] : memref<106496x16xf32, #tpu.memory_space<hbm>> -> memref<3328x16xf32, #tpu.memory_space<hbm>>
      %dma_wait3A_19 = arith.constant 0 : i32
      %dma_wait3A_20 = tpu.memref_slice %arg4[%add3A_12, %dma_wait3A_19] : memref<106496x16xf32, #tpu.memory_space<hbm>> -> memref<3328x16xf32, #tpu.memory_space<hbm>>
      tpu.wait_dma2 semaphore(%run_scoped3A : memref<!tpu.dma_semaphore, #tpu.memory_space<semaphore_mem>>) src(%arg6 : memref<3328x16xf32, #tpu.memory_space<vmem>>) dst(%dma_wait3A_20 : memref<3328x16xf32, #tpu.memory_space<hbm>>)
      tpu.yield
    }) : () -> ()
    return
  }
}

#map = affine_map<(d0, d1) -> (0, 0)>
#map1 = affine_map<(d0, d1) -> (0)>
module attributes {stable_mosaic.version = 14 : i64} {
  func.func @k(%arg0: i32, %arg1: i32, %arg2: memref<512x1664xf32, #tpu.memory_space<hbm>>, %arg3: memref<512xf32, #tpu.memory_space<hbm>>, %arg4: memref<512x128xi32, #tpu.memory_space<hbm>>, %arg5: memref<1664xf32, #tpu.memory_space<vmem>>, %arg6: memref<1680xi32, #tpu.memory_space<vmem>>, %arg7: memref<128xi32, #tpu.memory_space<vmem>>, %arg8: memref<512xf32, #tpu.memory_space<vmem>>) attributes {dimension_semantics = [#tpu.dimension_semantics<core_parallel>, #tpu.dimension_semantics<subcore_parallel>], iteration_bounds = array<i64: 2, 16>, scalar_prefetch = 0 : i64, scratch_operands = 4 : i64, tpu.core_type = #tpu.core_type<sc_vector_subcore>, window_params = [{transform_indices = #map}, {transform_indices = #map1}, {transform_indices = #map}]} {
    %mul3A = arith.constant 2 : i32
    %mul3A_0 = arith.muli %arg1, %mul3A : i32
    %add3A = arith.addi %mul3A_0, %arg0 : i32
    %mul3A_1 = arith.constant 16 : i32
    %mul3A_2 = arith.muli %add3A, %mul3A_1 : i32
    "tpu.region"() ({
      %run_scoped3A = tpu.sem_alloc : memref<!tpu.dma_semaphore, #tpu.memory_space<semaphore_mem>>
      tpu.enqueue_dma source(%arg3 : memref<512xf32, #tpu.memory_space<hbm>>) target(%arg8 : memref<512xf32, #tpu.memory_space<vmem>>) target_semaphore(%run_scoped3A : memref<!tpu.dma_semaphore, #tpu.memory_space<semaphore_mem>>)
      tpu.wait_dma2 semaphore(%run_scoped3A : memref<!tpu.dma_semaphore, #tpu.memory_space<semaphore_mem>>) src(%arg3 : memref<512xf32, #tpu.memory_space<hbm>>) dst(%arg8 : memref<512xf32, #tpu.memory_space<vmem>>)
      tpu.yield
    }) : () -> ()
    %broadcast_in_dim3A = arith.constant 0 : i32
    %broadcast_in_dim3A_3 = vector.broadcast %broadcast_in_dim3A : i32 to vector<16xi32>
    %iota3A = tpu.iota {dimensions = array<i32: 0>} : vector<16xi32>
    %scan3A = arith.constant 0 : i32
    %scan3A_4 = arith.constant 0 : i32
    %scan3A_5 = arith.constant 16 : i32
    %scan3A_6 = arith.addi %scan3A_4, %scan3A_5 : i32
    %scan3A_7 = arith.constant 1 : i32
    %scan3A_8 = scf.for %scan3A_10 = %scan3A_4 to %scan3A_6 step %scan3A_7 iter_args(%scan3A_11 = %scan3A) -> (i32)  : i32 {
      %add3A_12 = arith.addi %mul3A_2, %scan3A_10 : i32
      "tpu.region"() ({
        %run_scoped3A = tpu.sem_alloc : memref<!tpu.dma_semaphore, #tpu.memory_space<semaphore_mem>>
        %dma_start3A = arith.constant 0 : i32
        %dma_start3A_95 = tpu.memref_slice %arg2[%add3A_12, %dma_start3A] : memref<512x1664xf32, #tpu.memory_space<hbm>> -> memref<1x1664xf32, #tpu.memory_space<hbm>>
        %dma_start3A_96 = tpu.memref_squeeze %dma_start3A_95 : memref<1x1664xf32, #tpu.memory_space<hbm>> -> memref<1664xf32, #tpu.memory_space<hbm>>
        %dma_start3A_97 = arith.constant 0 : i32
        %dma_start3A_98 = tpu.memref_slice %arg2[%add3A_12, %dma_start3A_97] : memref<512x1664xf32, #tpu.memory_space<hbm>> -> memref<1x1664xf32, #tpu.memory_space<hbm>>
        %dma_start3A_99 = tpu.memref_squeeze %dma_start3A_98 : memref<1x1664xf32, #tpu.memory_space<hbm>> -> memref<1664xf32, #tpu.memory_space<hbm>>
        tpu.enqueue_dma source(%dma_start3A_99 : memref<1664xf32, #tpu.memory_space<hbm>>) target(%arg5 : memref<1664xf32, #tpu.memory_space<vmem>>) target_semaphore(%run_scoped3A : memref<!tpu.dma_semaphore, #tpu.memory_space<semaphore_mem>>)
        %dma_wait3A = arith.constant 0 : i32
        %dma_wait3A_100 = tpu.memref_slice %arg2[%add3A_12, %dma_wait3A] : memref<512x1664xf32, #tpu.memory_space<hbm>> -> memref<1x1664xf32, #tpu.memory_space<hbm>>
        %dma_wait3A_101 = tpu.memref_squeeze %dma_wait3A_100 : memref<1x1664xf32, #tpu.memory_space<hbm>> -> memref<1664xf32, #tpu.memory_space<hbm>>
        %dma_wait3A_102 = arith.constant 0 : i32
        %dma_wait3A_103 = tpu.memref_slice %arg2[%add3A_12, %dma_wait3A_102] : memref<512x1664xf32, #tpu.memory_space<hbm>> -> memref<1x1664xf32, #tpu.memory_space<hbm>>
        %dma_wait3A_104 = tpu.memref_squeeze %dma_wait3A_103 : memref<1x1664xf32, #tpu.memory_space<hbm>> -> memref<1664xf32, #tpu.memory_space<hbm>>
        tpu.wait_dma2 semaphore(%run_scoped3A : memref<!tpu.dma_semaphore, #tpu.memory_space<semaphore_mem>>) src(%dma_wait3A_104 : memref<1664xf32, #tpu.memory_space<hbm>>) dst(%arg5 : memref<1664xf32, #tpu.memory_space<vmem>>)
        tpu.yield
      }) : () -> ()
      %add3A_13 = arith.addi %mul3A_2, %scan3A_10 : i32
      %jit3A = arith.constant 16 : i32
      %div3A = arith.divsi %add3A_13, %jit3A : i32
      %sign3A = arith.constant 0 : i32
      %sign3A_14 = arith.cmpi sgt, %add3A_13, %sign3A : i32
      %sign3A_15 = arith.extui %sign3A_14 : i1 to i32
      %sign3A_16 = arith.constant 0 : i32
      %sign3A_17 = arith.cmpi slt, %add3A_13, %sign3A_16 : i32
      %sign3A_18 = arith.extui %sign3A_17 : i1 to i32
      %sign3A_19 = arith.subi %sign3A_15, %sign3A_18 : i32
      %sign3A_20 = arith.constant 0 : i32
      %sign3A_21 = arith.cmpi sgt, %jit3A, %sign3A_20 : i32
      %sign3A_22 = arith.extui %sign3A_21 : i1 to i32
      %sign3A_23 = arith.constant 0 : i32
      %sign3A_24 = arith.cmpi slt, %jit3A, %sign3A_23 : i32
      %sign3A_25 = arith.extui %sign3A_24 : i1 to i32
      %sign3A_26 = arith.subi %sign3A_22, %sign3A_25 : i32
      %ne3A = arith.cmpi ne, %sign3A_19, %sign3A_26 : i32
      %rem3A = arith.remsi %add3A_13, %jit3A : i32
      %ne3A_27 = arith.constant 0 : i32
      %ne3A_28 = arith.cmpi ne, %rem3A, %ne3A_27 : i32
      %and3A = arith.andi %ne3A, %ne3A_28 : i1
      %sub3A = arith.constant 1 : i32
      %sub3A_29 = arith.subi %div3A, %sub3A : i32
      %select_n3A = arith.select %and3A, %sub3A_29, %div3A : i32
      %mul3A_30 = arith.constant 16 : i32
      %mul3A_31 = arith.muli %select_n3A, %mul3A_30 : i32
      %get3A = arith.index_cast %mul3A_31 : i32 to index
      %get3A_32 = tpu.vector_load %arg8[%get3A] {strides = array<i32>} : memref<512xf32, #tpu.memory_space<vmem>>, vector<16xf32>,
      %add3A_33 = arith.addi %mul3A_2, %scan3A_10 : i32
      %jit3A_34 = arith.constant 16 : i32
      %eq3A = arith.constant 0 : i32
      %eq3A_35 = arith.cmpi eq, %jit3A_34, %eq3A : i32
      %jit3A_36 = arith.constant 1 : i32
      %select_n3A_37 = arith.select %eq3A_35, %jit3A_36, %jit3A_34 : i32
      %rem3A_38 = arith.remsi %add3A_33, %select_n3A_37 : i32
      %ne3A_39 = arith.constant 0 : i32
      %ne3A_40 = arith.cmpi ne, %rem3A_38, %ne3A_39 : i32
      %lt3A = arith.constant 0 : i32
      %lt3A_41 = arith.cmpi slt, %rem3A_38, %lt3A : i32
      %lt3A_42 = arith.constant 0 : i32
      %lt3A_43 = arith.cmpi slt, %select_n3A_37, %lt3A_42 : i32
      %ne3A_44 = arith.xori %lt3A_41, %lt3A_43 : i1
      %and3A_45 = arith.andi %ne3A_44, %ne3A_40 : i1
      %add3A_46 = arith.addi %rem3A_38, %select_n3A_37 : i32
      %select_n3A_47 = arith.select %and3A_45, %add3A_46, %rem3A_38 : i32
      %broadcast_in_dim3A_48 = vector.broadcast %select_n3A_47 : i32 to vector<16x1xi32>
      %gather3A = vector.shape_cast %broadcast_in_dim3A_48 : vector<16x1xi32> to vector<16xi32>
      %gather3A_49 = tpu.dynamic_gather %get3A_32[%gather3A] in [0] : vector<16xf32>, vector<16xi32> -> vector<16xf32>
      %swap3A = arith.constant 0 : index
      %swap3A_50 = tpu.vector_load %arg6[%swap3A] {strides = array<i32>} : memref<1680xi32, #tpu.memory_space<vmem>>, vector<16xi32>,
      tpu.vector_store %arg6[%swap3A], %broadcast_in_dim3A_3 {strides = array<i32>} : memref<1680xi32, #tpu.memory_space<vmem>>, vector<16xi32>,
      %swap3A_51 = arith.constant 16 : index
      %swap3A_52 = tpu.vector_load %arg6[%swap3A_51] {strides = array<i32>} : memref<1680xi32, #tpu.memory_space<vmem>>, vector<16xi32>,
      tpu.vector_store %arg6[%swap3A_51], %broadcast_in_dim3A_3 {strides = array<i32>} : memref<1680xi32, #tpu.memory_space<vmem>>, vector<16xi32>,
      %swap3A_53 = arith.constant 32 : index
      %swap3A_54 = tpu.vector_load %arg6[%swap3A_53] {strides = array<i32>} : memref<1680xi32, #tpu.memory_space<vmem>>, vector<16xi32>,
      tpu.vector_store %arg6[%swap3A_53], %broadcast_in_dim3A_3 {strides = array<i32>} : memref<1680xi32, #tpu.memory_space<vmem>>, vector<16xi32>,
      %swap3A_55 = arith.constant 48 : index
      %swap3A_56 = tpu.vector_load %arg6[%swap3A_55] {strides = array<i32>} : memref<1680xi32, #tpu.memory_space<vmem>>, vector<16xi32>,
      tpu.vector_store %arg6[%swap3A_55], %broadcast_in_dim3A_3 {strides = array<i32>} : memref<1680xi32, #tpu.memory_space<vmem>>, vector<16xi32>,
      %swap3A_57 = arith.constant 64 : index
      %swap3A_58 = tpu.vector_load %arg6[%swap3A_57] {strides = array<i32>} : memref<1680xi32, #tpu.memory_space<vmem>>, vector<16xi32>,
      tpu.vector_store %arg6[%swap3A_57], %broadcast_in_dim3A_3 {strides = array<i32>} : memref<1680xi32, #tpu.memory_space<vmem>>, vector<16xi32>,
      %scan3A_59 = arith.constant 0 : i32
      %scan3A_60 = arith.constant 0 : i32
      %scan3A_61 = arith.constant 104 : i32
      %scan3A_62 = arith.addi %scan3A_60, %scan3A_61 : i32
      %scan3A_63 = arith.constant 4 : i32
      %scan3A_64:2 = scf.for %scan3A_95 = %scan3A_60 to %scan3A_62 step %scan3A_63 iter_args(%scan3A_96 = %scan3A_59, %scan3A_97 = %iota3A) -> (i32, vector<16xi32>)  : i32 {
        %mul3A_98 = arith.constant 16 : i32
        %mul3A_99 = arith.muli %scan3A_95, %mul3A_98 : i32
        %get3A_100 = arith.index_cast %mul3A_99 : i32 to index
        %get3A_101 = tpu.vector_load %arg5[%get3A_100] {strides = array<i32>} : memref<1664xf32, #tpu.memory_space<vmem>>, vector<16xf32>,
        %le3A = arith.cmpf ole, %get3A_101, %gather3A_49 : vector<16xf32>
        %swap3A_102 = arith.index_cast %scan3A_96 : i32 to index
        %swap3A_103 = tpu.vector_load %arg6[%swap3A_102] masked %le3A {strides = array<i32>} : memref<1680xi32, #tpu.memory_space<vmem>>, vector<16xi32>, vector<16xi1>
        tpu.vector_store %arg6[%swap3A_102], %scan3A_97 masked %le3A {strides = array<i32>} : memref<1680xi32, #tpu.memory_space<vmem>>, vector<16xi32>, vector<16xi1>
        %all_reduce_population_count3A = tpu.all_reduce %le3A {dim = 0 : i64, kind = #tpu.reduction_kind<sum>} : vector<16xi1> -> vector<16xi32>
        %slice3A = vector.extract_strided_slice %all_reduce_population_count3A {offsets = [0], sizes = [1], strides = [1]} : vector<16xi32> to vector<1xi32>
        %squeeze3A = vector.extract %slice3A[0] : i32 from vector<1xi32>
        %add3A_104 = arith.addi %scan3A_96, %squeeze3A : i32
        %add3A_105 = arith.constant 16 : i32
        %add3A_106 = vector.broadcast %add3A_105 : i32 to vector<16xi32>
        %add3A_107 = arith.addi %scan3A_97, %add3A_106 : vector<16xi32>
        %scan3A_108 = arith.constant 1 : i32
        %scan3A_109 = arith.addi %scan3A_95, %scan3A_108 : i32
        %mul3A_110 = arith.constant 16 : i32
        %mul3A_111 = arith.muli %scan3A_109, %mul3A_110 : i32
        %get3A_112 = arith.index_cast %mul3A_111 : i32 to index
        %get3A_113 = tpu.vector_load %arg5[%get3A_112] {strides = array<i32>} : memref<1664xf32, #tpu.memory_space<vmem>>, vector<16xf32>,
        %le3A_114 = arith.cmpf ole, %get3A_113, %gather3A_49 : vector<16xf32>
        %swap3A_115 = arith.index_cast %add3A_104 : i32 to index
        %swap3A_116 = tpu.vector_load %arg6[%swap3A_115] masked %le3A_114 {strides = array<i32>} : memref<1680xi32, #tpu.memory_space<vmem>>, vector<16xi32>, vector<16xi1>
        tpu.vector_store %arg6[%swap3A_115], %add3A_107 masked %le3A_114 {strides = array<i32>} : memref<1680xi32, #tpu.memory_space<vmem>>, vector<16xi32>, vector<16xi1>
        %all_reduce_population_count3A_117 = tpu.all_reduce %le3A_114 {dim = 0 : i64, kind = #tpu.reduction_kind<sum>} : vector<16xi1> -> vector<16xi32>
        %slice3A_118 = vector.extract_strided_slice %all_reduce_population_count3A_117 {offsets = [0], sizes = [1], strides = [1]} : vector<16xi32> to vector<1xi32>
        %squeeze3A_119 = vector.extract %slice3A_118[0] : i32 from vector<1xi32>
        %add3A_120 = arith.addi %add3A_104, %squeeze3A_119 : i32
        %add3A_121 = arith.constant 16 : i32
        %add3A_122 = vector.broadcast %add3A_121 : i32 to vector<16xi32>
        %add3A_123 = arith.addi %add3A_107, %add3A_122 : vector<16xi32>
        %scan3A_124 = arith.constant 2 : i32
        %scan3A_125 = arith.addi %scan3A_95, %scan3A_124 : i32
        %mul3A_126 = arith.constant 16 : i32
        %mul3A_127 = arith.muli %scan3A_125, %mul3A_126 : i32
        %get3A_128 = arith.index_cast %mul3A_127 : i32 to index
        %get3A_129 = tpu.vector_load %arg5[%get3A_128] {strides = array<i32>} : memref<1664xf32, #tpu.memory_space<vmem>>, vector<16xf32>,
        %le3A_130 = arith.cmpf ole, %get3A_129, %gather3A_49 : vector<16xf32>
        %swap3A_131 = arith.index_cast %add3A_120 : i32 to index
        %swap3A_132 = tpu.vector_load %arg6[%swap3A_131] masked %le3A_130 {strides = array<i32>} : memref<1680xi32, #tpu.memory_space<vmem>>, vector<16xi32>, vector<16xi1>
        tpu.vector_store %arg6[%swap3A_131], %add3A_123 masked %le3A_130 {strides = array<i32>} : memref<1680xi32, #tpu.memory_space<vmem>>, vector<16xi32>, vector<16xi1>
        %all_reduce_population_count3A_133 = tpu.all_reduce %le3A_130 {dim = 0 : i64, kind = #tpu.reduction_kind<sum>} : vector<16xi1> -> vector<16xi32>
        %slice3A_134 = vector.extract_strided_slice %all_reduce_population_count3A_133 {offsets = [0], sizes = [1], strides = [1]} : vector<16xi32> to vector<1xi32>
        %squeeze3A_135 = vector.extract %slice3A_134[0] : i32 from vector<1xi32>
        %add3A_136 = arith.addi %add3A_120, %squeeze3A_135 : i32
        %add3A_137 = arith.constant 16 : i32
        %add3A_138 = vector.broadcast %add3A_137 : i32 to vector<16xi32>
        %add3A_139 = arith.addi %add3A_123, %add3A_138 : vector<16xi32>
        %scan3A_140 = arith.constant 3 : i32
        %scan3A_141 = arith.addi %scan3A_95, %scan3A_140 : i32
        %mul3A_142 = arith.constant 16 : i32
        %mul3A_143 = arith.muli %scan3A_141, %mul3A_142 : i32
        %get3A_144 = arith.index_cast %mul3A_143 : i32 to index
        %get3A_145 = tpu.vector_load %arg5[%get3A_144] {strides = array<i32>} : memref<1664xf32, #tpu.memory_space<vmem>>, vector<16xf32>,
        %le3A_146 = arith.cmpf ole, %get3A_145, %gather3A_49 : vector<16xf32>
        %swap3A_147 = arith.index_cast %add3A_136 : i32 to index
        %swap3A_148 = tpu.vector_load %arg6[%swap3A_147] masked %le3A_146 {strides = array<i32>} : memref<1680xi32, #tpu.memory_space<vmem>>, vector<16xi32>, vector<16xi1>
        tpu.vector_store %arg6[%swap3A_147], %add3A_139 masked %le3A_146 {strides = array<i32>} : memref<1680xi32, #tpu.memory_space<vmem>>, vector<16xi32>, vector<16xi1>
        %all_reduce_population_count3A_149 = tpu.all_reduce %le3A_146 {dim = 0 : i64, kind = #tpu.reduction_kind<sum>} : vector<16xi1> -> vector<16xi32>
        %slice3A_150 = vector.extract_strided_slice %all_reduce_population_count3A_149 {offsets = [0], sizes = [1], strides = [1]} : vector<16xi32> to vector<1xi32>
        %squeeze3A_151 = vector.extract %slice3A_150[0] : i32 from vector<1xi32>
        %add3A_152 = arith.addi %add3A_136, %squeeze3A_151 : i32
        %add3A_153 = arith.constant 16 : i32
        %add3A_154 = vector.broadcast %add3A_153 : i32 to vector<16xi32>
        %add3A_155 = arith.addi %add3A_139, %add3A_154 : vector<16xi32>
        scf.yield %add3A_152, %add3A_155 : i32, vector<16xi32>
      }
      %scan3A_65 = arith.constant 104 : i32
      %get3A_66 = arith.constant 0 : index
      %get3A_67 = tpu.vector_load %arg6[%get3A_66] {strides = array<i32>} : memref<1680xi32, #tpu.memory_space<vmem>>, vector<16xi32>,
      %swap3A_68 = arith.constant 0 : index
      %swap3A_69 = tpu.vector_load %arg7[%swap3A_68] {strides = array<i32>} : memref<128xi32, #tpu.memory_space<vmem>>, vector<16xi32>,
      tpu.vector_store %arg7[%swap3A_68], %get3A_67 {strides = array<i32>} : memref<128xi32, #tpu.memory_space<vmem>>, vector<16xi32>,
      %get3A_70 = arith.constant 16 : index
      %get3A_71 = tpu.vector_load %arg6[%get3A_70] {strides = array<i32>} : memref<1680xi32, #tpu.memory_space<vmem>>, vector<16xi32>,
      %swap3A_72 = arith.constant 16 : index
      %swap3A_73 = tpu.vector_load %arg7[%swap3A_72] {strides = array<i32>} : memref<128xi32, #tpu.memory_space<vmem>>, vector<16xi32>,
      tpu.vector_store %arg7[%swap3A_72], %get3A_71 {strides = array<i32>} : memref<128xi32, #tpu.memory_space<vmem>>, vector<16xi32>,
      %get3A_74 = arith.constant 32 : index
      %get3A_75 = tpu.vector_load %arg6[%get3A_74] {strides = array<i32>} : memref<1680xi32, #tpu.memory_space<vmem>>, vector<16xi32>,
      %swap3A_76 = arith.constant 32 : index
      %swap3A_77 = tpu.vector_load %arg7[%swap3A_76] {strides = array<i32>} : memref<128xi32, #tpu.memory_space<vmem>>, vector<16xi32>,
      tpu.vector_store %arg7[%swap3A_76], %get3A_75 {strides = array<i32>} : memref<128xi32, #tpu.memory_space<vmem>>, vector<16xi32>,
      %get3A_78 = arith.constant 48 : index
      %get3A_79 = tpu.vector_load %arg6[%get3A_78] {strides = array<i32>} : memref<1680xi32, #tpu.memory_space<vmem>>, vector<16xi32>,
      %swap3A_80 = arith.constant 48 : index
      %swap3A_81 = tpu.vector_load %arg7[%swap3A_80] {strides = array<i32>} : memref<128xi32, #tpu.memory_space<vmem>>, vector<16xi32>,
      tpu.vector_store %arg7[%swap3A_80], %get3A_79 {strides = array<i32>} : memref<128xi32, #tpu.memory_space<vmem>>, vector<16xi32>,
      %min3A = arith.constant 64 : i32
      %min3A_82 = arith.minsi %scan3A_64#0, %min3A : i32
      %add3A_83 = vector.broadcast %min3A_82 : i32 to vector<16xi32>
      %add3A_84 = arith.addi %add3A_83, %broadcast_in_dim3A_3 : vector<16xi32>
      %swap3A_85 = arith.constant 64 : index
      %swap3A_86 = tpu.vector_load %arg7[%swap3A_85] {strides = array<i32>} : memref<128xi32, #tpu.memory_space<vmem>>, vector<16xi32>,
      tpu.vector_store %arg7[%swap3A_85], %add3A_84 {strides = array<i32>} : memref<128xi32, #tpu.memory_space<vmem>>, vector<16xi32>,
      %swap3A_87 = arith.constant 80 : index
      %swap3A_88 = tpu.vector_load %arg7[%swap3A_87] {strides = array<i32>} : memref<128xi32, #tpu.memory_space<vmem>>, vector<16xi32>,
      tpu.vector_store %arg7[%swap3A_87], %broadcast_in_dim3A_3 {strides = array<i32>} : memref<128xi32, #tpu.memory_space<vmem>>, vector<16xi32>,
      %swap3A_89 = arith.constant 96 : index
      %swap3A_90 = tpu.vector_load %arg7[%swap3A_89] {strides = array<i32>} : memref<128xi32, #tpu.memory_space<vmem>>, vector<16xi32>,
      tpu.vector_store %arg7[%swap3A_89], %broadcast_in_dim3A_3 {strides = array<i32>} : memref<128xi32, #tpu.memory_space<vmem>>, vector<16xi32>,
      %swap3A_91 = arith.constant 112 : index
      %swap3A_92 = tpu.vector_load %arg7[%swap3A_91] {strides = array<i32>} : memref<128xi32, #tpu.memory_space<vmem>>, vector<16xi32>,
      tpu.vector_store %arg7[%swap3A_91], %broadcast_in_dim3A_3 {strides = array<i32>} : memref<128xi32, #tpu.memory_space<vmem>>, vector<16xi32>,
      %add3A_93 = arith.addi %mul3A_2, %scan3A_10 : i32
      "tpu.region"() ({
        %run_scoped3A = tpu.sem_alloc : memref<!tpu.dma_semaphore, #tpu.memory_space<semaphore_mem>>
        %dma_start3A = arith.constant 0 : i32
        %dma_start3A_95 = tpu.memref_slice %arg4[%add3A_93, %dma_start3A] : memref<512x128xi32, #tpu.memory_space<hbm>> -> memref<1x128xi32, #tpu.memory_space<hbm>>
        %dma_start3A_96 = tpu.memref_squeeze %dma_start3A_95 : memref<1x128xi32, #tpu.memory_space<hbm>> -> memref<128xi32, #tpu.memory_space<hbm>>
        %dma_start3A_97 = arith.constant 0 : i32
        %dma_start3A_98 = tpu.memref_slice %arg4[%add3A_93, %dma_start3A_97] : memref<512x128xi32, #tpu.memory_space<hbm>> -> memref<1x128xi32, #tpu.memory_space<hbm>>
        %dma_start3A_99 = tpu.memref_squeeze %dma_start3A_98 : memref<1x128xi32, #tpu.memory_space<hbm>> -> memref<128xi32, #tpu.memory_space<hbm>>
        tpu.enqueue_dma source(%arg7 : memref<128xi32, #tpu.memory_space<vmem>>) target(%dma_start3A_99 : memref<128xi32, #tpu.memory_space<hbm>>) target_semaphore(%run_scoped3A : memref<!tpu.dma_semaphore, #tpu.memory_space<semaphore_mem>>)
        %dma_wait3A = arith.constant 0 : i32
        %dma_wait3A_100 = tpu.memref_slice %arg4[%add3A_93, %dma_wait3A] : memref<512x128xi32, #tpu.memory_space<hbm>> -> memref<1x128xi32, #tpu.memory_space<hbm>>
        %dma_wait3A_101 = tpu.memref_squeeze %dma_wait3A_100 : memref<1x128xi32, #tpu.memory_space<hbm>> -> memref<128xi32, #tpu.memory_space<hbm>>
        %dma_wait3A_102 = arith.constant 0 : i32
        %dma_wait3A_103 = tpu.memref_slice %arg4[%add3A_93, %dma_wait3A_102] : memref<512x128xi32, #tpu.memory_space<hbm>> -> memref<1x128xi32, #tpu.memory_space<hbm>>
        %dma_wait3A_104 = tpu.memref_squeeze %dma_wait3A_103 : memref<1x128xi32, #tpu.memory_space<hbm>> -> memref<128xi32, #tpu.memory_space<hbm>>
        tpu.wait_dma2 semaphore(%run_scoped3A : memref<!tpu.dma_semaphore, #tpu.memory_space<semaphore_mem>>) src(%arg7 : memref<128xi32, #tpu.memory_space<vmem>>) dst(%dma_wait3A_104 : memref<128xi32, #tpu.memory_space<hbm>>)
        tpu.yield
      }) : () -> ()
      %scan3A_94 = arith.constant 0 : i32
      scf.yield %scan3A_94 : i32
    }
    %scan3A_9 = arith.constant 16 : i32
    return
  }
}

module attributes {stable_mosaic.version = 14 : i64} {
  func.func @_fps_body(%arg0: memref<3x64x128xf32, #tpu.memory_space<vmem>>, %arg1: memref<3x13x128xf32, #tpu.memory_space<vmem>>) attributes {dimension_semantics = [], scalar_prefetch = 0 : i64, scratch_operands = 0 : i64, tpu.core_type = #tpu.core_type<tc>} {
    %get3A = arith.constant 0 : index
    %get3A_0 = arith.constant 0 : index
    %get3A_1 = arith.constant 0 : index
    %get3A_2 = vector.load %arg0[%get3A, %get3A_0, %get3A_1] : memref<3x64x128xf32, #tpu.memory_space<vmem>>, vector<1x64x128xf32>
    %get3A_3 = vector.shape_cast %get3A_2 : vector<1x64x128xf32> to vector<64x128xf32>
    %get3A_4 = arith.constant 1 : index
    %get3A_5 = arith.constant 0 : index
    %get3A_6 = arith.constant 0 : index
    %get3A_7 = vector.load %arg0[%get3A_4, %get3A_5, %get3A_6] : memref<3x64x128xf32, #tpu.memory_space<vmem>>, vector<1x64x128xf32>
    %get3A_8 = vector.shape_cast %get3A_7 : vector<1x64x128xf32> to vector<64x128xf32>
    %get3A_9 = arith.constant 2 : index
    %get3A_10 = arith.constant 0 : index
    %get3A_11 = arith.constant 0 : index
    %get3A_12 = vector.load %arg0[%get3A_9, %get3A_10, %get3A_11] : memref<3x64x128xf32, #tpu.memory_space<vmem>>, vector<1x64x128xf32>
    %get3A_13 = vector.shape_cast %get3A_12 : vector<1x64x128xf32> to vector<64x128xf32>
    %iota3A = tpu.iota {dimensions = array<i32: 0>} : vector<64x128xi32>
    %mul3A = arith.constant 128 : i32
    %mul3A_14 = vector.broadcast %mul3A : i32 to vector<64x128xi32>
    %mul3A_15 = arith.muli %iota3A, %mul3A_14 : vector<64x128xi32>
    %iota3A_16 = tpu.iota {dimensions = array<i32: 1>} : vector<64x128xi32>
    %add3A = arith.addi %mul3A_15, %iota3A_16 : vector<64x128xi32>
    %iota3A_17 = tpu.iota {dimensions = array<i32: 1>} : vector<1x128xi32>
    %slice3A = vector.extract_strided_slice %get3A_3 {offsets = [0, 0], sizes = [1, 1], strides = [1, 1]} : vector<64x128xf32> to vector<1x1xf32>
    %squeeze3A = vector.extract %slice3A[0, 0] : f32 from vector<1x1xf32>
    %slice3A_18 = vector.extract_strided_slice %get3A_8 {offsets = [0, 0], sizes = [1, 1], strides = [1, 1]} : vector<64x128xf32> to vector<1x1xf32>
    %squeeze3A_19 = vector.extract %slice3A_18[0, 0] : f32 from vector<1x1xf32>
    %slice3A_20 = vector.extract_strided_slice %get3A_13 {offsets = [0, 0], sizes = [1, 1], strides = [1, 1]} : vector<64x128xf32> to vector<1x1xf32>
    %squeeze3A_21 = vector.extract %slice3A_20[0, 0] : f32 from vector<1x1xf32>
    %lt3A = arith.constant 8192 : i32
    %lt3A_22 = vector.broadcast %lt3A : i32 to vector<64x128xi32>
    %lt3A_23 = arith.cmpi slt, %add3A, %lt3A_22 : vector<64x128xi32>
    %jit3A = arith.constant 0x7F800000 : f32
    %jit3A_24 = arith.constant -1.000000e+00 : f32
    %broadcast_in_dim3A = vector.broadcast %jit3A : f32 to vector<64x128xf32>
    %broadcast_in_dim3A_25 = vector.broadcast %jit3A_24 : f32 to vector<64x128xf32>
    %select_n3A = arith.select %lt3A_23, %broadcast_in_dim3A, %broadcast_in_dim3A_25 : vector<64x128xi1>, vector<64x128xf32>
    %add3A_26 = arith.constant 0 : i32
    %add3A_27 = vector.broadcast %add3A_26 : i32 to vector<1x128xi32>
    %add3A_28 = arith.addi %iota3A_17, %add3A_27 : vector<1x128xi32>
    %ge3A = arith.constant 1639 : i32
    %ge3A_29 = vector.broadcast %ge3A : i32 to vector<1x128xi32>
    %ge3A_30 = arith.cmpi sge, %add3A_28, %ge3A_29 : vector<1x128xi32>
    %jit3A_31 = arith.constant 4.000000e+00 : f32
    %jit3A_32 = arith.constant 0.000000e+00 : f32
    %broadcast_in_dim3A_33 = vector.broadcast %jit3A_31 : f32 to vector<1x128xf32>
    %broadcast_in_dim3A_34 = vector.broadcast %jit3A_32 : f32 to vector<1x128xf32>
    %select_n3A_35 = arith.select %ge3A_30, %broadcast_in_dim3A_33, %broadcast_in_dim3A_34 : vector<1x128xi1>, vector<1x128xf32>
    %eq3A = arith.constant 0 : i32
    %eq3A_36 = vector.broadcast %eq3A : i32 to vector<1x128xi32>
    %eq3A_37 = arith.cmpi eq, %iota3A_17, %eq3A_36 : vector<1x128xi32>
    %broadcast_in_dim3A_38 = vector.broadcast %squeeze3A : f32 to vector<1x128xf32>
    %select_n3A_39 = arith.select %eq3A_37, %broadcast_in_dim3A_38, %select_n3A_35 : vector<1x128xi1>, vector<1x128xf32>
    %eq3A_40 = arith.constant 0 : i32
    %eq3A_41 = vector.broadcast %eq3A_40 : i32 to vector<1x128xi32>
    %eq3A_42 = arith.cmpi eq, %iota3A_17, %eq3A_41 : vector<1x128xi32>
    %broadcast_in_dim3A_43 = vector.broadcast %squeeze3A_19 : f32 to vector<1x128xf32>
    %select_n3A_44 = arith.select %eq3A_42, %broadcast_in_dim3A_43, %select_n3A_35 : vector<1x128xi1>, vector<1x128xf32>
    %eq3A_45 = arith.constant 0 : i32
    %eq3A_46 = vector.broadcast %eq3A_45 : i32 to vector<1x128xi32>
    %eq3A_47 = arith.cmpi eq, %iota3A_17, %eq3A_46 : vector<1x128xi32>
    %broadcast_in_dim3A_48 = vector.broadcast %squeeze3A_21 : f32 to vector<1x128xf32>
    %select_n3A_49 = arith.select %eq3A_47, %broadcast_in_dim3A_48, %select_n3A_35 : vector<1x128xi1>, vector<1x128xf32>
    %scan3A = arith.constant 1 : i32
    %scan3A_50 = arith.constant 127 : i32
    %scan3A_51 = arith.addi %scan3A, %scan3A_50 : i32
    %scan3A_52 = arith.constant 1 : i32
    %scan3A_53:7 = scf.for %scan3A_492 = %scan3A to %scan3A_51 step %scan3A_52 iter_args(%scan3A_493 = %select_n3A, %scan3A_494 = %squeeze3A, %scan3A_495 = %squeeze3A_19, %scan3A_496 = %squeeze3A_21, %scan3A_497 = %select_n3A_39, %scan3A_498 = %select_n3A_44, %scan3A_499 = %select_n3A_49) -> (vector<64x128xf32>, f32, f32, f32, vector<1x128xf32>, vector<1x128xf32>, vector<1x128xf32>)  : i32 {
      %sub3A = vector.broadcast %scan3A_494 : f32 to vector<64x128xf32>
      %sub3A_500 = arith.subf %get3A_3, %sub3A : vector<64x128xf32>
      %integer_pow3A = arith.mulf %sub3A_500, %sub3A_500 : vector<64x128xf32>
      %sub3A_501 = vector.broadcast %scan3A_495 : f32 to vector<64x128xf32>
      %sub3A_502 = arith.subf %get3A_8, %sub3A_501 : vector<64x128xf32>
      %integer_pow3A_503 = arith.mulf %sub3A_502, %sub3A_502 : vector<64x128xf32>
      %add3A_504 = arith.addf %integer_pow3A, %integer_pow3A_503 : vector<64x128xf32>
      %sub3A_505 = vector.broadcast %scan3A_496 : f32 to vector<64x128xf32>
      %sub3A_506 = arith.subf %get3A_13, %sub3A_505 : vector<64x128xf32>
      %integer_pow3A_507 = arith.mulf %sub3A_506, %sub3A_506 : vector<64x128xf32>
      %add3A_508 = arith.addf %add3A_504, %integer_pow3A_507 : vector<64x128xf32>
      %min3A = arith.minimumf %scan3A_493, %add3A_508 : vector<64x128xf32>
      %reduce_max3A = vector.shape_cast %min3A : vector<64x128xf32> to vector<1x64x128xf32>
      %reduce_max3A_509 = arith.constant dense<0xFF800000> : vector<1xf32>
      %reduce_max3A_510 = vector.multi_reduction <maximumf>, %reduce_max3A, %reduce_max3A_509 [1, 2] : vector<1x64x128xf32> to vector<1xf32>
      %reduce_max3A_511 = vector.shape_cast %reduce_max3A_510 : vector<1xf32> to vector<1x1x1xf32>
      %reduce_max3A_512 = vector.extract %reduce_max3A_511[0, 0, 0] : f32 from vector<1x1x1xf32>
      %eq3A_513 = vector.broadcast %reduce_max3A_512 : f32 to vector<64x128xf32>
      %eq3A_514 = arith.cmpf oeq, %min3A, %eq3A_513 : vector<64x128xf32>
      %jit3A_515 = arith.constant 1073741824 : i32
      %broadcast_in_dim3A_516 = vector.broadcast %jit3A_515 : i32 to vector<64x128xi32>
      %select_n3A_517 = arith.select %eq3A_514, %add3A, %broadcast_in_dim3A_516 : vector<64x128xi1>, vector<64x128xi32>
      %reduce_min3A = vector.shape_cast %select_n3A_517 : vector<64x128xi32> to vector<1x64x128xi32>
      %reduce_min3A_518 = arith.constant dense<2147483647> : vector<1xi32>
      %reduce_min3A_519 = vector.multi_reduction <minsi>, %reduce_min3A, %reduce_min3A_518 [1, 2] : vector<1x64x128xi32> to vector<1xi32>
      %reduce_min3A_520 = vector.shape_cast %reduce_min3A_519 : vector<1xi32> to vector<1x1x1xi32>
      %reduce_min3A_521 = vector.extract %reduce_min3A_520[0, 0, 0] : i32 from vector<1x1x1xi32>
      %jit3A_522 = arith.constant 128 : i32
      %div3A = arith.divsi %reduce_min3A_521, %jit3A_522 : i32
      %sign3A = arith.constant 0 : i32
      %sign3A_523 = arith.cmpi sgt, %reduce_min3A_521, %sign3A : i32
      %sign3A_524 = arith.extui %sign3A_523 : i1 to i32
      %sign3A_525 = arith.constant 0 : i32
      %sign3A_526 = arith.cmpi slt, %reduce_min3A_521, %sign3A_525 : i32
      %sign3A_527 = arith.extui %sign3A_526 : i1 to i32
      %sign3A_528 = arith.subi %sign3A_524, %sign3A_527 : i32
      %sign3A_529 = arith.constant 0 : i32
      %sign3A_530 = arith.cmpi sgt, %jit3A_522, %sign3A_529 : i32
      %sign3A_531 = arith.extui %sign3A_530 : i1 to i32
      %sign3A_532 = arith.constant 0 : i32
      %sign3A_533 = arith.cmpi slt, %jit3A_522, %sign3A_532 : i32
      %sign3A_534 = arith.extui %sign3A_533 : i1 to i32
      %sign3A_535 = arith.subi %sign3A_531, %sign3A_534 : i32
      %ne3A = arith.cmpi ne, %sign3A_528, %sign3A_535 : i32
      %rem3A = arith.remsi %reduce_min3A_521, %jit3A_522 : i32
      %ne3A_536 = arith.constant 0 : i32
      %ne3A_537 = arith.cmpi ne, %rem3A, %ne3A_536 : i32
      %and3A = arith.andi %ne3A, %ne3A_537 : i1
      %sub3A_538 = arith.constant 1 : i32
      %sub3A_539 = arith.subi %div3A, %sub3A_538 : i32
      %select_n3A_540 = arith.select %and3A, %sub3A_539, %div3A : i32
      %mul3A_541 = arith.constant 128 : i32
      %mul3A_542 = arith.muli %select_n3A_540, %mul3A_541 : i32
      %sub3A_543 = arith.subi %reduce_min3A_521, %mul3A_542 : i32
      %eq3A_544 = vector.broadcast %sub3A_543 : i32 to vector<1x128xi32>
      %eq3A_545 = arith.cmpi eq, %iota3A_17, %eq3A_544 : vector<1x128xi32>
      %get3A_546 = arith.constant 0 : index
      %get3A_547 = arith.index_cast %select_n3A_540 : i32 to index
      %get3A_548 = arith.constant 0 : index
      %get3A_549 = vector.load %arg0[%get3A_546, %get3A_547, %get3A_548] : memref<3x64x128xf32, #tpu.memory_space<vmem>>, vector<1x1x128xf32>
      %get3A_550 = vector.shape_cast %get3A_549 : vector<1x1x128xf32> to vector<1x128xf32>
      %get3A_551 = arith.constant 1 : index
      %get3A_552 = arith.index_cast %select_n3A_540 : i32 to index
      %get3A_553 = arith.constant 0 : index
      %get3A_554 = vector.load %arg0[%get3A_551, %get3A_552, %get3A_553] : memref<3x64x128xf32, #tpu.memory_space<vmem>>, vector<1x1x128xf32>
      %get3A_555 = vector.shape_cast %get3A_554 : vector<1x1x128xf32> to vector<1x128xf32>
      %get3A_556 = arith.constant 2 : index
      %get3A_557 = arith.index_cast %select_n3A_540 : i32 to index
      %get3A_558 = arith.constant 0 : index
      %get3A_559 = vector.load %arg0[%get3A_556, %get3A_557, %get3A_558] : memref<3x64x128xf32, #tpu.memory_space<vmem>>, vector<1x1x128xf32>
      %get3A_560 = vector.shape_cast %get3A_559 : vector<1x1x128xf32> to vector<1x128xf32>
      %jit3A_561 = arith.constant 0.000000e+00 : f32
      %broadcast_in_dim3A_562 = vector.broadcast %jit3A_561 : f32 to vector<1x128xf32>
      %select_n3A_563 = arith.select %eq3A_545, %get3A_550, %broadcast_in_dim3A_562 : vector<1x128xi1>, vector<1x128xf32>
      %reduce_sum3A = vector.shape_cast %select_n3A_563 : vector<1x128xf32> to vector<1x1x128xf32>
      %reduce_sum3A_564 = arith.constant dense<0.000000e+00> : vector<1xf32>
      %reduce_sum3A_565 = vector.multi_reduction <add>, %reduce_sum3A, %reduce_sum3A_564 [1, 2] : vector<1x1x128xf32> to vector<1xf32>
      %reduce_sum3A_566 = vector.shape_cast %reduce_sum3A_565 : vector<1xf32> to vector<1x1x1xf32>
      %reduce_sum3A_567 = vector.extract %reduce_sum3A_566[0, 0, 0] : f32 from vector<1x1x1xf32>
      %jit3A_568 = arith.constant 0.000000e+00 : f32
      %broadcast_in_dim3A_569 = vector.broadcast %jit3A_568 : f32 to vector<1x128xf32>
      %select_n3A_570 = arith.select %eq3A_545, %get3A_555, %broadcast_in_dim3A_569 : vector<1x128xi1>, vector<1x128xf32>
      %reduce_sum3A_571 = vector.shape_cast %select_n3A_570 : vector<1x128xf32> to vector<1x1x128xf32>
      %reduce_sum3A_572 = arith.constant dense<0.000000e+00> : vector<1xf32>
      %reduce_sum3A_573 = vector.multi_reduction <add>, %reduce_sum3A_571, %reduce_sum3A_572 [1, 2] : vector<1x1x128xf32> to vector<1xf32>
      %reduce_sum3A_574 = vector.shape_cast %reduce_sum3A_573 : vector<1xf32> to vector<1x1x1xf32>
      %reduce_sum3A_575 = vector.extract %reduce_sum3A_574[0, 0, 0] : f32 from vector<1x1x1xf32>
      %jit3A_576 = arith.constant 0.000000e+00 : f32
      %broadcast_in_dim3A_577 = vector.broadcast %jit3A_576 : f32 to vector<1x128xf32>
      %select_n3A_578 = arith.select %eq3A_545, %get3A_560, %broadcast_in_dim3A_577 : vector<1x128xi1>, vector<1x128xf32>
      %reduce_sum3A_579 = vector.shape_cast %select_n3A_578 : vector<1x128xf32> to vector<1x1x128xf32>
      %reduce_sum3A_580 = arith.constant dense<0.000000e+00> : vector<1xf32>
      %reduce_sum3A_581 = vector.multi_reduction <add>, %reduce_sum3A_579, %reduce_sum3A_580 [1, 2] : vector<1x1x128xf32> to vector<1xf32>
      %reduce_sum3A_582 = vector.shape_cast %reduce_sum3A_581 : vector<1xf32> to vector<1x1x1xf32>
      %reduce_sum3A_583 = vector.extract %reduce_sum3A_582[0, 0, 0] : f32 from vector<1x1x1xf32>
      %eq3A_584 = vector.broadcast %scan3A_492 : i32 to vector<1x128xi32>
      %eq3A_585 = arith.cmpi eq, %iota3A_17, %eq3A_584 : vector<1x128xi32>
      %add3A_586 = arith.constant 0 : i32
      %add3A_587 = arith.addi %add3A_586, %scan3A_492 : i32
      %lt3A_588 = arith.constant 1639 : i32
      %lt3A_589 = arith.cmpi slt, %add3A_587, %lt3A_588 : i32
      %and3A_590 = vector.broadcast %lt3A_589 : i1 to vector<1x128xi1>
      %and3A_591 = arith.andi %eq3A_585, %and3A_590 : vector<1x128xi1>
      %broadcast_in_dim3A_592 = vector.broadcast %reduce_sum3A_567 : f32 to vector<1x128xf32>
      %select_n3A_593 = arith.select %and3A_591, %broadcast_in_dim3A_592, %scan3A_497 : vector<1x128xi1>, vector<1x128xf32>
      %broadcast_in_dim3A_594 = vector.broadcast %reduce_sum3A_575 : f32 to vector<1x128xf32>
      %select_n3A_595 = arith.select %and3A_591, %broadcast_in_dim3A_594, %scan3A_498 : vector<1x128xi1>, vector<1x128xf32>
      %broadcast_in_dim3A_596 = vector.broadcast %reduce_sum3A_583 : f32 to vector<1x128xf32>
      %select_n3A_597 = arith.select %and3A_591, %broadcast_in_dim3A_596, %scan3A_499 : vector<1x128xi1>, vector<1x128xf32>
      scf.yield %min3A, %reduce_sum3A_567, %reduce_sum3A_575, %reduce_sum3A_583, %select_n3A_593, %select_n3A_595, %select_n3A_597 : vector<64x128xf32>, f32, f32, f32, vector<1x128xf32>, vector<1x128xf32>, vector<1x128xf32>
    }
    %scan3A_54 = arith.constant 127 : i32
    %swap3A = arith.constant 0 : index
    %swap3A_55 = arith.constant 0 : index
    %swap3A_56 = arith.constant 0 : index
    %swap3A_57 = vector.load %arg1[%swap3A, %swap3A_55, %swap3A_56] : memref<3x13x128xf32, #tpu.memory_space<vmem>>, vector<1x1x128xf32>
    %swap3A_58 = vector.shape_cast %swap3A_57 : vector<1x1x128xf32> to vector<1x128xf32>
    %swap3A_59 = vector.shape_cast %scan3A_53#4 : vector<1x128xf32> to vector<1x1x128xf32>
    tpu.vector_store %arg1[%swap3A, %swap3A_55, %swap3A_56], %swap3A_59 {strides = array<i32>} : memref<3x13x128xf32, #tpu.memory_space<vmem>>, vector<1x1x128xf32>,
    %swap3A_60 = arith.constant 1 : index
    %swap3A_61 = arith.constant 0 : index
    %swap3A_62 = arith.constant 0 : index
    %swap3A_63 = vector.load %arg1[%swap3A_60, %swap3A_61, %swap3A_62] : memref<3x13x128xf32, #tpu.memory_space<vmem>>, vector<1x1x128xf32>
    %swap3A_64 = vector.shape_cast %swap3A_63 : vector<1x1x128xf32> to vector<1x128xf32>
    %swap3A_65 = vector.shape_cast %scan3A_53#5 : vector<1x128xf32> to vector<1x1x128xf32>
    tpu.vector_store %arg1[%swap3A_60, %swap3A_61, %swap3A_62], %swap3A_65 {strides = array<i32>} : memref<3x13x128xf32, #tpu.memory_space<vmem>>, vector<1x1x128xf32>,
    %swap3A_66 = arith.constant 2 : index
    %swap3A_67 = arith.constant 0 : index
    %swap3A_68 = arith.constant 0 : index
    %swap3A_69 = vector.load %arg1[%swap3A_66, %swap3A_67, %swap3A_68] : memref<3x13x128xf32, #tpu.memory_space<vmem>>, vector<1x1x128xf32>
    %swap3A_70 = vector.shape_cast %swap3A_69 : vector<1x1x128xf32> to vector<1x128xf32>
    %swap3A_71 = vector.shape_cast %scan3A_53#6 : vector<1x128xf32> to vector<1x1x128xf32>
    tpu.vector_store %arg1[%swap3A_66, %swap3A_67, %swap3A_68], %swap3A_71 {strides = array<i32>} : memref<3x13x128xf32, #tpu.memory_space<vmem>>, vector<1x1x128xf32>,
    %add3A_72 = arith.constant 128 : i32
    %add3A_73 = vector.broadcast %add3A_72 : i32 to vector<1x128xi32>
    %add3A_74 = arith.addi %iota3A_17, %add3A_73 : vector<1x128xi32>
    %ge3A_75 = arith.constant 1639 : i32
    %ge3A_76 = vector.broadcast %ge3A_75 : i32 to vector<1x128xi32>
    %ge3A_77 = arith.cmpi sge, %add3A_74, %ge3A_76 : vector<1x128xi32>
    %jit3A_78 = arith.constant 4.000000e+00 : f32
    %jit3A_79 = arith.constant 0.000000e+00 : f32
    %broadcast_in_dim3A_80 = vector.broadcast %jit3A_78 : f32 to vector<1x128xf32>
    %broadcast_in_dim3A_81 = vector.broadcast %jit3A_79 : f32 to vector<1x128xf32>
    %select_n3A_82 = arith.select %ge3A_77, %broadcast_in_dim3A_80, %broadcast_in_dim3A_81 : vector<1x128xi1>, vector<1x128xf32>
    %scan3A_83 = arith.constant 0 : i32
    %scan3A_84 = arith.constant 128 : i32
    %scan3A_85 = arith.addi %scan3A_83, %scan3A_84 : i32
    %scan3A_86 = arith.constant 1 : i32
    %scan3A_87:7 = scf.for %scan3A_492 = %scan3A_83 to %scan3A_85 step %scan3A_86 iter_args(%scan3A_493 = %scan3A_53#0, %scan3A_494 = %scan3A_53#1, %scan3A_495 = %scan3A_53#2, %scan3A_496 = %scan3A_53#3, %scan3A_497 = %select_n3A_82, %scan3A_498 = %select_n3A_82, %scan3A_499 = %select_n3A_82) -> (vector<64x128xf32>, f32, f32, f32, vector<1x128xf32>, vector<1x128xf32>, vector<1x128xf32>)  : i32 {
      %sub3A = vector.broadcast %scan3A_494 : f32 to vector<64x128xf32>
      %sub3A_500 = arith.subf %get3A_3, %sub3A : vector<64x128xf32>
      %integer_pow3A = arith.mulf %sub3A_500, %sub3A_500 : vector<64x128xf32>
      %sub3A_501 = vector.broadcast %scan3A_495 : f32 to vector<64x128xf32>
      %sub3A_502 = arith.subf %get3A_8, %sub3A_501 : vector<64x128xf32>
      %integer_pow3A_503 = arith.mulf %sub3A_502, %sub3A_502 : vector<64x128xf32>
      %add3A_504 = arith.addf %integer_pow3A, %integer_pow3A_503 : vector<64x128xf32>
      %sub3A_505 = vector.broadcast %scan3A_496 : f32 to vector<64x128xf32>
      %sub3A_506 = arith.subf %get3A_13, %sub3A_505 : vector<64x128xf32>
      %integer_pow3A_507 = arith.mulf %sub3A_506, %sub3A_506 : vector<64x128xf32>
      %add3A_508 = arith.addf %add3A_504, %integer_pow3A_507 : vector<64x128xf32>
      %min3A = arith.minimumf %scan3A_493, %add3A_508 : vector<64x128xf32>
      %reduce_max3A = vector.shape_cast %min3A : vector<64x128xf32> to vector<1x64x128xf32>
      %reduce_max3A_509 = arith.constant dense<0xFF800000> : vector<1xf32>
      %reduce_max3A_510 = vector.multi_reduction <maximumf>, %reduce_max3A, %reduce_max3A_509 [1, 2] : vector<1x64x128xf32> to vector<1xf32>
      %reduce_max3A_511 = vector.shape_cast %reduce_max3A_510 : vector<1xf32> to vector<1x1x1xf32>
      %reduce_max3A_512 = vector.extract %reduce_max3A_511[0, 0, 0] : f32 from vector<1x1x1xf32>
      %eq3A_513 = vector.broadcast %reduce_max3A_512 : f32 to vector<64x128xf32>
      %eq3A_514 = arith.cmpf oeq, %min3A, %eq3A_513 : vector<64x128xf32>
      %jit3A_515 = arith.constant 1073741824 : i32
      %broadcast_in_dim3A_516 = vector.broadcast %jit3A_515 : i32 to vector<64x128xi32>
      %select_n3A_517 = arith.select %eq3A_514, %add3A, %broadcast_in_dim3A_516 : vector<64x128xi1>, vector<64x128xi32>
      %reduce_min3A = vector.shape_cast %select_n3A_517 : vector<64x128xi32> to vector<1x64x128xi32>
      %reduce_min3A_518 = arith.constant dense<2147483647> : vector<1xi32>
      %reduce_min3A_519 = vector.multi_reduction <minsi>, %reduce_min3A, %reduce_min3A_518 [1, 2] : vector<1x64x128xi32> to vector<1xi32>
      %reduce_min3A_520 = vector.shape_cast %reduce_min3A_519 : vector<1xi32> to vector<1x1x1xi32>
      %reduce_min3A_521 = vector.extract %reduce_min3A_520[0, 0, 0] : i32 from vector<1x1x1xi32>
      %jit3A_522 = arith.constant 128 : i32
      %div3A = arith.divsi %reduce_min3A_521, %jit3A_522 : i32
      %sign3A = arith.constant 0 : i32
      %sign3A_523 = arith.cmpi sgt, %reduce_min3A_521, %sign3A : i32
      %sign3A_524 = arith.extui %sign3A_523 : i1 to i32
      %sign3A_525 = arith.constant 0 : i32
      %sign3A_526 = arith.cmpi slt, %reduce_min3A_521, %sign3A_525 : i32
      %sign3A_527 = arith.extui %sign3A_526 : i1 to i32
      %sign3A_528 = arith.subi %sign3A_524, %sign3A_527 : i32
      %sign3A_529 = arith.constant 0 : i32
      %sign3A_530 = arith.cmpi sgt, %jit3A_522, %sign3A_529 : i32
      %sign3A_531 = arith.extui %sign3A_530 : i1 to i32
      %sign3A_532 = arith.constant 0 : i32
      %sign3A_533 = arith.cmpi slt, %jit3A_522, %sign3A_532 : i32
      %sign3A_534 = arith.extui %sign3A_533 : i1 to i32
      %sign3A_535 = arith.subi %sign3A_531, %sign3A_534 : i32
      %ne3A = arith.cmpi ne, %sign3A_528, %sign3A_535 : i32
      %rem3A = arith.remsi %reduce_min3A_521, %jit3A_522 : i32
      %ne3A_536 = arith.constant 0 : i32
      %ne3A_537 = arith.cmpi ne, %rem3A, %ne3A_536 : i32
      %and3A = arith.andi %ne3A, %ne3A_537 : i1
      %sub3A_538 = arith.constant 1 : i32
      %sub3A_539 = arith.subi %div3A, %sub3A_538 : i32
      %select_n3A_540 = arith.select %and3A, %sub3A_539, %div3A : i32
      %mul3A_541 = arith.constant 128 : i32
      %mul3A_542 = arith.muli %select_n3A_540, %mul3A_541 : i32
      %sub3A_543 = arith.subi %reduce_min3A_521, %mul3A_542 : i32
      %eq3A_544 = vector.broadcast %sub3A_543 : i32 to vector<1x128xi32>
      %eq3A_545 = arith.cmpi eq, %iota3A_17, %eq3A_544 : vector<1x128xi32>
      %get3A_546 = arith.constant 0 : index
      %get3A_547 = arith.index_cast %select_n3A_540 : i32 to index
      %get3A_548 = arith.constant 0 : index
      %get3A_549 = vector.load %arg0[%get3A_546, %get3A_547, %get3A_548] : memref<3x64x128xf32, #tpu.memory_space<vmem>>, vector<1x1x128xf32>
      %get3A_550 = vector.shape_cast %get3A_549 : vector<1x1x128xf32> to vector<1x128xf32>
      %get3A_551 = arith.constant 1 : index
      %get3A_552 = arith.index_cast %select_n3A_540 : i32 to index
      %get3A_553 = arith.constant 0 : index
      %get3A_554 = vector.load %arg0[%get3A_551, %get3A_552, %get3A_553] : memref<3x64x128xf32, #tpu.memory_space<vmem>>, vector<1x1x128xf32>
      %get3A_555 = vector.shape_cast %get3A_554 : vector<1x1x128xf32> to vector<1x128xf32>
      %get3A_556 = arith.constant 2 : index
      %get3A_557 = arith.index_cast %select_n3A_540 : i32 to index
      %get3A_558 = arith.constant 0 : index
      %get3A_559 = vector.load %arg0[%get3A_556, %get3A_557, %get3A_558] : memref<3x64x128xf32, #tpu.memory_space<vmem>>, vector<1x1x128xf32>
      %get3A_560 = vector.shape_cast %get3A_559 : vector<1x1x128xf32> to vector<1x128xf32>
      %jit3A_561 = arith.constant 0.000000e+00 : f32
      %broadcast_in_dim3A_562 = vector.broadcast %jit3A_561 : f32 to vector<1x128xf32>
      %select_n3A_563 = arith.select %eq3A_545, %get3A_550, %broadcast_in_dim3A_562 : vector<1x128xi1>, vector<1x128xf32>
      %reduce_sum3A = vector.shape_cast %select_n3A_563 : vector<1x128xf32> to vector<1x1x128xf32>
      %reduce_sum3A_564 = arith.constant dense<0.000000e+00> : vector<1xf32>
      %reduce_sum3A_565 = vector.multi_reduction <add>, %reduce_sum3A, %reduce_sum3A_564 [1, 2] : vector<1x1x128xf32> to vector<1xf32>
      %reduce_sum3A_566 = vector.shape_cast %reduce_sum3A_565 : vector<1xf32> to vector<1x1x1xf32>
      %reduce_sum3A_567 = vector.extract %reduce_sum3A_566[0, 0, 0] : f32 from vector<1x1x1xf32>
      %jit3A_568 = arith.constant 0.000000e+00 : f32
      %broadcast_in_dim3A_569 = vector.broadcast %jit3A_568 : f32 to vector<1x128xf32>
      %select_n3A_570 = arith.select %eq3A_545, %get3A_555, %broadcast_in_dim3A_569 : vector<1x128xi1>, vector<1x128xf32>
      %reduce_sum3A_571 = vector.shape_cast %select_n3A_570 : vector<1x128xf32> to vector<1x1x128xf32>
      %reduce_sum3A_572 = arith.constant dense<0.000000e+00> : vector<1xf32>
      %reduce_sum3A_573 = vector.multi_reduction <add>, %reduce_sum3A_571, %reduce_sum3A_572 [1, 2] : vector<1x1x128xf32> to vector<1xf32>
      %reduce_sum3A_574 = vector.shape_cast %reduce_sum3A_573 : vector<1xf32> to vector<1x1x1xf32>
      %reduce_sum3A_575 = vector.extract %reduce_sum3A_574[0, 0, 0] : f32 from vector<1x1x1xf32>
      %jit3A_576 = arith.constant 0.000000e+00 : f32
      %broadcast_in_dim3A_577 = vector.broadcast %jit3A_576 : f32 to vector<1x128xf32>
      %select_n3A_578 = arith.select %eq3A_545, %get3A_560, %broadcast_in_dim3A_577 : vector<1x128xi1>, vector<1x128xf32>
      %reduce_sum3A_579 = vector.shape_cast %select_n3A_578 : vector<1x128xf32> to vector<1x1x128xf32>
      %reduce_sum3A_580 = arith.constant dense<0.000000e+00> : vector<1xf32>
      %reduce_sum3A_581 = vector.multi_reduction <add>, %reduce_sum3A_579, %reduce_sum3A_580 [1, 2] : vector<1x1x128xf32> to vector<1xf32>
      %reduce_sum3A_582 = vector.shape_cast %reduce_sum3A_581 : vector<1xf32> to vector<1x1x1xf32>
      %reduce_sum3A_583 = vector.extract %reduce_sum3A_582[0, 0, 0] : f32 from vector<1x1x1xf32>
      %eq3A_584 = vector.broadcast %scan3A_492 : i32 to vector<1x128xi32>
      %eq3A_585 = arith.cmpi eq, %iota3A_17, %eq3A_584 : vector<1x128xi32>
      %add3A_586 = arith.constant 128 : i32
      %add3A_587 = arith.addi %add3A_586, %scan3A_492 : i32
      %lt3A_588 = arith.constant 1639 : i32
      %lt3A_589 = arith.cmpi slt, %add3A_587, %lt3A_588 : i32
      %and3A_590 = vector.broadcast %lt3A_589 : i1 to vector<1x128xi1>
      %and3A_591 = arith.andi %eq3A_585, %and3A_590 : vector<1x128xi1>
      %broadcast_in_dim3A_592 = vector.broadcast %reduce_sum3A_567 : f32 to vector<1x128xf32>
      %select_n3A_593 = arith.select %and3A_591, %broadcast_in_dim3A_592, %scan3A_497 : vector<1x128xi1>, vector<1x128xf32>
      %broadcast_in_dim3A_594 = vector.broadcast %reduce_sum3A_575 : f32 to vector<1x128xf32>
      %select_n3A_595 = arith.select %and3A_591, %broadcast_in_dim3A_594, %scan3A_498 : vector<1x128xi1>, vector<1x128xf32>
      %broadcast_in_dim3A_596 = vector.broadcast %reduce_sum3A_583 : f32 to vector<1x128xf32>
      %select_n3A_597 = arith.select %and3A_591, %broadcast_in_dim3A_596, %scan3A_499 : vector<1x128xi1>, vector<1x128xf32>
      scf.yield %min3A, %reduce_sum3A_567, %reduce_sum3A_575, %reduce_sum3A_583, %select_n3A_593, %select_n3A_595, %select_n3A_597 : vector<64x128xf32>, f32, f32, f32, vector<1x128xf32>, vector<1x128xf32>, vector<1x128xf32>
    }
    %scan3A_88 = arith.constant 128 : i32
    %swap3A_89 = arith.constant 0 : index
    %swap3A_90 = arith.constant 1 : index
    %swap3A_91 = arith.constant 0 : index
    %swap3A_92 = vector.load %arg1[%swap3A_89, %swap3A_90, %swap3A_91] : memref<3x13x128xf32, #tpu.memory_space<vmem>>, vector<1x1x128xf32>
    %swap3A_93 = vector.shape_cast %swap3A_92 : vector<1x1x128xf32> to vector<1x128xf32>
    %swap3A_94 = vector.shape_cast %scan3A_87#4 : vector<1x128xf32> to vector<1x1x128xf32>
    tpu.vector_store %arg1[%swap3A_89, %swap3A_90, %swap3A_91], %swap3A_94 {strides = array<i32>} : memref<3x13x128xf32, #tpu.memory_space<vmem>>, vector<1x1x128xf32>,
    %swap3A_95 = arith.constant 1 : index
    %swap3A_96 = arith.constant 1 : index
    %swap3A_97 = arith.constant 0 : index
    %swap3A_98 = vector.load %arg1[%swap3A_95, %swap3A_96, %swap3A_97] : memref<3x13x128xf32, #tpu.memory_space<vmem>>, vector<1x1x128xf32>
    %swap3A_99 = vector.shape_cast %swap3A_98 : vector<1x1x128xf32> to vector<1x128xf32>
    %swap3A_100 = vector.shape_cast %scan3A_87#5 : vector<1x128xf32> to vector<1x1x128xf32>
    tpu.vector_store %arg1[%swap3A_95, %swap3A_96, %swap3A_97], %swap3A_100 {strides = array<i32>} : memref<3x13x128xf32, #tpu.memory_space<vmem>>, vector<1x1x128xf32>,
    %swap3A_101 = arith.constant 2 : index
    %swap3A_102 = arith.constant 1 : index
    %swap3A_103 = arith.constant 0 : index
    %swap3A_104 = vector.load %arg1[%swap3A_101, %swap3A_102, %swap3A_103] : memref<3x13x128xf32, #tpu.memory_space<vmem>>, vector<1x1x128xf32>
    %swap3A_105 = vector.shape_cast %swap3A_104 : vector<1x1x128xf32> to vector<1x128xf32>
    %swap3A_106 = vector.shape_cast %scan3A_87#6 : vector<1x128xf32> to vector<1x1x128xf32>
    tpu.vector_store %arg1[%swap3A_101, %swap3A_102, %swap3A_103], %swap3A_106 {strides = array<i32>} : memref<3x13x128xf32, #tpu.memory_space<vmem>>, vector<1x1x128xf32>,
    %add3A_107 = arith.constant 256 : i32
    %add3A_108 = vector.broadcast %add3A_107 : i32 to vector<1x128xi32>
    %add3A_109 = arith.addi %iota3A_17, %add3A_108 : vector<1x128xi32>
    %ge3A_110 = arith.constant 1639 : i32
    %ge3A_111 = vector.broadcast %ge3A_110 : i32 to vector<1x128xi32>
    %ge3A_112 = arith.cmpi sge, %add3A_109, %ge3A_111 : vector<1x128xi32>
    %jit3A_113 = arith.constant 4.000000e+00 : f32
    %jit3A_114 = arith.constant 0.000000e+00 : f32
    %broadcast_in_dim3A_115 = vector.broadcast %jit3A_113 : f32 to vector<1x128xf32>
    %broadcast_in_dim3A_116 = vector.broadcast %jit3A_114 : f32 to vector<1x128xf32>
    %select_n3A_117 = arith.select %ge3A_112, %broadcast_in_dim3A_115, %broadcast_in_dim3A_116 : vector<1x128xi1>, vector<1x128xf32>
    %scan3A_118 = arith.constant 0 : i32
    %scan3A_119 = arith.constant 128 : i32
    %scan3A_120 = arith.addi %scan3A_118, %scan3A_119 : i32
    %scan3A_121 = arith.constant 1 : i32
    %scan3A_122:7 = scf.for %scan3A_492 = %scan3A_118 to %scan3A_120 step %scan3A_121 iter_args(%scan3A_493 = %scan3A_87#0, %scan3A_494 = %scan3A_87#1, %scan3A_495 = %scan3A_87#2, %scan3A_496 = %scan3A_87#3, %scan3A_497 = %select_n3A_117, %scan3A_498 = %select_n3A_117, %scan3A_499 = %select_n3A_117) -> (vector<64x128xf32>, f32, f32, f32, vector<1x128xf32>, vector<1x128xf32>, vector<1x128xf32>)  : i32 {
      %sub3A = vector.broadcast %scan3A_494 : f32 to vector<64x128xf32>
      %sub3A_500 = arith.subf %get3A_3, %sub3A : vector<64x128xf32>
      %integer_pow3A = arith.mulf %sub3A_500, %sub3A_500 : vector<64x128xf32>
      %sub3A_501 = vector.broadcast %scan3A_495 : f32 to vector<64x128xf32>
      %sub3A_502 = arith.subf %get3A_8, %sub3A_501 : vector<64x128xf32>
      %integer_pow3A_503 = arith.mulf %sub3A_502, %sub3A_502 : vector<64x128xf32>
      %add3A_504 = arith.addf %integer_pow3A, %integer_pow3A_503 : vector<64x128xf32>
      %sub3A_505 = vector.broadcast %scan3A_496 : f32 to vector<64x128xf32>
      %sub3A_506 = arith.subf %get3A_13, %sub3A_505 : vector<64x128xf32>
      %integer_pow3A_507 = arith.mulf %sub3A_506, %sub3A_506 : vector<64x128xf32>
      %add3A_508 = arith.addf %add3A_504, %integer_pow3A_507 : vector<64x128xf32>
      %min3A = arith.minimumf %scan3A_493, %add3A_508 : vector<64x128xf32>
      %reduce_max3A = vector.shape_cast %min3A : vector<64x128xf32> to vector<1x64x128xf32>
      %reduce_max3A_509 = arith.constant dense<0xFF800000> : vector<1xf32>
      %reduce_max3A_510 = vector.multi_reduction <maximumf>, %reduce_max3A, %reduce_max3A_509 [1, 2] : vector<1x64x128xf32> to vector<1xf32>
      %reduce_max3A_511 = vector.shape_cast %reduce_max3A_510 : vector<1xf32> to vector<1x1x1xf32>
      %reduce_max3A_512 = vector.extract %reduce_max3A_511[0, 0, 0] : f32 from vector<1x1x1xf32>
      %eq3A_513 = vector.broadcast %reduce_max3A_512 : f32 to vector<64x128xf32>
      %eq3A_514 = arith.cmpf oeq, %min3A, %eq3A_513 : vector<64x128xf32>
      %jit3A_515 = arith.constant 1073741824 : i32
      %broadcast_in_dim3A_516 = vector.broadcast %jit3A_515 : i32 to vector<64x128xi32>
      %select_n3A_517 = arith.select %eq3A_514, %add3A, %broadcast_in_dim3A_516 : vector<64x128xi1>, vector<64x128xi32>
      %reduce_min3A = vector.shape_cast %select_n3A_517 : vector<64x128xi32> to vector<1x64x128xi32>
      %reduce_min3A_518 = arith.constant dense<2147483647> : vector<1xi32>
      %reduce_min3A_519 = vector.multi_reduction <minsi>, %reduce_min3A, %reduce_min3A_518 [1, 2] : vector<1x64x128xi32> to vector<1xi32>
      %reduce_min3A_520 = vector.shape_cast %reduce_min3A_519 : vector<1xi32> to vector<1x1x1xi32>
      %reduce_min3A_521 = vector.extract %reduce_min3A_520[0, 0, 0] : i32 from vector<1x1x1xi32>
      %jit3A_522 = arith.constant 128 : i32
      %div3A = arith.divsi %reduce_min3A_521, %jit3A_522 : i32
      %sign3A = arith.constant 0 : i32
      %sign3A_523 = arith.cmpi sgt, %reduce_min3A_521, %sign3A : i32
      %sign3A_524 = arith.extui %sign3A_523 : i1 to i32
      %sign3A_525 = arith.constant 0 : i32
      %sign3A_526 = arith.cmpi slt, %reduce_min3A_521, %sign3A_525 : i32
      %sign3A_527 = arith.extui %sign3A_526 : i1 to i32
      %sign3A_528 = arith.subi %sign3A_524, %sign3A_527 : i32
      %sign3A_529 = arith.constant 0 : i32
      %sign3A_530 = arith.cmpi sgt, %jit3A_522, %sign3A_529 : i32
      %sign3A_531 = arith.extui %sign3A_530 : i1 to i32
      %sign3A_532 = arith.constant 0 : i32
      %sign3A_533 = arith.cmpi slt, %jit3A_522, %sign3A_532 : i32
      %sign3A_534 = arith.extui %sign3A_533 : i1 to i32
      %sign3A_535 = arith.subi %sign3A_531, %sign3A_534 : i32
      %ne3A = arith.cmpi ne, %sign3A_528, %sign3A_535 : i32
      %rem3A = arith.remsi %reduce_min3A_521, %jit3A_522 : i32
      %ne3A_536 = arith.constant 0 : i32
      %ne3A_537 = arith.cmpi ne, %rem3A, %ne3A_536 : i32
      %and3A = arith.andi %ne3A, %ne3A_537 : i1
      %sub3A_538 = arith.constant 1 : i32
      %sub3A_539 = arith.subi %div3A, %sub3A_538 : i32
      %select_n3A_540 = arith.select %and3A, %sub3A_539, %div3A : i32
      %mul3A_541 = arith.constant 128 : i32
      %mul3A_542 = arith.muli %select_n3A_540, %mul3A_541 : i32
      %sub3A_543 = arith.subi %reduce_min3A_521, %mul3A_542 : i32
      %eq3A_544 = vector.broadcast %sub3A_543 : i32 to vector<1x128xi32>
      %eq3A_545 = arith.cmpi eq, %iota3A_17, %eq3A_544 : vector<1x128xi32>
      %get3A_546 = arith.constant 0 : index
      %get3A_547 = arith.index_cast %select_n3A_540 : i32 to index
      %get3A_548 = arith.constant 0 : index
      %get3A_549 = vector.load %arg0[%get3A_546, %get3A_547, %get3A_548] : memref<3x64x128xf32, #tpu.memory_space<vmem>>, vector<1x1x128xf32>
      %get3A_550 = vector.shape_cast %get3A_549 : vector<1x1x128xf32> to vector<1x128xf32>
      %get3A_551 = arith.constant 1 : index
      %get3A_552 = arith.index_cast %select_n3A_540 : i32 to index
      %get3A_553 = arith.constant 0 : index
      %get3A_554 = vector.load %arg0[%get3A_551, %get3A_552, %get3A_553] : memref<3x64x128xf32, #tpu.memory_space<vmem>>, vector<1x1x128xf32>
      %get3A_555 = vector.shape_cast %get3A_554 : vector<1x1x128xf32> to vector<1x128xf32>
      %get3A_556 = arith.constant 2 : index
      %get3A_557 = arith.index_cast %select_n3A_540 : i32 to index
      %get3A_558 = arith.constant 0 : index
      %get3A_559 = vector.load %arg0[%get3A_556, %get3A_557, %get3A_558] : memref<3x64x128xf32, #tpu.memory_space<vmem>>, vector<1x1x128xf32>
      %get3A_560 = vector.shape_cast %get3A_559 : vector<1x1x128xf32> to vector<1x128xf32>
      %jit3A_561 = arith.constant 0.000000e+00 : f32
      %broadcast_in_dim3A_562 = vector.broadcast %jit3A_561 : f32 to vector<1x128xf32>
      %select_n3A_563 = arith.select %eq3A_545, %get3A_550, %broadcast_in_dim3A_562 : vector<1x128xi1>, vector<1x128xf32>
      %reduce_sum3A = vector.shape_cast %select_n3A_563 : vector<1x128xf32> to vector<1x1x128xf32>
      %reduce_sum3A_564 = arith.constant dense<0.000000e+00> : vector<1xf32>
      %reduce_sum3A_565 = vector.multi_reduction <add>, %reduce_sum3A, %reduce_sum3A_564 [1, 2] : vector<1x1x128xf32> to vector<1xf32>
      %reduce_sum3A_566 = vector.shape_cast %reduce_sum3A_565 : vector<1xf32> to vector<1x1x1xf32>
      %reduce_sum3A_567 = vector.extract %reduce_sum3A_566[0, 0, 0] : f32 from vector<1x1x1xf32>
      %jit3A_568 = arith.constant 0.000000e+00 : f32
      %broadcast_in_dim3A_569 = vector.broadcast %jit3A_568 : f32 to vector<1x128xf32>
      %select_n3A_570 = arith.select %eq3A_545, %get3A_555, %broadcast_in_dim3A_569 : vector<1x128xi1>, vector<1x128xf32>
      %reduce_sum3A_571 = vector.shape_cast %select_n3A_570 : vector<1x128xf32> to vector<1x1x128xf32>
      %reduce_sum3A_572 = arith.constant dense<0.000000e+00> : vector<1xf32>
      %reduce_sum3A_573 = vector.multi_reduction <add>, %reduce_sum3A_571, %reduce_sum3A_572 [1, 2] : vector<1x1x128xf32> to vector<1xf32>
      %reduce_sum3A_574 = vector.shape_cast %reduce_sum3A_573 : vector<1xf32> to vector<1x1x1xf32>
      %reduce_sum3A_575 = vector.extract %reduce_sum3A_574[0, 0, 0] : f32 from vector<1x1x1xf32>
      %jit3A_576 = arith.constant 0.000000e+00 : f32
      %broadcast_in_dim3A_577 = vector.broadcast %jit3A_576 : f32 to vector<1x128xf32>
      %select_n3A_578 = arith.select %eq3A_545, %get3A_560, %broadcast_in_dim3A_577 : vector<1x128xi1>, vector<1x128xf32>
      %reduce_sum3A_579 = vector.shape_cast %select_n3A_578 : vector<1x128xf32> to vector<1x1x128xf32>
      %reduce_sum3A_580 = arith.constant dense<0.000000e+00> : vector<1xf32>
      %reduce_sum3A_581 = vector.multi_reduction <add>, %reduce_sum3A_579, %reduce_sum3A_580 [1, 2] : vector<1x1x128xf32> to vector<1xf32>
      %reduce_sum3A_582 = vector.shape_cast %reduce_sum3A_581 : vector<1xf32> to vector<1x1x1xf32>
      %reduce_sum3A_583 = vector.extract %reduce_sum3A_582[0, 0, 0] : f32 from vector<1x1x1xf32>
      %eq3A_584 = vector.broadcast %scan3A_492 : i32 to vector<1x128xi32>
      %eq3A_585 = arith.cmpi eq, %iota3A_17, %eq3A_584 : vector<1x128xi32>
      %add3A_586 = arith.constant 256 : i32
      %add3A_587 = arith.addi %add3A_586, %scan3A_492 : i32
      %lt3A_588 = arith.constant 1639 : i32
      %lt3A_589 = arith.cmpi slt, %add3A_587, %lt3A_588 : i32
      %and3A_590 = vector.broadcast %lt3A_589 : i1 to vector<1x128xi1>
      %and3A_591 = arith.andi %eq3A_585, %and3A_590 : vector<1x128xi1>
      %broadcast_in_dim3A_592 = vector.broadcast %reduce_sum3A_567 : f32 to vector<1x128xf32>
      %select_n3A_593 = arith.select %and3A_591, %broadcast_in_dim3A_592, %scan3A_497 : vector<1x128xi1>, vector<1x128xf32>
      %broadcast_in_dim3A_594 = vector.broadcast %reduce_sum3A_575 : f32 to vector<1x128xf32>
      %select_n3A_595 = arith.select %and3A_591, %broadcast_in_dim3A_594, %scan3A_498 : vector<1x128xi1>, vector<1x128xf32>
      %broadcast_in_dim3A_596 = vector.broadcast %reduce_sum3A_583 : f32 to vector<1x128xf32>
      %select_n3A_597 = arith.select %and3A_591, %broadcast_in_dim3A_596, %scan3A_499 : vector<1x128xi1>, vector<1x128xf32>
      scf.yield %min3A, %reduce_sum3A_567, %reduce_sum3A_575, %reduce_sum3A_583, %select_n3A_593, %select_n3A_595, %select_n3A_597 : vector<64x128xf32>, f32, f32, f32, vector<1x128xf32>, vector<1x128xf32>, vector<1x128xf32>
    }
    %scan3A_123 = arith.constant 128 : i32
    %swap3A_124 = arith.constant 0 : index
    %swap3A_125 = arith.constant 2 : index
    %swap3A_126 = arith.constant 0 : index
    %swap3A_127 = vector.load %arg1[%swap3A_124, %swap3A_125, %swap3A_126] : memref<3x13x128xf32, #tpu.memory_space<vmem>>, vector<1x1x128xf32>
    %swap3A_128 = vector.shape_cast %swap3A_127 : vector<1x1x128xf32> to vector<1x128xf32>
    %swap3A_129 = vector.shape_cast %scan3A_122#4 : vector<1x128xf32> to vector<1x1x128xf32>
    tpu.vector_store %arg1[%swap3A_124, %swap3A_125, %swap3A_126], %swap3A_129 {strides = array<i32>} : memref<3x13x128xf32, #tpu.memory_space<vmem>>, vector<1x1x128xf32>,
    %swap3A_130 = arith.constant 1 : index
    %swap3A_131 = arith.constant 2 : index
    %swap3A_132 = arith.constant 0 : index
    %swap3A_133 = vector.load %arg1[%swap3A_130, %swap3A_131, %swap3A_132] : memref<3x13x128xf32, #tpu.memory_space<vmem>>, vector<1x1x128xf32>
    %swap3A_134 = vector.shape_cast %swap3A_133 : vector<1x1x128xf32> to vector<1x128xf32>
    %swap3A_135 = vector.shape_cast %scan3A_122#5 : vector<1x128xf32> to vector<1x1x128xf32>
    tpu.vector_store %arg1[%swap3A_130, %swap3A_131, %swap3A_132], %swap3A_135 {strides = array<i32>} : memref<3x13x128xf32, #tpu.memory_space<vmem>>, vector<1x1x128xf32>,
    %swap3A_136 = arith.constant 2 : index
    %swap3A_137 = arith.constant 2 : index
    %swap3A_138 = arith.constant 0 : index
    %swap3A_139 = vector.load %arg1[%swap3A_136, %swap3A_137, %swap3A_138] : memref<3x13x128xf32, #tpu.memory_space<vmem>>, vector<1x1x128xf32>
    %swap3A_140 = vector.shape_cast %swap3A_139 : vector<1x1x128xf32> to vector<1x128xf32>
    %swap3A_141 = vector.shape_cast %scan3A_122#6 : vector<1x128xf32> to vector<1x1x128xf32>
    tpu.vector_store %arg1[%swap3A_136, %swap3A_137, %swap3A_138], %swap3A_141 {strides = array<i32>} : memref<3x13x128xf32, #tpu.memory_space<vmem>>, vector<1x1x128xf32>,
    %add3A_142 = arith.constant 384 : i32
    %add3A_143 = vector.broadcast %add3A_142 : i32 to vector<1x128xi32>
    %add3A_144 = arith.addi %iota3A_17, %add3A_143 : vector<1x128xi32>
    %ge3A_145 = arith.constant 1639 : i32
    %ge3A_146 = vector.broadcast %ge3A_145 : i32 to vector<1x128xi32>
    %ge3A_147 = arith.cmpi sge, %add3A_144, %ge3A_146 : vector<1x128xi32>
    %jit3A_148 = arith.constant 4.000000e+00 : f32
    %jit3A_149 = arith.constant 0.000000e+00 : f32
    %broadcast_in_dim3A_150 = vector.broadcast %jit3A_148 : f32 to vector<1x128xf32>
    %broadcast_in_dim3A_151 = vector.broadcast %jit3A_149 : f32 to vector<1x128xf32>
    %select_n3A_152 = arith.select %ge3A_147, %broadcast_in_dim3A_150, %broadcast_in_dim3A_151 : vector<1x128xi1>, vector<1x128xf32>
    %scan3A_153 = arith.constant 0 : i32
    %scan3A_154 = arith.constant 128 : i32
    %scan3A_155 = arith.addi %scan3A_153, %scan3A_154 : i32
    %scan3A_156 = arith.constant 1 : i32
    %scan3A_157:7 = scf.for %scan3A_492 = %scan3A_153 to %scan3A_155 step %scan3A_156 iter_args(%scan3A_493 = %scan3A_122#0, %scan3A_494 = %scan3A_122#1, %scan3A_495 = %scan3A_122#2, %scan3A_496 = %scan3A_122#3, %scan3A_497 = %select_n3A_152, %scan3A_498 = %select_n3A_152, %scan3A_499 = %select_n3A_152) -> (vector<64x128xf32>, f32, f32, f32, vector<1x128xf32>, vector<1x128xf32>, vector<1x128xf32>)  : i32 {
      %sub3A = vector.broadcast %scan3A_494 : f32 to vector<64x128xf32>
      %sub3A_500 = arith.subf %get3A_3, %sub3A : vector<64x128xf32>
      %integer_pow3A = arith.mulf %sub3A_500, %sub3A_500 : vector<64x128xf32>
      %sub3A_501 = vector.broadcast %scan3A_495 : f32 to vector<64x128xf32>
      %sub3A_502 = arith.subf %get3A_8, %sub3A_501 : vector<64x128xf32>
      %integer_pow3A_503 = arith.mulf %sub3A_502, %sub3A_502 : vector<64x128xf32>
      %add3A_504 = arith.addf %integer_pow3A, %integer_pow3A_503 : vector<64x128xf32>
      %sub3A_505 = vector.broadcast %scan3A_496 : f32 to vector<64x128xf32>
      %sub3A_506 = arith.subf %get3A_13, %sub3A_505 : vector<64x128xf32>
      %integer_pow3A_507 = arith.mulf %sub3A_506, %sub3A_506 : vector<64x128xf32>
      %add3A_508 = arith.addf %add3A_504, %integer_pow3A_507 : vector<64x128xf32>
      %min3A = arith.minimumf %scan3A_493, %add3A_508 : vector<64x128xf32>
      %reduce_max3A = vector.shape_cast %min3A : vector<64x128xf32> to vector<1x64x128xf32>
      %reduce_max3A_509 = arith.constant dense<0xFF800000> : vector<1xf32>
      %reduce_max3A_510 = vector.multi_reduction <maximumf>, %reduce_max3A, %reduce_max3A_509 [1, 2] : vector<1x64x128xf32> to vector<1xf32>
      %reduce_max3A_511 = vector.shape_cast %reduce_max3A_510 : vector<1xf32> to vector<1x1x1xf32>
      %reduce_max3A_512 = vector.extract %reduce_max3A_511[0, 0, 0] : f32 from vector<1x1x1xf32>
      %eq3A_513 = vector.broadcast %reduce_max3A_512 : f32 to vector<64x128xf32>
      %eq3A_514 = arith.cmpf oeq, %min3A, %eq3A_513 : vector<64x128xf32>
      %jit3A_515 = arith.constant 1073741824 : i32
      %broadcast_in_dim3A_516 = vector.broadcast %jit3A_515 : i32 to vector<64x128xi32>
      %select_n3A_517 = arith.select %eq3A_514, %add3A, %broadcast_in_dim3A_516 : vector<64x128xi1>, vector<64x128xi32>
      %reduce_min3A = vector.shape_cast %select_n3A_517 : vector<64x128xi32> to vector<1x64x128xi32>
      %reduce_min3A_518 = arith.constant dense<2147483647> : vector<1xi32>
      %reduce_min3A_519 = vector.multi_reduction <minsi>, %reduce_min3A, %reduce_min3A_518 [1, 2] : vector<1x64x128xi32> to vector<1xi32>
      %reduce_min3A_520 = vector.shape_cast %reduce_min3A_519 : vector<1xi32> to vector<1x1x1xi32>
      %reduce_min3A_521 = vector.extract %reduce_min3A_520[0, 0, 0] : i32 from vector<1x1x1xi32>
      %jit3A_522 = arith.constant 128 : i32
      %div3A = arith.divsi %reduce_min3A_521, %jit3A_522 : i32
      %sign3A = arith.constant 0 : i32
      %sign3A_523 = arith.cmpi sgt, %reduce_min3A_521, %sign3A : i32
      %sign3A_524 = arith.extui %sign3A_523 : i1 to i32
      %sign3A_525 = arith.constant 0 : i32
      %sign3A_526 = arith.cmpi slt, %reduce_min3A_521, %sign3A_525 : i32
      %sign3A_527 = arith.extui %sign3A_526 : i1 to i32
      %sign3A_528 = arith.subi %sign3A_524, %sign3A_527 : i32
      %sign3A_529 = arith.constant 0 : i32
      %sign3A_530 = arith.cmpi sgt, %jit3A_522, %sign3A_529 : i32
      %sign3A_531 = arith.extui %sign3A_530 : i1 to i32
      %sign3A_532 = arith.constant 0 : i32
      %sign3A_533 = arith.cmpi slt, %jit3A_522, %sign3A_532 : i32
      %sign3A_534 = arith.extui %sign3A_533 : i1 to i32
      %sign3A_535 = arith.subi %sign3A_531, %sign3A_534 : i32
      %ne3A = arith.cmpi ne, %sign3A_528, %sign3A_535 : i32
      %rem3A = arith.remsi %reduce_min3A_521, %jit3A_522 : i32
      %ne3A_536 = arith.constant 0 : i32
      %ne3A_537 = arith.cmpi ne, %rem3A, %ne3A_536 : i32
      %and3A = arith.andi %ne3A, %ne3A_537 : i1
      %sub3A_538 = arith.constant 1 : i32
      %sub3A_539 = arith.subi %div3A, %sub3A_538 : i32
      %select_n3A_540 = arith.select %and3A, %sub3A_539, %div3A : i32
      %mul3A_541 = arith.constant 128 : i32
      %mul3A_542 = arith.muli %select_n3A_540, %mul3A_541 : i32
      %sub3A_543 = arith.subi %reduce_min3A_521, %mul3A_542 : i32
      %eq3A_544 = vector.broadcast %sub3A_543 : i32 to vector<1x128xi32>
      %eq3A_545 = arith.cmpi eq, %iota3A_17, %eq3A_544 : vector<1x128xi32>
      %get3A_546 = arith.constant 0 : index
      %get3A_547 = arith.index_cast %select_n3A_540 : i32 to index
      %get3A_548 = arith.constant 0 : index
      %get3A_549 = vector.load %arg0[%get3A_546, %get3A_547, %get3A_548] : memref<3x64x128xf32, #tpu.memory_space<vmem>>, vector<1x1x128xf32>
      %get3A_550 = vector.shape_cast %get3A_549 : vector<1x1x128xf32> to vector<1x128xf32>
      %get3A_551 = arith.constant 1 : index
      %get3A_552 = arith.index_cast %select_n3A_540 : i32 to index
      %get3A_553 = arith.constant 0 : index
      %get3A_554 = vector.load %arg0[%get3A_551, %get3A_552, %get3A_553] : memref<3x64x128xf32, #tpu.memory_space<vmem>>, vector<1x1x128xf32>
      %get3A_555 = vector.shape_cast %get3A_554 : vector<1x1x128xf32> to vector<1x128xf32>
      %get3A_556 = arith.constant 2 : index
      %get3A_557 = arith.index_cast %select_n3A_540 : i32 to index
      %get3A_558 = arith.constant 0 : index
      %get3A_559 = vector.load %arg0[%get3A_556, %get3A_557, %get3A_558] : memref<3x64x128xf32, #tpu.memory_space<vmem>>, vector<1x1x128xf32>
      %get3A_560 = vector.shape_cast %get3A_559 : vector<1x1x128xf32> to vector<1x128xf32>
      %jit3A_561 = arith.constant 0.000000e+00 : f32
      %broadcast_in_dim3A_562 = vector.broadcast %jit3A_561 : f32 to vector<1x128xf32>
      %select_n3A_563 = arith.select %eq3A_545, %get3A_550, %broadcast_in_dim3A_562 : vector<1x128xi1>, vector<1x128xf32>
      %reduce_sum3A = vector.shape_cast %select_n3A_563 : vector<1x128xf32> to vector<1x1x128xf32>
      %reduce_sum3A_564 = arith.constant dense<0.000000e+00> : vector<1xf32>
      %reduce_sum3A_565 = vector.multi_reduction <add>, %reduce_sum3A, %reduce_sum3A_564 [1, 2] : vector<1x1x128xf32> to vector<1xf32>
      %reduce_sum3A_566 = vector.shape_cast %reduce_sum3A_565 : vector<1xf32> to vector<1x1x1xf32>
      %reduce_sum3A_567 = vector.extract %reduce_sum3A_566[0, 0, 0] : f32 from vector<1x1x1xf32>
      %jit3A_568 = arith.constant 0.000000e+00 : f32
      %broadcast_in_dim3A_569 = vector.broadcast %jit3A_568 : f32 to vector<1x128xf32>
      %select_n3A_570 = arith.select %eq3A_545, %get3A_555, %broadcast_in_dim3A_569 : vector<1x128xi1>, vector<1x128xf32>
      %reduce_sum3A_571 = vector.shape_cast %select_n3A_570 : vector<1x128xf32> to vector<1x1x128xf32>
      %reduce_sum3A_572 = arith.constant dense<0.000000e+00> : vector<1xf32>
      %reduce_sum3A_573 = vector.multi_reduction <add>, %reduce_sum3A_571, %reduce_sum3A_572 [1, 2] : vector<1x1x128xf32> to vector<1xf32>
      %reduce_sum3A_574 = vector.shape_cast %reduce_sum3A_573 : vector<1xf32> to vector<1x1x1xf32>
      %reduce_sum3A_575 = vector.extract %reduce_sum3A_574[0, 0, 0] : f32 from vector<1x1x1xf32>
      %jit3A_576 = arith.constant 0.000000e+00 : f32
      %broadcast_in_dim3A_577 = vector.broadcast %jit3A_576 : f32 to vector<1x128xf32>
      %select_n3A_578 = arith.select %eq3A_545, %get3A_560, %broadcast_in_dim3A_577 : vector<1x128xi1>, vector<1x128xf32>
      %reduce_sum3A_579 = vector.shape_cast %select_n3A_578 : vector<1x128xf32> to vector<1x1x128xf32>
      %reduce_sum3A_580 = arith.constant dense<0.000000e+00> : vector<1xf32>
      %reduce_sum3A_581 = vector.multi_reduction <add>, %reduce_sum3A_579, %reduce_sum3A_580 [1, 2] : vector<1x1x128xf32> to vector<1xf32>
      %reduce_sum3A_582 = vector.shape_cast %reduce_sum3A_581 : vector<1xf32> to vector<1x1x1xf32>
      %reduce_sum3A_583 = vector.extract %reduce_sum3A_582[0, 0, 0] : f32 from vector<1x1x1xf32>
      %eq3A_584 = vector.broadcast %scan3A_492 : i32 to vector<1x128xi32>
      %eq3A_585 = arith.cmpi eq, %iota3A_17, %eq3A_584 : vector<1x128xi32>
      %add3A_586 = arith.constant 384 : i32
      %add3A_587 = arith.addi %add3A_586, %scan3A_492 : i32
      %lt3A_588 = arith.constant 1639 : i32
      %lt3A_589 = arith.cmpi slt, %add3A_587, %lt3A_588 : i32
      %and3A_590 = vector.broadcast %lt3A_589 : i1 to vector<1x128xi1>
      %and3A_591 = arith.andi %eq3A_585, %and3A_590 : vector<1x128xi1>
      %broadcast_in_dim3A_592 = vector.broadcast %reduce_sum3A_567 : f32 to vector<1x128xf32>
      %select_n3A_593 = arith.select %and3A_591, %broadcast_in_dim3A_592, %scan3A_497 : vector<1x128xi1>, vector<1x128xf32>
      %broadcast_in_dim3A_594 = vector.broadcast %reduce_sum3A_575 : f32 to vector<1x128xf32>
      %select_n3A_595 = arith.select %and3A_591, %broadcast_in_dim3A_594, %scan3A_498 : vector<1x128xi1>, vector<1x128xf32>
      %broadcast_in_dim3A_596 = vector.broadcast %reduce_sum3A_583 : f32 to vector<1x128xf32>
      %select_n3A_597 = arith.select %and3A_591, %broadcast_in_dim3A_596, %scan3A_499 : vector<1x128xi1>, vector<1x128xf32>
      scf.yield %min3A, %reduce_sum3A_567, %reduce_sum3A_575, %reduce_sum3A_583, %select_n3A_593, %select_n3A_595, %select_n3A_597 : vector<64x128xf32>, f32, f32, f32, vector<1x128xf32>, vector<1x128xf32>, vector<1x128xf32>
    }
    %scan3A_158 = arith.constant 128 : i32
    %swap3A_159 = arith.constant 0 : index
    %swap3A_160 = arith.constant 3 : index
    %swap3A_161 = arith.constant 0 : index
    %swap3A_162 = vector.load %arg1[%swap3A_159, %swap3A_160, %swap3A_161] : memref<3x13x128xf32, #tpu.memory_space<vmem>>, vector<1x1x128xf32>
    %swap3A_163 = vector.shape_cast %swap3A_162 : vector<1x1x128xf32> to vector<1x128xf32>
    %swap3A_164 = vector.shape_cast %scan3A_157#4 : vector<1x128xf32> to vector<1x1x128xf32>
    tpu.vector_store %arg1[%swap3A_159, %swap3A_160, %swap3A_161], %swap3A_164 {strides = array<i32>} : memref<3x13x128xf32, #tpu.memory_space<vmem>>, vector<1x1x128xf32>,
    %swap3A_165 = arith.constant 1 : index
    %swap3A_166 = arith.constant 3 : index
    %swap3A_167 = arith.constant 0 : index
    %swap3A_168 = vector.load %arg1[%swap3A_165, %swap3A_166, %swap3A_167] : memref<3x13x128xf32, #tpu.memory_space<vmem>>, vector<1x1x128xf32>
    %swap3A_169 = vector.shape_cast %swap3A_168 : vector<1x1x128xf32> to vector<1x128xf32>
    %swap3A_170 = vector.shape_cast %scan3A_157#5 : vector<1x128xf32> to vector<1x1x128xf32>
    tpu.vector_store %arg1[%swap3A_165, %swap3A_166, %swap3A_167], %swap3A_170 {strides = array<i32>} : memref<3x13x128xf32, #tpu.memory_space<vmem>>, vector<1x1x128xf32>,
    %swap3A_171 = arith.constant 2 : index
    %swap3A_172 = arith.constant 3 : index
    %swap3A_173 = arith.constant 0 : index
    %swap3A_174 = vector.load %arg1[%swap3A_171, %swap3A_172, %swap3A_173] : memref<3x13x128xf32, #tpu.memory_space<vmem>>, vector<1x1x128xf32>
    %swap3A_175 = vector.shape_cast %swap3A_174 : vector<1x1x128xf32> to vector<1x128xf32>
    %swap3A_176 = vector.shape_cast %scan3A_157#6 : vector<1x128xf32> to vector<1x1x128xf32>
    tpu.vector_store %arg1[%swap3A_171, %swap3A_172, %swap3A_173], %swap3A_176 {strides = array<i32>} : memref<3x13x128xf32, #tpu.memory_space<vmem>>, vector<1x1x128xf32>,
    %add3A_177 = arith.constant 512 : i32
    %add3A_178 = vector.broadcast %add3A_177 : i32 to vector<1x128xi32>
    %add3A_179 = arith.addi %iota3A_17, %add3A_178 : vector<1x128xi32>
    %ge3A_180 = arith.constant 1639 : i32
    %ge3A_181 = vector.broadcast %ge3A_180 : i32 to vector<1x128xi32>
    %ge3A_182 = arith.cmpi sge, %add3A_179, %ge3A_181 : vector<1x128xi32>
    %jit3A_183 = arith.constant 4.000000e+00 : f32
    %jit3A_184 = arith.constant 0.000000e+00 : f32
    %broadcast_in_dim3A_185 = vector.broadcast %jit3A_183 : f32 to vector<1x128xf32>
    %broadcast_in_dim3A_186 = vector.broadcast %jit3A_184 : f32 to vector<1x128xf32>
    %select_n3A_187 = arith.select %ge3A_182, %broadcast_in_dim3A_185, %broadcast_in_dim3A_186 : vector<1x128xi1>, vector<1x128xf32>
    %scan3A_188 = arith.constant 0 : i32
    %scan3A_189 = arith.constant 128 : i32
    %scan3A_190 = arith.addi %scan3A_188, %scan3A_189 : i32
    %scan3A_191 = arith.constant 1 : i32
    %scan3A_192:7 = scf.for %scan3A_492 = %scan3A_188 to %scan3A_190 step %scan3A_191 iter_args(%scan3A_493 = %scan3A_157#0, %scan3A_494 = %scan3A_157#1, %scan3A_495 = %scan3A_157#2, %scan3A_496 = %scan3A_157#3, %scan3A_497 = %select_n3A_187, %scan3A_498 = %select_n3A_187, %scan3A_499 = %select_n3A_187) -> (vector<64x128xf32>, f32, f32, f32, vector<1x128xf32>, vector<1x128xf32>, vector<1x128xf32>)  : i32 {
      %sub3A = vector.broadcast %scan3A_494 : f32 to vector<64x128xf32>
      %sub3A_500 = arith.subf %get3A_3, %sub3A : vector<64x128xf32>
      %integer_pow3A = arith.mulf %sub3A_500, %sub3A_500 : vector<64x128xf32>
      %sub3A_501 = vector.broadcast %scan3A_495 : f32 to vector<64x128xf32>
      %sub3A_502 = arith.subf %get3A_8, %sub3A_501 : vector<64x128xf32>
      %integer_pow3A_503 = arith.mulf %sub3A_502, %sub3A_502 : vector<64x128xf32>
      %add3A_504 = arith.addf %integer_pow3A, %integer_pow3A_503 : vector<64x128xf32>
      %sub3A_505 = vector.broadcast %scan3A_496 : f32 to vector<64x128xf32>
      %sub3A_506 = arith.subf %get3A_13, %sub3A_505 : vector<64x128xf32>
      %integer_pow3A_507 = arith.mulf %sub3A_506, %sub3A_506 : vector<64x128xf32>
      %add3A_508 = arith.addf %add3A_504, %integer_pow3A_507 : vector<64x128xf32>
      %min3A = arith.minimumf %scan3A_493, %add3A_508 : vector<64x128xf32>
      %reduce_max3A = vector.shape_cast %min3A : vector<64x128xf32> to vector<1x64x128xf32>
      %reduce_max3A_509 = arith.constant dense<0xFF800000> : vector<1xf32>
      %reduce_max3A_510 = vector.multi_reduction <maximumf>, %reduce_max3A, %reduce_max3A_509 [1, 2] : vector<1x64x128xf32> to vector<1xf32>
      %reduce_max3A_511 = vector.shape_cast %reduce_max3A_510 : vector<1xf32> to vector<1x1x1xf32>
      %reduce_max3A_512 = vector.extract %reduce_max3A_511[0, 0, 0] : f32 from vector<1x1x1xf32>
      %eq3A_513 = vector.broadcast %reduce_max3A_512 : f32 to vector<64x128xf32>
      %eq3A_514 = arith.cmpf oeq, %min3A, %eq3A_513 : vector<64x128xf32>
      %jit3A_515 = arith.constant 1073741824 : i32
      %broadcast_in_dim3A_516 = vector.broadcast %jit3A_515 : i32 to vector<64x128xi32>
      %select_n3A_517 = arith.select %eq3A_514, %add3A, %broadcast_in_dim3A_516 : vector<64x128xi1>, vector<64x128xi32>
      %reduce_min3A = vector.shape_cast %select_n3A_517 : vector<64x128xi32> to vector<1x64x128xi32>
      %reduce_min3A_518 = arith.constant dense<2147483647> : vector<1xi32>
      %reduce_min3A_519 = vector.multi_reduction <minsi>, %reduce_min3A, %reduce_min3A_518 [1, 2] : vector<1x64x128xi32> to vector<1xi32>
      %reduce_min3A_520 = vector.shape_cast %reduce_min3A_519 : vector<1xi32> to vector<1x1x1xi32>
      %reduce_min3A_521 = vector.extract %reduce_min3A_520[0, 0, 0] : i32 from vector<1x1x1xi32>
      %jit3A_522 = arith.constant 128 : i32
      %div3A = arith.divsi %reduce_min3A_521, %jit3A_522 : i32
      %sign3A = arith.constant 0 : i32
      %sign3A_523 = arith.cmpi sgt, %reduce_min3A_521, %sign3A : i32
      %sign3A_524 = arith.extui %sign3A_523 : i1 to i32
      %sign3A_525 = arith.constant 0 : i32
      %sign3A_526 = arith.cmpi slt, %reduce_min3A_521, %sign3A_525 : i32
      %sign3A_527 = arith.extui %sign3A_526 : i1 to i32
      %sign3A_528 = arith.subi %sign3A_524, %sign3A_527 : i32
      %sign3A_529 = arith.constant 0 : i32
      %sign3A_530 = arith.cmpi sgt, %jit3A_522, %sign3A_529 : i32
      %sign3A_531 = arith.extui %sign3A_530 : i1 to i32
      %sign3A_532 = arith.constant 0 : i32
      %sign3A_533 = arith.cmpi slt, %jit3A_522, %sign3A_532 : i32
      %sign3A_534 = arith.extui %sign3A_533 : i1 to i32
      %sign3A_535 = arith.subi %sign3A_531, %sign3A_534 : i32
      %ne3A = arith.cmpi ne, %sign3A_528, %sign3A_535 : i32
      %rem3A = arith.remsi %reduce_min3A_521, %jit3A_522 : i32
      %ne3A_536 = arith.constant 0 : i32
      %ne3A_537 = arith.cmpi ne, %rem3A, %ne3A_536 : i32
      %and3A = arith.andi %ne3A, %ne3A_537 : i1
      %sub3A_538 = arith.constant 1 : i32
      %sub3A_539 = arith.subi %div3A, %sub3A_538 : i32
      %select_n3A_540 = arith.select %and3A, %sub3A_539, %div3A : i32
      %mul3A_541 = arith.constant 128 : i32
      %mul3A_542 = arith.muli %select_n3A_540, %mul3A_541 : i32
      %sub3A_543 = arith.subi %reduce_min3A_521, %mul3A_542 : i32
      %eq3A_544 = vector.broadcast %sub3A_543 : i32 to vector<1x128xi32>
      %eq3A_545 = arith.cmpi eq, %iota3A_17, %eq3A_544 : vector<1x128xi32>
      %get3A_546 = arith.constant 0 : index
      %get3A_547 = arith.index_cast %select_n3A_540 : i32 to index
      %get3A_548 = arith.constant 0 : index
      %get3A_549 = vector.load %arg0[%get3A_546, %get3A_547, %get3A_548] : memref<3x64x128xf32, #tpu.memory_space<vmem>>, vector<1x1x128xf32>
      %get3A_550 = vector.shape_cast %get3A_549 : vector<1x1x128xf32> to vector<1x128xf32>
      %get3A_551 = arith.constant 1 : index
      %get3A_552 = arith.index_cast %select_n3A_540 : i32 to index
      %get3A_553 = arith.constant 0 : index
      %get3A_554 = vector.load %arg0[%get3A_551, %get3A_552, %get3A_553] : memref<3x64x128xf32, #tpu.memory_space<vmem>>, vector<1x1x128xf32>
      %get3A_555 = vector.shape_cast %get3A_554 : vector<1x1x128xf32> to vector<1x128xf32>
      %get3A_556 = arith.constant 2 : index
      %get3A_557 = arith.index_cast %select_n3A_540 : i32 to index
      %get3A_558 = arith.constant 0 : index
      %get3A_559 = vector.load %arg0[%get3A_556, %get3A_557, %get3A_558] : memref<3x64x128xf32, #tpu.memory_space<vmem>>, vector<1x1x128xf32>
      %get3A_560 = vector.shape_cast %get3A_559 : vector<1x1x128xf32> to vector<1x128xf32>
      %jit3A_561 = arith.constant 0.000000e+00 : f32
      %broadcast_in_dim3A_562 = vector.broadcast %jit3A_561 : f32 to vector<1x128xf32>
      %select_n3A_563 = arith.select %eq3A_545, %get3A_550, %broadcast_in_dim3A_562 : vector<1x128xi1>, vector<1x128xf32>
      %reduce_sum3A = vector.shape_cast %select_n3A_563 : vector<1x128xf32> to vector<1x1x128xf32>
      %reduce_sum3A_564 = arith.constant dense<0.000000e+00> : vector<1xf32>
      %reduce_sum3A_565 = vector.multi_reduction <add>, %reduce_sum3A, %reduce_sum3A_564 [1, 2] : vector<1x1x128xf32> to vector<1xf32>
      %reduce_sum3A_566 = vector.shape_cast %reduce_sum3A_565 : vector<1xf32> to vector<1x1x1xf32>
      %reduce_sum3A_567 = vector.extract %reduce_sum3A_566[0, 0, 0] : f32 from vector<1x1x1xf32>
      %jit3A_568 = arith.constant 0.000000e+00 : f32
      %broadcast_in_dim3A_569 = vector.broadcast %jit3A_568 : f32 to vector<1x128xf32>
      %select_n3A_570 = arith.select %eq3A_545, %get3A_555, %broadcast_in_dim3A_569 : vector<1x128xi1>, vector<1x128xf32>
      %reduce_sum3A_571 = vector.shape_cast %select_n3A_570 : vector<1x128xf32> to vector<1x1x128xf32>
      %reduce_sum3A_572 = arith.constant dense<0.000000e+00> : vector<1xf32>
      %reduce_sum3A_573 = vector.multi_reduction <add>, %reduce_sum3A_571, %reduce_sum3A_572 [1, 2] : vector<1x1x128xf32> to vector<1xf32>
      %reduce_sum3A_574 = vector.shape_cast %reduce_sum3A_573 : vector<1xf32> to vector<1x1x1xf32>
      %reduce_sum3A_575 = vector.extract %reduce_sum3A_574[0, 0, 0] : f32 from vector<1x1x1xf32>
      %jit3A_576 = arith.constant 0.000000e+00 : f32
      %broadcast_in_dim3A_577 = vector.broadcast %jit3A_576 : f32 to vector<1x128xf32>
      %select_n3A_578 = arith.select %eq3A_545, %get3A_560, %broadcast_in_dim3A_577 : vector<1x128xi1>, vector<1x128xf32>
      %reduce_sum3A_579 = vector.shape_cast %select_n3A_578 : vector<1x128xf32> to vector<1x1x128xf32>
      %reduce_sum3A_580 = arith.constant dense<0.000000e+00> : vector<1xf32>
      %reduce_sum3A_581 = vector.multi_reduction <add>, %reduce_sum3A_579, %reduce_sum3A_580 [1, 2] : vector<1x1x128xf32> to vector<1xf32>
      %reduce_sum3A_582 = vector.shape_cast %reduce_sum3A_581 : vector<1xf32> to vector<1x1x1xf32>
      %reduce_sum3A_583 = vector.extract %reduce_sum3A_582[0, 0, 0] : f32 from vector<1x1x1xf32>
      %eq3A_584 = vector.broadcast %scan3A_492 : i32 to vector<1x128xi32>
      %eq3A_585 = arith.cmpi eq, %iota3A_17, %eq3A_584 : vector<1x128xi32>
      %add3A_586 = arith.constant 512 : i32
      %add3A_587 = arith.addi %add3A_586, %scan3A_492 : i32
      %lt3A_588 = arith.constant 1639 : i32
      %lt3A_589 = arith.cmpi slt, %add3A_587, %lt3A_588 : i32
      %and3A_590 = vector.broadcast %lt3A_589 : i1 to vector<1x128xi1>
      %and3A_591 = arith.andi %eq3A_585, %and3A_590 : vector<1x128xi1>
      %broadcast_in_dim3A_592 = vector.broadcast %reduce_sum3A_567 : f32 to vector<1x128xf32>
      %select_n3A_593 = arith.select %and3A_591, %broadcast_in_dim3A_592, %scan3A_497 : vector<1x128xi1>, vector<1x128xf32>
      %broadcast_in_dim3A_594 = vector.broadcast %reduce_sum3A_575 : f32 to vector<1x128xf32>
      %select_n3A_595 = arith.select %and3A_591, %broadcast_in_dim3A_594, %scan3A_498 : vector<1x128xi1>, vector<1x128xf32>
      %broadcast_in_dim3A_596 = vector.broadcast %reduce_sum3A_583 : f32 to vector<1x128xf32>
      %select_n3A_597 = arith.select %and3A_591, %broadcast_in_dim3A_596, %scan3A_499 : vector<1x128xi1>, vector<1x128xf32>
      scf.yield %min3A, %reduce_sum3A_567, %reduce_sum3A_575, %reduce_sum3A_583, %select_n3A_593, %select_n3A_595, %select_n3A_597 : vector<64x128xf32>, f32, f32, f32, vector<1x128xf32>, vector<1x128xf32>, vector<1x128xf32>
    }
    %scan3A_193 = arith.constant 128 : i32
    %swap3A_194 = arith.constant 0 : index
    %swap3A_195 = arith.constant 4 : index
    %swap3A_196 = arith.constant 0 : index
    %swap3A_197 = vector.load %arg1[%swap3A_194, %swap3A_195, %swap3A_196] : memref<3x13x128xf32, #tpu.memory_space<vmem>>, vector<1x1x128xf32>
    %swap3A_198 = vector.shape_cast %swap3A_197 : vector<1x1x128xf32> to vector<1x128xf32>
    %swap3A_199 = vector.shape_cast %scan3A_192#4 : vector<1x128xf32> to vector<1x1x128xf32>
    tpu.vector_store %arg1[%swap3A_194, %swap3A_195, %swap3A_196], %swap3A_199 {strides = array<i32>} : memref<3x13x128xf32, #tpu.memory_space<vmem>>, vector<1x1x128xf32>,
    %swap3A_200 = arith.constant 1 : index
    %swap3A_201 = arith.constant 4 : index
    %swap3A_202 = arith.constant 0 : index
    %swap3A_203 = vector.load %arg1[%swap3A_200, %swap3A_201, %swap3A_202] : memref<3x13x128xf32, #tpu.memory_space<vmem>>, vector<1x1x128xf32>
    %swap3A_204 = vector.shape_cast %swap3A_203 : vector<1x1x128xf32> to vector<1x128xf32>
    %swap3A_205 = vector.shape_cast %scan3A_192#5 : vector<1x128xf32> to vector<1x1x128xf32>
    tpu.vector_store %arg1[%swap3A_200, %swap3A_201, %swap3A_202], %swap3A_205 {strides = array<i32>} : memref<3x13x128xf32, #tpu.memory_space<vmem>>, vector<1x1x128xf32>,
    %swap3A_206 = arith.constant 2 : index
    %swap3A_207 = arith.constant 4 : index
    %swap3A_208 = arith.constant 0 : index
    %swap3A_209 = vector.load %arg1[%swap3A_206, %swap3A_207, %swap3A_208] : memref<3x13x128xf32, #tpu.memory_space<vmem>>, vector<1x1x128xf32>
    %swap3A_210 = vector.shape_cast %swap3A_209 : vector<1x1x128xf32> to vector<1x128xf32>
    %swap3A_211 = vector.shape_cast %scan3A_192#6 : vector<1x128xf32> to vector<1x1x128xf32>
    tpu.vector_store %arg1[%swap3A_206, %swap3A_207, %swap3A_208], %swap3A_211 {strides = array<i32>} : memref<3x13x128xf32, #tpu.memory_space<vmem>>, vector<1x1x128xf32>,
    %add3A_212 = arith.constant 640 : i32
    %add3A_213 = vector.broadcast %add3A_212 : i32 to vector<1x128xi32>
    %add3A_214 = arith.addi %iota3A_17, %add3A_213 : vector<1x128xi32>
    %ge3A_215 = arith.constant 1639 : i32
    %ge3A_216 = vector.broadcast %ge3A_215 : i32 to vector<1x128xi32>
    %ge3A_217 = arith.cmpi sge, %add3A_214, %ge3A_216 : vector<1x128xi32>
    %jit3A_218 = arith.constant 4.000000e+00 : f32
    %jit3A_219 = arith.constant 0.000000e+00 : f32
    %broadcast_in_dim3A_220 = vector.broadcast %jit3A_218 : f32 to vector<1x128xf32>
    %broadcast_in_dim3A_221 = vector.broadcast %jit3A_219 : f32 to vector<1x128xf32>
    %select_n3A_222 = arith.select %ge3A_217, %broadcast_in_dim3A_220, %broadcast_in_dim3A_221 : vector<1x128xi1>, vector<1x128xf32>
    %scan3A_223 = arith.constant 0 : i32
    %scan3A_224 = arith.constant 128 : i32
    %scan3A_225 = arith.addi %scan3A_223, %scan3A_224 : i32
    %scan3A_226 = arith.constant 1 : i32
    %scan3A_227:7 = scf.for %scan3A_492 = %scan3A_223 to %scan3A_225 step %scan3A_226 iter_args(%scan3A_493 = %scan3A_192#0, %scan3A_494 = %scan3A_192#1, %scan3A_495 = %scan3A_192#2, %scan3A_496 = %scan3A_192#3, %scan3A_497 = %select_n3A_222, %scan3A_498 = %select_n3A_222, %scan3A_499 = %select_n3A_222) -> (vector<64x128xf32>, f32, f32, f32, vector<1x128xf32>, vector<1x128xf32>, vector<1x128xf32>)  : i32 {
      %sub3A = vector.broadcast %scan3A_494 : f32 to vector<64x128xf32>
      %sub3A_500 = arith.subf %get3A_3, %sub3A : vector<64x128xf32>
      %integer_pow3A = arith.mulf %sub3A_500, %sub3A_500 : vector<64x128xf32>
      %sub3A_501 = vector.broadcast %scan3A_495 : f32 to vector<64x128xf32>
      %sub3A_502 = arith.subf %get3A_8, %sub3A_501 : vector<64x128xf32>
      %integer_pow3A_503 = arith.mulf %sub3A_502, %sub3A_502 : vector<64x128xf32>
      %add3A_504 = arith.addf %integer_pow3A, %integer_pow3A_503 : vector<64x128xf32>
      %sub3A_505 = vector.broadcast %scan3A_496 : f32 to vector<64x128xf32>
      %sub3A_506 = arith.subf %get3A_13, %sub3A_505 : vector<64x128xf32>
      %integer_pow3A_507 = arith.mulf %sub3A_506, %sub3A_506 : vector<64x128xf32>
      %add3A_508 = arith.addf %add3A_504, %integer_pow3A_507 : vector<64x128xf32>
      %min3A = arith.minimumf %scan3A_493, %add3A_508 : vector<64x128xf32>
      %reduce_max3A = vector.shape_cast %min3A : vector<64x128xf32> to vector<1x64x128xf32>
      %reduce_max3A_509 = arith.constant dense<0xFF800000> : vector<1xf32>
      %reduce_max3A_510 = vector.multi_reduction <maximumf>, %reduce_max3A, %reduce_max3A_509 [1, 2] : vector<1x64x128xf32> to vector<1xf32>
      %reduce_max3A_511 = vector.shape_cast %reduce_max3A_510 : vector<1xf32> to vector<1x1x1xf32>
      %reduce_max3A_512 = vector.extract %reduce_max3A_511[0, 0, 0] : f32 from vector<1x1x1xf32>
      %eq3A_513 = vector.broadcast %reduce_max3A_512 : f32 to vector<64x128xf32>
      %eq3A_514 = arith.cmpf oeq, %min3A, %eq3A_513 : vector<64x128xf32>
      %jit3A_515 = arith.constant 1073741824 : i32
      %broadcast_in_dim3A_516 = vector.broadcast %jit3A_515 : i32 to vector<64x128xi32>
      %select_n3A_517 = arith.select %eq3A_514, %add3A, %broadcast_in_dim3A_516 : vector<64x128xi1>, vector<64x128xi32>
      %reduce_min3A = vector.shape_cast %select_n3A_517 : vector<64x128xi32> to vector<1x64x128xi32>
      %reduce_min3A_518 = arith.constant dense<2147483647> : vector<1xi32>
      %reduce_min3A_519 = vector.multi_reduction <minsi>, %reduce_min3A, %reduce_min3A_518 [1, 2] : vector<1x64x128xi32> to vector<1xi32>
      %reduce_min3A_520 = vector.shape_cast %reduce_min3A_519 : vector<1xi32> to vector<1x1x1xi32>
      %reduce_min3A_521 = vector.extract %reduce_min3A_520[0, 0, 0] : i32 from vector<1x1x1xi32>
      %jit3A_522 = arith.constant 128 : i32
      %div3A = arith.divsi %reduce_min3A_521, %jit3A_522 : i32
      %sign3A = arith.constant 0 : i32
      %sign3A_523 = arith.cmpi sgt, %reduce_min3A_521, %sign3A : i32
      %sign3A_524 = arith.extui %sign3A_523 : i1 to i32
      %sign3A_525 = arith.constant 0 : i32
      %sign3A_526 = arith.cmpi slt, %reduce_min3A_521, %sign3A_525 : i32
      %sign3A_527 = arith.extui %sign3A_526 : i1 to i32
      %sign3A_528 = arith.subi %sign3A_524, %sign3A_527 : i32
      %sign3A_529 = arith.constant 0 : i32
      %sign3A_530 = arith.cmpi sgt, %jit3A_522, %sign3A_529 : i32
      %sign3A_531 = arith.extui %sign3A_530 : i1 to i32
      %sign3A_532 = arith.constant 0 : i32
      %sign3A_533 = arith.cmpi slt, %jit3A_522, %sign3A_532 : i32
      %sign3A_534 = arith.extui %sign3A_533 : i1 to i32
      %sign3A_535 = arith.subi %sign3A_531, %sign3A_534 : i32
      %ne3A = arith.cmpi ne, %sign3A_528, %sign3A_535 : i32
      %rem3A = arith.remsi %reduce_min3A_521, %jit3A_522 : i32
      %ne3A_536 = arith.constant 0 : i32
      %ne3A_537 = arith.cmpi ne, %rem3A, %ne3A_536 : i32
      %and3A = arith.andi %ne3A, %ne3A_537 : i1
      %sub3A_538 = arith.constant 1 : i32
      %sub3A_539 = arith.subi %div3A, %sub3A_538 : i32
      %select_n3A_540 = arith.select %and3A, %sub3A_539, %div3A : i32
      %mul3A_541 = arith.constant 128 : i32
      %mul3A_542 = arith.muli %select_n3A_540, %mul3A_541 : i32
      %sub3A_543 = arith.subi %reduce_min3A_521, %mul3A_542 : i32
      %eq3A_544 = vector.broadcast %sub3A_543 : i32 to vector<1x128xi32>
      %eq3A_545 = arith.cmpi eq, %iota3A_17, %eq3A_544 : vector<1x128xi32>
      %get3A_546 = arith.constant 0 : index
      %get3A_547 = arith.index_cast %select_n3A_540 : i32 to index
      %get3A_548 = arith.constant 0 : index
      %get3A_549 = vector.load %arg0[%get3A_546, %get3A_547, %get3A_548] : memref<3x64x128xf32, #tpu.memory_space<vmem>>, vector<1x1x128xf32>
      %get3A_550 = vector.shape_cast %get3A_549 : vector<1x1x128xf32> to vector<1x128xf32>
      %get3A_551 = arith.constant 1 : index
      %get3A_552 = arith.index_cast %select_n3A_540 : i32 to index
      %get3A_553 = arith.constant 0 : index
      %get3A_554 = vector.load %arg0[%get3A_551, %get3A_552, %get3A_553] : memref<3x64x128xf32, #tpu.memory_space<vmem>>, vector<1x1x128xf32>
      %get3A_555 = vector.shape_cast %get3A_554 : vector<1x1x128xf32> to vector<1x128xf32>
      %get3A_556 = arith.constant 2 : index
      %get3A_557 = arith.index_cast %select_n3A_540 : i32 to index
      %get3A_558 = arith.constant 0 : index
      %get3A_559 = vector.load %arg0[%get3A_556, %get3A_557, %get3A_558] : memref<3x64x128xf32, #tpu.memory_space<vmem>>, vector<1x1x128xf32>
      %get3A_560 = vector.shape_cast %get3A_559 : vector<1x1x128xf32> to vector<1x128xf32>
      %jit3A_561 = arith.constant 0.000000e+00 : f32
      %broadcast_in_dim3A_562 = vector.broadcast %jit3A_561 : f32 to vector<1x128xf32>
      %select_n3A_563 = arith.select %eq3A_545, %get3A_550, %broadcast_in_dim3A_562 : vector<1x128xi1>, vector<1x128xf32>
      %reduce_sum3A = vector.shape_cast %select_n3A_563 : vector<1x128xf32> to vector<1x1x128xf32>
      %reduce_sum3A_564 = arith.constant dense<0.000000e+00> : vector<1xf32>
      %reduce_sum3A_565 = vector.multi_reduction <add>, %reduce_sum3A, %reduce_sum3A_564 [1, 2] : vector<1x1x128xf32> to vector<1xf32>
      %reduce_sum3A_566 = vector.shape_cast %reduce_sum3A_565 : vector<1xf32> to vector<1x1x1xf32>
      %reduce_sum3A_567 = vector.extract %reduce_sum3A_566[0, 0, 0] : f32 from vector<1x1x1xf32>
      %jit3A_568 = arith.constant 0.000000e+00 : f32
      %broadcast_in_dim3A_569 = vector.broadcast %jit3A_568 : f32 to vector<1x128xf32>
      %select_n3A_570 = arith.select %eq3A_545, %get3A_555, %broadcast_in_dim3A_569 : vector<1x128xi1>, vector<1x128xf32>
      %reduce_sum3A_571 = vector.shape_cast %select_n3A_570 : vector<1x128xf32> to vector<1x1x128xf32>
      %reduce_sum3A_572 = arith.constant dense<0.000000e+00> : vector<1xf32>
      %reduce_sum3A_573 = vector.multi_reduction <add>, %reduce_sum3A_571, %reduce_sum3A_572 [1, 2] : vector<1x1x128xf32> to vector<1xf32>
      %reduce_sum3A_574 = vector.shape_cast %reduce_sum3A_573 : vector<1xf32> to vector<1x1x1xf32>
      %reduce_sum3A_575 = vector.extract %reduce_sum3A_574[0, 0, 0] : f32 from vector<1x1x1xf32>
      %jit3A_576 = arith.constant 0.000000e+00 : f32
      %broadcast_in_dim3A_577 = vector.broadcast %jit3A_576 : f32 to vector<1x128xf32>
      %select_n3A_578 = arith.select %eq3A_545, %get3A_560, %broadcast_in_dim3A_577 : vector<1x128xi1>, vector<1x128xf32>
      %reduce_sum3A_579 = vector.shape_cast %select_n3A_578 : vector<1x128xf32> to vector<1x1x128xf32>
      %reduce_sum3A_580 = arith.constant dense<0.000000e+00> : vector<1xf32>
      %reduce_sum3A_581 = vector.multi_reduction <add>, %reduce_sum3A_579, %reduce_sum3A_580 [1, 2] : vector<1x1x128xf32> to vector<1xf32>
      %reduce_sum3A_582 = vector.shape_cast %reduce_sum3A_581 : vector<1xf32> to vector<1x1x1xf32>
      %reduce_sum3A_583 = vector.extract %reduce_sum3A_582[0, 0, 0] : f32 from vector<1x1x1xf32>
      %eq3A_584 = vector.broadcast %scan3A_492 : i32 to vector<1x128xi32>
      %eq3A_585 = arith.cmpi eq, %iota3A_17, %eq3A_584 : vector<1x128xi32>
      %add3A_586 = arith.constant 640 : i32
      %add3A_587 = arith.addi %add3A_586, %scan3A_492 : i32
      %lt3A_588 = arith.constant 1639 : i32
      %lt3A_589 = arith.cmpi slt, %add3A_587, %lt3A_588 : i32
      %and3A_590 = vector.broadcast %lt3A_589 : i1 to vector<1x128xi1>
      %and3A_591 = arith.andi %eq3A_585, %and3A_590 : vector<1x128xi1>
      %broadcast_in_dim3A_592 = vector.broadcast %reduce_sum3A_567 : f32 to vector<1x128xf32>
      %select_n3A_593 = arith.select %and3A_591, %broadcast_in_dim3A_592, %scan3A_497 : vector<1x128xi1>, vector<1x128xf32>
      %broadcast_in_dim3A_594 = vector.broadcast %reduce_sum3A_575 : f32 to vector<1x128xf32>
      %select_n3A_595 = arith.select %and3A_591, %broadcast_in_dim3A_594, %scan3A_498 : vector<1x128xi1>, vector<1x128xf32>
      %broadcast_in_dim3A_596 = vector.broadcast %reduce_sum3A_583 : f32 to vector<1x128xf32>
      %select_n3A_597 = arith.select %and3A_591, %broadcast_in_dim3A_596, %scan3A_499 : vector<1x128xi1>, vector<1x128xf32>
      scf.yield %min3A, %reduce_sum3A_567, %reduce_sum3A_575, %reduce_sum3A_583, %select_n3A_593, %select_n3A_595, %select_n3A_597 : vector<64x128xf32>, f32, f32, f32, vector<1x128xf32>, vector<1x128xf32>, vector<1x128xf32>
    }
    %scan3A_228 = arith.constant 128 : i32
    %swap3A_229 = arith.constant 0 : index
    %swap3A_230 = arith.constant 5 : index
    %swap3A_231 = arith.constant 0 : index
    %swap3A_232 = vector.load %arg1[%swap3A_229, %swap3A_230, %swap3A_231] : memref<3x13x128xf32, #tpu.memory_space<vmem>>, vector<1x1x128xf32>
    %swap3A_233 = vector.shape_cast %swap3A_232 : vector<1x1x128xf32> to vector<1x128xf32>
    %swap3A_234 = vector.shape_cast %scan3A_227#4 : vector<1x128xf32> to vector<1x1x128xf32>
    tpu.vector_store %arg1[%swap3A_229, %swap3A_230, %swap3A_231], %swap3A_234 {strides = array<i32>} : memref<3x13x128xf32, #tpu.memory_space<vmem>>, vector<1x1x128xf32>,
    %swap3A_235 = arith.constant 1 : index
    %swap3A_236 = arith.constant 5 : index
    %swap3A_237 = arith.constant 0 : index
    %swap3A_238 = vector.load %arg1[%swap3A_235, %swap3A_236, %swap3A_237] : memref<3x13x128xf32, #tpu.memory_space<vmem>>, vector<1x1x128xf32>
    %swap3A_239 = vector.shape_cast %swap3A_238 : vector<1x1x128xf32> to vector<1x128xf32>
    %swap3A_240 = vector.shape_cast %scan3A_227#5 : vector<1x128xf32> to vector<1x1x128xf32>
    tpu.vector_store %arg1[%swap3A_235, %swap3A_236, %swap3A_237], %swap3A_240 {strides = array<i32>} : memref<3x13x128xf32, #tpu.memory_space<vmem>>, vector<1x1x128xf32>,
    %swap3A_241 = arith.constant 2 : index
    %swap3A_242 = arith.constant 5 : index
    %swap3A_243 = arith.constant 0 : index
    %swap3A_244 = vector.load %arg1[%swap3A_241, %swap3A_242, %swap3A_243] : memref<3x13x128xf32, #tpu.memory_space<vmem>>, vector<1x1x128xf32>
    %swap3A_245 = vector.shape_cast %swap3A_244 : vector<1x1x128xf32> to vector<1x128xf32>
    %swap3A_246 = vector.shape_cast %scan3A_227#6 : vector<1x128xf32> to vector<1x1x128xf32>
    tpu.vector_store %arg1[%swap3A_241, %swap3A_242, %swap3A_243], %swap3A_246 {strides = array<i32>} : memref<3x13x128xf32, #tpu.memory_space<vmem>>, vector<1x1x128xf32>,
    %add3A_247 = arith.constant 768 : i32
    %add3A_248 = vector.broadcast %add3A_247 : i32 to vector<1x128xi32>
    %add3A_249 = arith.addi %iota3A_17, %add3A_248 : vector<1x128xi32>
    %ge3A_250 = arith.constant 1639 : i32
    %ge3A_251 = vector.broadcast %ge3A_250 : i32 to vector<1x128xi32>
    %ge3A_252 = arith.cmpi sge, %add3A_249, %ge3A_251 : vector<1x128xi32>
    %jit3A_253 = arith.constant 4.000000e+00 : f32
    %jit3A_254 = arith.constant 0.000000e+00 : f32
    %broadcast_in_dim3A_255 = vector.broadcast %jit3A_253 : f32 to vector<1x128xf32>
    %broadcast_in_dim3A_256 = vector.broadcast %jit3A_254 : f32 to vector<1x128xf32>
    %select_n3A_257 = arith.select %ge3A_252, %broadcast_in_dim3A_255, %broadcast_in_dim3A_256 : vector<1x128xi1>, vector<1x128xf32>
    %scan3A_258 = arith.constant 0 : i32
    %scan3A_259 = arith.constant 128 : i32
    %scan3A_260 = arith.addi %scan3A_258, %scan3A_259 : i32
    %scan3A_261 = arith.constant 1 : i32
    %scan3A_262:7 = scf.for %scan3A_492 = %scan3A_258 to %scan3A_260 step %scan3A_261 iter_args(%scan3A_493 = %scan3A_227#0, %scan3A_494 = %scan3A_227#1, %scan3A_495 = %scan3A_227#2, %scan3A_496 = %scan3A_227#3, %scan3A_497 = %select_n3A_257, %scan3A_498 = %select_n3A_257, %scan3A_499 = %select_n3A_257) -> (vector<64x128xf32>, f32, f32, f32, vector<1x128xf32>, vector<1x128xf32>, vector<1x128xf32>)  : i32 {
      %sub3A = vector.broadcast %scan3A_494 : f32 to vector<64x128xf32>
      %sub3A_500 = arith.subf %get3A_3, %sub3A : vector<64x128xf32>
      %integer_pow3A = arith.mulf %sub3A_500, %sub3A_500 : vector<64x128xf32>
      %sub3A_501 = vector.broadcast %scan3A_495 : f32 to vector<64x128xf32>
      %sub3A_502 = arith.subf %get3A_8, %sub3A_501 : vector<64x128xf32>
      %integer_pow3A_503 = arith.mulf %sub3A_502, %sub3A_502 : vector<64x128xf32>
      %add3A_504 = arith.addf %integer_pow3A, %integer_pow3A_503 : vector<64x128xf32>
      %sub3A_505 = vector.broadcast %scan3A_496 : f32 to vector<64x128xf32>
      %sub3A_506 = arith.subf %get3A_13, %sub3A_505 : vector<64x128xf32>
      %integer_pow3A_507 = arith.mulf %sub3A_506, %sub3A_506 : vector<64x128xf32>
      %add3A_508 = arith.addf %add3A_504, %integer_pow3A_507 : vector<64x128xf32>
      %min3A = arith.minimumf %scan3A_493, %add3A_508 : vector<64x128xf32>
      %reduce_max3A = vector.shape_cast %min3A : vector<64x128xf32> to vector<1x64x128xf32>
      %reduce_max3A_509 = arith.constant dense<0xFF800000> : vector<1xf32>
      %reduce_max3A_510 = vector.multi_reduction <maximumf>, %reduce_max3A, %reduce_max3A_509 [1, 2] : vector<1x64x128xf32> to vector<1xf32>
      %reduce_max3A_511 = vector.shape_cast %reduce_max3A_510 : vector<1xf32> to vector<1x1x1xf32>
      %reduce_max3A_512 = vector.extract %reduce_max3A_511[0, 0, 0] : f32 from vector<1x1x1xf32>
      %eq3A_513 = vector.broadcast %reduce_max3A_512 : f32 to vector<64x128xf32>
      %eq3A_514 = arith.cmpf oeq, %min3A, %eq3A_513 : vector<64x128xf32>
      %jit3A_515 = arith.constant 1073741824 : i32
      %broadcast_in_dim3A_516 = vector.broadcast %jit3A_515 : i32 to vector<64x128xi32>
      %select_n3A_517 = arith.select %eq3A_514, %add3A, %broadcast_in_dim3A_516 : vector<64x128xi1>, vector<64x128xi32>
      %reduce_min3A = vector.shape_cast %select_n3A_517 : vector<64x128xi32> to vector<1x64x128xi32>
      %reduce_min3A_518 = arith.constant dense<2147483647> : vector<1xi32>
      %reduce_min3A_519 = vector.multi_reduction <minsi>, %reduce_min3A, %reduce_min3A_518 [1, 2] : vector<1x64x128xi32> to vector<1xi32>
      %reduce_min3A_520 = vector.shape_cast %reduce_min3A_519 : vector<1xi32> to vector<1x1x1xi32>
      %reduce_min3A_521 = vector.extract %reduce_min3A_520[0, 0, 0] : i32 from vector<1x1x1xi32>
      %jit3A_522 = arith.constant 128 : i32
      %div3A = arith.divsi %reduce_min3A_521, %jit3A_522 : i32
      %sign3A = arith.constant 0 : i32
      %sign3A_523 = arith.cmpi sgt, %reduce_min3A_521, %sign3A : i32
      %sign3A_524 = arith.extui %sign3A_523 : i1 to i32
      %sign3A_525 = arith.constant 0 : i32
      %sign3A_526 = arith.cmpi slt, %reduce_min3A_521, %sign3A_525 : i32
      %sign3A_527 = arith.extui %sign3A_526 : i1 to i32
      %sign3A_528 = arith.subi %sign3A_524, %sign3A_527 : i32
      %sign3A_529 = arith.constant 0 : i32
      %sign3A_530 = arith.cmpi sgt, %jit3A_522, %sign3A_529 : i32
      %sign3A_531 = arith.extui %sign3A_530 : i1 to i32
      %sign3A_532 = arith.constant 0 : i32
      %sign3A_533 = arith.cmpi slt, %jit3A_522, %sign3A_532 : i32
      %sign3A_534 = arith.extui %sign3A_533 : i1 to i32
      %sign3A_535 = arith.subi %sign3A_531, %sign3A_534 : i32
      %ne3A = arith.cmpi ne, %sign3A_528, %sign3A_535 : i32
      %rem3A = arith.remsi %reduce_min3A_521, %jit3A_522 : i32
      %ne3A_536 = arith.constant 0 : i32
      %ne3A_537 = arith.cmpi ne, %rem3A, %ne3A_536 : i32
      %and3A = arith.andi %ne3A, %ne3A_537 : i1
      %sub3A_538 = arith.constant 1 : i32
      %sub3A_539 = arith.subi %div3A, %sub3A_538 : i32
      %select_n3A_540 = arith.select %and3A, %sub3A_539, %div3A : i32
      %mul3A_541 = arith.constant 128 : i32
      %mul3A_542 = arith.muli %select_n3A_540, %mul3A_541 : i32
      %sub3A_543 = arith.subi %reduce_min3A_521, %mul3A_542 : i32
      %eq3A_544 = vector.broadcast %sub3A_543 : i32 to vector<1x128xi32>
      %eq3A_545 = arith.cmpi eq, %iota3A_17, %eq3A_544 : vector<1x128xi32>
      %get3A_546 = arith.constant 0 : index
      %get3A_547 = arith.index_cast %select_n3A_540 : i32 to index
      %get3A_548 = arith.constant 0 : index
      %get3A_549 = vector.load %arg0[%get3A_546, %get3A_547, %get3A_548] : memref<3x64x128xf32, #tpu.memory_space<vmem>>, vector<1x1x128xf32>
      %get3A_550 = vector.shape_cast %get3A_549 : vector<1x1x128xf32> to vector<1x128xf32>
      %get3A_551 = arith.constant 1 : index
      %get3A_552 = arith.index_cast %select_n3A_540 : i32 to index
      %get3A_553 = arith.constant 0 : index
      %get3A_554 = vector.load %arg0[%get3A_551, %get3A_552, %get3A_553] : memref<3x64x128xf32, #tpu.memory_space<vmem>>, vector<1x1x128xf32>
      %get3A_555 = vector.shape_cast %get3A_554 : vector<1x1x128xf32> to vector<1x128xf32>
      %get3A_556 = arith.constant 2 : index
      %get3A_557 = arith.index_cast %select_n3A_540 : i32 to index
      %get3A_558 = arith.constant 0 : index
      %get3A_559 = vector.load %arg0[%get3A_556, %get3A_557, %get3A_558] : memref<3x64x128xf32, #tpu.memory_space<vmem>>, vector<1x1x128xf32>
      %get3A_560 = vector.shape_cast %get3A_559 : vector<1x1x128xf32> to vector<1x128xf32>
      %jit3A_561 = arith.constant 0.000000e+00 : f32
      %broadcast_in_dim3A_562 = vector.broadcast %jit3A_561 : f32 to vector<1x128xf32>
      %select_n3A_563 = arith.select %eq3A_545, %get3A_550, %broadcast_in_dim3A_562 : vector<1x128xi1>, vector<1x128xf32>
      %reduce_sum3A = vector.shape_cast %select_n3A_563 : vector<1x128xf32> to vector<1x1x128xf32>
      %reduce_sum3A_564 = arith.constant dense<0.000000e+00> : vector<1xf32>
      %reduce_sum3A_565 = vector.multi_reduction <add>, %reduce_sum3A, %reduce_sum3A_564 [1, 2] : vector<1x1x128xf32> to vector<1xf32>
      %reduce_sum3A_566 = vector.shape_cast %reduce_sum3A_565 : vector<1xf32> to vector<1x1x1xf32>
      %reduce_sum3A_567 = vector.extract %reduce_sum3A_566[0, 0, 0] : f32 from vector<1x1x1xf32>
      %jit3A_568 = arith.constant 0.000000e+00 : f32
      %broadcast_in_dim3A_569 = vector.broadcast %jit3A_568 : f32 to vector<1x128xf32>
      %select_n3A_570 = arith.select %eq3A_545, %get3A_555, %broadcast_in_dim3A_569 : vector<1x128xi1>, vector<1x128xf32>
      %reduce_sum3A_571 = vector.shape_cast %select_n3A_570 : vector<1x128xf32> to vector<1x1x128xf32>
      %reduce_sum3A_572 = arith.constant dense<0.000000e+00> : vector<1xf32>
      %reduce_sum3A_573 = vector.multi_reduction <add>, %reduce_sum3A_571, %reduce_sum3A_572 [1, 2] : vector<1x1x128xf32> to vector<1xf32>
      %reduce_sum3A_574 = vector.shape_cast %reduce_sum3A_573 : vector<1xf32> to vector<1x1x1xf32>
      %reduce_sum3A_575 = vector.extract %reduce_sum3A_574[0, 0, 0] : f32 from vector<1x1x1xf32>
      %jit3A_576 = arith.constant 0.000000e+00 : f32
      %broadcast_in_dim3A_577 = vector.broadcast %jit3A_576 : f32 to vector<1x128xf32>
      %select_n3A_578 = arith.select %eq3A_545, %get3A_560, %broadcast_in_dim3A_577 : vector<1x128xi1>, vector<1x128xf32>
      %reduce_sum3A_579 = vector.shape_cast %select_n3A_578 : vector<1x128xf32> to vector<1x1x128xf32>
      %reduce_sum3A_580 = arith.constant dense<0.000000e+00> : vector<1xf32>
      %reduce_sum3A_581 = vector.multi_reduction <add>, %reduce_sum3A_579, %reduce_sum3A_580 [1, 2] : vector<1x1x128xf32> to vector<1xf32>
      %reduce_sum3A_582 = vector.shape_cast %reduce_sum3A_581 : vector<1xf32> to vector<1x1x1xf32>
      %reduce_sum3A_583 = vector.extract %reduce_sum3A_582[0, 0, 0] : f32 from vector<1x1x1xf32>
      %eq3A_584 = vector.broadcast %scan3A_492 : i32 to vector<1x128xi32>
      %eq3A_585 = arith.cmpi eq, %iota3A_17, %eq3A_584 : vector<1x128xi32>
      %add3A_586 = arith.constant 768 : i32
      %add3A_587 = arith.addi %add3A_586, %scan3A_492 : i32
      %lt3A_588 = arith.constant 1639 : i32
      %lt3A_589 = arith.cmpi slt, %add3A_587, %lt3A_588 : i32
      %and3A_590 = vector.broadcast %lt3A_589 : i1 to vector<1x128xi1>
      %and3A_591 = arith.andi %eq3A_585, %and3A_590 : vector<1x128xi1>
      %broadcast_in_dim3A_592 = vector.broadcast %reduce_sum3A_567 : f32 to vector<1x128xf32>
      %select_n3A_593 = arith.select %and3A_591, %broadcast_in_dim3A_592, %scan3A_497 : vector<1x128xi1>, vector<1x128xf32>
      %broadcast_in_dim3A_594 = vector.broadcast %reduce_sum3A_575 : f32 to vector<1x128xf32>
      %select_n3A_595 = arith.select %and3A_591, %broadcast_in_dim3A_594, %scan3A_498 : vector<1x128xi1>, vector<1x128xf32>
      %broadcast_in_dim3A_596 = vector.broadcast %reduce_sum3A_583 : f32 to vector<1x128xf32>
      %select_n3A_597 = arith.select %and3A_591, %broadcast_in_dim3A_596, %scan3A_499 : vector<1x128xi1>, vector<1x128xf32>
      scf.yield %min3A, %reduce_sum3A_567, %reduce_sum3A_575, %reduce_sum3A_583, %select_n3A_593, %select_n3A_595, %select_n3A_597 : vector<64x128xf32>, f32, f32, f32, vector<1x128xf32>, vector<1x128xf32>, vector<1x128xf32>
    }
    %scan3A_263 = arith.constant 128 : i32
    %swap3A_264 = arith.constant 0 : index
    %swap3A_265 = arith.constant 6 : index
    %swap3A_266 = arith.constant 0 : index
    %swap3A_267 = vector.load %arg1[%swap3A_264, %swap3A_265, %swap3A_266] : memref<3x13x128xf32, #tpu.memory_space<vmem>>, vector<1x1x128xf32>
    %swap3A_268 = vector.shape_cast %swap3A_267 : vector<1x1x128xf32> to vector<1x128xf32>
    %swap3A_269 = vector.shape_cast %scan3A_262#4 : vector<1x128xf32> to vector<1x1x128xf32>
    tpu.vector_store %arg1[%swap3A_264, %swap3A_265, %swap3A_266], %swap3A_269 {strides = array<i32>} : memref<3x13x128xf32, #tpu.memory_space<vmem>>, vector<1x1x128xf32>,
    %swap3A_270 = arith.constant 1 : index
    %swap3A_271 = arith.constant 6 : index
    %swap3A_272 = arith.constant 0 : index
    %swap3A_273 = vector.load %arg1[%swap3A_270, %swap3A_271, %swap3A_272] : memref<3x13x128xf32, #tpu.memory_space<vmem>>, vector<1x1x128xf32>
    %swap3A_274 = vector.shape_cast %swap3A_273 : vector<1x1x128xf32> to vector<1x128xf32>
    %swap3A_275 = vector.shape_cast %scan3A_262#5 : vector<1x128xf32> to vector<1x1x128xf32>
    tpu.vector_store %arg1[%swap3A_270, %swap3A_271, %swap3A_272], %swap3A_275 {strides = array<i32>} : memref<3x13x128xf32, #tpu.memory_space<vmem>>, vector<1x1x128xf32>,
    %swap3A_276 = arith.constant 2 : index
    %swap3A_277 = arith.constant 6 : index
    %swap3A_278 = arith.constant 0 : index
    %swap3A_279 = vector.load %arg1[%swap3A_276, %swap3A_277, %swap3A_278] : memref<3x13x128xf32, #tpu.memory_space<vmem>>, vector<1x1x128xf32>
    %swap3A_280 = vector.shape_cast %swap3A_279 : vector<1x1x128xf32> to vector<1x128xf32>
    %swap3A_281 = vector.shape_cast %scan3A_262#6 : vector<1x128xf32> to vector<1x1x128xf32>
    tpu.vector_store %arg1[%swap3A_276, %swap3A_277, %swap3A_278], %swap3A_281 {strides = array<i32>} : memref<3x13x128xf32, #tpu.memory_space<vmem>>, vector<1x1x128xf32>,
    %add3A_282 = arith.constant 896 : i32
    %add3A_283 = vector.broadcast %add3A_282 : i32 to vector<1x128xi32>
    %add3A_284 = arith.addi %iota3A_17, %add3A_283 : vector<1x128xi32>
    %ge3A_285 = arith.constant 1639 : i32
    %ge3A_286 = vector.broadcast %ge3A_285 : i32 to vector<1x128xi32>
    %ge3A_287 = arith.cmpi sge, %add3A_284, %ge3A_286 : vector<1x128xi32>
    %jit3A_288 = arith.constant 4.000000e+00 : f32
    %jit3A_289 = arith.constant 0.000000e+00 : f32
    %broadcast_in_dim3A_290 = vector.broadcast %jit3A_288 : f32 to vector<1x128xf32>
    %broadcast_in_dim3A_291 = vector.broadcast %jit3A_289 : f32 to vector<1x128xf32>
    %select_n3A_292 = arith.select %ge3A_287, %broadcast_in_dim3A_290, %broadcast_in_dim3A_291 : vector<1x128xi1>, vector<1x128xf32>
    %scan3A_293 = arith.constant 0 : i32
    %scan3A_294 = arith.constant 128 : i32
    %scan3A_295 = arith.addi %scan3A_293, %scan3A_294 : i32
    %scan3A_296 = arith.constant 1 : i32
    %scan3A_297:7 = scf.for %scan3A_492 = %scan3A_293 to %scan3A_295 step %scan3A_296 iter_args(%scan3A_493 = %scan3A_262#0, %scan3A_494 = %scan3A_262#1, %scan3A_495 = %scan3A_262#2, %scan3A_496 = %scan3A_262#3, %scan3A_497 = %select_n3A_292, %scan3A_498 = %select_n3A_292, %scan3A_499 = %select_n3A_292) -> (vector<64x128xf32>, f32, f32, f32, vector<1x128xf32>, vector<1x128xf32>, vector<1x128xf32>)  : i32 {
      %sub3A = vector.broadcast %scan3A_494 : f32 to vector<64x128xf32>
      %sub3A_500 = arith.subf %get3A_3, %sub3A : vector<64x128xf32>
      %integer_pow3A = arith.mulf %sub3A_500, %sub3A_500 : vector<64x128xf32>
      %sub3A_501 = vector.broadcast %scan3A_495 : f32 to vector<64x128xf32>
      %sub3A_502 = arith.subf %get3A_8, %sub3A_501 : vector<64x128xf32>
      %integer_pow3A_503 = arith.mulf %sub3A_502, %sub3A_502 : vector<64x128xf32>
      %add3A_504 = arith.addf %integer_pow3A, %integer_pow3A_503 : vector<64x128xf32>
      %sub3A_505 = vector.broadcast %scan3A_496 : f32 to vector<64x128xf32>
      %sub3A_506 = arith.subf %get3A_13, %sub3A_505 : vector<64x128xf32>
      %integer_pow3A_507 = arith.mulf %sub3A_506, %sub3A_506 : vector<64x128xf32>
      %add3A_508 = arith.addf %add3A_504, %integer_pow3A_507 : vector<64x128xf32>
      %min3A = arith.minimumf %scan3A_493, %add3A_508 : vector<64x128xf32>
      %reduce_max3A = vector.shape_cast %min3A : vector<64x128xf32> to vector<1x64x128xf32>
      %reduce_max3A_509 = arith.constant dense<0xFF800000> : vector<1xf32>
      %reduce_max3A_510 = vector.multi_reduction <maximumf>, %reduce_max3A, %reduce_max3A_509 [1, 2] : vector<1x64x128xf32> to vector<1xf32>
      %reduce_max3A_511 = vector.shape_cast %reduce_max3A_510 : vector<1xf32> to vector<1x1x1xf32>
      %reduce_max3A_512 = vector.extract %reduce_max3A_511[0, 0, 0] : f32 from vector<1x1x1xf32>
      %eq3A_513 = vector.broadcast %reduce_max3A_512 : f32 to vector<64x128xf32>
      %eq3A_514 = arith.cmpf oeq, %min3A, %eq3A_513 : vector<64x128xf32>
      %jit3A_515 = arith.constant 1073741824 : i32
      %broadcast_in_dim3A_516 = vector.broadcast %jit3A_515 : i32 to vector<64x128xi32>
      %select_n3A_517 = arith.select %eq3A_514, %add3A, %broadcast_in_dim3A_516 : vector<64x128xi1>, vector<64x128xi32>
      %reduce_min3A = vector.shape_cast %select_n3A_517 : vector<64x128xi32> to vector<1x64x128xi32>
      %reduce_min3A_518 = arith.constant dense<2147483647> : vector<1xi32>
      %reduce_min3A_519 = vector.multi_reduction <minsi>, %reduce_min3A, %reduce_min3A_518 [1, 2] : vector<1x64x128xi32> to vector<1xi32>
      %reduce_min3A_520 = vector.shape_cast %reduce_min3A_519 : vector<1xi32> to vector<1x1x1xi32>
      %reduce_min3A_521 = vector.extract %reduce_min3A_520[0, 0, 0] : i32 from vector<1x1x1xi32>
      %jit3A_522 = arith.constant 128 : i32
      %div3A = arith.divsi %reduce_min3A_521, %jit3A_522 : i32
      %sign3A = arith.constant 0 : i32
      %sign3A_523 = arith.cmpi sgt, %reduce_min3A_521, %sign3A : i32
      %sign3A_524 = arith.extui %sign3A_523 : i1 to i32
      %sign3A_525 = arith.constant 0 : i32
      %sign3A_526 = arith.cmpi slt, %reduce_min3A_521, %sign3A_525 : i32
      %sign3A_527 = arith.extui %sign3A_526 : i1 to i32
      %sign3A_528 = arith.subi %sign3A_524, %sign3A_527 : i32
      %sign3A_529 = arith.constant 0 : i32
      %sign3A_530 = arith.cmpi sgt, %jit3A_522, %sign3A_529 : i32
      %sign3A_531 = arith.extui %sign3A_530 : i1 to i32
      %sign3A_532 = arith.constant 0 : i32
      %sign3A_533 = arith.cmpi slt, %jit3A_522, %sign3A_532 : i32
      %sign3A_534 = arith.extui %sign3A_533 : i1 to i32
      %sign3A_535 = arith.subi %sign3A_531, %sign3A_534 : i32
      %ne3A = arith.cmpi ne, %sign3A_528, %sign3A_535 : i32
      %rem3A = arith.remsi %reduce_min3A_521, %jit3A_522 : i32
      %ne3A_536 = arith.constant 0 : i32
      %ne3A_537 = arith.cmpi ne, %rem3A, %ne3A_536 : i32
      %and3A = arith.andi %ne3A, %ne3A_537 : i1
      %sub3A_538 = arith.constant 1 : i32
      %sub3A_539 = arith.subi %div3A, %sub3A_538 : i32
      %select_n3A_540 = arith.select %and3A, %sub3A_539, %div3A : i32
      %mul3A_541 = arith.constant 128 : i32
      %mul3A_542 = arith.muli %select_n3A_540, %mul3A_541 : i32
      %sub3A_543 = arith.subi %reduce_min3A_521, %mul3A_542 : i32
      %eq3A_544 = vector.broadcast %sub3A_543 : i32 to vector<1x128xi32>
      %eq3A_545 = arith.cmpi eq, %iota3A_17, %eq3A_544 : vector<1x128xi32>
      %get3A_546 = arith.constant 0 : index
      %get3A_547 = arith.index_cast %select_n3A_540 : i32 to index
      %get3A_548 = arith.constant 0 : index
      %get3A_549 = vector.load %arg0[%get3A_546, %get3A_547, %get3A_548] : memref<3x64x128xf32, #tpu.memory_space<vmem>>, vector<1x1x128xf32>
      %get3A_550 = vector.shape_cast %get3A_549 : vector<1x1x128xf32> to vector<1x128xf32>
      %get3A_551 = arith.constant 1 : index
      %get3A_552 = arith.index_cast %select_n3A_540 : i32 to index
      %get3A_553 = arith.constant 0 : index
      %get3A_554 = vector.load %arg0[%get3A_551, %get3A_552, %get3A_553] : memref<3x64x128xf32, #tpu.memory_space<vmem>>, vector<1x1x128xf32>
      %get3A_555 = vector.shape_cast %get3A_554 : vector<1x1x128xf32> to vector<1x128xf32>
      %get3A_556 = arith.constant 2 : index
      %get3A_557 = arith.index_cast %select_n3A_540 : i32 to index
      %get3A_558 = arith.constant 0 : index
      %get3A_559 = vector.load %arg0[%get3A_556, %get3A_557, %get3A_558] : memref<3x64x128xf32, #tpu.memory_space<vmem>>, vector<1x1x128xf32>
      %get3A_560 = vector.shape_cast %get3A_559 : vector<1x1x128xf32> to vector<1x128xf32>
      %jit3A_561 = arith.constant 0.000000e+00 : f32
      %broadcast_in_dim3A_562 = vector.broadcast %jit3A_561 : f32 to vector<1x128xf32>
      %select_n3A_563 = arith.select %eq3A_545, %get3A_550, %broadcast_in_dim3A_562 : vector<1x128xi1>, vector<1x128xf32>
      %reduce_sum3A = vector.shape_cast %select_n3A_563 : vector<1x128xf32> to vector<1x1x128xf32>
      %reduce_sum3A_564 = arith.constant dense<0.000000e+00> : vector<1xf32>
      %reduce_sum3A_565 = vector.multi_reduction <add>, %reduce_sum3A, %reduce_sum3A_564 [1, 2] : vector<1x1x128xf32> to vector<1xf32>
      %reduce_sum3A_566 = vector.shape_cast %reduce_sum3A_565 : vector<1xf32> to vector<1x1x1xf32>
      %reduce_sum3A_567 = vector.extract %reduce_sum3A_566[0, 0, 0] : f32 from vector<1x1x1xf32>
      %jit3A_568 = arith.constant 0.000000e+00 : f32
      %broadcast_in_dim3A_569 = vector.broadcast %jit3A_568 : f32 to vector<1x128xf32>
      %select_n3A_570 = arith.select %eq3A_545, %get3A_555, %broadcast_in_dim3A_569 : vector<1x128xi1>, vector<1x128xf32>
      %reduce_sum3A_571 = vector.shape_cast %select_n3A_570 : vector<1x128xf32> to vector<1x1x128xf32>
      %reduce_sum3A_572 = arith.constant dense<0.000000e+00> : vector<1xf32>
      %reduce_sum3A_573 = vector.multi_reduction <add>, %reduce_sum3A_571, %reduce_sum3A_572 [1, 2] : vector<1x1x128xf32> to vector<1xf32>
      %reduce_sum3A_574 = vector.shape_cast %reduce_sum3A_573 : vector<1xf32> to vector<1x1x1xf32>
      %reduce_sum3A_575 = vector.extract %reduce_sum3A_574[0, 0, 0] : f32 from vector<1x1x1xf32>
      %jit3A_576 = arith.constant 0.000000e+00 : f32
      %broadcast_in_dim3A_577 = vector.broadcast %jit3A_576 : f32 to vector<1x128xf32>
      %select_n3A_578 = arith.select %eq3A_545, %get3A_560, %broadcast_in_dim3A_577 : vector<1x128xi1>, vector<1x128xf32>
      %reduce_sum3A_579 = vector.shape_cast %select_n3A_578 : vector<1x128xf32> to vector<1x1x128xf32>
      %reduce_sum3A_580 = arith.constant dense<0.000000e+00> : vector<1xf32>
      %reduce_sum3A_581 = vector.multi_reduction <add>, %reduce_sum3A_579, %reduce_sum3A_580 [1, 2] : vector<1x1x128xf32> to vector<1xf32>
      %reduce_sum3A_582 = vector.shape_cast %reduce_sum3A_581 : vector<1xf32> to vector<1x1x1xf32>
      %reduce_sum3A_583 = vector.extract %reduce_sum3A_582[0, 0, 0] : f32 from vector<1x1x1xf32>
      %eq3A_584 = vector.broadcast %scan3A_492 : i32 to vector<1x128xi32>
      %eq3A_585 = arith.cmpi eq, %iota3A_17, %eq3A_584 : vector<1x128xi32>
      %add3A_586 = arith.constant 896 : i32
      %add3A_587 = arith.addi %add3A_586, %scan3A_492 : i32
      %lt3A_588 = arith.constant 1639 : i32
      %lt3A_589 = arith.cmpi slt, %add3A_587, %lt3A_588 : i32
      %and3A_590 = vector.broadcast %lt3A_589 : i1 to vector<1x128xi1>
      %and3A_591 = arith.andi %eq3A_585, %and3A_590 : vector<1x128xi1>
      %broadcast_in_dim3A_592 = vector.broadcast %reduce_sum3A_567 : f32 to vector<1x128xf32>
      %select_n3A_593 = arith.select %and3A_591, %broadcast_in_dim3A_592, %scan3A_497 : vector<1x128xi1>, vector<1x128xf32>
      %broadcast_in_dim3A_594 = vector.broadcast %reduce_sum3A_575 : f32 to vector<1x128xf32>
      %select_n3A_595 = arith.select %and3A_591, %broadcast_in_dim3A_594, %scan3A_498 : vector<1x128xi1>, vector<1x128xf32>
      %broadcast_in_dim3A_596 = vector.broadcast %reduce_sum3A_583 : f32 to vector<1x128xf32>
      %select_n3A_597 = arith.select %and3A_591, %broadcast_in_dim3A_596, %scan3A_499 : vector<1x128xi1>, vector<1x128xf32>
      scf.yield %min3A, %reduce_sum3A_567, %reduce_sum3A_575, %reduce_sum3A_583, %select_n3A_593, %select_n3A_595, %select_n3A_597 : vector<64x128xf32>, f32, f32, f32, vector<1x128xf32>, vector<1x128xf32>, vector<1x128xf32>
    }
    %scan3A_298 = arith.constant 128 : i32
    %swap3A_299 = arith.constant 0 : index
    %swap3A_300 = arith.constant 7 : index
    %swap3A_301 = arith.constant 0 : index
    %swap3A_302 = vector.load %arg1[%swap3A_299, %swap3A_300, %swap3A_301] : memref<3x13x128xf32, #tpu.memory_space<vmem>>, vector<1x1x128xf32>
    %swap3A_303 = vector.shape_cast %swap3A_302 : vector<1x1x128xf32> to vector<1x128xf32>
    %swap3A_304 = vector.shape_cast %scan3A_297#4 : vector<1x128xf32> to vector<1x1x128xf32>
    tpu.vector_store %arg1[%swap3A_299, %swap3A_300, %swap3A_301], %swap3A_304 {strides = array<i32>} : memref<3x13x128xf32, #tpu.memory_space<vmem>>, vector<1x1x128xf32>,
    %swap3A_305 = arith.constant 1 : index
    %swap3A_306 = arith.constant 7 : index
    %swap3A_307 = arith.constant 0 : index
    %swap3A_308 = vector.load %arg1[%swap3A_305, %swap3A_306, %swap3A_307] : memref<3x13x128xf32, #tpu.memory_space<vmem>>, vector<1x1x128xf32>
    %swap3A_309 = vector.shape_cast %swap3A_308 : vector<1x1x128xf32> to vector<1x128xf32>
    %swap3A_310 = vector.shape_cast %scan3A_297#5 : vector<1x128xf32> to vector<1x1x128xf32>
    tpu.vector_store %arg1[%swap3A_305, %swap3A_306, %swap3A_307], %swap3A_310 {strides = array<i32>} : memref<3x13x128xf32, #tpu.memory_space<vmem>>, vector<1x1x128xf32>,
    %swap3A_311 = arith.constant 2 : index
    %swap3A_312 = arith.constant 7 : index
    %swap3A_313 = arith.constant 0 : index
    %swap3A_314 = vector.load %arg1[%swap3A_311, %swap3A_312, %swap3A_313] : memref<3x13x128xf32, #tpu.memory_space<vmem>>, vector<1x1x128xf32>
    %swap3A_315 = vector.shape_cast %swap3A_314 : vector<1x1x128xf32> to vector<1x128xf32>
    %swap3A_316 = vector.shape_cast %scan3A_297#6 : vector<1x128xf32> to vector<1x1x128xf32>
    tpu.vector_store %arg1[%swap3A_311, %swap3A_312, %swap3A_313], %swap3A_316 {strides = array<i32>} : memref<3x13x128xf32, #tpu.memory_space<vmem>>, vector<1x1x128xf32>,
    %add3A_317 = arith.constant 1024 : i32
    %add3A_318 = vector.broadcast %add3A_317 : i32 to vector<1x128xi32>
    %add3A_319 = arith.addi %iota3A_17, %add3A_318 : vector<1x128xi32>
    %ge3A_320 = arith.constant 1639 : i32
    %ge3A_321 = vector.broadcast %ge3A_320 : i32 to vector<1x128xi32>
    %ge3A_322 = arith.cmpi sge, %add3A_319, %ge3A_321 : vector<1x128xi32>
    %jit3A_323 = arith.constant 4.000000e+00 : f32
    %jit3A_324 = arith.constant 0.000000e+00 : f32
    %broadcast_in_dim3A_325 = vector.broadcast %jit3A_323 : f32 to vector<1x128xf32>
    %broadcast_in_dim3A_326 = vector.broadcast %jit3A_324 : f32 to vector<1x128xf32>
    %select_n3A_327 = arith.select %ge3A_322, %broadcast_in_dim3A_325, %broadcast_in_dim3A_326 : vector<1x128xi1>, vector<1x128xf32>
    %scan3A_328 = arith.constant 0 : i32
    %scan3A_329 = arith.constant 128 : i32
    %scan3A_330 = arith.addi %scan3A_328, %scan3A_329 : i32
    %scan3A_331 = arith.constant 1 : i32
    %scan3A_332:7 = scf.for %scan3A_492 = %scan3A_328 to %scan3A_330 step %scan3A_331 iter_args(%scan3A_493 = %scan3A_297#0, %scan3A_494 = %scan3A_297#1, %scan3A_495 = %scan3A_297#2, %scan3A_496 = %scan3A_297#3, %scan3A_497 = %select_n3A_327, %scan3A_498 = %select_n3A_327, %scan3A_499 = %select_n3A_327) -> (vector<64x128xf32>, f32, f32, f32, vector<1x128xf32>, vector<1x128xf32>, vector<1x128xf32>)  : i32 {
      %sub3A = vector.broadcast %scan3A_494 : f32 to vector<64x128xf32>
      %sub3A_500 = arith.subf %get3A_3, %sub3A : vector<64x128xf32>
      %integer_pow3A = arith.mulf %sub3A_500, %sub3A_500 : vector<64x128xf32>
      %sub3A_501 = vector.broadcast %scan3A_495 : f32 to vector<64x128xf32>
      %sub3A_502 = arith.subf %get3A_8, %sub3A_501 : vector<64x128xf32>
      %integer_pow3A_503 = arith.mulf %sub3A_502, %sub3A_502 : vector<64x128xf32>
      %add3A_504 = arith.addf %integer_pow3A, %integer_pow3A_503 : vector<64x128xf32>
      %sub3A_505 = vector.broadcast %scan3A_496 : f32 to vector<64x128xf32>
      %sub3A_506 = arith.subf %get3A_13, %sub3A_505 : vector<64x128xf32>
      %integer_pow3A_507 = arith.mulf %sub3A_506, %sub3A_506 : vector<64x128xf32>
      %add3A_508 = arith.addf %add3A_504, %integer_pow3A_507 : vector<64x128xf32>
      %min3A = arith.minimumf %scan3A_493, %add3A_508 : vector<64x128xf32>
      %reduce_max3A = vector.shape_cast %min3A : vector<64x128xf32> to vector<1x64x128xf32>
      %reduce_max3A_509 = arith.constant dense<0xFF800000> : vector<1xf32>
      %reduce_max3A_510 = vector.multi_reduction <maximumf>, %reduce_max3A, %reduce_max3A_509 [1, 2] : vector<1x64x128xf32> to vector<1xf32>
      %reduce_max3A_511 = vector.shape_cast %reduce_max3A_510 : vector<1xf32> to vector<1x1x1xf32>
      %reduce_max3A_512 = vector.extract %reduce_max3A_511[0, 0, 0] : f32 from vector<1x1x1xf32>
      %eq3A_513 = vector.broadcast %reduce_max3A_512 : f32 to vector<64x128xf32>
      %eq3A_514 = arith.cmpf oeq, %min3A, %eq3A_513 : vector<64x128xf32>
      %jit3A_515 = arith.constant 1073741824 : i32
      %broadcast_in_dim3A_516 = vector.broadcast %jit3A_515 : i32 to vector<64x128xi32>
      %select_n3A_517 = arith.select %eq3A_514, %add3A, %broadcast_in_dim3A_516 : vector<64x128xi1>, vector<64x128xi32>
      %reduce_min3A = vector.shape_cast %select_n3A_517 : vector<64x128xi32> to vector<1x64x128xi32>
      %reduce_min3A_518 = arith.constant dense<2147483647> : vector<1xi32>
      %reduce_min3A_519 = vector.multi_reduction <minsi>, %reduce_min3A, %reduce_min3A_518 [1, 2] : vector<1x64x128xi32> to vector<1xi32>
      %reduce_min3A_520 = vector.shape_cast %reduce_min3A_519 : vector<1xi32> to vector<1x1x1xi32>
      %reduce_min3A_521 = vector.extract %reduce_min3A_520[0, 0, 0] : i32 from vector<1x1x1xi32>
      %jit3A_522 = arith.constant 128 : i32
      %div3A = arith.divsi %reduce_min3A_521, %jit3A_522 : i32
      %sign3A = arith.constant 0 : i32
      %sign3A_523 = arith.cmpi sgt, %reduce_min3A_521, %sign3A : i32
      %sign3A_524 = arith.extui %sign3A_523 : i1 to i32
      %sign3A_525 = arith.constant 0 : i32
      %sign3A_526 = arith.cmpi slt, %reduce_min3A_521, %sign3A_525 : i32
      %sign3A_527 = arith.extui %sign3A_526 : i1 to i32
      %sign3A_528 = arith.subi %sign3A_524, %sign3A_527 : i32
      %sign3A_529 = arith.constant 0 : i32
      %sign3A_530 = arith.cmpi sgt, %jit3A_522, %sign3A_529 : i32
      %sign3A_531 = arith.extui %sign3A_530 : i1 to i32
      %sign3A_532 = arith.constant 0 : i32
      %sign3A_533 = arith.cmpi slt, %jit3A_522, %sign3A_532 : i32
      %sign3A_534 = arith.extui %sign3A_533 : i1 to i32
      %sign3A_535 = arith.subi %sign3A_531, %sign3A_534 : i32
      %ne3A = arith.cmpi ne, %sign3A_528, %sign3A_535 : i32
      %rem3A = arith.remsi %reduce_min3A_521, %jit3A_522 : i32
      %ne3A_536 = arith.constant 0 : i32
      %ne3A_537 = arith.cmpi ne, %rem3A, %ne3A_536 : i32
      %and3A = arith.andi %ne3A, %ne3A_537 : i1
      %sub3A_538 = arith.constant 1 : i32
      %sub3A_539 = arith.subi %div3A, %sub3A_538 : i32
      %select_n3A_540 = arith.select %and3A, %sub3A_539, %div3A : i32
      %mul3A_541 = arith.constant 128 : i32
      %mul3A_542 = arith.muli %select_n3A_540, %mul3A_541 : i32
      %sub3A_543 = arith.subi %reduce_min3A_521, %mul3A_542 : i32
      %eq3A_544 = vector.broadcast %sub3A_543 : i32 to vector<1x128xi32>
      %eq3A_545 = arith.cmpi eq, %iota3A_17, %eq3A_544 : vector<1x128xi32>
      %get3A_546 = arith.constant 0 : index
      %get3A_547 = arith.index_cast %select_n3A_540 : i32 to index
      %get3A_548 = arith.constant 0 : index
      %get3A_549 = vector.load %arg0[%get3A_546, %get3A_547, %get3A_548] : memref<3x64x128xf32, #tpu.memory_space<vmem>>, vector<1x1x128xf32>
      %get3A_550 = vector.shape_cast %get3A_549 : vector<1x1x128xf32> to vector<1x128xf32>
      %get3A_551 = arith.constant 1 : index
      %get3A_552 = arith.index_cast %select_n3A_540 : i32 to index
      %get3A_553 = arith.constant 0 : index
      %get3A_554 = vector.load %arg0[%get3A_551, %get3A_552, %get3A_553] : memref<3x64x128xf32, #tpu.memory_space<vmem>>, vector<1x1x128xf32>
      %get3A_555 = vector.shape_cast %get3A_554 : vector<1x1x128xf32> to vector<1x128xf32>
      %get3A_556 = arith.constant 2 : index
      %get3A_557 = arith.index_cast %select_n3A_540 : i32 to index
      %get3A_558 = arith.constant 0 : index
      %get3A_559 = vector.load %arg0[%get3A_556, %get3A_557, %get3A_558] : memref<3x64x128xf32, #tpu.memory_space<vmem>>, vector<1x1x128xf32>
      %get3A_560 = vector.shape_cast %get3A_559 : vector<1x1x128xf32> to vector<1x128xf32>
      %jit3A_561 = arith.constant 0.000000e+00 : f32
      %broadcast_in_dim3A_562 = vector.broadcast %jit3A_561 : f32 to vector<1x128xf32>
      %select_n3A_563 = arith.select %eq3A_545, %get3A_550, %broadcast_in_dim3A_562 : vector<1x128xi1>, vector<1x128xf32>
      %reduce_sum3A = vector.shape_cast %select_n3A_563 : vector<1x128xf32> to vector<1x1x128xf32>
      %reduce_sum3A_564 = arith.constant dense<0.000000e+00> : vector<1xf32>
      %reduce_sum3A_565 = vector.multi_reduction <add>, %reduce_sum3A, %reduce_sum3A_564 [1, 2] : vector<1x1x128xf32> to vector<1xf32>
      %reduce_sum3A_566 = vector.shape_cast %reduce_sum3A_565 : vector<1xf32> to vector<1x1x1xf32>
      %reduce_sum3A_567 = vector.extract %reduce_sum3A_566[0, 0, 0] : f32 from vector<1x1x1xf32>
      %jit3A_568 = arith.constant 0.000000e+00 : f32
      %broadcast_in_dim3A_569 = vector.broadcast %jit3A_568 : f32 to vector<1x128xf32>
      %select_n3A_570 = arith.select %eq3A_545, %get3A_555, %broadcast_in_dim3A_569 : vector<1x128xi1>, vector<1x128xf32>
      %reduce_sum3A_571 = vector.shape_cast %select_n3A_570 : vector<1x128xf32> to vector<1x1x128xf32>
      %reduce_sum3A_572 = arith.constant dense<0.000000e+00> : vector<1xf32>
      %reduce_sum3A_573 = vector.multi_reduction <add>, %reduce_sum3A_571, %reduce_sum3A_572 [1, 2] : vector<1x1x128xf32> to vector<1xf32>
      %reduce_sum3A_574 = vector.shape_cast %reduce_sum3A_573 : vector<1xf32> to vector<1x1x1xf32>
      %reduce_sum3A_575 = vector.extract %reduce_sum3A_574[0, 0, 0] : f32 from vector<1x1x1xf32>
      %jit3A_576 = arith.constant 0.000000e+00 : f32
      %broadcast_in_dim3A_577 = vector.broadcast %jit3A_576 : f32 to vector<1x128xf32>
      %select_n3A_578 = arith.select %eq3A_545, %get3A_560, %broadcast_in_dim3A_577 : vector<1x128xi1>, vector<1x128xf32>
      %reduce_sum3A_579 = vector.shape_cast %select_n3A_578 : vector<1x128xf32> to vector<1x1x128xf32>
      %reduce_sum3A_580 = arith.constant dense<0.000000e+00> : vector<1xf32>
      %reduce_sum3A_581 = vector.multi_reduction <add>, %reduce_sum3A_579, %reduce_sum3A_580 [1, 2] : vector<1x1x128xf32> to vector<1xf32>
      %reduce_sum3A_582 = vector.shape_cast %reduce_sum3A_581 : vector<1xf32> to vector<1x1x1xf32>
      %reduce_sum3A_583 = vector.extract %reduce_sum3A_582[0, 0, 0] : f32 from vector<1x1x1xf32>
      %eq3A_584 = vector.broadcast %scan3A_492 : i32 to vector<1x128xi32>
      %eq3A_585 = arith.cmpi eq, %iota3A_17, %eq3A_584 : vector<1x128xi32>
      %add3A_586 = arith.constant 1024 : i32
      %add3A_587 = arith.addi %add3A_586, %scan3A_492 : i32
      %lt3A_588 = arith.constant 1639 : i32
      %lt3A_589 = arith.cmpi slt, %add3A_587, %lt3A_588 : i32
      %and3A_590 = vector.broadcast %lt3A_589 : i1 to vector<1x128xi1>
      %and3A_591 = arith.andi %eq3A_585, %and3A_590 : vector<1x128xi1>
      %broadcast_in_dim3A_592 = vector.broadcast %reduce_sum3A_567 : f32 to vector<1x128xf32>
      %select_n3A_593 = arith.select %and3A_591, %broadcast_in_dim3A_592, %scan3A_497 : vector<1x128xi1>, vector<1x128xf32>
      %broadcast_in_dim3A_594 = vector.broadcast %reduce_sum3A_575 : f32 to vector<1x128xf32>
      %select_n3A_595 = arith.select %and3A_591, %broadcast_in_dim3A_594, %scan3A_498 : vector<1x128xi1>, vector<1x128xf32>
      %broadcast_in_dim3A_596 = vector.broadcast %reduce_sum3A_583 : f32 to vector<1x128xf32>
      %select_n3A_597 = arith.select %and3A_591, %broadcast_in_dim3A_596, %scan3A_499 : vector<1x128xi1>, vector<1x128xf32>
      scf.yield %min3A, %reduce_sum3A_567, %reduce_sum3A_575, %reduce_sum3A_583, %select_n3A_593, %select_n3A_595, %select_n3A_597 : vector<64x128xf32>, f32, f32, f32, vector<1x128xf32>, vector<1x128xf32>, vector<1x128xf32>
    }
    %scan3A_333 = arith.constant 128 : i32
    %swap3A_334 = arith.constant 0 : index
    %swap3A_335 = arith.constant 8 : index
    %swap3A_336 = arith.constant 0 : index
    %swap3A_337 = vector.load %arg1[%swap3A_334, %swap3A_335, %swap3A_336] : memref<3x13x128xf32, #tpu.memory_space<vmem>>, vector<1x1x128xf32>
    %swap3A_338 = vector.shape_cast %swap3A_337 : vector<1x1x128xf32> to vector<1x128xf32>
    %swap3A_339 = vector.shape_cast %scan3A_332#4 : vector<1x128xf32> to vector<1x1x128xf32>
    tpu.vector_store %arg1[%swap3A_334, %swap3A_335, %swap3A_336], %swap3A_339 {strides = array<i32>} : memref<3x13x128xf32, #tpu.memory_space<vmem>>, vector<1x1x128xf32>,
    %swap3A_340 = arith.constant 1 : index
    %swap3A_341 = arith.constant 8 : index
    %swap3A_342 = arith.constant 0 : index
    %swap3A_343 = vector.load %arg1[%swap3A_340, %swap3A_341, %swap3A_342] : memref<3x13x128xf32, #tpu.memory_space<vmem>>, vector<1x1x128xf32>
    %swap3A_344 = vector.shape_cast %swap3A_343 : vector<1x1x128xf32> to vector<1x128xf32>
    %swap3A_345 = vector.shape_cast %scan3A_332#5 : vector<1x128xf32> to vector<1x1x128xf32>
    tpu.vector_store %arg1[%swap3A_340, %swap3A_341, %swap3A_342], %swap3A_345 {strides = array<i32>} : memref<3x13x128xf32, #tpu.memory_space<vmem>>, vector<1x1x128xf32>,
    %swap3A_346 = arith.constant 2 : index
    %swap3A_347 = arith.constant 8 : index
    %swap3A_348 = arith.constant 0 : index
    %swap3A_349 = vector.load %arg1[%swap3A_346, %swap3A_347, %swap3A_348] : memref<3x13x128xf32, #tpu.memory_space<vmem>>, vector<1x1x128xf32>
    %swap3A_350 = vector.shape_cast %swap3A_349 : vector<1x1x128xf32> to vector<1x128xf32>
    %swap3A_351 = vector.shape_cast %scan3A_332#6 : vector<1x128xf32> to vector<1x1x128xf32>
    tpu.vector_store %arg1[%swap3A_346, %swap3A_347, %swap3A_348], %swap3A_351 {strides = array<i32>} : memref<3x13x128xf32, #tpu.memory_space<vmem>>, vector<1x1x128xf32>,
    %add3A_352 = arith.constant 1152 : i32
    %add3A_353 = vector.broadcast %add3A_352 : i32 to vector<1x128xi32>
    %add3A_354 = arith.addi %iota3A_17, %add3A_353 : vector<1x128xi32>
    %ge3A_355 = arith.constant 1639 : i32
    %ge3A_356 = vector.broadcast %ge3A_355 : i32 to vector<1x128xi32>
    %ge3A_357 = arith.cmpi sge, %add3A_354, %ge3A_356 : vector<1x128xi32>
    %jit3A_358 = arith.constant 4.000000e+00 : f32
    %jit3A_359 = arith.constant 0.000000e+00 : f32
    %broadcast_in_dim3A_360 = vector.broadcast %jit3A_358 : f32 to vector<1x128xf32>
    %broadcast_in_dim3A_361 = vector.broadcast %jit3A_359 : f32 to vector<1x128xf32>
    %select_n3A_362 = arith.select %ge3A_357, %broadcast_in_dim3A_360, %broadcast_in_dim3A_361 : vector<1x128xi1>, vector<1x128xf32>
    %scan3A_363 = arith.constant 0 : i32
    %scan3A_364 = arith.constant 128 : i32
    %scan3A_365 = arith.addi %scan3A_363, %scan3A_364 : i32
    %scan3A_366 = arith.constant 1 : i32
    %scan3A_367:7 = scf.for %scan3A_492 = %scan3A_363 to %scan3A_365 step %scan3A_366 iter_args(%scan3A_493 = %scan3A_332#0, %scan3A_494 = %scan3A_332#1, %scan3A_495 = %scan3A_332#2, %scan3A_496 = %scan3A_332#3, %scan3A_497 = %select_n3A_362, %scan3A_498 = %select_n3A_362, %scan3A_499 = %select_n3A_362) -> (vector<64x128xf32>, f32, f32, f32, vector<1x128xf32>, vector<1x128xf32>, vector<1x128xf32>)  : i32 {
      %sub3A = vector.broadcast %scan3A_494 : f32 to vector<64x128xf32>
      %sub3A_500 = arith.subf %get3A_3, %sub3A : vector<64x128xf32>
      %integer_pow3A = arith.mulf %sub3A_500, %sub3A_500 : vector<64x128xf32>
      %sub3A_501 = vector.broadcast %scan3A_495 : f32 to vector<64x128xf32>
      %sub3A_502 = arith.subf %get3A_8, %sub3A_501 : vector<64x128xf32>
      %integer_pow3A_503 = arith.mulf %sub3A_502, %sub3A_502 : vector<64x128xf32>
      %add3A_504 = arith.addf %integer_pow3A, %integer_pow3A_503 : vector<64x128xf32>
      %sub3A_505 = vector.broadcast %scan3A_496 : f32 to vector<64x128xf32>
      %sub3A_506 = arith.subf %get3A_13, %sub3A_505 : vector<64x128xf32>
      %integer_pow3A_507 = arith.mulf %sub3A_506, %sub3A_506 : vector<64x128xf32>
      %add3A_508 = arith.addf %add3A_504, %integer_pow3A_507 : vector<64x128xf32>
      %min3A = arith.minimumf %scan3A_493, %add3A_508 : vector<64x128xf32>
      %reduce_max3A = vector.shape_cast %min3A : vector<64x128xf32> to vector<1x64x128xf32>
      %reduce_max3A_509 = arith.constant dense<0xFF800000> : vector<1xf32>
      %reduce_max3A_510 = vector.multi_reduction <maximumf>, %reduce_max3A, %reduce_max3A_509 [1, 2] : vector<1x64x128xf32> to vector<1xf32>
      %reduce_max3A_511 = vector.shape_cast %reduce_max3A_510 : vector<1xf32> to vector<1x1x1xf32>
      %reduce_max3A_512 = vector.extract %reduce_max3A_511[0, 0, 0] : f32 from vector<1x1x1xf32>
      %eq3A_513 = vector.broadcast %reduce_max3A_512 : f32 to vector<64x128xf32>
      %eq3A_514 = arith.cmpf oeq, %min3A, %eq3A_513 : vector<64x128xf32>
      %jit3A_515 = arith.constant 1073741824 : i32
      %broadcast_in_dim3A_516 = vector.broadcast %jit3A_515 : i32 to vector<64x128xi32>
      %select_n3A_517 = arith.select %eq3A_514, %add3A, %broadcast_in_dim3A_516 : vector<64x128xi1>, vector<64x128xi32>
      %reduce_min3A = vector.shape_cast %select_n3A_517 : vector<64x128xi32> to vector<1x64x128xi32>
      %reduce_min3A_518 = arith.constant dense<2147483647> : vector<1xi32>
      %reduce_min3A_519 = vector.multi_reduction <minsi>, %reduce_min3A, %reduce_min3A_518 [1, 2] : vector<1x64x128xi32> to vector<1xi32>
      %reduce_min3A_520 = vector.shape_cast %reduce_min3A_519 : vector<1xi32> to vector<1x1x1xi32>
      %reduce_min3A_521 = vector.extract %reduce_min3A_520[0, 0, 0] : i32 from vector<1x1x1xi32>
      %jit3A_522 = arith.constant 128 : i32
      %div3A = arith.divsi %reduce_min3A_521, %jit3A_522 : i32
      %sign3A = arith.constant 0 : i32
      %sign3A_523 = arith.cmpi sgt, %reduce_min3A_521, %sign3A : i32
      %sign3A_524 = arith.extui %sign3A_523 : i1 to i32
      %sign3A_525 = arith.constant 0 : i32
      %sign3A_526 = arith.cmpi slt, %reduce_min3A_521, %sign3A_525 : i32
      %sign3A_527 = arith.extui %sign3A_526 : i1 to i32
      %sign3A_528 = arith.subi %sign3A_524, %sign3A_527 : i32
      %sign3A_529 = arith.constant 0 : i32
      %sign3A_530 = arith.cmpi sgt, %jit3A_522, %sign3A_529 : i32
      %sign3A_531 = arith.extui %sign3A_530 : i1 to i32
      %sign3A_532 = arith.constant 0 : i32
      %sign3A_533 = arith.cmpi slt, %jit3A_522, %sign3A_532 : i32
      %sign3A_534 = arith.extui %sign3A_533 : i1 to i32
      %sign3A_535 = arith.subi %sign3A_531, %sign3A_534 : i32
      %ne3A = arith.cmpi ne, %sign3A_528, %sign3A_535 : i32
      %rem3A = arith.remsi %reduce_min3A_521, %jit3A_522 : i32
      %ne3A_536 = arith.constant 0 : i32
      %ne3A_537 = arith.cmpi ne, %rem3A, %ne3A_536 : i32
      %and3A = arith.andi %ne3A, %ne3A_537 : i1
      %sub3A_538 = arith.constant 1 : i32
      %sub3A_539 = arith.subi %div3A, %sub3A_538 : i32
      %select_n3A_540 = arith.select %and3A, %sub3A_539, %div3A : i32
      %mul3A_541 = arith.constant 128 : i32
      %mul3A_542 = arith.muli %select_n3A_540, %mul3A_541 : i32
      %sub3A_543 = arith.subi %reduce_min3A_521, %mul3A_542 : i32
      %eq3A_544 = vector.broadcast %sub3A_543 : i32 to vector<1x128xi32>
      %eq3A_545 = arith.cmpi eq, %iota3A_17, %eq3A_544 : vector<1x128xi32>
      %get3A_546 = arith.constant 0 : index
      %get3A_547 = arith.index_cast %select_n3A_540 : i32 to index
      %get3A_548 = arith.constant 0 : index
      %get3A_549 = vector.load %arg0[%get3A_546, %get3A_547, %get3A_548] : memref<3x64x128xf32, #tpu.memory_space<vmem>>, vector<1x1x128xf32>
      %get3A_550 = vector.shape_cast %get3A_549 : vector<1x1x128xf32> to vector<1x128xf32>
      %get3A_551 = arith.constant 1 : index
      %get3A_552 = arith.index_cast %select_n3A_540 : i32 to index
      %get3A_553 = arith.constant 0 : index
      %get3A_554 = vector.load %arg0[%get3A_551, %get3A_552, %get3A_553] : memref<3x64x128xf32, #tpu.memory_space<vmem>>, vector<1x1x128xf32>
      %get3A_555 = vector.shape_cast %get3A_554 : vector<1x1x128xf32> to vector<1x128xf32>
      %get3A_556 = arith.constant 2 : index
      %get3A_557 = arith.index_cast %select_n3A_540 : i32 to index
      %get3A_558 = arith.constant 0 : index
      %get3A_559 = vector.load %arg0[%get3A_556, %get3A_557, %get3A_558] : memref<3x64x128xf32, #tpu.memory_space<vmem>>, vector<1x1x128xf32>
      %get3A_560 = vector.shape_cast %get3A_559 : vector<1x1x128xf32> to vector<1x128xf32>
      %jit3A_561 = arith.constant 0.000000e+00 : f32
      %broadcast_in_dim3A_562 = vector.broadcast %jit3A_561 : f32 to vector<1x128xf32>
      %select_n3A_563 = arith.select %eq3A_545, %get3A_550, %broadcast_in_dim3A_562 : vector<1x128xi1>, vector<1x128xf32>
      %reduce_sum3A = vector.shape_cast %select_n3A_563 : vector<1x128xf32> to vector<1x1x128xf32>
      %reduce_sum3A_564 = arith.constant dense<0.000000e+00> : vector<1xf32>
      %reduce_sum3A_565 = vector.multi_reduction <add>, %reduce_sum3A, %reduce_sum3A_564 [1, 2] : vector<1x1x128xf32> to vector<1xf32>
      %reduce_sum3A_566 = vector.shape_cast %reduce_sum3A_565 : vector<1xf32> to vector<1x1x1xf32>
      %reduce_sum3A_567 = vector.extract %reduce_sum3A_566[0, 0, 0] : f32 from vector<1x1x1xf32>
      %jit3A_568 = arith.constant 0.000000e+00 : f32
      %broadcast_in_dim3A_569 = vector.broadcast %jit3A_568 : f32 to vector<1x128xf32>
      %select_n3A_570 = arith.select %eq3A_545, %get3A_555, %broadcast_in_dim3A_569 : vector<1x128xi1>, vector<1x128xf32>
      %reduce_sum3A_571 = vector.shape_cast %select_n3A_570 : vector<1x128xf32> to vector<1x1x128xf32>
      %reduce_sum3A_572 = arith.constant dense<0.000000e+00> : vector<1xf32>
      %reduce_sum3A_573 = vector.multi_reduction <add>, %reduce_sum3A_571, %reduce_sum3A_572 [1, 2] : vector<1x1x128xf32> to vector<1xf32>
      %reduce_sum3A_574 = vector.shape_cast %reduce_sum3A_573 : vector<1xf32> to vector<1x1x1xf32>
      %reduce_sum3A_575 = vector.extract %reduce_sum3A_574[0, 0, 0] : f32 from vector<1x1x1xf32>
      %jit3A_576 = arith.constant 0.000000e+00 : f32
      %broadcast_in_dim3A_577 = vector.broadcast %jit3A_576 : f32 to vector<1x128xf32>
      %select_n3A_578 = arith.select %eq3A_545, %get3A_560, %broadcast_in_dim3A_577 : vector<1x128xi1>, vector<1x128xf32>
      %reduce_sum3A_579 = vector.shape_cast %select_n3A_578 : vector<1x128xf32> to vector<1x1x128xf32>
      %reduce_sum3A_580 = arith.constant dense<0.000000e+00> : vector<1xf32>
      %reduce_sum3A_581 = vector.multi_reduction <add>, %reduce_sum3A_579, %reduce_sum3A_580 [1, 2] : vector<1x1x128xf32> to vector<1xf32>
      %reduce_sum3A_582 = vector.shape_cast %reduce_sum3A_581 : vector<1xf32> to vector<1x1x1xf32>
      %reduce_sum3A_583 = vector.extract %reduce_sum3A_582[0, 0, 0] : f32 from vector<1x1x1xf32>
      %eq3A_584 = vector.broadcast %scan3A_492 : i32 to vector<1x128xi32>
      %eq3A_585 = arith.cmpi eq, %iota3A_17, %eq3A_584 : vector<1x128xi32>
      %add3A_586 = arith.constant 1152 : i32
      %add3A_587 = arith.addi %add3A_586, %scan3A_492 : i32
      %lt3A_588 = arith.constant 1639 : i32
      %lt3A_589 = arith.cmpi slt, %add3A_587, %lt3A_588 : i32
      %and3A_590 = vector.broadcast %lt3A_589 : i1 to vector<1x128xi1>
      %and3A_591 = arith.andi %eq3A_585, %and3A_590 : vector<1x128xi1>
      %broadcast_in_dim3A_592 = vector.broadcast %reduce_sum3A_567 : f32 to vector<1x128xf32>
      %select_n3A_593 = arith.select %and3A_591, %broadcast_in_dim3A_592, %scan3A_497 : vector<1x128xi1>, vector<1x128xf32>
      %broadcast_in_dim3A_594 = vector.broadcast %reduce_sum3A_575 : f32 to vector<1x128xf32>
      %select_n3A_595 = arith.select %and3A_591, %broadcast_in_dim3A_594, %scan3A_498 : vector<1x128xi1>, vector<1x128xf32>
      %broadcast_in_dim3A_596 = vector.broadcast %reduce_sum3A_583 : f32 to vector<1x128xf32>
      %select_n3A_597 = arith.select %and3A_591, %broadcast_in_dim3A_596, %scan3A_499 : vector<1x128xi1>, vector<1x128xf32>
      scf.yield %min3A, %reduce_sum3A_567, %reduce_sum3A_575, %reduce_sum3A_583, %select_n3A_593, %select_n3A_595, %select_n3A_597 : vector<64x128xf32>, f32, f32, f32, vector<1x128xf32>, vector<1x128xf32>, vector<1x128xf32>
    }
    %scan3A_368 = arith.constant 128 : i32
    %swap3A_369 = arith.constant 0 : index
    %swap3A_370 = arith.constant 9 : index
    %swap3A_371 = arith.constant 0 : index
    %swap3A_372 = vector.load %arg1[%swap3A_369, %swap3A_370, %swap3A_371] : memref<3x13x128xf32, #tpu.memory_space<vmem>>, vector<1x1x128xf32>
    %swap3A_373 = vector.shape_cast %swap3A_372 : vector<1x1x128xf32> to vector<1x128xf32>
    %swap3A_374 = vector.shape_cast %scan3A_367#4 : vector<1x128xf32> to vector<1x1x128xf32>
    tpu.vector_store %arg1[%swap3A_369, %swap3A_370, %swap3A_371], %swap3A_374 {strides = array<i32>} : memref<3x13x128xf32, #tpu.memory_space<vmem>>, vector<1x1x128xf32>,
    %swap3A_375 = arith.constant 1 : index
    %swap3A_376 = arith.constant 9 : index
    %swap3A_377 = arith.constant 0 : index
    %swap3A_378 = vector.load %arg1[%swap3A_375, %swap3A_376, %swap3A_377] : memref<3x13x128xf32, #tpu.memory_space<vmem>>, vector<1x1x128xf32>
    %swap3A_379 = vector.shape_cast %swap3A_378 : vector<1x1x128xf32> to vector<1x128xf32>
    %swap3A_380 = vector.shape_cast %scan3A_367#5 : vector<1x128xf32> to vector<1x1x128xf32>
    tpu.vector_store %arg1[%swap3A_375, %swap3A_376, %swap3A_377], %swap3A_380 {strides = array<i32>} : memref<3x13x128xf32, #tpu.memory_space<vmem>>, vector<1x1x128xf32>,
    %swap3A_381 = arith.constant 2 : index
    %swap3A_382 = arith.constant 9 : index
    %swap3A_383 = arith.constant 0 : index
    %swap3A_384 = vector.load %arg1[%swap3A_381, %swap3A_382, %swap3A_383] : memref<3x13x128xf32, #tpu.memory_space<vmem>>, vector<1x1x128xf32>
    %swap3A_385 = vector.shape_cast %swap3A_384 : vector<1x1x128xf32> to vector<1x128xf32>
    %swap3A_386 = vector.shape_cast %scan3A_367#6 : vector<1x128xf32> to vector<1x1x128xf32>
    tpu.vector_store %arg1[%swap3A_381, %swap3A_382, %swap3A_383], %swap3A_386 {strides = array<i32>} : memref<3x13x128xf32, #tpu.memory_space<vmem>>, vector<1x1x128xf32>,
    %add3A_387 = arith.constant 1280 : i32
    %add3A_388 = vector.broadcast %add3A_387 : i32 to vector<1x128xi32>
    %add3A_389 = arith.addi %iota3A_17, %add3A_388 : vector<1x128xi32>
    %ge3A_390 = arith.constant 1639 : i32
    %ge3A_391 = vector.broadcast %ge3A_390 : i32 to vector<1x128xi32>
    %ge3A_392 = arith.cmpi sge, %add3A_389, %ge3A_391 : vector<1x128xi32>
    %jit3A_393 = arith.constant 4.000000e+00 : f32
    %jit3A_394 = arith.constant 0.000000e+00 : f32
    %broadcast_in_dim3A_395 = vector.broadcast %jit3A_393 : f32 to vector<1x128xf32>
    %broadcast_in_dim3A_396 = vector.broadcast %jit3A_394 : f32 to vector<1x128xf32>
    %select_n3A_397 = arith.select %ge3A_392, %broadcast_in_dim3A_395, %broadcast_in_dim3A_396 : vector<1x128xi1>, vector<1x128xf32>
    %scan3A_398 = arith.constant 0 : i32
    %scan3A_399 = arith.constant 128 : i32
    %scan3A_400 = arith.addi %scan3A_398, %scan3A_399 : i32
    %scan3A_401 = arith.constant 1 : i32
    %scan3A_402:7 = scf.for %scan3A_492 = %scan3A_398 to %scan3A_400 step %scan3A_401 iter_args(%scan3A_493 = %scan3A_367#0, %scan3A_494 = %scan3A_367#1, %scan3A_495 = %scan3A_367#2, %scan3A_496 = %scan3A_367#3, %scan3A_497 = %select_n3A_397, %scan3A_498 = %select_n3A_397, %scan3A_499 = %select_n3A_397) -> (vector<64x128xf32>, f32, f32, f32, vector<1x128xf32>, vector<1x128xf32>, vector<1x128xf32>)  : i32 {
      %sub3A = vector.broadcast %scan3A_494 : f32 to vector<64x128xf32>
      %sub3A_500 = arith.subf %get3A_3, %sub3A : vector<64x128xf32>
      %integer_pow3A = arith.mulf %sub3A_500, %sub3A_500 : vector<64x128xf32>
      %sub3A_501 = vector.broadcast %scan3A_495 : f32 to vector<64x128xf32>
      %sub3A_502 = arith.subf %get3A_8, %sub3A_501 : vector<64x128xf32>
      %integer_pow3A_503 = arith.mulf %sub3A_502, %sub3A_502 : vector<64x128xf32>
      %add3A_504 = arith.addf %integer_pow3A, %integer_pow3A_503 : vector<64x128xf32>
      %sub3A_505 = vector.broadcast %scan3A_496 : f32 to vector<64x128xf32>
      %sub3A_506 = arith.subf %get3A_13, %sub3A_505 : vector<64x128xf32>
      %integer_pow3A_507 = arith.mulf %sub3A_506, %sub3A_506 : vector<64x128xf32>
      %add3A_508 = arith.addf %add3A_504, %integer_pow3A_507 : vector<64x128xf32>
      %min3A = arith.minimumf %scan3A_493, %add3A_508 : vector<64x128xf32>
      %reduce_max3A = vector.shape_cast %min3A : vector<64x128xf32> to vector<1x64x128xf32>
      %reduce_max3A_509 = arith.constant dense<0xFF800000> : vector<1xf32>
      %reduce_max3A_510 = vector.multi_reduction <maximumf>, %reduce_max3A, %reduce_max3A_509 [1, 2] : vector<1x64x128xf32> to vector<1xf32>
      %reduce_max3A_511 = vector.shape_cast %reduce_max3A_510 : vector<1xf32> to vector<1x1x1xf32>
      %reduce_max3A_512 = vector.extract %reduce_max3A_511[0, 0, 0] : f32 from vector<1x1x1xf32>
      %eq3A_513 = vector.broadcast %reduce_max3A_512 : f32 to vector<64x128xf32>
      %eq3A_514 = arith.cmpf oeq, %min3A, %eq3A_513 : vector<64x128xf32>
      %jit3A_515 = arith.constant 1073741824 : i32
      %broadcast_in_dim3A_516 = vector.broadcast %jit3A_515 : i32 to vector<64x128xi32>
      %select_n3A_517 = arith.select %eq3A_514, %add3A, %broadcast_in_dim3A_516 : vector<64x128xi1>, vector<64x128xi32>
      %reduce_min3A = vector.shape_cast %select_n3A_517 : vector<64x128xi32> to vector<1x64x128xi32>
      %reduce_min3A_518 = arith.constant dense<2147483647> : vector<1xi32>
      %reduce_min3A_519 = vector.multi_reduction <minsi>, %reduce_min3A, %reduce_min3A_518 [1, 2] : vector<1x64x128xi32> to vector<1xi32>
      %reduce_min3A_520 = vector.shape_cast %reduce_min3A_519 : vector<1xi32> to vector<1x1x1xi32>
      %reduce_min3A_521 = vector.extract %reduce_min3A_520[0, 0, 0] : i32 from vector<1x1x1xi32>
      %jit3A_522 = arith.constant 128 : i32
      %div3A = arith.divsi %reduce_min3A_521, %jit3A_522 : i32
      %sign3A = arith.constant 0 : i32
      %sign3A_523 = arith.cmpi sgt, %reduce_min3A_521, %sign3A : i32
      %sign3A_524 = arith.extui %sign3A_523 : i1 to i32
      %sign3A_525 = arith.constant 0 : i32
      %sign3A_526 = arith.cmpi slt, %reduce_min3A_521, %sign3A_525 : i32
      %sign3A_527 = arith.extui %sign3A_526 : i1 to i32
      %sign3A_528 = arith.subi %sign3A_524, %sign3A_527 : i32
      %sign3A_529 = arith.constant 0 : i32
      %sign3A_530 = arith.cmpi sgt, %jit3A_522, %sign3A_529 : i32
      %sign3A_531 = arith.extui %sign3A_530 : i1 to i32
      %sign3A_532 = arith.constant 0 : i32
      %sign3A_533 = arith.cmpi slt, %jit3A_522, %sign3A_532 : i32
      %sign3A_534 = arith.extui %sign3A_533 : i1 to i32
      %sign3A_535 = arith.subi %sign3A_531, %sign3A_534 : i32
      %ne3A = arith.cmpi ne, %sign3A_528, %sign3A_535 : i32
      %rem3A = arith.remsi %reduce_min3A_521, %jit3A_522 : i32
      %ne3A_536 = arith.constant 0 : i32
      %ne3A_537 = arith.cmpi ne, %rem3A, %ne3A_536 : i32
      %and3A = arith.andi %ne3A, %ne3A_537 : i1
      %sub3A_538 = arith.constant 1 : i32
      %sub3A_539 = arith.subi %div3A, %sub3A_538 : i32
      %select_n3A_540 = arith.select %and3A, %sub3A_539, %div3A : i32
      %mul3A_541 = arith.constant 128 : i32
      %mul3A_542 = arith.muli %select_n3A_540, %mul3A_541 : i32
      %sub3A_543 = arith.subi %reduce_min3A_521, %mul3A_542 : i32
      %eq3A_544 = vector.broadcast %sub3A_543 : i32 to vector<1x128xi32>
      %eq3A_545 = arith.cmpi eq, %iota3A_17, %eq3A_544 : vector<1x128xi32>
      %get3A_546 = arith.constant 0 : index
      %get3A_547 = arith.index_cast %select_n3A_540 : i32 to index
      %get3A_548 = arith.constant 0 : index
      %get3A_549 = vector.load %arg0[%get3A_546, %get3A_547, %get3A_548] : memref<3x64x128xf32, #tpu.memory_space<vmem>>, vector<1x1x128xf32>
      %get3A_550 = vector.shape_cast %get3A_549 : vector<1x1x128xf32> to vector<1x128xf32>
      %get3A_551 = arith.constant 1 : index
      %get3A_552 = arith.index_cast %select_n3A_540 : i32 to index
      %get3A_553 = arith.constant 0 : index
      %get3A_554 = vector.load %arg0[%get3A_551, %get3A_552, %get3A_553] : memref<3x64x128xf32, #tpu.memory_space<vmem>>, vector<1x1x128xf32>
      %get3A_555 = vector.shape_cast %get3A_554 : vector<1x1x128xf32> to vector<1x128xf32>
      %get3A_556 = arith.constant 2 : index
      %get3A_557 = arith.index_cast %select_n3A_540 : i32 to index
      %get3A_558 = arith.constant 0 : index
      %get3A_559 = vector.load %arg0[%get3A_556, %get3A_557, %get3A_558] : memref<3x64x128xf32, #tpu.memory_space<vmem>>, vector<1x1x128xf32>
      %get3A_560 = vector.shape_cast %get3A_559 : vector<1x1x128xf32> to vector<1x128xf32>
      %jit3A_561 = arith.constant 0.000000e+00 : f32
      %broadcast_in_dim3A_562 = vector.broadcast %jit3A_561 : f32 to vector<1x128xf32>
      %select_n3A_563 = arith.select %eq3A_545, %get3A_550, %broadcast_in_dim3A_562 : vector<1x128xi1>, vector<1x128xf32>
      %reduce_sum3A = vector.shape_cast %select_n3A_563 : vector<1x128xf32> to vector<1x1x128xf32>
      %reduce_sum3A_564 = arith.constant dense<0.000000e+00> : vector<1xf32>
      %reduce_sum3A_565 = vector.multi_reduction <add>, %reduce_sum3A, %reduce_sum3A_564 [1, 2] : vector<1x1x128xf32> to vector<1xf32>
      %reduce_sum3A_566 = vector.shape_cast %reduce_sum3A_565 : vector<1xf32> to vector<1x1x1xf32>
      %reduce_sum3A_567 = vector.extract %reduce_sum3A_566[0, 0, 0] : f32 from vector<1x1x1xf32>
      %jit3A_568 = arith.constant 0.000000e+00 : f32
      %broadcast_in_dim3A_569 = vector.broadcast %jit3A_568 : f32 to vector<1x128xf32>
      %select_n3A_570 = arith.select %eq3A_545, %get3A_555, %broadcast_in_dim3A_569 : vector<1x128xi1>, vector<1x128xf32>
      %reduce_sum3A_571 = vector.shape_cast %select_n3A_570 : vector<1x128xf32> to vector<1x1x128xf32>
      %reduce_sum3A_572 = arith.constant dense<0.000000e+00> : vector<1xf32>
      %reduce_sum3A_573 = vector.multi_reduction <add>, %reduce_sum3A_571, %reduce_sum3A_572 [1, 2] : vector<1x1x128xf32> to vector<1xf32>
      %reduce_sum3A_574 = vector.shape_cast %reduce_sum3A_573 : vector<1xf32> to vector<1x1x1xf32>
      %reduce_sum3A_575 = vector.extract %reduce_sum3A_574[0, 0, 0] : f32 from vector<1x1x1xf32>
      %jit3A_576 = arith.constant 0.000000e+00 : f32
      %broadcast_in_dim3A_577 = vector.broadcast %jit3A_576 : f32 to vector<1x128xf32>
      %select_n3A_578 = arith.select %eq3A_545, %get3A_560, %broadcast_in_dim3A_577 : vector<1x128xi1>, vector<1x128xf32>
      %reduce_sum3A_579 = vector.shape_cast %select_n3A_578 : vector<1x128xf32> to vector<1x1x128xf32>
      %reduce_sum3A_580 = arith.constant dense<0.000000e+00> : vector<1xf32>
      %reduce_sum3A_581 = vector.multi_reduction <add>, %reduce_sum3A_579, %reduce_sum3A_580 [1, 2] : vector<1x1x128xf32> to vector<1xf32>
      %reduce_sum3A_582 = vector.shape_cast %reduce_sum3A_581 : vector<1xf32> to vector<1x1x1xf32>
      %reduce_sum3A_583 = vector.extract %reduce_sum3A_582[0, 0, 0] : f32 from vector<1x1x1xf32>
      %eq3A_584 = vector.broadcast %scan3A_492 : i32 to vector<1x128xi32>
      %eq3A_585 = arith.cmpi eq, %iota3A_17, %eq3A_584 : vector<1x128xi32>
      %add3A_586 = arith.constant 1280 : i32
      %add3A_587 = arith.addi %add3A_586, %scan3A_492 : i32
      %lt3A_588 = arith.constant 1639 : i32
      %lt3A_589 = arith.cmpi slt, %add3A_587, %lt3A_588 : i32
      %and3A_590 = vector.broadcast %lt3A_589 : i1 to vector<1x128xi1>
      %and3A_591 = arith.andi %eq3A_585, %and3A_590 : vector<1x128xi1>
      %broadcast_in_dim3A_592 = vector.broadcast %reduce_sum3A_567 : f32 to vector<1x128xf32>
      %select_n3A_593 = arith.select %and3A_591, %broadcast_in_dim3A_592, %scan3A_497 : vector<1x128xi1>, vector<1x128xf32>
      %broadcast_in_dim3A_594 = vector.broadcast %reduce_sum3A_575 : f32 to vector<1x128xf32>
      %select_n3A_595 = arith.select %and3A_591, %broadcast_in_dim3A_594, %scan3A_498 : vector<1x128xi1>, vector<1x128xf32>
      %broadcast_in_dim3A_596 = vector.broadcast %reduce_sum3A_583 : f32 to vector<1x128xf32>
      %select_n3A_597 = arith.select %and3A_591, %broadcast_in_dim3A_596, %scan3A_499 : vector<1x128xi1>, vector<1x128xf32>
      scf.yield %min3A, %reduce_sum3A_567, %reduce_sum3A_575, %reduce_sum3A_583, %select_n3A_593, %select_n3A_595, %select_n3A_597 : vector<64x128xf32>, f32, f32, f32, vector<1x128xf32>, vector<1x128xf32>, vector<1x128xf32>
    }
    %scan3A_403 = arith.constant 128 : i32
    %swap3A_404 = arith.constant 0 : index
    %swap3A_405 = arith.constant 10 : index
    %swap3A_406 = arith.constant 0 : index
    %swap3A_407 = vector.load %arg1[%swap3A_404, %swap3A_405, %swap3A_406] : memref<3x13x128xf32, #tpu.memory_space<vmem>>, vector<1x1x128xf32>
    %swap3A_408 = vector.shape_cast %swap3A_407 : vector<1x1x128xf32> to vector<1x128xf32>
    %swap3A_409 = vector.shape_cast %scan3A_402#4 : vector<1x128xf32> to vector<1x1x128xf32>
    tpu.vector_store %arg1[%swap3A_404, %swap3A_405, %swap3A_406], %swap3A_409 {strides = array<i32>} : memref<3x13x128xf32, #tpu.memory_space<vmem>>, vector<1x1x128xf32>,
    %swap3A_410 = arith.constant 1 : index
    %swap3A_411 = arith.constant 10 : index
    %swap3A_412 = arith.constant 0 : index
    %swap3A_413 = vector.load %arg1[%swap3A_410, %swap3A_411, %swap3A_412] : memref<3x13x128xf32, #tpu.memory_space<vmem>>, vector<1x1x128xf32>
    %swap3A_414 = vector.shape_cast %swap3A_413 : vector<1x1x128xf32> to vector<1x128xf32>
    %swap3A_415 = vector.shape_cast %scan3A_402#5 : vector<1x128xf32> to vector<1x1x128xf32>
    tpu.vector_store %arg1[%swap3A_410, %swap3A_411, %swap3A_412], %swap3A_415 {strides = array<i32>} : memref<3x13x128xf32, #tpu.memory_space<vmem>>, vector<1x1x128xf32>,
    %swap3A_416 = arith.constant 2 : index
    %swap3A_417 = arith.constant 10 : index
    %swap3A_418 = arith.constant 0 : index
    %swap3A_419 = vector.load %arg1[%swap3A_416, %swap3A_417, %swap3A_418] : memref<3x13x128xf32, #tpu.memory_space<vmem>>, vector<1x1x128xf32>
    %swap3A_420 = vector.shape_cast %swap3A_419 : vector<1x1x128xf32> to vector<1x128xf32>
    %swap3A_421 = vector.shape_cast %scan3A_402#6 : vector<1x128xf32> to vector<1x1x128xf32>
    tpu.vector_store %arg1[%swap3A_416, %swap3A_417, %swap3A_418], %swap3A_421 {strides = array<i32>} : memref<3x13x128xf32, #tpu.memory_space<vmem>>, vector<1x1x128xf32>,
    %add3A_422 = arith.constant 1408 : i32
    %add3A_423 = vector.broadcast %add3A_422 : i32 to vector<1x128xi32>
    %add3A_424 = arith.addi %iota3A_17, %add3A_423 : vector<1x128xi32>
    %ge3A_425 = arith.constant 1639 : i32
    %ge3A_426 = vector.broadcast %ge3A_425 : i32 to vector<1x128xi32>
    %ge3A_427 = arith.cmpi sge, %add3A_424, %ge3A_426 : vector<1x128xi32>
    %jit3A_428 = arith.constant 4.000000e+00 : f32
    %jit3A_429 = arith.constant 0.000000e+00 : f32
    %broadcast_in_dim3A_430 = vector.broadcast %jit3A_428 : f32 to vector<1x128xf32>
    %broadcast_in_dim3A_431 = vector.broadcast %jit3A_429 : f32 to vector<1x128xf32>
    %select_n3A_432 = arith.select %ge3A_427, %broadcast_in_dim3A_430, %broadcast_in_dim3A_431 : vector<1x128xi1>, vector<1x128xf32>
    %scan3A_433 = arith.constant 0 : i32
    %scan3A_434 = arith.constant 128 : i32
    %scan3A_435 = arith.addi %scan3A_433, %scan3A_434 : i32
    %scan3A_436 = arith.constant 1 : i32
    %scan3A_437:7 = scf.for %scan3A_492 = %scan3A_433 to %scan3A_435 step %scan3A_436 iter_args(%scan3A_493 = %scan3A_402#0, %scan3A_494 = %scan3A_402#1, %scan3A_495 = %scan3A_402#2, %scan3A_496 = %scan3A_402#3, %scan3A_497 = %select_n3A_432, %scan3A_498 = %select_n3A_432, %scan3A_499 = %select_n3A_432) -> (vector<64x128xf32>, f32, f32, f32, vector<1x128xf32>, vector<1x128xf32>, vector<1x128xf32>)  : i32 {
      %sub3A = vector.broadcast %scan3A_494 : f32 to vector<64x128xf32>
      %sub3A_500 = arith.subf %get3A_3, %sub3A : vector<64x128xf32>
      %integer_pow3A = arith.mulf %sub3A_500, %sub3A_500 : vector<64x128xf32>
      %sub3A_501 = vector.broadcast %scan3A_495 : f32 to vector<64x128xf32>
      %sub3A_502 = arith.subf %get3A_8, %sub3A_501 : vector<64x128xf32>
      %integer_pow3A_503 = arith.mulf %sub3A_502, %sub3A_502 : vector<64x128xf32>
      %add3A_504 = arith.addf %integer_pow3A, %integer_pow3A_503 : vector<64x128xf32>
      %sub3A_505 = vector.broadcast %scan3A_496 : f32 to vector<64x128xf32>
      %sub3A_506 = arith.subf %get3A_13, %sub3A_505 : vector<64x128xf32>
      %integer_pow3A_507 = arith.mulf %sub3A_506, %sub3A_506 : vector<64x128xf32>
      %add3A_508 = arith.addf %add3A_504, %integer_pow3A_507 : vector<64x128xf32>
      %min3A = arith.minimumf %scan3A_493, %add3A_508 : vector<64x128xf32>
      %reduce_max3A = vector.shape_cast %min3A : vector<64x128xf32> to vector<1x64x128xf32>
      %reduce_max3A_509 = arith.constant dense<0xFF800000> : vector<1xf32>
      %reduce_max3A_510 = vector.multi_reduction <maximumf>, %reduce_max3A, %reduce_max3A_509 [1, 2] : vector<1x64x128xf32> to vector<1xf32>
      %reduce_max3A_511 = vector.shape_cast %reduce_max3A_510 : vector<1xf32> to vector<1x1x1xf32>
      %reduce_max3A_512 = vector.extract %reduce_max3A_511[0, 0, 0] : f32 from vector<1x1x1xf32>
      %eq3A_513 = vector.broadcast %reduce_max3A_512 : f32 to vector<64x128xf32>
      %eq3A_514 = arith.cmpf oeq, %min3A, %eq3A_513 : vector<64x128xf32>
      %jit3A_515 = arith.constant 1073741824 : i32
      %broadcast_in_dim3A_516 = vector.broadcast %jit3A_515 : i32 to vector<64x128xi32>
      %select_n3A_517 = arith.select %eq3A_514, %add3A, %broadcast_in_dim3A_516 : vector<64x128xi1>, vector<64x128xi32>
      %reduce_min3A = vector.shape_cast %select_n3A_517 : vector<64x128xi32> to vector<1x64x128xi32>
      %reduce_min3A_518 = arith.constant dense<2147483647> : vector<1xi32>
      %reduce_min3A_519 = vector.multi_reduction <minsi>, %reduce_min3A, %reduce_min3A_518 [1, 2] : vector<1x64x128xi32> to vector<1xi32>
      %reduce_min3A_520 = vector.shape_cast %reduce_min3A_519 : vector<1xi32> to vector<1x1x1xi32>
      %reduce_min3A_521 = vector.extract %reduce_min3A_520[0, 0, 0] : i32 from vector<1x1x1xi32>
      %jit3A_522 = arith.constant 128 : i32
      %div3A = arith.divsi %reduce_min3A_521, %jit3A_522 : i32
      %sign3A = arith.constant 0 : i32
      %sign3A_523 = arith.cmpi sgt, %reduce_min3A_521, %sign3A : i32
      %sign3A_524 = arith.extui %sign3A_523 : i1 to i32
      %sign3A_525 = arith.constant 0 : i32
      %sign3A_526 = arith.cmpi slt, %reduce_min3A_521, %sign3A_525 : i32
      %sign3A_527 = arith.extui %sign3A_526 : i1 to i32
      %sign3A_528 = arith.subi %sign3A_524, %sign3A_527 : i32
      %sign3A_529 = arith.constant 0 : i32
      %sign3A_530 = arith.cmpi sgt, %jit3A_522, %sign3A_529 : i32
      %sign3A_531 = arith.extui %sign3A_530 : i1 to i32
      %sign3A_532 = arith.constant 0 : i32
      %sign3A_533 = arith.cmpi slt, %jit3A_522, %sign3A_532 : i32
      %sign3A_534 = arith.extui %sign3A_533 : i1 to i32
      %sign3A_535 = arith.subi %sign3A_531, %sign3A_534 : i32
      %ne3A = arith.cmpi ne, %sign3A_528, %sign3A_535 : i32
      %rem3A = arith.remsi %reduce_min3A_521, %jit3A_522 : i32
      %ne3A_536 = arith.constant 0 : i32
      %ne3A_537 = arith.cmpi ne, %rem3A, %ne3A_536 : i32
      %and3A = arith.andi %ne3A, %ne3A_537 : i1
      %sub3A_538 = arith.constant 1 : i32
      %sub3A_539 = arith.subi %div3A, %sub3A_538 : i32
      %select_n3A_540 = arith.select %and3A, %sub3A_539, %div3A : i32
      %mul3A_541 = arith.constant 128 : i32
      %mul3A_542 = arith.muli %select_n3A_540, %mul3A_541 : i32
      %sub3A_543 = arith.subi %reduce_min3A_521, %mul3A_542 : i32
      %eq3A_544 = vector.broadcast %sub3A_543 : i32 to vector<1x128xi32>
      %eq3A_545 = arith.cmpi eq, %iota3A_17, %eq3A_544 : vector<1x128xi32>
      %get3A_546 = arith.constant 0 : index
      %get3A_547 = arith.index_cast %select_n3A_540 : i32 to index
      %get3A_548 = arith.constant 0 : index
      %get3A_549 = vector.load %arg0[%get3A_546, %get3A_547, %get3A_548] : memref<3x64x128xf32, #tpu.memory_space<vmem>>, vector<1x1x128xf32>
      %get3A_550 = vector.shape_cast %get3A_549 : vector<1x1x128xf32> to vector<1x128xf32>
      %get3A_551 = arith.constant 1 : index
      %get3A_552 = arith.index_cast %select_n3A_540 : i32 to index
      %get3A_553 = arith.constant 0 : index
      %get3A_554 = vector.load %arg0[%get3A_551, %get3A_552, %get3A_553] : memref<3x64x128xf32, #tpu.memory_space<vmem>>, vector<1x1x128xf32>
      %get3A_555 = vector.shape_cast %get3A_554 : vector<1x1x128xf32> to vector<1x128xf32>
      %get3A_556 = arith.constant 2 : index
      %get3A_557 = arith.index_cast %select_n3A_540 : i32 to index
      %get3A_558 = arith.constant 0 : index
      %get3A_559 = vector.load %arg0[%get3A_556, %get3A_557, %get3A_558] : memref<3x64x128xf32, #tpu.memory_space<vmem>>, vector<1x1x128xf32>
      %get3A_560 = vector.shape_cast %get3A_559 : vector<1x1x128xf32> to vector<1x128xf32>
      %jit3A_561 = arith.constant 0.000000e+00 : f32
      %broadcast_in_dim3A_562 = vector.broadcast %jit3A_561 : f32 to vector<1x128xf32>
      %select_n3A_563 = arith.select %eq3A_545, %get3A_550, %broadcast_in_dim3A_562 : vector<1x128xi1>, vector<1x128xf32>
      %reduce_sum3A = vector.shape_cast %select_n3A_563 : vector<1x128xf32> to vector<1x1x128xf32>
      %reduce_sum3A_564 = arith.constant dense<0.000000e+00> : vector<1xf32>
      %reduce_sum3A_565 = vector.multi_reduction <add>, %reduce_sum3A, %reduce_sum3A_564 [1, 2] : vector<1x1x128xf32> to vector<1xf32>
      %reduce_sum3A_566 = vector.shape_cast %reduce_sum3A_565 : vector<1xf32> to vector<1x1x1xf32>
      %reduce_sum3A_567 = vector.extract %reduce_sum3A_566[0, 0, 0] : f32 from vector<1x1x1xf32>
      %jit3A_568 = arith.constant 0.000000e+00 : f32
      %broadcast_in_dim3A_569 = vector.broadcast %jit3A_568 : f32 to vector<1x128xf32>
      %select_n3A_570 = arith.select %eq3A_545, %get3A_555, %broadcast_in_dim3A_569 : vector<1x128xi1>, vector<1x128xf32>
      %reduce_sum3A_571 = vector.shape_cast %select_n3A_570 : vector<1x128xf32> to vector<1x1x128xf32>
      %reduce_sum3A_572 = arith.constant dense<0.000000e+00> : vector<1xf32>
      %reduce_sum3A_573 = vector.multi_reduction <add>, %reduce_sum3A_571, %reduce_sum3A_572 [1, 2] : vector<1x1x128xf32> to vector<1xf32>
      %reduce_sum3A_574 = vector.shape_cast %reduce_sum3A_573 : vector<1xf32> to vector<1x1x1xf32>
      %reduce_sum3A_575 = vector.extract %reduce_sum3A_574[0, 0, 0] : f32 from vector<1x1x1xf32>
      %jit3A_576 = arith.constant 0.000000e+00 : f32
      %broadcast_in_dim3A_577 = vector.broadcast %jit3A_576 : f32 to vector<1x128xf32>
      %select_n3A_578 = arith.select %eq3A_545, %get3A_560, %broadcast_in_dim3A_577 : vector<1x128xi1>, vector<1x128xf32>
      %reduce_sum3A_579 = vector.shape_cast %select_n3A_578 : vector<1x128xf32> to vector<1x1x128xf32>
      %reduce_sum3A_580 = arith.constant dense<0.000000e+00> : vector<1xf32>
      %reduce_sum3A_581 = vector.multi_reduction <add>, %reduce_sum3A_579, %reduce_sum3A_580 [1, 2] : vector<1x1x128xf32> to vector<1xf32>
      %reduce_sum3A_582 = vector.shape_cast %reduce_sum3A_581 : vector<1xf32> to vector<1x1x1xf32>
      %reduce_sum3A_583 = vector.extract %reduce_sum3A_582[0, 0, 0] : f32 from vector<1x1x1xf32>
      %eq3A_584 = vector.broadcast %scan3A_492 : i32 to vector<1x128xi32>
      %eq3A_585 = arith.cmpi eq, %iota3A_17, %eq3A_584 : vector<1x128xi32>
      %add3A_586 = arith.constant 1408 : i32
      %add3A_587 = arith.addi %add3A_586, %scan3A_492 : i32
      %lt3A_588 = arith.constant 1639 : i32
      %lt3A_589 = arith.cmpi slt, %add3A_587, %lt3A_588 : i32
      %and3A_590 = vector.broadcast %lt3A_589 : i1 to vector<1x128xi1>
      %and3A_591 = arith.andi %eq3A_585, %and3A_590 : vector<1x128xi1>
      %broadcast_in_dim3A_592 = vector.broadcast %reduce_sum3A_567 : f32 to vector<1x128xf32>
      %select_n3A_593 = arith.select %and3A_591, %broadcast_in_dim3A_592, %scan3A_497 : vector<1x128xi1>, vector<1x128xf32>
      %broadcast_in_dim3A_594 = vector.broadcast %reduce_sum3A_575 : f32 to vector<1x128xf32>
      %select_n3A_595 = arith.select %and3A_591, %broadcast_in_dim3A_594, %scan3A_498 : vector<1x128xi1>, vector<1x128xf32>
      %broadcast_in_dim3A_596 = vector.broadcast %reduce_sum3A_583 : f32 to vector<1x128xf32>
      %select_n3A_597 = arith.select %and3A_591, %broadcast_in_dim3A_596, %scan3A_499 : vector<1x128xi1>, vector<1x128xf32>
      scf.yield %min3A, %reduce_sum3A_567, %reduce_sum3A_575, %reduce_sum3A_583, %select_n3A_593, %select_n3A_595, %select_n3A_597 : vector<64x128xf32>, f32, f32, f32, vector<1x128xf32>, vector<1x128xf32>, vector<1x128xf32>
    }
    %scan3A_438 = arith.constant 128 : i32
    %swap3A_439 = arith.constant 0 : index
    %swap3A_440 = arith.constant 11 : index
    %swap3A_441 = arith.constant 0 : index
    %swap3A_442 = vector.load %arg1[%swap3A_439, %swap3A_440, %swap3A_441] : memref<3x13x128xf32, #tpu.memory_space<vmem>>, vector<1x1x128xf32>
    %swap3A_443 = vector.shape_cast %swap3A_442 : vector<1x1x128xf32> to vector<1x128xf32>
    %swap3A_444 = vector.shape_cast %scan3A_437#4 : vector<1x128xf32> to vector<1x1x128xf32>
    tpu.vector_store %arg1[%swap3A_439, %swap3A_440, %swap3A_441], %swap3A_444 {strides = array<i32>} : memref<3x13x128xf32, #tpu.memory_space<vmem>>, vector<1x1x128xf32>,
    %swap3A_445 = arith.constant 1 : index
    %swap3A_446 = arith.constant 11 : index
    %swap3A_447 = arith.constant 0 : index
    %swap3A_448 = vector.load %arg1[%swap3A_445, %swap3A_446, %swap3A_447] : memref<3x13x128xf32, #tpu.memory_space<vmem>>, vector<1x1x128xf32>
    %swap3A_449 = vector.shape_cast %swap3A_448 : vector<1x1x128xf32> to vector<1x128xf32>
    %swap3A_450 = vector.shape_cast %scan3A_437#5 : vector<1x128xf32> to vector<1x1x128xf32>
    tpu.vector_store %arg1[%swap3A_445, %swap3A_446, %swap3A_447], %swap3A_450 {strides = array<i32>} : memref<3x13x128xf32, #tpu.memory_space<vmem>>, vector<1x1x128xf32>,
    %swap3A_451 = arith.constant 2 : index
    %swap3A_452 = arith.constant 11 : index
    %swap3A_453 = arith.constant 0 : index
    %swap3A_454 = vector.load %arg1[%swap3A_451, %swap3A_452, %swap3A_453] : memref<3x13x128xf32, #tpu.memory_space<vmem>>, vector<1x1x128xf32>
    %swap3A_455 = vector.shape_cast %swap3A_454 : vector<1x1x128xf32> to vector<1x128xf32>
    %swap3A_456 = vector.shape_cast %scan3A_437#6 : vector<1x128xf32> to vector<1x1x128xf32>
    tpu.vector_store %arg1[%swap3A_451, %swap3A_452, %swap3A_453], %swap3A_456 {strides = array<i32>} : memref<3x13x128xf32, #tpu.memory_space<vmem>>, vector<1x1x128xf32>,
    %add3A_457 = arith.constant 1536 : i32
    %add3A_458 = vector.broadcast %add3A_457 : i32 to vector<1x128xi32>
    %add3A_459 = arith.addi %iota3A_17, %add3A_458 : vector<1x128xi32>
    %ge3A_460 = arith.constant 1639 : i32
    %ge3A_461 = vector.broadcast %ge3A_460 : i32 to vector<1x128xi32>
    %ge3A_462 = arith.cmpi sge, %add3A_459, %ge3A_461 : vector<1x128xi32>
    %jit3A_463 = arith.constant 4.000000e+00 : f32
    %jit3A_464 = arith.constant 0.000000e+00 : f32
    %broadcast_in_dim3A_465 = vector.broadcast %jit3A_463 : f32 to vector<1x128xf32>
    %broadcast_in_dim3A_466 = vector.broadcast %jit3A_464 : f32 to vector<1x128xf32>
    %select_n3A_467 = arith.select %ge3A_462, %broadcast_in_dim3A_465, %broadcast_in_dim3A_466 : vector<1x128xi1>, vector<1x128xf32>
    %scan3A_468 = arith.constant 0 : i32
    %scan3A_469 = arith.constant 128 : i32
    %scan3A_470 = arith.addi %scan3A_468, %scan3A_469 : i32
    %scan3A_471 = arith.constant 1 : i32
    %scan3A_472:7 = scf.for %scan3A_492 = %scan3A_468 to %scan3A_470 step %scan3A_471 iter_args(%scan3A_493 = %scan3A_437#0, %scan3A_494 = %scan3A_437#1, %scan3A_495 = %scan3A_437#2, %scan3A_496 = %scan3A_437#3, %scan3A_497 = %select_n3A_467, %scan3A_498 = %select_n3A_467, %scan3A_499 = %select_n3A_467) -> (vector<64x128xf32>, f32, f32, f32, vector<1x128xf32>, vector<1x128xf32>, vector<1x128xf32>)  : i32 {
      %sub3A = vector.broadcast %scan3A_494 : f32 to vector<64x128xf32>
      %sub3A_500 = arith.subf %get3A_3, %sub3A : vector<64x128xf32>
      %integer_pow3A = arith.mulf %sub3A_500, %sub3A_500 : vector<64x128xf32>
      %sub3A_501 = vector.broadcast %scan3A_495 : f32 to vector<64x128xf32>
      %sub3A_502 = arith.subf %get3A_8, %sub3A_501 : vector<64x128xf32>
      %integer_pow3A_503 = arith.mulf %sub3A_502, %sub3A_502 : vector<64x128xf32>
      %add3A_504 = arith.addf %integer_pow3A, %integer_pow3A_503 : vector<64x128xf32>
      %sub3A_505 = vector.broadcast %scan3A_496 : f32 to vector<64x128xf32>
      %sub3A_506 = arith.subf %get3A_13, %sub3A_505 : vector<64x128xf32>
      %integer_pow3A_507 = arith.mulf %sub3A_506, %sub3A_506 : vector<64x128xf32>
      %add3A_508 = arith.addf %add3A_504, %integer_pow3A_507 : vector<64x128xf32>
      %min3A = arith.minimumf %scan3A_493, %add3A_508 : vector<64x128xf32>
      %reduce_max3A = vector.shape_cast %min3A : vector<64x128xf32> to vector<1x64x128xf32>
      %reduce_max3A_509 = arith.constant dense<0xFF800000> : vector<1xf32>
      %reduce_max3A_510 = vector.multi_reduction <maximumf>, %reduce_max3A, %reduce_max3A_509 [1, 2] : vector<1x64x128xf32> to vector<1xf32>
      %reduce_max3A_511 = vector.shape_cast %reduce_max3A_510 : vector<1xf32> to vector<1x1x1xf32>
      %reduce_max3A_512 = vector.extract %reduce_max3A_511[0, 0, 0] : f32 from vector<1x1x1xf32>
      %eq3A_513 = vector.broadcast %reduce_max3A_512 : f32 to vector<64x128xf32>
      %eq3A_514 = arith.cmpf oeq, %min3A, %eq3A_513 : vector<64x128xf32>
      %jit3A_515 = arith.constant 1073741824 : i32
      %broadcast_in_dim3A_516 = vector.broadcast %jit3A_515 : i32 to vector<64x128xi32>
      %select_n3A_517 = arith.select %eq3A_514, %add3A, %broadcast_in_dim3A_516 : vector<64x128xi1>, vector<64x128xi32>
      %reduce_min3A = vector.shape_cast %select_n3A_517 : vector<64x128xi32> to vector<1x64x128xi32>
      %reduce_min3A_518 = arith.constant dense<2147483647> : vector<1xi32>
      %reduce_min3A_519 = vector.multi_reduction <minsi>, %reduce_min3A, %reduce_min3A_518 [1, 2] : vector<1x64x128xi32> to vector<1xi32>
      %reduce_min3A_520 = vector.shape_cast %reduce_min3A_519 : vector<1xi32> to vector<1x1x1xi32>
      %reduce_min3A_521 = vector.extract %reduce_min3A_520[0, 0, 0] : i32 from vector<1x1x1xi32>
      %jit3A_522 = arith.constant 128 : i32
      %div3A = arith.divsi %reduce_min3A_521, %jit3A_522 : i32
      %sign3A = arith.constant 0 : i32
      %sign3A_523 = arith.cmpi sgt, %reduce_min3A_521, %sign3A : i32
      %sign3A_524 = arith.extui %sign3A_523 : i1 to i32
      %sign3A_525 = arith.constant 0 : i32
      %sign3A_526 = arith.cmpi slt, %reduce_min3A_521, %sign3A_525 : i32
      %sign3A_527 = arith.extui %sign3A_526 : i1 to i32
      %sign3A_528 = arith.subi %sign3A_524, %sign3A_527 : i32
      %sign3A_529 = arith.constant 0 : i32
      %sign3A_530 = arith.cmpi sgt, %jit3A_522, %sign3A_529 : i32
      %sign3A_531 = arith.extui %sign3A_530 : i1 to i32
      %sign3A_532 = arith.constant 0 : i32
      %sign3A_533 = arith.cmpi slt, %jit3A_522, %sign3A_532 : i32
      %sign3A_534 = arith.extui %sign3A_533 : i1 to i32
      %sign3A_535 = arith.subi %sign3A_531, %sign3A_534 : i32
      %ne3A = arith.cmpi ne, %sign3A_528, %sign3A_535 : i32
      %rem3A = arith.remsi %reduce_min3A_521, %jit3A_522 : i32
      %ne3A_536 = arith.constant 0 : i32
      %ne3A_537 = arith.cmpi ne, %rem3A, %ne3A_536 : i32
      %and3A = arith.andi %ne3A, %ne3A_537 : i1
      %sub3A_538 = arith.constant 1 : i32
      %sub3A_539 = arith.subi %div3A, %sub3A_538 : i32
      %select_n3A_540 = arith.select %and3A, %sub3A_539, %div3A : i32
      %mul3A_541 = arith.constant 128 : i32
      %mul3A_542 = arith.muli %select_n3A_540, %mul3A_541 : i32
      %sub3A_543 = arith.subi %reduce_min3A_521, %mul3A_542 : i32
      %eq3A_544 = vector.broadcast %sub3A_543 : i32 to vector<1x128xi32>
      %eq3A_545 = arith.cmpi eq, %iota3A_17, %eq3A_544 : vector<1x128xi32>
      %get3A_546 = arith.constant 0 : index
      %get3A_547 = arith.index_cast %select_n3A_540 : i32 to index
      %get3A_548 = arith.constant 0 : index
      %get3A_549 = vector.load %arg0[%get3A_546, %get3A_547, %get3A_548] : memref<3x64x128xf32, #tpu.memory_space<vmem>>, vector<1x1x128xf32>
      %get3A_550 = vector.shape_cast %get3A_549 : vector<1x1x128xf32> to vector<1x128xf32>
      %get3A_551 = arith.constant 1 : index
      %get3A_552 = arith.index_cast %select_n3A_540 : i32 to index
      %get3A_553 = arith.constant 0 : index
      %get3A_554 = vector.load %arg0[%get3A_551, %get3A_552, %get3A_553] : memref<3x64x128xf32, #tpu.memory_space<vmem>>, vector<1x1x128xf32>
      %get3A_555 = vector.shape_cast %get3A_554 : vector<1x1x128xf32> to vector<1x128xf32>
      %get3A_556 = arith.constant 2 : index
      %get3A_557 = arith.index_cast %select_n3A_540 : i32 to index
      %get3A_558 = arith.constant 0 : index
      %get3A_559 = vector.load %arg0[%get3A_556, %get3A_557, %get3A_558] : memref<3x64x128xf32, #tpu.memory_space<vmem>>, vector<1x1x128xf32>
      %get3A_560 = vector.shape_cast %get3A_559 : vector<1x1x128xf32> to vector<1x128xf32>
      %jit3A_561 = arith.constant 0.000000e+00 : f32
      %broadcast_in_dim3A_562 = vector.broadcast %jit3A_561 : f32 to vector<1x128xf32>
      %select_n3A_563 = arith.select %eq3A_545, %get3A_550, %broadcast_in_dim3A_562 : vector<1x128xi1>, vector<1x128xf32>
      %reduce_sum3A = vector.shape_cast %select_n3A_563 : vector<1x128xf32> to vector<1x1x128xf32>
      %reduce_sum3A_564 = arith.constant dense<0.000000e+00> : vector<1xf32>
      %reduce_sum3A_565 = vector.multi_reduction <add>, %reduce_sum3A, %reduce_sum3A_564 [1, 2] : vector<1x1x128xf32> to vector<1xf32>
      %reduce_sum3A_566 = vector.shape_cast %reduce_sum3A_565 : vector<1xf32> to vector<1x1x1xf32>
      %reduce_sum3A_567 = vector.extract %reduce_sum3A_566[0, 0, 0] : f32 from vector<1x1x1xf32>
      %jit3A_568 = arith.constant 0.000000e+00 : f32
      %broadcast_in_dim3A_569 = vector.broadcast %jit3A_568 : f32 to vector<1x128xf32>
      %select_n3A_570 = arith.select %eq3A_545, %get3A_555, %broadcast_in_dim3A_569 : vector<1x128xi1>, vector<1x128xf32>
      %reduce_sum3A_571 = vector.shape_cast %select_n3A_570 : vector<1x128xf32> to vector<1x1x128xf32>
      %reduce_sum3A_572 = arith.constant dense<0.000000e+00> : vector<1xf32>
      %reduce_sum3A_573 = vector.multi_reduction <add>, %reduce_sum3A_571, %reduce_sum3A_572 [1, 2] : vector<1x1x128xf32> to vector<1xf32>
      %reduce_sum3A_574 = vector.shape_cast %reduce_sum3A_573 : vector<1xf32> to vector<1x1x1xf32>
      %reduce_sum3A_575 = vector.extract %reduce_sum3A_574[0, 0, 0] : f32 from vector<1x1x1xf32>
      %jit3A_576 = arith.constant 0.000000e+00 : f32
      %broadcast_in_dim3A_577 = vector.broadcast %jit3A_576 : f32 to vector<1x128xf32>
      %select_n3A_578 = arith.select %eq3A_545, %get3A_560, %broadcast_in_dim3A_577 : vector<1x128xi1>, vector<1x128xf32>
      %reduce_sum3A_579 = vector.shape_cast %select_n3A_578 : vector<1x128xf32> to vector<1x1x128xf32>
      %reduce_sum3A_580 = arith.constant dense<0.000000e+00> : vector<1xf32>
      %reduce_sum3A_581 = vector.multi_reduction <add>, %reduce_sum3A_579, %reduce_sum3A_580 [1, 2] : vector<1x1x128xf32> to vector<1xf32>
      %reduce_sum3A_582 = vector.shape_cast %reduce_sum3A_581 : vector<1xf32> to vector<1x1x1xf32>
      %reduce_sum3A_583 = vector.extract %reduce_sum3A_582[0, 0, 0] : f32 from vector<1x1x1xf32>
      %eq3A_584 = vector.broadcast %scan3A_492 : i32 to vector<1x128xi32>
      %eq3A_585 = arith.cmpi eq, %iota3A_17, %eq3A_584 : vector<1x128xi32>
      %add3A_586 = arith.constant 1536 : i32
      %add3A_587 = arith.addi %add3A_586, %scan3A_492 : i32
      %lt3A_588 = arith.constant 1639 : i32
      %lt3A_589 = arith.cmpi slt, %add3A_587, %lt3A_588 : i32
      %and3A_590 = vector.broadcast %lt3A_589 : i1 to vector<1x128xi1>
      %and3A_591 = arith.andi %eq3A_585, %and3A_590 : vector<1x128xi1>
      %broadcast_in_dim3A_592 = vector.broadcast %reduce_sum3A_567 : f32 to vector<1x128xf32>
      %select_n3A_593 = arith.select %and3A_591, %broadcast_in_dim3A_592, %scan3A_497 : vector<1x128xi1>, vector<1x128xf32>
      %broadcast_in_dim3A_594 = vector.broadcast %reduce_sum3A_575 : f32 to vector<1x128xf32>
      %select_n3A_595 = arith.select %and3A_591, %broadcast_in_dim3A_594, %scan3A_498 : vector<1x128xi1>, vector<1x128xf32>
      %broadcast_in_dim3A_596 = vector.broadcast %reduce_sum3A_583 : f32 to vector<1x128xf32>
      %select_n3A_597 = arith.select %and3A_591, %broadcast_in_dim3A_596, %scan3A_499 : vector<1x128xi1>, vector<1x128xf32>
      scf.yield %min3A, %reduce_sum3A_567, %reduce_sum3A_575, %reduce_sum3A_583, %select_n3A_593, %select_n3A_595, %select_n3A_597 : vector<64x128xf32>, f32, f32, f32, vector<1x128xf32>, vector<1x128xf32>, vector<1x128xf32>
    }
    %scan3A_473 = arith.constant 128 : i32
    %swap3A_474 = arith.constant 0 : index
    %swap3A_475 = arith.constant 12 : index
    %swap3A_476 = arith.constant 0 : index
    %swap3A_477 = vector.load %arg1[%swap3A_474, %swap3A_475, %swap3A_476] : memref<3x13x128xf32, #tpu.memory_space<vmem>>, vector<1x1x128xf32>
    %swap3A_478 = vector.shape_cast %swap3A_477 : vector<1x1x128xf32> to vector<1x128xf32>
    %swap3A_479 = vector.shape_cast %scan3A_472#4 : vector<1x128xf32> to vector<1x1x128xf32>
    tpu.vector_store %arg1[%swap3A_474, %swap3A_475, %swap3A_476], %swap3A_479 {strides = array<i32>} : memref<3x13x128xf32, #tpu.memory_space<vmem>>, vector<1x1x128xf32>,
    %swap3A_480 = arith.constant 1 : index
    %swap3A_481 = arith.constant 12 : index
    %swap3A_482 = arith.constant 0 : index
    %swap3A_483 = vector.load %arg1[%swap3A_480, %swap3A_481, %swap3A_482] : memref<3x13x128xf32, #tpu.memory_space<vmem>>, vector<1x1x128xf32>
    %swap3A_484 = vector.shape_cast %swap3A_483 : vector<1x1x128xf32> to vector<1x128xf32>
    %swap3A_485 = vector.shape_cast %scan3A_472#5 : vector<1x128xf32> to vector<1x1x128xf32>
    tpu.vector_store %arg1[%swap3A_480, %swap3A_481, %swap3A_482], %swap3A_485 {strides = array<i32>} : memref<3x13x128xf32, #tpu.memory_space<vmem>>, vector<1x1x128xf32>,
    %swap3A_486 = arith.constant 2 : index
    %swap3A_487 = arith.constant 12 : index
    %swap3A_488 = arith.constant 0 : index
    %swap3A_489 = vector.load %arg1[%swap3A_486, %swap3A_487, %swap3A_488] : memref<3x13x128xf32, #tpu.memory_space<vmem>>, vector<1x1x128xf32>
    %swap3A_490 = vector.shape_cast %swap3A_489 : vector<1x1x128xf32> to vector<1x128xf32>
    %swap3A_491 = vector.shape_cast %scan3A_472#6 : vector<1x128xf32> to vector<1x1x128xf32>
    tpu.vector_store %arg1[%swap3A_486, %swap3A_487, %swap3A_488], %swap3A_491 {strides = array<i32>} : memref<3x13x128xf32, #tpu.memory_space<vmem>>, vector<1x1x128xf32>,
    return
  }
}

module attributes {stable_mosaic.version = 14 : i64} {
  func.func @_fps_body(%arg0: memref<3x13x128xf32, #tpu.memory_space<vmem>>, %arg1: memref<3x4x128xf32, #tpu.memory_space<vmem>>) attributes {dimension_semantics = [], scalar_prefetch = 0 : i64, scratch_operands = 0 : i64, tpu.core_type = #tpu.core_type<tc>} {
    %get3A = arith.constant 0 : index
    %get3A_0 = arith.constant 0 : index
    %get3A_1 = arith.constant 0 : index
    %get3A_2 = vector.load %arg0[%get3A, %get3A_0, %get3A_1] : memref<3x13x128xf32, #tpu.memory_space<vmem>>, vector<1x13x128xf32>
    %get3A_3 = vector.shape_cast %get3A_2 : vector<1x13x128xf32> to vector<13x128xf32>
    %get3A_4 = arith.constant 1 : index
    %get3A_5 = arith.constant 0 : index
    %get3A_6 = arith.constant 0 : index
    %get3A_7 = vector.load %arg0[%get3A_4, %get3A_5, %get3A_6] : memref<3x13x128xf32, #tpu.memory_space<vmem>>, vector<1x13x128xf32>
    %get3A_8 = vector.shape_cast %get3A_7 : vector<1x13x128xf32> to vector<13x128xf32>
    %get3A_9 = arith.constant 2 : index
    %get3A_10 = arith.constant 0 : index
    %get3A_11 = arith.constant 0 : index
    %get3A_12 = vector.load %arg0[%get3A_9, %get3A_10, %get3A_11] : memref<3x13x128xf32, #tpu.memory_space<vmem>>, vector<1x13x128xf32>
    %get3A_13 = vector.shape_cast %get3A_12 : vector<1x13x128xf32> to vector<13x128xf32>
    %iota3A = tpu.iota {dimensions = array<i32: 0>} : vector<13x128xi32>
    %mul3A = arith.constant 128 : i32
    %mul3A_14 = vector.broadcast %mul3A : i32 to vector<13x128xi32>
    %mul3A_15 = arith.muli %iota3A, %mul3A_14 : vector<13x128xi32>
    %iota3A_16 = tpu.iota {dimensions = array<i32: 1>} : vector<13x128xi32>
    %add3A = arith.addi %mul3A_15, %iota3A_16 : vector<13x128xi32>
    %iota3A_17 = tpu.iota {dimensions = array<i32: 1>} : vector<1x128xi32>
    %slice3A = vector.extract_strided_slice %get3A_3 {offsets = [0, 0], sizes = [1, 1], strides = [1, 1]} : vector<13x128xf32> to vector<1x1xf32>
    %squeeze3A = vector.extract %slice3A[0, 0] : f32 from vector<1x1xf32>
    %slice3A_18 = vector.extract_strided_slice %get3A_8 {offsets = [0, 0], sizes = [1, 1], strides = [1, 1]} : vector<13x128xf32> to vector<1x1xf32>
    %squeeze3A_19 = vector.extract %slice3A_18[0, 0] : f32 from vector<1x1xf32>
    %slice3A_20 = vector.extract_strided_slice %get3A_13 {offsets = [0, 0], sizes = [1, 1], strides = [1, 1]} : vector<13x128xf32> to vector<1x1xf32>
    %squeeze3A_21 = vector.extract %slice3A_20[0, 0] : f32 from vector<1x1xf32>
    %lt3A = arith.constant 1639 : i32
    %lt3A_22 = vector.broadcast %lt3A : i32 to vector<13x128xi32>
    %lt3A_23 = arith.cmpi slt, %add3A, %lt3A_22 : vector<13x128xi32>
    %jit3A = arith.constant 0x7F800000 : f32
    %jit3A_24 = arith.constant -1.000000e+00 : f32
    %broadcast_in_dim3A = vector.broadcast %jit3A : f32 to vector<13x128xf32>
    %broadcast_in_dim3A_25 = vector.broadcast %jit3A_24 : f32 to vector<13x128xf32>
    %select_n3A = arith.select %lt3A_23, %broadcast_in_dim3A, %broadcast_in_dim3A_25 : vector<13x128xi1>, vector<13x128xf32>
    %add3A_26 = arith.constant 0 : i32
    %add3A_27 = vector.broadcast %add3A_26 : i32 to vector<1x128xi32>
    %add3A_28 = arith.addi %iota3A_17, %add3A_27 : vector<1x128xi32>
    %ge3A = arith.constant 410 : i32
    %ge3A_29 = vector.broadcast %ge3A : i32 to vector<1x128xi32>
    %ge3A_30 = arith.cmpi sge, %add3A_28, %ge3A_29 : vector<1x128xi32>
    %jit3A_31 = arith.constant 4.000000e+00 : f32
    %jit3A_32 = arith.constant 0.000000e+00 : f32
    %broadcast_in_dim3A_33 = vector.broadcast %jit3A_31 : f32 to vector<1x128xf32>
    %broadcast_in_dim3A_34 = vector.broadcast %jit3A_32 : f32 to vector<1x128xf32>
    %select_n3A_35 = arith.select %ge3A_30, %broadcast_in_dim3A_33, %broadcast_in_dim3A_34 : vector<1x128xi1>, vector<1x128xf32>
    %eq3A = arith.constant 0 : i32
    %eq3A_36 = vector.broadcast %eq3A : i32 to vector<1x128xi32>
    %eq3A_37 = arith.cmpi eq, %iota3A_17, %eq3A_36 : vector<1x128xi32>
    %broadcast_in_dim3A_38 = vector.broadcast %squeeze3A : f32 to vector<1x128xf32>
    %select_n3A_39 = arith.select %eq3A_37, %broadcast_in_dim3A_38, %select_n3A_35 : vector<1x128xi1>, vector<1x128xf32>
    %eq3A_40 = arith.constant 0 : i32
    %eq3A_41 = vector.broadcast %eq3A_40 : i32 to vector<1x128xi32>
    %eq3A_42 = arith.cmpi eq, %iota3A_17, %eq3A_41 : vector<1x128xi32>
    %broadcast_in_dim3A_43 = vector.broadcast %squeeze3A_19 : f32 to vector<1x128xf32>
    %select_n3A_44 = arith.select %eq3A_42, %broadcast_in_dim3A_43, %select_n3A_35 : vector<1x128xi1>, vector<1x128xf32>
    %eq3A_45 = arith.constant 0 : i32
    %eq3A_46 = vector.broadcast %eq3A_45 : i32 to vector<1x128xi32>
    %eq3A_47 = arith.cmpi eq, %iota3A_17, %eq3A_46 : vector<1x128xi32>
    %broadcast_in_dim3A_48 = vector.broadcast %squeeze3A_21 : f32 to vector<1x128xf32>
    %select_n3A_49 = arith.select %eq3A_47, %broadcast_in_dim3A_48, %select_n3A_35 : vector<1x128xi1>, vector<1x128xf32>
    %scan3A = arith.constant 1 : i32
    %scan3A_50 = arith.constant 127 : i32
    %scan3A_51 = arith.addi %scan3A, %scan3A_50 : i32
    %scan3A_52 = arith.constant 1 : i32
    %scan3A_53:7 = scf.for %scan3A_177 = %scan3A to %scan3A_51 step %scan3A_52 iter_args(%scan3A_178 = %select_n3A, %scan3A_179 = %squeeze3A, %scan3A_180 = %squeeze3A_19, %scan3A_181 = %squeeze3A_21, %scan3A_182 = %select_n3A_39, %scan3A_183 = %select_n3A_44, %scan3A_184 = %select_n3A_49) -> (vector<13x128xf32>, f32, f32, f32, vector<1x128xf32>, vector<1x128xf32>, vector<1x128xf32>)  : i32 {
      %sub3A = vector.broadcast %scan3A_179 : f32 to vector<13x128xf32>
      %sub3A_185 = arith.subf %get3A_3, %sub3A : vector<13x128xf32>
      %integer_pow3A = arith.mulf %sub3A_185, %sub3A_185 : vector<13x128xf32>
      %sub3A_186 = vector.broadcast %scan3A_180 : f32 to vector<13x128xf32>
      %sub3A_187 = arith.subf %get3A_8, %sub3A_186 : vector<13x128xf32>
      %integer_pow3A_188 = arith.mulf %sub3A_187, %sub3A_187 : vector<13x128xf32>
      %add3A_189 = arith.addf %integer_pow3A, %integer_pow3A_188 : vector<13x128xf32>
      %sub3A_190 = vector.broadcast %scan3A_181 : f32 to vector<13x128xf32>
      %sub3A_191 = arith.subf %get3A_13, %sub3A_190 : vector<13x128xf32>
      %integer_pow3A_192 = arith.mulf %sub3A_191, %sub3A_191 : vector<13x128xf32>
      %add3A_193 = arith.addf %add3A_189, %integer_pow3A_192 : vector<13x128xf32>
      %min3A = arith.minimumf %scan3A_178, %add3A_193 : vector<13x128xf32>
      %reduce_max3A = vector.shape_cast %min3A : vector<13x128xf32> to vector<1x13x128xf32>
      %reduce_max3A_194 = arith.constant dense<0xFF800000> : vector<1xf32>
      %reduce_max3A_195 = vector.multi_reduction <maximumf>, %reduce_max3A, %reduce_max3A_194 [1, 2] : vector<1x13x128xf32> to vector<1xf32>
      %reduce_max3A_196 = vector.shape_cast %reduce_max3A_195 : vector<1xf32> to vector<1x1x1xf32>
      %reduce_max3A_197 = vector.extract %reduce_max3A_196[0, 0, 0] : f32 from vector<1x1x1xf32>
      %eq3A_198 = vector.broadcast %reduce_max3A_197 : f32 to vector<13x128xf32>
      %eq3A_199 = arith.cmpf oeq, %min3A, %eq3A_198 : vector<13x128xf32>
      %jit3A_200 = arith.constant 1073741824 : i32
      %broadcast_in_dim3A_201 = vector.broadcast %jit3A_200 : i32 to vector<13x128xi32>
      %select_n3A_202 = arith.select %eq3A_199, %add3A, %broadcast_in_dim3A_201 : vector<13x128xi1>, vector<13x128xi32>
      %reduce_min3A = vector.shape_cast %select_n3A_202 : vector<13x128xi32> to vector<1x13x128xi32>
      %reduce_min3A_203 = arith.constant dense<2147483647> : vector<1xi32>
      %reduce_min3A_204 = vector.multi_reduction <minsi>, %reduce_min3A, %reduce_min3A_203 [1, 2] : vector<1x13x128xi32> to vector<1xi32>
      %reduce_min3A_205 = vector.shape_cast %reduce_min3A_204 : vector<1xi32> to vector<1x1x1xi32>
      %reduce_min3A_206 = vector.extract %reduce_min3A_205[0, 0, 0] : i32 from vector<1x1x1xi32>
      %jit3A_207 = arith.constant 128 : i32
      %div3A = arith.divsi %reduce_min3A_206, %jit3A_207 : i32
      %sign3A = arith.constant 0 : i32
      %sign3A_208 = arith.cmpi sgt, %reduce_min3A_206, %sign3A : i32
      %sign3A_209 = arith.extui %sign3A_208 : i1 to i32
      %sign3A_210 = arith.constant 0 : i32
      %sign3A_211 = arith.cmpi slt, %reduce_min3A_206, %sign3A_210 : i32
      %sign3A_212 = arith.extui %sign3A_211 : i1 to i32
      %sign3A_213 = arith.subi %sign3A_209, %sign3A_212 : i32
      %sign3A_214 = arith.constant 0 : i32
      %sign3A_215 = arith.cmpi sgt, %jit3A_207, %sign3A_214 : i32
      %sign3A_216 = arith.extui %sign3A_215 : i1 to i32
      %sign3A_217 = arith.constant 0 : i32
      %sign3A_218 = arith.cmpi slt, %jit3A_207, %sign3A_217 : i32
      %sign3A_219 = arith.extui %sign3A_218 : i1 to i32
      %sign3A_220 = arith.subi %sign3A_216, %sign3A_219 : i32
      %ne3A = arith.cmpi ne, %sign3A_213, %sign3A_220 : i32
      %rem3A = arith.remsi %reduce_min3A_206, %jit3A_207 : i32
      %ne3A_221 = arith.constant 0 : i32
      %ne3A_222 = arith.cmpi ne, %rem3A, %ne3A_221 : i32
      %and3A = arith.andi %ne3A, %ne3A_222 : i1
      %sub3A_223 = arith.constant 1 : i32
      %sub3A_224 = arith.subi %div3A, %sub3A_223 : i32
      %select_n3A_225 = arith.select %and3A, %sub3A_224, %div3A : i32
      %mul3A_226 = arith.constant 128 : i32
      %mul3A_227 = arith.muli %select_n3A_225, %mul3A_226 : i32
      %sub3A_228 = arith.subi %reduce_min3A_206, %mul3A_227 : i32
      %eq3A_229 = vector.broadcast %sub3A_228 : i32 to vector<1x128xi32>
      %eq3A_230 = arith.cmpi eq, %iota3A_17, %eq3A_229 : vector<1x128xi32>
      %get3A_231 = arith.constant 0 : index
      %get3A_232 = arith.index_cast %select_n3A_225 : i32 to index
      %get3A_233 = arith.constant 0 : index
      %get3A_234 = vector.load %arg0[%get3A_231, %get3A_232, %get3A_233] : memref<3x13x128xf32, #tpu.memory_space<vmem>>, vector<1x1x128xf32>
      %get3A_235 = vector.shape_cast %get3A_234 : vector<1x1x128xf32> to vector<1x128xf32>
      %get3A_236 = arith.constant 1 : index
      %get3A_237 = arith.index_cast %select_n3A_225 : i32 to index
      %get3A_238 = arith.constant 0 : index
      %get3A_239 = vector.load %arg0[%get3A_236, %get3A_237, %get3A_238] : memref<3x13x128xf32, #tpu.memory_space<vmem>>, vector<1x1x128xf32>
      %get3A_240 = vector.shape_cast %get3A_239 : vector<1x1x128xf32> to vector<1x128xf32>
      %get3A_241 = arith.constant 2 : index
      %get3A_242 = arith.index_cast %select_n3A_225 : i32 to index
      %get3A_243 = arith.constant 0 : index
      %get3A_244 = vector.load %arg0[%get3A_241, %get3A_242, %get3A_243] : memref<3x13x128xf32, #tpu.memory_space<vmem>>, vector<1x1x128xf32>
      %get3A_245 = vector.shape_cast %get3A_244 : vector<1x1x128xf32> to vector<1x128xf32>
      %jit3A_246 = arith.constant 0.000000e+00 : f32
      %broadcast_in_dim3A_247 = vector.broadcast %jit3A_246 : f32 to vector<1x128xf32>
      %select_n3A_248 = arith.select %eq3A_230, %get3A_235, %broadcast_in_dim3A_247 : vector<1x128xi1>, vector<1x128xf32>
      %reduce_sum3A = vector.shape_cast %select_n3A_248 : vector<1x128xf32> to vector<1x1x128xf32>
      %reduce_sum3A_249 = arith.constant dense<0.000000e+00> : vector<1xf32>
      %reduce_sum3A_250 = vector.multi_reduction <add>, %reduce_sum3A, %reduce_sum3A_249 [1, 2] : vector<1x1x128xf32> to vector<1xf32>
      %reduce_sum3A_251 = vector.shape_cast %reduce_sum3A_250 : vector<1xf32> to vector<1x1x1xf32>
      %reduce_sum3A_252 = vector.extract %reduce_sum3A_251[0, 0, 0] : f32 from vector<1x1x1xf32>
      %jit3A_253 = arith.constant 0.000000e+00 : f32
      %broadcast_in_dim3A_254 = vector.broadcast %jit3A_253 : f32 to vector<1x128xf32>
      %select_n3A_255 = arith.select %eq3A_230, %get3A_240, %broadcast_in_dim3A_254 : vector<1x128xi1>, vector<1x128xf32>
      %reduce_sum3A_256 = vector.shape_cast %select_n3A_255 : vector<1x128xf32> to vector<1x1x128xf32>
      %reduce_sum3A_257 = arith.constant dense<0.000000e+00> : vector<1xf32>
      %reduce_sum3A_258 = vector.multi_reduction <add>, %reduce_sum3A_256, %reduce_sum3A_257 [1, 2] : vector<1x1x128xf32> to vector<1xf32>
      %reduce_sum3A_259 = vector.shape_cast %reduce_sum3A_258 : vector<1xf32> to vector<1x1x1xf32>
      %reduce_sum3A_260 = vector.extract %reduce_sum3A_259[0, 0, 0] : f32 from vector<1x1x1xf32>
      %jit3A_261 = arith.constant 0.000000e+00 : f32
      %broadcast_in_dim3A_262 = vector.broadcast %jit3A_261 : f32 to vector<1x128xf32>
      %select_n3A_263 = arith.select %eq3A_230, %get3A_245, %broadcast_in_dim3A_262 : vector<1x128xi1>, vector<1x128xf32>
      %reduce_sum3A_264 = vector.shape_cast %select_n3A_263 : vector<1x128xf32> to vector<1x1x128xf32>
      %reduce_sum3A_265 = arith.constant dense<0.000000e+00> : vector<1xf32>
      %reduce_sum3A_266 = vector.multi_reduction <add>, %reduce_sum3A_264, %reduce_sum3A_265 [1, 2] : vector<1x1x128xf32> to vector<1xf32>
      %reduce_sum3A_267 = vector.shape_cast %reduce_sum3A_266 : vector<1xf32> to vector<1x1x1xf32>
      %reduce_sum3A_268 = vector.extract %reduce_sum3A_267[0, 0, 0] : f32 from vector<1x1x1xf32>
      %eq3A_269 = vector.broadcast %scan3A_177 : i32 to vector<1x128xi32>
      %eq3A_270 = arith.cmpi eq, %iota3A_17, %eq3A_269 : vector<1x128xi32>
      %add3A_271 = arith.constant 0 : i32
      %add3A_272 = arith.addi %add3A_271, %scan3A_177 : i32
      %lt3A_273 = arith.constant 410 : i32
      %lt3A_274 = arith.cmpi slt, %add3A_272, %lt3A_273 : i32
      %and3A_275 = vector.broadcast %lt3A_274 : i1 to vector<1x128xi1>
      %and3A_276 = arith.andi %eq3A_270, %and3A_275 : vector<1x128xi1>
      %broadcast_in_dim3A_277 = vector.broadcast %reduce_sum3A_252 : f32 to vector<1x128xf32>
      %select_n3A_278 = arith.select %and3A_276, %broadcast_in_dim3A_277, %scan3A_182 : vector<1x128xi1>, vector<1x128xf32>
      %broadcast_in_dim3A_279 = vector.broadcast %reduce_sum3A_260 : f32 to vector<1x128xf32>
      %select_n3A_280 = arith.select %and3A_276, %broadcast_in_dim3A_279, %scan3A_183 : vector<1x128xi1>, vector<1x128xf32>
      %broadcast_in_dim3A_281 = vector.broadcast %reduce_sum3A_268 : f32 to vector<1x128xf32>
      %select_n3A_282 = arith.select %and3A_276, %broadcast_in_dim3A_281, %scan3A_184 : vector<1x128xi1>, vector<1x128xf32>
      scf.yield %min3A, %reduce_sum3A_252, %reduce_sum3A_260, %reduce_sum3A_268, %select_n3A_278, %select_n3A_280, %select_n3A_282 : vector<13x128xf32>, f32, f32, f32, vector<1x128xf32>, vector<1x128xf32>, vector<1x128xf32>
    }
    %scan3A_54 = arith.constant 127 : i32
    %swap3A = arith.constant 0 : index
    %swap3A_55 = arith.constant 0 : index
    %swap3A_56 = arith.constant 0 : index
    %swap3A_57 = vector.load %arg1[%swap3A, %swap3A_55, %swap3A_56] : memref<3x4x128xf32, #tpu.memory_space<vmem>>, vector<1x1x128xf32>
    %swap3A_58 = vector.shape_cast %swap3A_57 : vector<1x1x128xf32> to vector<1x128xf32>
    %swap3A_59 = vector.shape_cast %scan3A_53#4 : vector<1x128xf32> to vector<1x1x128xf32>
    tpu.vector_store %arg1[%swap3A, %swap3A_55, %swap3A_56], %swap3A_59 {strides = array<i32>} : memref<3x4x128xf32, #tpu.memory_space<vmem>>, vector<1x1x128xf32>,
    %swap3A_60 = arith.constant 1 : index
    %swap3A_61 = arith.constant 0 : index
    %swap3A_62 = arith.constant 0 : index
    %swap3A_63 = vector.load %arg1[%swap3A_60, %swap3A_61, %swap3A_62] : memref<3x4x128xf32, #tpu.memory_space<vmem>>, vector<1x1x128xf32>
    %swap3A_64 = vector.shape_cast %swap3A_63 : vector<1x1x128xf32> to vector<1x128xf32>
    %swap3A_65 = vector.shape_cast %scan3A_53#5 : vector<1x128xf32> to vector<1x1x128xf32>
    tpu.vector_store %arg1[%swap3A_60, %swap3A_61, %swap3A_62], %swap3A_65 {strides = array<i32>} : memref<3x4x128xf32, #tpu.memory_space<vmem>>, vector<1x1x128xf32>,
    %swap3A_66 = arith.constant 2 : index
    %swap3A_67 = arith.constant 0 : index
    %swap3A_68 = arith.constant 0 : index
    %swap3A_69 = vector.load %arg1[%swap3A_66, %swap3A_67, %swap3A_68] : memref<3x4x128xf32, #tpu.memory_space<vmem>>, vector<1x1x128xf32>
    %swap3A_70 = vector.shape_cast %swap3A_69 : vector<1x1x128xf32> to vector<1x128xf32>
    %swap3A_71 = vector.shape_cast %scan3A_53#6 : vector<1x128xf32> to vector<1x1x128xf32>
    tpu.vector_store %arg1[%swap3A_66, %swap3A_67, %swap3A_68], %swap3A_71 {strides = array<i32>} : memref<3x4x128xf32, #tpu.memory_space<vmem>>, vector<1x1x128xf32>,
    %add3A_72 = arith.constant 128 : i32
    %add3A_73 = vector.broadcast %add3A_72 : i32 to vector<1x128xi32>
    %add3A_74 = arith.addi %iota3A_17, %add3A_73 : vector<1x128xi32>
    %ge3A_75 = arith.constant 410 : i32
    %ge3A_76 = vector.broadcast %ge3A_75 : i32 to vector<1x128xi32>
    %ge3A_77 = arith.cmpi sge, %add3A_74, %ge3A_76 : vector<1x128xi32>
    %jit3A_78 = arith.constant 4.000000e+00 : f32
    %jit3A_79 = arith.constant 0.000000e+00 : f32
    %broadcast_in_dim3A_80 = vector.broadcast %jit3A_78 : f32 to vector<1x128xf32>
    %broadcast_in_dim3A_81 = vector.broadcast %jit3A_79 : f32 to vector<1x128xf32>
    %select_n3A_82 = arith.select %ge3A_77, %broadcast_in_dim3A_80, %broadcast_in_dim3A_81 : vector<1x128xi1>, vector<1x128xf32>
    %scan3A_83 = arith.constant 0 : i32
    %scan3A_84 = arith.constant 128 : i32
    %scan3A_85 = arith.addi %scan3A_83, %scan3A_84 : i32
    %scan3A_86 = arith.constant 1 : i32
    %scan3A_87:7 = scf.for %scan3A_177 = %scan3A_83 to %scan3A_85 step %scan3A_86 iter_args(%scan3A_178 = %scan3A_53#0, %scan3A_179 = %scan3A_53#1, %scan3A_180 = %scan3A_53#2, %scan3A_181 = %scan3A_53#3, %scan3A_182 = %select_n3A_82, %scan3A_183 = %select_n3A_82, %scan3A_184 = %select_n3A_82) -> (vector<13x128xf32>, f32, f32, f32, vector<1x128xf32>, vector<1x128xf32>, vector<1x128xf32>)  : i32 {
      %sub3A = vector.broadcast %scan3A_179 : f32 to vector<13x128xf32>
      %sub3A_185 = arith.subf %get3A_3, %sub3A : vector<13x128xf32>
      %integer_pow3A = arith.mulf %sub3A_185, %sub3A_185 : vector<13x128xf32>
      %sub3A_186 = vector.broadcast %scan3A_180 : f32 to vector<13x128xf32>
      %sub3A_187 = arith.subf %get3A_8, %sub3A_186 : vector<13x128xf32>
      %integer_pow3A_188 = arith.mulf %sub3A_187, %sub3A_187 : vector<13x128xf32>
      %add3A_189 = arith.addf %integer_pow3A, %integer_pow3A_188 : vector<13x128xf32>
      %sub3A_190 = vector.broadcast %scan3A_181 : f32 to vector<13x128xf32>
      %sub3A_191 = arith.subf %get3A_13, %sub3A_190 : vector<13x128xf32>
      %integer_pow3A_192 = arith.mulf %sub3A_191, %sub3A_191 : vector<13x128xf32>
      %add3A_193 = arith.addf %add3A_189, %integer_pow3A_192 : vector<13x128xf32>
      %min3A = arith.minimumf %scan3A_178, %add3A_193 : vector<13x128xf32>
      %reduce_max3A = vector.shape_cast %min3A : vector<13x128xf32> to vector<1x13x128xf32>
      %reduce_max3A_194 = arith.constant dense<0xFF800000> : vector<1xf32>
      %reduce_max3A_195 = vector.multi_reduction <maximumf>, %reduce_max3A, %reduce_max3A_194 [1, 2] : vector<1x13x128xf32> to vector<1xf32>
      %reduce_max3A_196 = vector.shape_cast %reduce_max3A_195 : vector<1xf32> to vector<1x1x1xf32>
      %reduce_max3A_197 = vector.extract %reduce_max3A_196[0, 0, 0] : f32 from vector<1x1x1xf32>
      %eq3A_198 = vector.broadcast %reduce_max3A_197 : f32 to vector<13x128xf32>
      %eq3A_199 = arith.cmpf oeq, %min3A, %eq3A_198 : vector<13x128xf32>
      %jit3A_200 = arith.constant 1073741824 : i32
      %broadcast_in_dim3A_201 = vector.broadcast %jit3A_200 : i32 to vector<13x128xi32>
      %select_n3A_202 = arith.select %eq3A_199, %add3A, %broadcast_in_dim3A_201 : vector<13x128xi1>, vector<13x128xi32>
      %reduce_min3A = vector.shape_cast %select_n3A_202 : vector<13x128xi32> to vector<1x13x128xi32>
      %reduce_min3A_203 = arith.constant dense<2147483647> : vector<1xi32>
      %reduce_min3A_204 = vector.multi_reduction <minsi>, %reduce_min3A, %reduce_min3A_203 [1, 2] : vector<1x13x128xi32> to vector<1xi32>
      %reduce_min3A_205 = vector.shape_cast %reduce_min3A_204 : vector<1xi32> to vector<1x1x1xi32>
      %reduce_min3A_206 = vector.extract %reduce_min3A_205[0, 0, 0] : i32 from vector<1x1x1xi32>
      %jit3A_207 = arith.constant 128 : i32
      %div3A = arith.divsi %reduce_min3A_206, %jit3A_207 : i32
      %sign3A = arith.constant 0 : i32
      %sign3A_208 = arith.cmpi sgt, %reduce_min3A_206, %sign3A : i32
      %sign3A_209 = arith.extui %sign3A_208 : i1 to i32
      %sign3A_210 = arith.constant 0 : i32
      %sign3A_211 = arith.cmpi slt, %reduce_min3A_206, %sign3A_210 : i32
      %sign3A_212 = arith.extui %sign3A_211 : i1 to i32
      %sign3A_213 = arith.subi %sign3A_209, %sign3A_212 : i32
      %sign3A_214 = arith.constant 0 : i32
      %sign3A_215 = arith.cmpi sgt, %jit3A_207, %sign3A_214 : i32
      %sign3A_216 = arith.extui %sign3A_215 : i1 to i32
      %sign3A_217 = arith.constant 0 : i32
      %sign3A_218 = arith.cmpi slt, %jit3A_207, %sign3A_217 : i32
      %sign3A_219 = arith.extui %sign3A_218 : i1 to i32
      %sign3A_220 = arith.subi %sign3A_216, %sign3A_219 : i32
      %ne3A = arith.cmpi ne, %sign3A_213, %sign3A_220 : i32
      %rem3A = arith.remsi %reduce_min3A_206, %jit3A_207 : i32
      %ne3A_221 = arith.constant 0 : i32
      %ne3A_222 = arith.cmpi ne, %rem3A, %ne3A_221 : i32
      %and3A = arith.andi %ne3A, %ne3A_222 : i1
      %sub3A_223 = arith.constant 1 : i32
      %sub3A_224 = arith.subi %div3A, %sub3A_223 : i32
      %select_n3A_225 = arith.select %and3A, %sub3A_224, %div3A : i32
      %mul3A_226 = arith.constant 128 : i32
      %mul3A_227 = arith.muli %select_n3A_225, %mul3A_226 : i32
      %sub3A_228 = arith.subi %reduce_min3A_206, %mul3A_227 : i32
      %eq3A_229 = vector.broadcast %sub3A_228 : i32 to vector<1x128xi32>
      %eq3A_230 = arith.cmpi eq, %iota3A_17, %eq3A_229 : vector<1x128xi32>
      %get3A_231 = arith.constant 0 : index
      %get3A_232 = arith.index_cast %select_n3A_225 : i32 to index
      %get3A_233 = arith.constant 0 : index
      %get3A_234 = vector.load %arg0[%get3A_231, %get3A_232, %get3A_233] : memref<3x13x128xf32, #tpu.memory_space<vmem>>, vector<1x1x128xf32>
      %get3A_235 = vector.shape_cast %get3A_234 : vector<1x1x128xf32> to vector<1x128xf32>
      %get3A_236 = arith.constant 1 : index
      %get3A_237 = arith.index_cast %select_n3A_225 : i32 to index
      %get3A_238 = arith.constant 0 : index
      %get3A_239 = vector.load %arg0[%get3A_236, %get3A_237, %get3A_238] : memref<3x13x128xf32, #tpu.memory_space<vmem>>, vector<1x1x128xf32>
      %get3A_240 = vector.shape_cast %get3A_239 : vector<1x1x128xf32> to vector<1x128xf32>
      %get3A_241 = arith.constant 2 : index
      %get3A_242 = arith.index_cast %select_n3A_225 : i32 to index
      %get3A_243 = arith.constant 0 : index
      %get3A_244 = vector.load %arg0[%get3A_241, %get3A_242, %get3A_243] : memref<3x13x128xf32, #tpu.memory_space<vmem>>, vector<1x1x128xf32>
      %get3A_245 = vector.shape_cast %get3A_244 : vector<1x1x128xf32> to vector<1x128xf32>
      %jit3A_246 = arith.constant 0.000000e+00 : f32
      %broadcast_in_dim3A_247 = vector.broadcast %jit3A_246 : f32 to vector<1x128xf32>
      %select_n3A_248 = arith.select %eq3A_230, %get3A_235, %broadcast_in_dim3A_247 : vector<1x128xi1>, vector<1x128xf32>
      %reduce_sum3A = vector.shape_cast %select_n3A_248 : vector<1x128xf32> to vector<1x1x128xf32>
      %reduce_sum3A_249 = arith.constant dense<0.000000e+00> : vector<1xf32>
      %reduce_sum3A_250 = vector.multi_reduction <add>, %reduce_sum3A, %reduce_sum3A_249 [1, 2] : vector<1x1x128xf32> to vector<1xf32>
      %reduce_sum3A_251 = vector.shape_cast %reduce_sum3A_250 : vector<1xf32> to vector<1x1x1xf32>
      %reduce_sum3A_252 = vector.extract %reduce_sum3A_251[0, 0, 0] : f32 from vector<1x1x1xf32>
      %jit3A_253 = arith.constant 0.000000e+00 : f32
      %broadcast_in_dim3A_254 = vector.broadcast %jit3A_253 : f32 to vector<1x128xf32>
      %select_n3A_255 = arith.select %eq3A_230, %get3A_240, %broadcast_in_dim3A_254 : vector<1x128xi1>, vector<1x128xf32>
      %reduce_sum3A_256 = vector.shape_cast %select_n3A_255 : vector<1x128xf32> to vector<1x1x128xf32>
      %reduce_sum3A_257 = arith.constant dense<0.000000e+00> : vector<1xf32>
      %reduce_sum3A_258 = vector.multi_reduction <add>, %reduce_sum3A_256, %reduce_sum3A_257 [1, 2] : vector<1x1x128xf32> to vector<1xf32>
      %reduce_sum3A_259 = vector.shape_cast %reduce_sum3A_258 : vector<1xf32> to vector<1x1x1xf32>
      %reduce_sum3A_260 = vector.extract %reduce_sum3A_259[0, 0, 0] : f32 from vector<1x1x1xf32>
      %jit3A_261 = arith.constant 0.000000e+00 : f32
      %broadcast_in_dim3A_262 = vector.broadcast %jit3A_261 : f32 to vector<1x128xf32>
      %select_n3A_263 = arith.select %eq3A_230, %get3A_245, %broadcast_in_dim3A_262 : vector<1x128xi1>, vector<1x128xf32>
      %reduce_sum3A_264 = vector.shape_cast %select_n3A_263 : vector<1x128xf32> to vector<1x1x128xf32>
      %reduce_sum3A_265 = arith.constant dense<0.000000e+00> : vector<1xf32>
      %reduce_sum3A_266 = vector.multi_reduction <add>, %reduce_sum3A_264, %reduce_sum3A_265 [1, 2] : vector<1x1x128xf32> to vector<1xf32>
      %reduce_sum3A_267 = vector.shape_cast %reduce_sum3A_266 : vector<1xf32> to vector<1x1x1xf32>
      %reduce_sum3A_268 = vector.extract %reduce_sum3A_267[0, 0, 0] : f32 from vector<1x1x1xf32>
      %eq3A_269 = vector.broadcast %scan3A_177 : i32 to vector<1x128xi32>
      %eq3A_270 = arith.cmpi eq, %iota3A_17, %eq3A_269 : vector<1x128xi32>
      %add3A_271 = arith.constant 128 : i32
      %add3A_272 = arith.addi %add3A_271, %scan3A_177 : i32
      %lt3A_273 = arith.constant 410 : i32
      %lt3A_274 = arith.cmpi slt, %add3A_272, %lt3A_273 : i32
      %and3A_275 = vector.broadcast %lt3A_274 : i1 to vector<1x128xi1>
      %and3A_276 = arith.andi %eq3A_270, %and3A_275 : vector<1x128xi1>
      %broadcast_in_dim3A_277 = vector.broadcast %reduce_sum3A_252 : f32 to vector<1x128xf32>
      %select_n3A_278 = arith.select %and3A_276, %broadcast_in_dim3A_277, %scan3A_182 : vector<1x128xi1>, vector<1x128xf32>
      %broadcast_in_dim3A_279 = vector.broadcast %reduce_sum3A_260 : f32 to vector<1x128xf32>
      %select_n3A_280 = arith.select %and3A_276, %broadcast_in_dim3A_279, %scan3A_183 : vector<1x128xi1>, vector<1x128xf32>
      %broadcast_in_dim3A_281 = vector.broadcast %reduce_sum3A_268 : f32 to vector<1x128xf32>
      %select_n3A_282 = arith.select %and3A_276, %broadcast_in_dim3A_281, %scan3A_184 : vector<1x128xi1>, vector<1x128xf32>
      scf.yield %min3A, %reduce_sum3A_252, %reduce_sum3A_260, %reduce_sum3A_268, %select_n3A_278, %select_n3A_280, %select_n3A_282 : vector<13x128xf32>, f32, f32, f32, vector<1x128xf32>, vector<1x128xf32>, vector<1x128xf32>
    }
    %scan3A_88 = arith.constant 128 : i32
    %swap3A_89 = arith.constant 0 : index
    %swap3A_90 = arith.constant 1 : index
    %swap3A_91 = arith.constant 0 : index
    %swap3A_92 = vector.load %arg1[%swap3A_89, %swap3A_90, %swap3A_91] : memref<3x4x128xf32, #tpu.memory_space<vmem>>, vector<1x1x128xf32>
    %swap3A_93 = vector.shape_cast %swap3A_92 : vector<1x1x128xf32> to vector<1x128xf32>
    %swap3A_94 = vector.shape_cast %scan3A_87#4 : vector<1x128xf32> to vector<1x1x128xf32>
    tpu.vector_store %arg1[%swap3A_89, %swap3A_90, %swap3A_91], %swap3A_94 {strides = array<i32>} : memref<3x4x128xf32, #tpu.memory_space<vmem>>, vector<1x1x128xf32>,
    %swap3A_95 = arith.constant 1 : index
    %swap3A_96 = arith.constant 1 : index
    %swap3A_97 = arith.constant 0 : index
    %swap3A_98 = vector.load %arg1[%swap3A_95, %swap3A_96, %swap3A_97] : memref<3x4x128xf32, #tpu.memory_space<vmem>>, vector<1x1x128xf32>
    %swap3A_99 = vector.shape_cast %swap3A_98 : vector<1x1x128xf32> to vector<1x128xf32>
    %swap3A_100 = vector.shape_cast %scan3A_87#5 : vector<1x128xf32> to vector<1x1x128xf32>
    tpu.vector_store %arg1[%swap3A_95, %swap3A_96, %swap3A_97], %swap3A_100 {strides = array<i32>} : memref<3x4x128xf32, #tpu.memory_space<vmem>>, vector<1x1x128xf32>,
    %swap3A_101 = arith.constant 2 : index
    %swap3A_102 = arith.constant 1 : index
    %swap3A_103 = arith.constant 0 : index
    %swap3A_104 = vector.load %arg1[%swap3A_101, %swap3A_102, %swap3A_103] : memref<3x4x128xf32, #tpu.memory_space<vmem>>, vector<1x1x128xf32>
    %swap3A_105 = vector.shape_cast %swap3A_104 : vector<1x1x128xf32> to vector<1x128xf32>
    %swap3A_106 = vector.shape_cast %scan3A_87#6 : vector<1x128xf32> to vector<1x1x128xf32>
    tpu.vector_store %arg1[%swap3A_101, %swap3A_102, %swap3A_103], %swap3A_106 {strides = array<i32>} : memref<3x4x128xf32, #tpu.memory_space<vmem>>, vector<1x1x128xf32>,
    %add3A_107 = arith.constant 256 : i32
    %add3A_108 = vector.broadcast %add3A_107 : i32 to vector<1x128xi32>
    %add3A_109 = arith.addi %iota3A_17, %add3A_108 : vector<1x128xi32>
    %ge3A_110 = arith.constant 410 : i32
    %ge3A_111 = vector.broadcast %ge3A_110 : i32 to vector<1x128xi32>
    %ge3A_112 = arith.cmpi sge, %add3A_109, %ge3A_111 : vector<1x128xi32>
    %jit3A_113 = arith.constant 4.000000e+00 : f32
    %jit3A_114 = arith.constant 0.000000e+00 : f32
    %broadcast_in_dim3A_115 = vector.broadcast %jit3A_113 : f32 to vector<1x128xf32>
    %broadcast_in_dim3A_116 = vector.broadcast %jit3A_114 : f32 to vector<1x128xf32>
    %select_n3A_117 = arith.select %ge3A_112, %broadcast_in_dim3A_115, %broadcast_in_dim3A_116 : vector<1x128xi1>, vector<1x128xf32>
    %scan3A_118 = arith.constant 0 : i32
    %scan3A_119 = arith.constant 128 : i32
    %scan3A_120 = arith.addi %scan3A_118, %scan3A_119 : i32
    %scan3A_121 = arith.constant 1 : i32
    %scan3A_122:7 = scf.for %scan3A_177 = %scan3A_118 to %scan3A_120 step %scan3A_121 iter_args(%scan3A_178 = %scan3A_87#0, %scan3A_179 = %scan3A_87#1, %scan3A_180 = %scan3A_87#2, %scan3A_181 = %scan3A_87#3, %scan3A_182 = %select_n3A_117, %scan3A_183 = %select_n3A_117, %scan3A_184 = %select_n3A_117) -> (vector<13x128xf32>, f32, f32, f32, vector<1x128xf32>, vector<1x128xf32>, vector<1x128xf32>)  : i32 {
      %sub3A = vector.broadcast %scan3A_179 : f32 to vector<13x128xf32>
      %sub3A_185 = arith.subf %get3A_3, %sub3A : vector<13x128xf32>
      %integer_pow3A = arith.mulf %sub3A_185, %sub3A_185 : vector<13x128xf32>
      %sub3A_186 = vector.broadcast %scan3A_180 : f32 to vector<13x128xf32>
      %sub3A_187 = arith.subf %get3A_8, %sub3A_186 : vector<13x128xf32>
      %integer_pow3A_188 = arith.mulf %sub3A_187, %sub3A_187 : vector<13x128xf32>
      %add3A_189 = arith.addf %integer_pow3A, %integer_pow3A_188 : vector<13x128xf32>
      %sub3A_190 = vector.broadcast %scan3A_181 : f32 to vector<13x128xf32>
      %sub3A_191 = arith.subf %get3A_13, %sub3A_190 : vector<13x128xf32>
      %integer_pow3A_192 = arith.mulf %sub3A_191, %sub3A_191 : vector<13x128xf32>
      %add3A_193 = arith.addf %add3A_189, %integer_pow3A_192 : vector<13x128xf32>
      %min3A = arith.minimumf %scan3A_178, %add3A_193 : vector<13x128xf32>
      %reduce_max3A = vector.shape_cast %min3A : vector<13x128xf32> to vector<1x13x128xf32>
      %reduce_max3A_194 = arith.constant dense<0xFF800000> : vector<1xf32>
      %reduce_max3A_195 = vector.multi_reduction <maximumf>, %reduce_max3A, %reduce_max3A_194 [1, 2] : vector<1x13x128xf32> to vector<1xf32>
      %reduce_max3A_196 = vector.shape_cast %reduce_max3A_195 : vector<1xf32> to vector<1x1x1xf32>
      %reduce_max3A_197 = vector.extract %reduce_max3A_196[0, 0, 0] : f32 from vector<1x1x1xf32>
      %eq3A_198 = vector.broadcast %reduce_max3A_197 : f32 to vector<13x128xf32>
      %eq3A_199 = arith.cmpf oeq, %min3A, %eq3A_198 : vector<13x128xf32>
      %jit3A_200 = arith.constant 1073741824 : i32
      %broadcast_in_dim3A_201 = vector.broadcast %jit3A_200 : i32 to vector<13x128xi32>
      %select_n3A_202 = arith.select %eq3A_199, %add3A, %broadcast_in_dim3A_201 : vector<13x128xi1>, vector<13x128xi32>
      %reduce_min3A = vector.shape_cast %select_n3A_202 : vector<13x128xi32> to vector<1x13x128xi32>
      %reduce_min3A_203 = arith.constant dense<2147483647> : vector<1xi32>
      %reduce_min3A_204 = vector.multi_reduction <minsi>, %reduce_min3A, %reduce_min3A_203 [1, 2] : vector<1x13x128xi32> to vector<1xi32>
      %reduce_min3A_205 = vector.shape_cast %reduce_min3A_204 : vector<1xi32> to vector<1x1x1xi32>
      %reduce_min3A_206 = vector.extract %reduce_min3A_205[0, 0, 0] : i32 from vector<1x1x1xi32>
      %jit3A_207 = arith.constant 128 : i32
      %div3A = arith.divsi %reduce_min3A_206, %jit3A_207 : i32
      %sign3A = arith.constant 0 : i32
      %sign3A_208 = arith.cmpi sgt, %reduce_min3A_206, %sign3A : i32
      %sign3A_209 = arith.extui %sign3A_208 : i1 to i32
      %sign3A_210 = arith.constant 0 : i32
      %sign3A_211 = arith.cmpi slt, %reduce_min3A_206, %sign3A_210 : i32
      %sign3A_212 = arith.extui %sign3A_211 : i1 to i32
      %sign3A_213 = arith.subi %sign3A_209, %sign3A_212 : i32
      %sign3A_214 = arith.constant 0 : i32
      %sign3A_215 = arith.cmpi sgt, %jit3A_207, %sign3A_214 : i32
      %sign3A_216 = arith.extui %sign3A_215 : i1 to i32
      %sign3A_217 = arith.constant 0 : i32
      %sign3A_218 = arith.cmpi slt, %jit3A_207, %sign3A_217 : i32
      %sign3A_219 = arith.extui %sign3A_218 : i1 to i32
      %sign3A_220 = arith.subi %sign3A_216, %sign3A_219 : i32
      %ne3A = arith.cmpi ne, %sign3A_213, %sign3A_220 : i32
      %rem3A = arith.remsi %reduce_min3A_206, %jit3A_207 : i32
      %ne3A_221 = arith.constant 0 : i32
      %ne3A_222 = arith.cmpi ne, %rem3A, %ne3A_221 : i32
      %and3A = arith.andi %ne3A, %ne3A_222 : i1
      %sub3A_223 = arith.constant 1 : i32
      %sub3A_224 = arith.subi %div3A, %sub3A_223 : i32
      %select_n3A_225 = arith.select %and3A, %sub3A_224, %div3A : i32
      %mul3A_226 = arith.constant 128 : i32
      %mul3A_227 = arith.muli %select_n3A_225, %mul3A_226 : i32
      %sub3A_228 = arith.subi %reduce_min3A_206, %mul3A_227 : i32
      %eq3A_229 = vector.broadcast %sub3A_228 : i32 to vector<1x128xi32>
      %eq3A_230 = arith.cmpi eq, %iota3A_17, %eq3A_229 : vector<1x128xi32>
      %get3A_231 = arith.constant 0 : index
      %get3A_232 = arith.index_cast %select_n3A_225 : i32 to index
      %get3A_233 = arith.constant 0 : index
      %get3A_234 = vector.load %arg0[%get3A_231, %get3A_232, %get3A_233] : memref<3x13x128xf32, #tpu.memory_space<vmem>>, vector<1x1x128xf32>
      %get3A_235 = vector.shape_cast %get3A_234 : vector<1x1x128xf32> to vector<1x128xf32>
      %get3A_236 = arith.constant 1 : index
      %get3A_237 = arith.index_cast %select_n3A_225 : i32 to index
      %get3A_238 = arith.constant 0 : index
      %get3A_239 = vector.load %arg0[%get3A_236, %get3A_237, %get3A_238] : memref<3x13x128xf32, #tpu.memory_space<vmem>>, vector<1x1x128xf32>
      %get3A_240 = vector.shape_cast %get3A_239 : vector<1x1x128xf32> to vector<1x128xf32>
      %get3A_241 = arith.constant 2 : index
      %get3A_242 = arith.index_cast %select_n3A_225 : i32 to index
      %get3A_243 = arith.constant 0 : index
      %get3A_244 = vector.load %arg0[%get3A_241, %get3A_242, %get3A_243] : memref<3x13x128xf32, #tpu.memory_space<vmem>>, vector<1x1x128xf32>
      %get3A_245 = vector.shape_cast %get3A_244 : vector<1x1x128xf32> to vector<1x128xf32>
      %jit3A_246 = arith.constant 0.000000e+00 : f32
      %broadcast_in_dim3A_247 = vector.broadcast %jit3A_246 : f32 to vector<1x128xf32>
      %select_n3A_248 = arith.select %eq3A_230, %get3A_235, %broadcast_in_dim3A_247 : vector<1x128xi1>, vector<1x128xf32>
      %reduce_sum3A = vector.shape_cast %select_n3A_248 : vector<1x128xf32> to vector<1x1x128xf32>
      %reduce_sum3A_249 = arith.constant dense<0.000000e+00> : vector<1xf32>
      %reduce_sum3A_250 = vector.multi_reduction <add>, %reduce_sum3A, %reduce_sum3A_249 [1, 2] : vector<1x1x128xf32> to vector<1xf32>
      %reduce_sum3A_251 = vector.shape_cast %reduce_sum3A_250 : vector<1xf32> to vector<1x1x1xf32>
      %reduce_sum3A_252 = vector.extract %reduce_sum3A_251[0, 0, 0] : f32 from vector<1x1x1xf32>
      %jit3A_253 = arith.constant 0.000000e+00 : f32
      %broadcast_in_dim3A_254 = vector.broadcast %jit3A_253 : f32 to vector<1x128xf32>
      %select_n3A_255 = arith.select %eq3A_230, %get3A_240, %broadcast_in_dim3A_254 : vector<1x128xi1>, vector<1x128xf32>
      %reduce_sum3A_256 = vector.shape_cast %select_n3A_255 : vector<1x128xf32> to vector<1x1x128xf32>
      %reduce_sum3A_257 = arith.constant dense<0.000000e+00> : vector<1xf32>
      %reduce_sum3A_258 = vector.multi_reduction <add>, %reduce_sum3A_256, %reduce_sum3A_257 [1, 2] : vector<1x1x128xf32> to vector<1xf32>
      %reduce_sum3A_259 = vector.shape_cast %reduce_sum3A_258 : vector<1xf32> to vector<1x1x1xf32>
      %reduce_sum3A_260 = vector.extract %reduce_sum3A_259[0, 0, 0] : f32 from vector<1x1x1xf32>
      %jit3A_261 = arith.constant 0.000000e+00 : f32
      %broadcast_in_dim3A_262 = vector.broadcast %jit3A_261 : f32 to vector<1x128xf32>
      %select_n3A_263 = arith.select %eq3A_230, %get3A_245, %broadcast_in_dim3A_262 : vector<1x128xi1>, vector<1x128xf32>
      %reduce_sum3A_264 = vector.shape_cast %select_n3A_263 : vector<1x128xf32> to vector<1x1x128xf32>
      %reduce_sum3A_265 = arith.constant dense<0.000000e+00> : vector<1xf32>
      %reduce_sum3A_266 = vector.multi_reduction <add>, %reduce_sum3A_264, %reduce_sum3A_265 [1, 2] : vector<1x1x128xf32> to vector<1xf32>
      %reduce_sum3A_267 = vector.shape_cast %reduce_sum3A_266 : vector<1xf32> to vector<1x1x1xf32>
      %reduce_sum3A_268 = vector.extract %reduce_sum3A_267[0, 0, 0] : f32 from vector<1x1x1xf32>
      %eq3A_269 = vector.broadcast %scan3A_177 : i32 to vector<1x128xi32>
      %eq3A_270 = arith.cmpi eq, %iota3A_17, %eq3A_269 : vector<1x128xi32>
      %add3A_271 = arith.constant 256 : i32
      %add3A_272 = arith.addi %add3A_271, %scan3A_177 : i32
      %lt3A_273 = arith.constant 410 : i32
      %lt3A_274 = arith.cmpi slt, %add3A_272, %lt3A_273 : i32
      %and3A_275 = vector.broadcast %lt3A_274 : i1 to vector<1x128xi1>
      %and3A_276 = arith.andi %eq3A_270, %and3A_275 : vector<1x128xi1>
      %broadcast_in_dim3A_277 = vector.broadcast %reduce_sum3A_252 : f32 to vector<1x128xf32>
      %select_n3A_278 = arith.select %and3A_276, %broadcast_in_dim3A_277, %scan3A_182 : vector<1x128xi1>, vector<1x128xf32>
      %broadcast_in_dim3A_279 = vector.broadcast %reduce_sum3A_260 : f32 to vector<1x128xf32>
      %select_n3A_280 = arith.select %and3A_276, %broadcast_in_dim3A_279, %scan3A_183 : vector<1x128xi1>, vector<1x128xf32>
      %broadcast_in_dim3A_281 = vector.broadcast %reduce_sum3A_268 : f32 to vector<1x128xf32>
      %select_n3A_282 = arith.select %and3A_276, %broadcast_in_dim3A_281, %scan3A_184 : vector<1x128xi1>, vector<1x128xf32>
      scf.yield %min3A, %reduce_sum3A_252, %reduce_sum3A_260, %reduce_sum3A_268, %select_n3A_278, %select_n3A_280, %select_n3A_282 : vector<13x128xf32>, f32, f32, f32, vector<1x128xf32>, vector<1x128xf32>, vector<1x128xf32>
    }
    %scan3A_123 = arith.constant 128 : i32
    %swap3A_124 = arith.constant 0 : index
    %swap3A_125 = arith.constant 2 : index
    %swap3A_126 = arith.constant 0 : index
    %swap3A_127 = vector.load %arg1[%swap3A_124, %swap3A_125, %swap3A_126] : memref<3x4x128xf32, #tpu.memory_space<vmem>>, vector<1x1x128xf32>
    %swap3A_128 = vector.shape_cast %swap3A_127 : vector<1x1x128xf32> to vector<1x128xf32>
    %swap3A_129 = vector.shape_cast %scan3A_122#4 : vector<1x128xf32> to vector<1x1x128xf32>
    tpu.vector_store %arg1[%swap3A_124, %swap3A_125, %swap3A_126], %swap3A_129 {strides = array<i32>} : memref<3x4x128xf32, #tpu.memory_space<vmem>>, vector<1x1x128xf32>,
    %swap3A_130 = arith.constant 1 : index
    %swap3A_131 = arith.constant 2 : index
    %swap3A_132 = arith.constant 0 : index
    %swap3A_133 = vector.load %arg1[%swap3A_130, %swap3A_131, %swap3A_132] : memref<3x4x128xf32, #tpu.memory_space<vmem>>, vector<1x1x128xf32>
    %swap3A_134 = vector.shape_cast %swap3A_133 : vector<1x1x128xf32> to vector<1x128xf32>
    %swap3A_135 = vector.shape_cast %scan3A_122#5 : vector<1x128xf32> to vector<1x1x128xf32>
    tpu.vector_store %arg1[%swap3A_130, %swap3A_131, %swap3A_132], %swap3A_135 {strides = array<i32>} : memref<3x4x128xf32, #tpu.memory_space<vmem>>, vector<1x1x128xf32>,
    %swap3A_136 = arith.constant 2 : index
    %swap3A_137 = arith.constant 2 : index
    %swap3A_138 = arith.constant 0 : index
    %swap3A_139 = vector.load %arg1[%swap3A_136, %swap3A_137, %swap3A_138] : memref<3x4x128xf32, #tpu.memory_space<vmem>>, vector<1x1x128xf32>
    %swap3A_140 = vector.shape_cast %swap3A_139 : vector<1x1x128xf32> to vector<1x128xf32>
    %swap3A_141 = vector.shape_cast %scan3A_122#6 : vector<1x128xf32> to vector<1x1x128xf32>
    tpu.vector_store %arg1[%swap3A_136, %swap3A_137, %swap3A_138], %swap3A_141 {strides = array<i32>} : memref<3x4x128xf32, #tpu.memory_space<vmem>>, vector<1x1x128xf32>,
    %add3A_142 = arith.constant 384 : i32
    %add3A_143 = vector.broadcast %add3A_142 : i32 to vector<1x128xi32>
    %add3A_144 = arith.addi %iota3A_17, %add3A_143 : vector<1x128xi32>
    %ge3A_145 = arith.constant 410 : i32
    %ge3A_146 = vector.broadcast %ge3A_145 : i32 to vector<1x128xi32>
    %ge3A_147 = arith.cmpi sge, %add3A_144, %ge3A_146 : vector<1x128xi32>
    %jit3A_148 = arith.constant 4.000000e+00 : f32
    %jit3A_149 = arith.constant 0.000000e+00 : f32
    %broadcast_in_dim3A_150 = vector.broadcast %jit3A_148 : f32 to vector<1x128xf32>
    %broadcast_in_dim3A_151 = vector.broadcast %jit3A_149 : f32 to vector<1x128xf32>
    %select_n3A_152 = arith.select %ge3A_147, %broadcast_in_dim3A_150, %broadcast_in_dim3A_151 : vector<1x128xi1>, vector<1x128xf32>
    %scan3A_153 = arith.constant 0 : i32
    %scan3A_154 = arith.constant 128 : i32
    %scan3A_155 = arith.addi %scan3A_153, %scan3A_154 : i32
    %scan3A_156 = arith.constant 1 : i32
    %scan3A_157:7 = scf.for %scan3A_177 = %scan3A_153 to %scan3A_155 step %scan3A_156 iter_args(%scan3A_178 = %scan3A_122#0, %scan3A_179 = %scan3A_122#1, %scan3A_180 = %scan3A_122#2, %scan3A_181 = %scan3A_122#3, %scan3A_182 = %select_n3A_152, %scan3A_183 = %select_n3A_152, %scan3A_184 = %select_n3A_152) -> (vector<13x128xf32>, f32, f32, f32, vector<1x128xf32>, vector<1x128xf32>, vector<1x128xf32>)  : i32 {
      %sub3A = vector.broadcast %scan3A_179 : f32 to vector<13x128xf32>
      %sub3A_185 = arith.subf %get3A_3, %sub3A : vector<13x128xf32>
      %integer_pow3A = arith.mulf %sub3A_185, %sub3A_185 : vector<13x128xf32>
      %sub3A_186 = vector.broadcast %scan3A_180 : f32 to vector<13x128xf32>
      %sub3A_187 = arith.subf %get3A_8, %sub3A_186 : vector<13x128xf32>
      %integer_pow3A_188 = arith.mulf %sub3A_187, %sub3A_187 : vector<13x128xf32>
      %add3A_189 = arith.addf %integer_pow3A, %integer_pow3A_188 : vector<13x128xf32>
      %sub3A_190 = vector.broadcast %scan3A_181 : f32 to vector<13x128xf32>
      %sub3A_191 = arith.subf %get3A_13, %sub3A_190 : vector<13x128xf32>
      %integer_pow3A_192 = arith.mulf %sub3A_191, %sub3A_191 : vector<13x128xf32>
      %add3A_193 = arith.addf %add3A_189, %integer_pow3A_192 : vector<13x128xf32>
      %min3A = arith.minimumf %scan3A_178, %add3A_193 : vector<13x128xf32>
      %reduce_max3A = vector.shape_cast %min3A : vector<13x128xf32> to vector<1x13x128xf32>
      %reduce_max3A_194 = arith.constant dense<0xFF800000> : vector<1xf32>
      %reduce_max3A_195 = vector.multi_reduction <maximumf>, %reduce_max3A, %reduce_max3A_194 [1, 2] : vector<1x13x128xf32> to vector<1xf32>
      %reduce_max3A_196 = vector.shape_cast %reduce_max3A_195 : vector<1xf32> to vector<1x1x1xf32>
      %reduce_max3A_197 = vector.extract %reduce_max3A_196[0, 0, 0] : f32 from vector<1x1x1xf32>
      %eq3A_198 = vector.broadcast %reduce_max3A_197 : f32 to vector<13x128xf32>
      %eq3A_199 = arith.cmpf oeq, %min3A, %eq3A_198 : vector<13x128xf32>
      %jit3A_200 = arith.constant 1073741824 : i32
      %broadcast_in_dim3A_201 = vector.broadcast %jit3A_200 : i32 to vector<13x128xi32>
      %select_n3A_202 = arith.select %eq3A_199, %add3A, %broadcast_in_dim3A_201 : vector<13x128xi1>, vector<13x128xi32>
      %reduce_min3A = vector.shape_cast %select_n3A_202 : vector<13x128xi32> to vector<1x13x128xi32>
      %reduce_min3A_203 = arith.constant dense<2147483647> : vector<1xi32>
      %reduce_min3A_204 = vector.multi_reduction <minsi>, %reduce_min3A, %reduce_min3A_203 [1, 2] : vector<1x13x128xi32> to vector<1xi32>
      %reduce_min3A_205 = vector.shape_cast %reduce_min3A_204 : vector<1xi32> to vector<1x1x1xi32>
      %reduce_min3A_206 = vector.extract %reduce_min3A_205[0, 0, 0] : i32 from vector<1x1x1xi32>
      %jit3A_207 = arith.constant 128 : i32
      %div3A = arith.divsi %reduce_min3A_206, %jit3A_207 : i32
      %sign3A = arith.constant 0 : i32
      %sign3A_208 = arith.cmpi sgt, %reduce_min3A_206, %sign3A : i32
      %sign3A_209 = arith.extui %sign3A_208 : i1 to i32
      %sign3A_210 = arith.constant 0 : i32
      %sign3A_211 = arith.cmpi slt, %reduce_min3A_206, %sign3A_210 : i32
      %sign3A_212 = arith.extui %sign3A_211 : i1 to i32
      %sign3A_213 = arith.subi %sign3A_209, %sign3A_212 : i32
      %sign3A_214 = arith.constant 0 : i32
      %sign3A_215 = arith.cmpi sgt, %jit3A_207, %sign3A_214 : i32
      %sign3A_216 = arith.extui %sign3A_215 : i1 to i32
      %sign3A_217 = arith.constant 0 : i32
      %sign3A_218 = arith.cmpi slt, %jit3A_207, %sign3A_217 : i32
      %sign3A_219 = arith.extui %sign3A_218 : i1 to i32
      %sign3A_220 = arith.subi %sign3A_216, %sign3A_219 : i32
      %ne3A = arith.cmpi ne, %sign3A_213, %sign3A_220 : i32
      %rem3A = arith.remsi %reduce_min3A_206, %jit3A_207 : i32
      %ne3A_221 = arith.constant 0 : i32
      %ne3A_222 = arith.cmpi ne, %rem3A, %ne3A_221 : i32
      %and3A = arith.andi %ne3A, %ne3A_222 : i1
      %sub3A_223 = arith.constant 1 : i32
      %sub3A_224 = arith.subi %div3A, %sub3A_223 : i32
      %select_n3A_225 = arith.select %and3A, %sub3A_224, %div3A : i32
      %mul3A_226 = arith.constant 128 : i32
      %mul3A_227 = arith.muli %select_n3A_225, %mul3A_226 : i32
      %sub3A_228 = arith.subi %reduce_min3A_206, %mul3A_227 : i32
      %eq3A_229 = vector.broadcast %sub3A_228 : i32 to vector<1x128xi32>
      %eq3A_230 = arith.cmpi eq, %iota3A_17, %eq3A_229 : vector<1x128xi32>
      %get3A_231 = arith.constant 0 : index
      %get3A_232 = arith.index_cast %select_n3A_225 : i32 to index
      %get3A_233 = arith.constant 0 : index
      %get3A_234 = vector.load %arg0[%get3A_231, %get3A_232, %get3A_233] : memref<3x13x128xf32, #tpu.memory_space<vmem>>, vector<1x1x128xf32>
      %get3A_235 = vector.shape_cast %get3A_234 : vector<1x1x128xf32> to vector<1x128xf32>
      %get3A_236 = arith.constant 1 : index
      %get3A_237 = arith.index_cast %select_n3A_225 : i32 to index
      %get3A_238 = arith.constant 0 : index
      %get3A_239 = vector.load %arg0[%get3A_236, %get3A_237, %get3A_238] : memref<3x13x128xf32, #tpu.memory_space<vmem>>, vector<1x1x128xf32>
      %get3A_240 = vector.shape_cast %get3A_239 : vector<1x1x128xf32> to vector<1x128xf32>
      %get3A_241 = arith.constant 2 : index
      %get3A_242 = arith.index_cast %select_n3A_225 : i32 to index
      %get3A_243 = arith.constant 0 : index
      %get3A_244 = vector.load %arg0[%get3A_241, %get3A_242, %get3A_243] : memref<3x13x128xf32, #tpu.memory_space<vmem>>, vector<1x1x128xf32>
      %get3A_245 = vector.shape_cast %get3A_244 : vector<1x1x128xf32> to vector<1x128xf32>
      %jit3A_246 = arith.constant 0.000000e+00 : f32
      %broadcast_in_dim3A_247 = vector.broadcast %jit3A_246 : f32 to vector<1x128xf32>
      %select_n3A_248 = arith.select %eq3A_230, %get3A_235, %broadcast_in_dim3A_247 : vector<1x128xi1>, vector<1x128xf32>
      %reduce_sum3A = vector.shape_cast %select_n3A_248 : vector<1x128xf32> to vector<1x1x128xf32>
      %reduce_sum3A_249 = arith.constant dense<0.000000e+00> : vector<1xf32>
      %reduce_sum3A_250 = vector.multi_reduction <add>, %reduce_sum3A, %reduce_sum3A_249 [1, 2] : vector<1x1x128xf32> to vector<1xf32>
      %reduce_sum3A_251 = vector.shape_cast %reduce_sum3A_250 : vector<1xf32> to vector<1x1x1xf32>
      %reduce_sum3A_252 = vector.extract %reduce_sum3A_251[0, 0, 0] : f32 from vector<1x1x1xf32>
      %jit3A_253 = arith.constant 0.000000e+00 : f32
      %broadcast_in_dim3A_254 = vector.broadcast %jit3A_253 : f32 to vector<1x128xf32>
      %select_n3A_255 = arith.select %eq3A_230, %get3A_240, %broadcast_in_dim3A_254 : vector<1x128xi1>, vector<1x128xf32>
      %reduce_sum3A_256 = vector.shape_cast %select_n3A_255 : vector<1x128xf32> to vector<1x1x128xf32>
      %reduce_sum3A_257 = arith.constant dense<0.000000e+00> : vector<1xf32>
      %reduce_sum3A_258 = vector.multi_reduction <add>, %reduce_sum3A_256, %reduce_sum3A_257 [1, 2] : vector<1x1x128xf32> to vector<1xf32>
      %reduce_sum3A_259 = vector.shape_cast %reduce_sum3A_258 : vector<1xf32> to vector<1x1x1xf32>
      %reduce_sum3A_260 = vector.extract %reduce_sum3A_259[0, 0, 0] : f32 from vector<1x1x1xf32>
      %jit3A_261 = arith.constant 0.000000e+00 : f32
      %broadcast_in_dim3A_262 = vector.broadcast %jit3A_261 : f32 to vector<1x128xf32>
      %select_n3A_263 = arith.select %eq3A_230, %get3A_245, %broadcast_in_dim3A_262 : vector<1x128xi1>, vector<1x128xf32>
      %reduce_sum3A_264 = vector.shape_cast %select_n3A_263 : vector<1x128xf32> to vector<1x1x128xf32>
      %reduce_sum3A_265 = arith.constant dense<0.000000e+00> : vector<1xf32>
      %reduce_sum3A_266 = vector.multi_reduction <add>, %reduce_sum3A_264, %reduce_sum3A_265 [1, 2] : vector<1x1x128xf32> to vector<1xf32>
      %reduce_sum3A_267 = vector.shape_cast %reduce_sum3A_266 : vector<1xf32> to vector<1x1x1xf32>
      %reduce_sum3A_268 = vector.extract %reduce_sum3A_267[0, 0, 0] : f32 from vector<1x1x1xf32>
      %eq3A_269 = vector.broadcast %scan3A_177 : i32 to vector<1x128xi32>
      %eq3A_270 = arith.cmpi eq, %iota3A_17, %eq3A_269 : vector<1x128xi32>
      %add3A_271 = arith.constant 384 : i32
      %add3A_272 = arith.addi %add3A_271, %scan3A_177 : i32
      %lt3A_273 = arith.constant 410 : i32
      %lt3A_274 = arith.cmpi slt, %add3A_272, %lt3A_273 : i32
      %and3A_275 = vector.broadcast %lt3A_274 : i1 to vector<1x128xi1>
      %and3A_276 = arith.andi %eq3A_270, %and3A_275 : vector<1x128xi1>
      %broadcast_in_dim3A_277 = vector.broadcast %reduce_sum3A_252 : f32 to vector<1x128xf32>
      %select_n3A_278 = arith.select %and3A_276, %broadcast_in_dim3A_277, %scan3A_182 : vector<1x128xi1>, vector<1x128xf32>
      %broadcast_in_dim3A_279 = vector.broadcast %reduce_sum3A_260 : f32 to vector<1x128xf32>
      %select_n3A_280 = arith.select %and3A_276, %broadcast_in_dim3A_279, %scan3A_183 : vector<1x128xi1>, vector<1x128xf32>
      %broadcast_in_dim3A_281 = vector.broadcast %reduce_sum3A_268 : f32 to vector<1x128xf32>
      %select_n3A_282 = arith.select %and3A_276, %broadcast_in_dim3A_281, %scan3A_184 : vector<1x128xi1>, vector<1x128xf32>
      scf.yield %min3A, %reduce_sum3A_252, %reduce_sum3A_260, %reduce_sum3A_268, %select_n3A_278, %select_n3A_280, %select_n3A_282 : vector<13x128xf32>, f32, f32, f32, vector<1x128xf32>, vector<1x128xf32>, vector<1x128xf32>
    }
    %scan3A_158 = arith.constant 128 : i32
    %swap3A_159 = arith.constant 0 : index
    %swap3A_160 = arith.constant 3 : index
    %swap3A_161 = arith.constant 0 : index
    %swap3A_162 = vector.load %arg1[%swap3A_159, %swap3A_160, %swap3A_161] : memref<3x4x128xf32, #tpu.memory_space<vmem>>, vector<1x1x128xf32>
    %swap3A_163 = vector.shape_cast %swap3A_162 : vector<1x1x128xf32> to vector<1x128xf32>
    %swap3A_164 = vector.shape_cast %scan3A_157#4 : vector<1x128xf32> to vector<1x1x128xf32>
    tpu.vector_store %arg1[%swap3A_159, %swap3A_160, %swap3A_161], %swap3A_164 {strides = array<i32>} : memref<3x4x128xf32, #tpu.memory_space<vmem>>, vector<1x1x128xf32>,
    %swap3A_165 = arith.constant 1 : index
    %swap3A_166 = arith.constant 3 : index
    %swap3A_167 = arith.constant 0 : index
    %swap3A_168 = vector.load %arg1[%swap3A_165, %swap3A_166, %swap3A_167] : memref<3x4x128xf32, #tpu.memory_space<vmem>>, vector<1x1x128xf32>
    %swap3A_169 = vector.shape_cast %swap3A_168 : vector<1x1x128xf32> to vector<1x128xf32>
    %swap3A_170 = vector.shape_cast %scan3A_157#5 : vector<1x128xf32> to vector<1x1x128xf32>
    tpu.vector_store %arg1[%swap3A_165, %swap3A_166, %swap3A_167], %swap3A_170 {strides = array<i32>} : memref<3x4x128xf32, #tpu.memory_space<vmem>>, vector<1x1x128xf32>,
    %swap3A_171 = arith.constant 2 : index
    %swap3A_172 = arith.constant 3 : index
    %swap3A_173 = arith.constant 0 : index
    %swap3A_174 = vector.load %arg1[%swap3A_171, %swap3A_172, %swap3A_173] : memref<3x4x128xf32, #tpu.memory_space<vmem>>, vector<1x1x128xf32>
    %swap3A_175 = vector.shape_cast %swap3A_174 : vector<1x1x128xf32> to vector<1x128xf32>
    %swap3A_176 = vector.shape_cast %scan3A_157#6 : vector<1x128xf32> to vector<1x1x128xf32>
    tpu.vector_store %arg1[%swap3A_171, %swap3A_172, %swap3A_173], %swap3A_176 {strides = array<i32>} : memref<3x4x128xf32, #tpu.memory_space<vmem>>, vector<1x1x128xf32>,
    return
  }
}

module attributes {stable_mosaic.version = 14 : i64} {
  func.func @_thresh_body(%arg0: i32, %arg1: memref<128x8xf32, #tpu.memory_space<vmem>>, %arg2: memref<3x8192xf32, #tpu.memory_space<vmem>>, %arg3: memref<128x8192xf32, #tpu.memory_space<vmem>>, %arg4: memref<128xf32, #tpu.memory_space<vmem>>) attributes {dimension_semantics = [#tpu.dimension_semantics<arbitrary>], iteration_bounds = array<i64: 13>, scalar_prefetch = 0 : i64, scratch_operands = 0 : i64, tpu.core_type = #tpu.core_type<tc>, window_params = [{transform_indices = @transform_0, window_bounds = array<i64: 128, 8>}, {pipeline_mode = #tpu.pipeline_mode<synchronous>, transform_indices = @transform_1, window_bounds = array<i64: 3, 8192>}, {transform_indices = @transform_2, window_bounds = array<i64: 128, 8192>}, {transform_indices = @transform_3, window_bounds = array<i64: 128>}]} {
    %get3A = arith.constant 0 : index
    %get3A_0 = arith.constant 0 : index
    %get3A_1 = vector.load %arg1[%get3A, %get3A_0] : memref<128x8xf32, #tpu.memory_space<vmem>>, vector<128x1xf32>
    %get3A_2 = arith.constant 0 : index
    %get3A_3 = arith.constant 1 : index
    %get3A_4 = vector.load %arg1[%get3A_2, %get3A_3] : memref<128x8xf32, #tpu.memory_space<vmem>>, vector<128x1xf32>
    %get3A_5 = arith.constant 0 : index
    %get3A_6 = arith.constant 2 : index
    %get3A_7 = vector.load %arg1[%get3A_5, %get3A_6] : memref<128x8xf32, #tpu.memory_space<vmem>>, vector<128x1xf32>
    %get3A_8 = arith.constant 0 : index
    %get3A_9 = arith.constant 0 : index
    %get3A_10 = vector.load %arg2[%get3A_8, %get3A_9] : memref<3x8192xf32, #tpu.memory_space<vmem>>, vector<1x8192xf32>
    %get3A_11 = arith.constant 1 : index
    %get3A_12 = arith.constant 0 : index
    %get3A_13 = vector.load %arg2[%get3A_11, %get3A_12] : memref<3x8192xf32, #tpu.memory_space<vmem>>, vector<1x8192xf32>
    %get3A_14 = arith.constant 2 : index
    %get3A_15 = arith.constant 0 : index
    %get3A_16 = vector.load %arg2[%get3A_14, %get3A_15] : memref<3x8192xf32, #tpu.memory_space<vmem>>, vector<1x8192xf32>
    %sub3A = vector.broadcast %get3A_1 : vector<128x1xf32> to vector<128x8192xf32>
    %sub3A_17 = vector.broadcast %get3A_10 : vector<1x8192xf32> to vector<128x8192xf32>
    %sub3A_18 = arith.subf %sub3A, %sub3A_17 : vector<128x8192xf32>
    %integer_pow3A = arith.mulf %sub3A_18, %sub3A_18 : vector<128x8192xf32>
    %sub3A_19 = vector.broadcast %get3A_4 : vector<128x1xf32> to vector<128x8192xf32>
    %sub3A_20 = vector.broadcast %get3A_13 : vector<1x8192xf32> to vector<128x8192xf32>
    %sub3A_21 = arith.subf %sub3A_19, %sub3A_20 : vector<128x8192xf32>
    %integer_pow3A_22 = arith.mulf %sub3A_21, %sub3A_21 : vector<128x8192xf32>
    %add3A = arith.addf %integer_pow3A, %integer_pow3A_22 : vector<128x8192xf32>
    %sub3A_23 = vector.broadcast %get3A_7 : vector<128x1xf32> to vector<128x8192xf32>
    %sub3A_24 = vector.broadcast %get3A_16 : vector<1x8192xf32> to vector<128x8192xf32>
    %sub3A_25 = arith.subf %sub3A_23, %sub3A_24 : vector<128x8192xf32>
    %integer_pow3A_26 = arith.mulf %sub3A_25, %sub3A_25 : vector<128x8192xf32>
    %add3A_27 = arith.addf %add3A, %integer_pow3A_26 : vector<128x8192xf32>
    %iota3A = tpu.iota {dimensions = array<i32: 1>} : vector<128x8192xi32>
    %le3A = arith.constant 4.000000e-02 : f32
    %le3A_28 = vector.broadcast %le3A : f32 to vector<128x8192xf32>
    %le3A_29 = arith.cmpf ole, %add3A_27, %le3A_28 : vector<128x8192xf32>
    %lt3A = arith.constant 8192 : i32
    %lt3A_30 = vector.broadcast %lt3A : i32 to vector<128x8192xi32>
    %lt3A_31 = arith.cmpi slt, %iota3A, %lt3A_30 : vector<128x8192xi32>
    %and3A = arith.andi %le3A_29, %lt3A_31 : vector<128x8192xi1>
    %jit3A = arith.constant 0x7F800000 : f32
    %broadcast_in_dim3A = vector.broadcast %jit3A : f32 to vector<128x8192xf32>
    %select_n3A = arith.select %and3A, %add3A_27, %broadcast_in_dim3A : vector<128x8192xi1>, vector<128x8192xf32>
    %swap3A = arith.constant 0 : index
    %swap3A_32 = arith.constant 0 : index
    %swap3A_33 = vector.load %arg3[%swap3A, %swap3A_32] : memref<128x8192xf32, #tpu.memory_space<vmem>>, vector<128x8192xf32>
    tpu.vector_store %arg3[%swap3A, %swap3A_32], %select_n3A {strides = array<i32>} : memref<128x8192xf32, #tpu.memory_space<vmem>>, vector<128x8192xf32>,
    %bitcast_convert_type3A = tpu.bitcast %select_n3A : vector<128x8192xf32> -> vector<128x8192xi32>
    %broadcast_in_dim3A_34 = arith.constant 0 : i32
    %broadcast_in_dim3A_35 = vector.broadcast %broadcast_in_dim3A_34 : i32 to vector<128xi32>
    %scan3A = arith.constant 0 : i32
    %scan3A_36 = arith.constant 31 : i32
    %scan3A_37 = arith.addi %scan3A, %scan3A_36 : i32
    %scan3A_38 = arith.constant 1 : i32
    %scan3A_39 = scf.for %scan3A_46 = %scan3A to %scan3A_37 step %scan3A_38 iter_args(%scan3A_47 = %broadcast_in_dim3A_35) -> (vector<128xi32>)  : i32 {
      %sub3A_48 = arith.constant 30 : i32
      %sub3A_49 = arith.subi %sub3A_48, %scan3A_46 : i32
      %shift_left3A = arith.constant 1 : i32
      %shift_left3A_50 = arith.shli %shift_left3A, %sub3A_49 : i32
      %or3A = vector.broadcast %shift_left3A_50 : i32 to vector<128xi32>
      %or3A_51 = arith.ori %scan3A_47, %or3A : vector<128xi32>
      %broadcast_in_dim3A_52 = vector.shape_cast %or3A_51 : vector<128xi32> to vector<128x1xi32>
      %lt3A_53 = vector.broadcast %broadcast_in_dim3A_52 : vector<128x1xi32> to vector<128x8192xi32>
      %lt3A_54 = arith.cmpi slt, %bitcast_convert_type3A, %lt3A_53 : vector<128x8192xi32>
      %convert_element_type3A = arith.extui %lt3A_54 : vector<128x8192xi1> to vector<128x8192xi32>
      %reduce_sum3A = arith.constant dense<0> : vector<128xi32>
      %reduce_sum3A_55 = vector.multi_reduction <add>, %convert_element_type3A, %reduce_sum3A [1] : vector<128x8192xi32> to vector<128xi32>
      %lt3A_56 = arith.constant 64 : i32
      %lt3A_57 = vector.broadcast %lt3A_56 : i32 to vector<128xi32>
      %lt3A_58 = arith.cmpi slt, %reduce_sum3A_55, %lt3A_57 : vector<128xi32>
      %select_n3A_59 = arith.select %lt3A_58, %or3A_51, %scan3A_47 : vector<128xi1>, vector<128xi32>
      scf.yield %select_n3A_59 : vector<128xi32>
    }
    %scan3A_40 = arith.constant 31 : i32
    %bitcast_convert_type3A_41 = tpu.bitcast %scan3A_39 : vector<128xi32> -> vector<128xf32>
    %min3A = arith.constant 4.000000e-02 : f32
    %min3A_42 = vector.broadcast %min3A : f32 to vector<128xf32>
    %min3A_43 = arith.minimumf %bitcast_convert_type3A_41, %min3A_42 : vector<128xf32>
    %swap3A_44 = arith.constant 0 : index
    %swap3A_45 = vector.load %arg4[%swap3A_44] : memref<128xf32, #tpu.memory_space<vmem>>, vector<128xf32>
    tpu.vector_store %arg4[%swap3A_44], %min3A_43 {strides = array<i32>} : memref<128xf32, #tpu.memory_space<vmem>>, vector<128xf32>,
    return
  }
  func.func @transform_0(%arg0: i32) -> (i32, i32) {
    %c0_i32 = arith.constant 0 : i32
    %c0_i32_0 = arith.constant 0 : i32
    return %arg0, %c0_i32 : i32, i32
  }
  func.func @transform_1(%arg0: i32) -> (i32, i32) {
    %c0_i32 = arith.constant 0 : i32
    %c0_i32_0 = arith.constant 0 : i32
    %c0_i32_1 = arith.constant 0 : i32
    return %c0_i32, %c0_i32_0 : i32, i32
  }
  func.func @transform_2(%arg0: i32) -> (i32, i32) {
    %c0_i32 = arith.constant 0 : i32
    %c0_i32_0 = arith.constant 0 : i32
    return %arg0, %c0_i32 : i32, i32
  }
  func.func @transform_3(%arg0: i32) -> i32 {
    %c0_i32 = arith.constant 0 : i32
    return %arg0 : i32
  }
}

module attributes {stable_mosaic.version = 14 : i64} {
  func.func @_thresh_body(%arg0: i32, %arg1: memref<128x8xf32, #tpu.memory_space<vmem>>, %arg2: memref<3x1664xf32, #tpu.memory_space<vmem>>, %arg3: memref<128x1664xf32, #tpu.memory_space<vmem>>, %arg4: memref<128xf32, #tpu.memory_space<vmem>>) attributes {dimension_semantics = [#tpu.dimension_semantics<arbitrary>], iteration_bounds = array<i64: 4>, scalar_prefetch = 0 : i64, scratch_operands = 0 : i64, tpu.core_type = #tpu.core_type<tc>, window_params = [{transform_indices = @transform_0, window_bounds = array<i64: 128, 8>}, {pipeline_mode = #tpu.pipeline_mode<synchronous>, transform_indices = @transform_1, window_bounds = array<i64: 3, 1664>}, {transform_indices = @transform_2, window_bounds = array<i64: 128, 1664>}, {transform_indices = @transform_3, window_bounds = array<i64: 128>}]} {
    %get3A = arith.constant 0 : index
    %get3A_0 = arith.constant 0 : index
    %get3A_1 = vector.load %arg1[%get3A, %get3A_0] : memref<128x8xf32, #tpu.memory_space<vmem>>, vector<128x1xf32>
    %get3A_2 = arith.constant 0 : index
    %get3A_3 = arith.constant 1 : index
    %get3A_4 = vector.load %arg1[%get3A_2, %get3A_3] : memref<128x8xf32, #tpu.memory_space<vmem>>, vector<128x1xf32>
    %get3A_5 = arith.constant 0 : index
    %get3A_6 = arith.constant 2 : index
    %get3A_7 = vector.load %arg1[%get3A_5, %get3A_6] : memref<128x8xf32, #tpu.memory_space<vmem>>, vector<128x1xf32>
    %get3A_8 = arith.constant 0 : index
    %get3A_9 = arith.constant 0 : index
    %get3A_10 = vector.load %arg2[%get3A_8, %get3A_9] : memref<3x1664xf32, #tpu.memory_space<vmem>>, vector<1x1664xf32>
    %get3A_11 = arith.constant 1 : index
    %get3A_12 = arith.constant 0 : index
    %get3A_13 = vector.load %arg2[%get3A_11, %get3A_12] : memref<3x1664xf32, #tpu.memory_space<vmem>>, vector<1x1664xf32>
    %get3A_14 = arith.constant 2 : index
    %get3A_15 = arith.constant 0 : index
    %get3A_16 = vector.load %arg2[%get3A_14, %get3A_15] : memref<3x1664xf32, #tpu.memory_space<vmem>>, vector<1x1664xf32>
    %sub3A = vector.broadcast %get3A_1 : vector<128x1xf32> to vector<128x1664xf32>
    %sub3A_17 = vector.broadcast %get3A_10 : vector<1x1664xf32> to vector<128x1664xf32>
    %sub3A_18 = arith.subf %sub3A, %sub3A_17 : vector<128x1664xf32>
    %integer_pow3A = arith.mulf %sub3A_18, %sub3A_18 : vector<128x1664xf32>
    %sub3A_19 = vector.broadcast %get3A_4 : vector<128x1xf32> to vector<128x1664xf32>
    %sub3A_20 = vector.broadcast %get3A_13 : vector<1x1664xf32> to vector<128x1664xf32>
    %sub3A_21 = arith.subf %sub3A_19, %sub3A_20 : vector<128x1664xf32>
    %integer_pow3A_22 = arith.mulf %sub3A_21, %sub3A_21 : vector<128x1664xf32>
    %add3A = arith.addf %integer_pow3A, %integer_pow3A_22 : vector<128x1664xf32>
    %sub3A_23 = vector.broadcast %get3A_7 : vector<128x1xf32> to vector<128x1664xf32>
    %sub3A_24 = vector.broadcast %get3A_16 : vector<1x1664xf32> to vector<128x1664xf32>
    %sub3A_25 = arith.subf %sub3A_23, %sub3A_24 : vector<128x1664xf32>
    %integer_pow3A_26 = arith.mulf %sub3A_25, %sub3A_25 : vector<128x1664xf32>
    %add3A_27 = arith.addf %add3A, %integer_pow3A_26 : vector<128x1664xf32>
    %iota3A = tpu.iota {dimensions = array<i32: 1>} : vector<128x1664xi32>
    %le3A = arith.constant 1.600000e-01 : f32
    %le3A_28 = vector.broadcast %le3A : f32 to vector<128x1664xf32>
    %le3A_29 = arith.cmpf ole, %add3A_27, %le3A_28 : vector<128x1664xf32>
    %lt3A = arith.constant 1639 : i32
    %lt3A_30 = vector.broadcast %lt3A : i32 to vector<128x1664xi32>
    %lt3A_31 = arith.cmpi slt, %iota3A, %lt3A_30 : vector<128x1664xi32>
    %and3A = arith.andi %le3A_29, %lt3A_31 : vector<128x1664xi1>
    %jit3A = arith.constant 0x7F800000 : f32
    %broadcast_in_dim3A = vector.broadcast %jit3A : f32 to vector<128x1664xf32>
    %select_n3A = arith.select %and3A, %add3A_27, %broadcast_in_dim3A : vector<128x1664xi1>, vector<128x1664xf32>
    %swap3A = arith.constant 0 : index
    %swap3A_32 = arith.constant 0 : index
    %swap3A_33 = vector.load %arg3[%swap3A, %swap3A_32] : memref<128x1664xf32, #tpu.memory_space<vmem>>, vector<128x1664xf32>
    tpu.vector_store %arg3[%swap3A, %swap3A_32], %select_n3A {strides = array<i32>} : memref<128x1664xf32, #tpu.memory_space<vmem>>, vector<128x1664xf32>,
    %bitcast_convert_type3A = tpu.bitcast %select_n3A : vector<128x1664xf32> -> vector<128x1664xi32>
    %broadcast_in_dim3A_34 = arith.constant 0 : i32
    %broadcast_in_dim3A_35 = vector.broadcast %broadcast_in_dim3A_34 : i32 to vector<128xi32>
    %scan3A = arith.constant 0 : i32
    %scan3A_36 = arith.constant 31 : i32
    %scan3A_37 = arith.addi %scan3A, %scan3A_36 : i32
    %scan3A_38 = arith.constant 1 : i32
    %scan3A_39 = scf.for %scan3A_46 = %scan3A to %scan3A_37 step %scan3A_38 iter_args(%scan3A_47 = %broadcast_in_dim3A_35) -> (vector<128xi32>)  : i32 {
      %sub3A_48 = arith.constant 30 : i32
      %sub3A_49 = arith.subi %sub3A_48, %scan3A_46 : i32
      %shift_left3A = arith.constant 1 : i32
      %shift_left3A_50 = arith.shli %shift_left3A, %sub3A_49 : i32
      %or3A = vector.broadcast %shift_left3A_50 : i32 to vector<128xi32>
      %or3A_51 = arith.ori %scan3A_47, %or3A : vector<128xi32>
      %broadcast_in_dim3A_52 = vector.shape_cast %or3A_51 : vector<128xi32> to vector<128x1xi32>
      %lt3A_53 = vector.broadcast %broadcast_in_dim3A_52 : vector<128x1xi32> to vector<128x1664xi32>
      %lt3A_54 = arith.cmpi slt, %bitcast_convert_type3A, %lt3A_53 : vector<128x1664xi32>
      %convert_element_type3A = arith.extui %lt3A_54 : vector<128x1664xi1> to vector<128x1664xi32>
      %reduce_sum3A = arith.constant dense<0> : vector<128xi32>
      %reduce_sum3A_55 = vector.multi_reduction <add>, %convert_element_type3A, %reduce_sum3A [1] : vector<128x1664xi32> to vector<128xi32>
      %lt3A_56 = arith.constant 64 : i32
      %lt3A_57 = vector.broadcast %lt3A_56 : i32 to vector<128xi32>
      %lt3A_58 = arith.cmpi slt, %reduce_sum3A_55, %lt3A_57 : vector<128xi32>
      %select_n3A_59 = arith.select %lt3A_58, %or3A_51, %scan3A_47 : vector<128xi1>, vector<128xi32>
      scf.yield %select_n3A_59 : vector<128xi32>
    }
    %scan3A_40 = arith.constant 31 : i32
    %bitcast_convert_type3A_41 = tpu.bitcast %scan3A_39 : vector<128xi32> -> vector<128xf32>
    %min3A = arith.constant 1.600000e-01 : f32
    %min3A_42 = vector.broadcast %min3A : f32 to vector<128xf32>
    %min3A_43 = arith.minimumf %bitcast_convert_type3A_41, %min3A_42 : vector<128xf32>
    %swap3A_44 = arith.constant 0 : index
    %swap3A_45 = vector.load %arg4[%swap3A_44] : memref<128xf32, #tpu.memory_space<vmem>>, vector<128xf32>
    tpu.vector_store %arg4[%swap3A_44], %min3A_43 {strides = array<i32>} : memref<128xf32, #tpu.memory_space<vmem>>, vector<128xf32>,
    return
  }
  func.func @transform_0(%arg0: i32) -> (i32, i32) {
    %c0_i32 = arith.constant 0 : i32
    %c0_i32_0 = arith.constant 0 : i32
    return %arg0, %c0_i32 : i32, i32
  }
  func.func @transform_1(%arg0: i32) -> (i32, i32) {
    %c0_i32 = arith.constant 0 : i32
    %c0_i32_0 = arith.constant 0 : i32
    %c0_i32_1 = arith.constant 0 : i32
    return %c0_i32, %c0_i32_0 : i32, i32
  }
  func.func @transform_2(%arg0: i32) -> (i32, i32) {
    %c0_i32 = arith.constant 0 : i32
    %c0_i32_0 = arith.constant 0 : i32
    return %arg0, %c0_i32 : i32, i32
  }
  func.func @transform_3(%arg0: i32) -> i32 {
    %c0_i32 = arith.constant 0 : i32
    return %arg0 : i32
  }
}

module attributes {stable_mosaic.version = 14 : i64} {
  func.func @_conv_body(%arg0: i32, %arg1: memref<1024x16xf32, #tpu.memory_space<vmem>>, %arg2: memref<16x16xf32, #tpu.memory_space<vmem>>, %arg3: memref<16x1xi32, #tpu.memory_space<vmem>>, %arg4: memref<16x64xf32, #tpu.memory_space<vmem>>, %arg5: memref<1x64xf32, #tpu.memory_space<vmem>>, %arg6: memref<64x64xf32, #tpu.memory_space<vmem>>, %arg7: memref<1x64xf32, #tpu.memory_space<vmem>>, %arg8: memref<64x128xf32, #tpu.memory_space<vmem>>, %arg9: memref<1x128xf32, #tpu.memory_space<vmem>>, %arg10: memref<16x128xf32, #tpu.memory_space<vmem>>) attributes {dimension_semantics = [#tpu.dimension_semantics<arbitrary>], iteration_bounds = array<i64: 104>, scalar_prefetch = 0 : i64, scratch_operands = 0 : i64, tpu.core_type = #tpu.core_type<tc>, window_params = [{transform_indices = @transform_0, window_bounds = array<i64: 1024, 16>}, {transform_indices = @transform_1, window_bounds = array<i64: 16, 16>}, {transform_indices = @transform_2, window_bounds = array<i64: 16, 1>}, {pipeline_mode = #tpu.pipeline_mode<synchronous>, transform_indices = @transform_3, window_bounds = array<i64: 16, 64>}, {pipeline_mode = #tpu.pipeline_mode<synchronous>, transform_indices = @transform_4, window_bounds = array<i64: 1, 64>}, {pipeline_mode = #tpu.pipeline_mode<synchronous>, transform_indices = @transform_5, window_bounds = array<i64: 64, 64>}, {pipeline_mode = #tpu.pipeline_mode<synchronous>, transform_indices = @transform_6, window_bounds = array<i64: 1, 64>}, {pipeline_mode = #tpu.pipeline_mode<synchronous>, transform_indices = @transform_7, window_bounds = array<i64: 64, 128>}, {pipeline_mode = #tpu.pipeline_mode<synchronous>, transform_indices = @transform_8, window_bounds = array<i64: 1, 128>}, {transform_indices = @transform_9, window_bounds = array<i64: 16, 128>}]} {
    %iota3A = tpu.iota {dimensions = array<i32: 0>} : vector<1024x16xi32>
    %jit3A = arith.constant 64 : i32
    %div3A = vector.broadcast %jit3A : i32 to vector<1024x16xi32>
    %div3A_0 = arith.divsi %iota3A, %div3A : vector<1024x16xi32>
    %sign3A = arith.constant 0 : i32
    %sign3A_1 = vector.broadcast %sign3A : i32 to vector<1024x16xi32>
    %sign3A_2 = arith.cmpi sgt, %iota3A, %sign3A_1 : vector<1024x16xi32>
    %sign3A_3 = arith.extui %sign3A_2 : vector<1024x16xi1> to vector<1024x16xi32>
    %sign3A_4 = arith.constant 0 : i32
    %sign3A_5 = vector.broadcast %sign3A_4 : i32 to vector<1024x16xi32>
    %sign3A_6 = arith.cmpi slt, %iota3A, %sign3A_5 : vector<1024x16xi32>
    %sign3A_7 = arith.extui %sign3A_6 : vector<1024x16xi1> to vector<1024x16xi32>
    %sign3A_8 = arith.subi %sign3A_3, %sign3A_7 : vector<1024x16xi32>
    %sign3A_9 = arith.constant 0 : i32
    %sign3A_10 = arith.cmpi sgt, %jit3A, %sign3A_9 : i32
    %sign3A_11 = arith.extui %sign3A_10 : i1 to i32
    %sign3A_12 = arith.constant 0 : i32
    %sign3A_13 = arith.cmpi slt, %jit3A, %sign3A_12 : i32
    %sign3A_14 = arith.extui %sign3A_13 : i1 to i32
    %sign3A_15 = arith.subi %sign3A_11, %sign3A_14 : i32
    %ne3A = vector.broadcast %sign3A_15 : i32 to vector<1024x16xi32>
    %ne3A_16 = arith.cmpi ne, %sign3A_8, %ne3A : vector<1024x16xi32>
    %rem3A = vector.broadcast %jit3A : i32 to vector<1024x16xi32>
    %rem3A_17 = arith.remsi %iota3A, %rem3A : vector<1024x16xi32>
    %ne3A_18 = arith.constant 0 : i32
    %ne3A_19 = vector.broadcast %ne3A_18 : i32 to vector<1024x16xi32>
    %ne3A_20 = arith.cmpi ne, %rem3A_17, %ne3A_19 : vector<1024x16xi32>
    %and3A = arith.andi %ne3A_16, %ne3A_20 : vector<1024x16xi1>
    %sub3A = arith.constant 1 : i32
    %sub3A_21 = vector.broadcast %sub3A : i32 to vector<1024x16xi32>
    %sub3A_22 = arith.subi %div3A_0, %sub3A_21 : vector<1024x16xi32>
    %select_n3A = arith.select %and3A, %sub3A_22, %div3A_0 : vector<1024x16xi1>, vector<1024x16xi32>
    %iota3A_23 = tpu.iota {dimensions = array<i32: 1>} : vector<1024x16xi32>
    %eq3A = arith.cmpi eq, %select_n3A, %iota3A_23 : vector<1024x16xi32>
    %convert_element_type3A = arith.extui %eq3A : vector<1024x16xi1> to vector<1024x16xi32>
    %convert_element_type3A_24 = arith.sitofp %convert_element_type3A : vector<1024x16xi32> to vector<1024x16xf32>
    %get3A = arith.constant 0 : index
    %get3A_25 = arith.constant 0 : index
    %get3A_26 = vector.load %arg2[%get3A, %get3A_25] : memref<16x16xf32, #tpu.memory_space<vmem>>, vector<16x16xf32>
    %dot_general3A = arith.constant dense<0.000000e+00> : vector<1024x16xf32>
    %dot_general3A_27 = tpu.matmul %convert_element_type3A_24, %get3A_26, %dot_general3A {dimension_numbers = #tpu.dot_dimension_numbers<[1], [0], [0], [1], [0, 0, 1, 1], [], []>, precision = #tpu.contract_precision<fp32>, transpose_lhs_hint = false} : vector<1024x16xf32>, vector<16x16xf32>, vector<1024x16xf32> -> vector<1024x16xf32>
    %get3A_28 = arith.constant 0 : index
    %get3A_29 = arith.constant 0 : index
    %get3A_30 = vector.load %arg1[%get3A_28, %get3A_29] : memref<1024x16xf32, #tpu.memory_space<vmem>>, vector<1024x16xf32>
    %sub3A_31 = arith.subf %get3A_30, %dot_general3A_27 : vector<1024x16xf32>
    %get3A_32 = arith.constant 0 : index
    %get3A_33 = arith.constant 0 : index
    %get3A_34 = vector.load %arg4[%get3A_32, %get3A_33] : memref<16x64xf32, #tpu.memory_space<vmem>>, vector<16x64xf32>
    %dot_general3A_35 = arith.constant dense<0.000000e+00> : vector<1024x64xf32>
    %dot_general3A_36 = tpu.matmul %sub3A_31, %get3A_34, %dot_general3A_35 {dimension_numbers = #tpu.dot_dimension_numbers<[1], [0], [0], [1], [0, 0, 1, 1], [], []>, transpose_lhs_hint = false} : vector<1024x16xf32>, vector<16x64xf32>, vector<1024x64xf32> -> vector<1024x64xf32>
    %get3A_37 = arith.constant 0 : index
    %get3A_38 = arith.constant 0 : index
    %get3A_39 = vector.load %arg5[%get3A_37, %get3A_38] : memref<1x64xf32, #tpu.memory_space<vmem>>, vector<1x64xf32>
    %add3A = vector.broadcast %get3A_39 : vector<1x64xf32> to vector<1024x64xf32>
    %add3A_40 = arith.addf %dot_general3A_36, %add3A : vector<1024x64xf32>
    %max3A = arith.constant 0.000000e+00 : f32
    %max3A_41 = vector.broadcast %max3A : f32 to vector<1024x64xf32>
    %max3A_42 = arith.maximumf %add3A_40, %max3A_41 : vector<1024x64xf32>
    %get3A_43 = arith.constant 0 : index
    %get3A_44 = arith.constant 0 : index
    %get3A_45 = vector.load %arg6[%get3A_43, %get3A_44] : memref<64x64xf32, #tpu.memory_space<vmem>>, vector<64x64xf32>
    %dot_general3A_46 = arith.constant dense<0.000000e+00> : vector<1024x64xf32>
    %dot_general3A_47 = tpu.matmul %max3A_42, %get3A_45, %dot_general3A_46 {dimension_numbers = #tpu.dot_dimension_numbers<[1], [0], [0], [1], [0, 0, 1, 1], [], []>, transpose_lhs_hint = false} : vector<1024x64xf32>, vector<64x64xf32>, vector<1024x64xf32> -> vector<1024x64xf32>
    %get3A_48 = arith.constant 0 : index
    %get3A_49 = arith.constant 0 : index
    %get3A_50 = vector.load %arg7[%get3A_48, %get3A_49] : memref<1x64xf32, #tpu.memory_space<vmem>>, vector<1x64xf32>
    %add3A_51 = vector.broadcast %get3A_50 : vector<1x64xf32> to vector<1024x64xf32>
    %add3A_52 = arith.addf %dot_general3A_47, %add3A_51 : vector<1024x64xf32>
    %max3A_53 = arith.constant 0.000000e+00 : f32
    %max3A_54 = vector.broadcast %max3A_53 : f32 to vector<1024x64xf32>
    %max3A_55 = arith.maximumf %add3A_52, %max3A_54 : vector<1024x64xf32>
    %get3A_56 = arith.constant 0 : index
    %get3A_57 = arith.constant 0 : index
    %get3A_58 = vector.load %arg8[%get3A_56, %get3A_57] : memref<64x128xf32, #tpu.memory_space<vmem>>, vector<64x128xf32>
    %dot_general3A_59 = arith.constant dense<0.000000e+00> : vector<1024x128xf32>
    %dot_general3A_60 = tpu.matmul %max3A_55, %get3A_58, %dot_general3A_59 {dimension_numbers = #tpu.dot_dimension_numbers<[1], [0], [0], [1], [0, 0, 1, 1], [], []>, transpose_lhs_hint = false} : vector<1024x64xf32>, vector<64x128xf32>, vector<1024x128xf32> -> vector<1024x128xf32>
    %get3A_61 = arith.constant 0 : index
    %get3A_62 = arith.constant 0 : index
    %get3A_63 = vector.load %arg9[%get3A_61, %get3A_62] : memref<1x128xf32, #tpu.memory_space<vmem>>, vector<1x128xf32>
    %add3A_64 = vector.broadcast %get3A_63 : vector<1x128xf32> to vector<1024x128xf32>
    %add3A_65 = arith.addf %dot_general3A_60, %add3A_64 : vector<1024x128xf32>
    %reshape3A = vector.shape_cast %add3A_65 : vector<1024x128xf32> to vector<16x64x128xf32>
    %iota3A_66 = tpu.iota {dimensions = array<i32: 1>} : vector<16x64x1xi32>
    %get3A_67 = arith.constant 0 : index
    %get3A_68 = arith.constant 0 : index
    %get3A_69 = vector.load %arg3[%get3A_67, %get3A_68] : memref<16x1xi32, #tpu.memory_space<vmem>>, vector<16x1xi32>
    %broadcast_in_dim3A = vector.shape_cast %get3A_69 : vector<16x1xi32> to vector<16x1x1xi32>
    %lt3A = vector.broadcast %broadcast_in_dim3A : vector<16x1x1xi32> to vector<16x64x1xi32>
    %lt3A_70 = arith.cmpi slt, %iota3A_66, %lt3A : vector<16x64x1xi32>
    %jit3A_71 = arith.constant -1.000000e+30 : f32
    %broadcast_in_dim3A_72 = vector.shape_cast %lt3A_70 : vector<16x64x1xi1> to vector<16x64x1xi1>
    %broadcast_in_dim3A_73 = vector.broadcast %broadcast_in_dim3A_72 : vector<16x64x1xi1> to vector<16x64x128xi1>
    %broadcast_in_dim3A_74 = vector.broadcast %jit3A_71 : f32 to vector<16x64x128xf32>
    %select_n3A_75 = arith.select %broadcast_in_dim3A_73, %reshape3A, %broadcast_in_dim3A_74 : vector<16x64x128xi1>, vector<16x64x128xf32>
    %reduce_max3A = arith.constant dense<0xFF800000> : vector<16x128xf32>
    %reduce_max3A_76 = vector.multi_reduction <maximumf>, %select_n3A_75, %reduce_max3A [1] : vector<16x64x128xf32> to vector<16x128xf32>
    %le3A = arith.constant -1.000000e+29 : f32
    %le3A_77 = vector.broadcast %le3A : f32 to vector<16x128xf32>
    %le3A_78 = arith.cmpf ole, %reduce_max3A_76, %le3A_77 : vector<16x128xf32>
    %jit3A_79 = arith.constant 0.000000e+00 : f32
    %broadcast_in_dim3A_80 = vector.broadcast %jit3A_79 : f32 to vector<16x128xf32>
    %select_n3A_81 = arith.select %le3A_78, %broadcast_in_dim3A_80, %reduce_max3A_76 : vector<16x128xi1>, vector<16x128xf32>
    %swap3A = arith.constant 0 : index
    %swap3A_82 = arith.constant 0 : index
    %swap3A_83 = vector.load %arg10[%swap3A, %swap3A_82] : memref<16x128xf32, #tpu.memory_space<vmem>>, vector<16x128xf32>
    tpu.vector_store %arg10[%swap3A, %swap3A_82], %select_n3A_81 {strides = array<i32>} : memref<16x128xf32, #tpu.memory_space<vmem>>, vector<16x128xf32>,
    return
  }
  func.func @transform_0(%arg0: i32) -> (i32, i32) {
    %c0_i32 = arith.constant 0 : i32
    %c0_i32_0 = arith.constant 0 : i32
    return %arg0, %c0_i32 : i32, i32
  }
  func.func @transform_1(%arg0: i32) -> (i32, i32) {
    %c0_i32 = arith.constant 0 : i32
    %c0_i32_0 = arith.constant 0 : i32
    return %arg0, %c0_i32 : i32, i32
  }
  func.func @transform_2(%arg0: i32) -> (i32, i32) {
    %c0_i32 = arith.constant 0 : i32
    %c0_i32_0 = arith.constant 0 : i32
    return %arg0, %c0_i32 : i32, i32
  }
  func.func @transform_3(%arg0: i32) -> (i32, i32) {
    %c0_i32 = arith.constant 0 : i32
    %c0_i32_0 = arith.constant 0 : i32
    %c0_i32_1 = arith.constant 0 : i32
    return %c0_i32, %c0_i32_0 : i32, i32
  }
  func.func @transform_4(%arg0: i32) -> (i32, i32) {
    %c0_i32 = arith.constant 0 : i32
    %c0_i32_0 = arith.constant 0 : i32
    %c0_i32_1 = arith.constant 0 : i32
    return %c0_i32, %c0_i32_0 : i32, i32
  }
  func.func @transform_5(%arg0: i32) -> (i32, i32) {
    %c0_i32 = arith.constant 0 : i32
    %c0_i32_0 = arith.constant 0 : i32
    %c0_i32_1 = arith.constant 0 : i32
    return %c0_i32, %c0_i32_0 : i32, i32
  }
  func.func @transform_6(%arg0: i32) -> (i32, i32) {
    %c0_i32 = arith.constant 0 : i32
    %c0_i32_0 = arith.constant 0 : i32
    %c0_i32_1 = arith.constant 0 : i32
    return %c0_i32, %c0_i32_0 : i32, i32
  }
  func.func @transform_7(%arg0: i32) -> (i32, i32) {
    %c0_i32 = arith.constant 0 : i32
    %c0_i32_0 = arith.constant 0 : i32
    %c0_i32_1 = arith.constant 0 : i32
    return %c0_i32, %c0_i32_0 : i32, i32
  }
  func.func @transform_8(%arg0: i32) -> (i32, i32) {
    %c0_i32 = arith.constant 0 : i32
    %c0_i32_0 = arith.constant 0 : i32
    %c0_i32_1 = arith.constant 0 : i32
    return %c0_i32, %c0_i32_0 : i32, i32
  }
  func.func @transform_9(%arg0: i32) -> (i32, i32) {
    %c0_i32 = arith.constant 0 : i32
    %c0_i32_0 = arith.constant 0 : i32
    return %arg0, %c0_i32 : i32, i32
  }
}

module attributes {stable_mosaic.version = 14 : i64} {
  func.func @_conv_body(%arg0: i32, %arg1: memref<1024x136xf32, #tpu.memory_space<vmem>>, %arg2: memref<16x136xf32, #tpu.memory_space<vmem>>, %arg3: memref<16x1xi32, #tpu.memory_space<vmem>>, %arg4: memref<136x128xf32, #tpu.memory_space<vmem>>, %arg5: memref<1x128xf32, #tpu.memory_space<vmem>>, %arg6: memref<128x128xf32, #tpu.memory_space<vmem>>, %arg7: memref<1x128xf32, #tpu.memory_space<vmem>>, %arg8: memref<128x256xf32, #tpu.memory_space<vmem>>, %arg9: memref<1x256xf32, #tpu.memory_space<vmem>>, %arg10: memref<16x256xf32, #tpu.memory_space<vmem>>) attributes {dimension_semantics = [#tpu.dimension_semantics<arbitrary>], iteration_bounds = array<i64: 32>, scalar_prefetch = 0 : i64, scratch_operands = 0 : i64, tpu.core_type = #tpu.core_type<tc>, window_params = [{transform_indices = @transform_0, window_bounds = array<i64: 1024, 136>}, {transform_indices = @transform_1, window_bounds = array<i64: 16, 136>}, {transform_indices = @transform_2, window_bounds = array<i64: 16, 1>}, {pipeline_mode = #tpu.pipeline_mode<synchronous>, transform_indices = @transform_3, window_bounds = array<i64: 136, 128>}, {pipeline_mode = #tpu.pipeline_mode<synchronous>, transform_indices = @transform_4, window_bounds = array<i64: 1, 128>}, {pipeline_mode = #tpu.pipeline_mode<synchronous>, transform_indices = @transform_5, window_bounds = array<i64: 128, 128>}, {pipeline_mode = #tpu.pipeline_mode<synchronous>, transform_indices = @transform_6, window_bounds = array<i64: 1, 128>}, {pipeline_mode = #tpu.pipeline_mode<synchronous>, transform_indices = @transform_7, window_bounds = array<i64: 128, 256>}, {pipeline_mode = #tpu.pipeline_mode<synchronous>, transform_indices = @transform_8, window_bounds = array<i64: 1, 256>}, {transform_indices = @transform_9, window_bounds = array<i64: 16, 256>}]} {
    %iota3A = tpu.iota {dimensions = array<i32: 0>} : vector<1024x16xi32>
    %jit3A = arith.constant 64 : i32
    %div3A = vector.broadcast %jit3A : i32 to vector<1024x16xi32>
    %div3A_0 = arith.divsi %iota3A, %div3A : vector<1024x16xi32>
    %sign3A = arith.constant 0 : i32
    %sign3A_1 = vector.broadcast %sign3A : i32 to vector<1024x16xi32>
    %sign3A_2 = arith.cmpi sgt, %iota3A, %sign3A_1 : vector<1024x16xi32>
    %sign3A_3 = arith.extui %sign3A_2 : vector<1024x16xi1> to vector<1024x16xi32>
    %sign3A_4 = arith.constant 0 : i32
    %sign3A_5 = vector.broadcast %sign3A_4 : i32 to vector<1024x16xi32>
    %sign3A_6 = arith.cmpi slt, %iota3A, %sign3A_5 : vector<1024x16xi32>
    %sign3A_7 = arith.extui %sign3A_6 : vector<1024x16xi1> to vector<1024x16xi32>
    %sign3A_8 = arith.subi %sign3A_3, %sign3A_7 : vector<1024x16xi32>
    %sign3A_9 = arith.constant 0 : i32
    %sign3A_10 = arith.cmpi sgt, %jit3A, %sign3A_9 : i32
    %sign3A_11 = arith.extui %sign3A_10 : i1 to i32
    %sign3A_12 = arith.constant 0 : i32
    %sign3A_13 = arith.cmpi slt, %jit3A, %sign3A_12 : i32
    %sign3A_14 = arith.extui %sign3A_13 : i1 to i32
    %sign3A_15 = arith.subi %sign3A_11, %sign3A_14 : i32
    %ne3A = vector.broadcast %sign3A_15 : i32 to vector<1024x16xi32>
    %ne3A_16 = arith.cmpi ne, %sign3A_8, %ne3A : vector<1024x16xi32>
    %rem3A = vector.broadcast %jit3A : i32 to vector<1024x16xi32>
    %rem3A_17 = arith.remsi %iota3A, %rem3A : vector<1024x16xi32>
    %ne3A_18 = arith.constant 0 : i32
    %ne3A_19 = vector.broadcast %ne3A_18 : i32 to vector<1024x16xi32>
    %ne3A_20 = arith.cmpi ne, %rem3A_17, %ne3A_19 : vector<1024x16xi32>
    %and3A = arith.andi %ne3A_16, %ne3A_20 : vector<1024x16xi1>
    %sub3A = arith.constant 1 : i32
    %sub3A_21 = vector.broadcast %sub3A : i32 to vector<1024x16xi32>
    %sub3A_22 = arith.subi %div3A_0, %sub3A_21 : vector<1024x16xi32>
    %select_n3A = arith.select %and3A, %sub3A_22, %div3A_0 : vector<1024x16xi1>, vector<1024x16xi32>
    %iota3A_23 = tpu.iota {dimensions = array<i32: 1>} : vector<1024x16xi32>
    %eq3A = arith.cmpi eq, %select_n3A, %iota3A_23 : vector<1024x16xi32>
    %convert_element_type3A = arith.extui %eq3A : vector<1024x16xi1> to vector<1024x16xi32>
    %convert_element_type3A_24 = arith.sitofp %convert_element_type3A : vector<1024x16xi32> to vector<1024x16xf32>
    %get3A = arith.constant 0 : index
    %get3A_25 = arith.constant 0 : index
    %get3A_26 = vector.load %arg2[%get3A, %get3A_25] : memref<16x136xf32, #tpu.memory_space<vmem>>, vector<16x136xf32>
    %dot_general3A = arith.constant dense<0.000000e+00> : vector<1024x136xf32>
    %dot_general3A_27 = tpu.matmul %convert_element_type3A_24, %get3A_26, %dot_general3A {dimension_numbers = #tpu.dot_dimension_numbers<[1], [0], [0], [1], [0, 0, 1, 1], [], []>, precision = #tpu.contract_precision<fp32>, transpose_lhs_hint = false} : vector<1024x16xf32>, vector<16x136xf32>, vector<1024x136xf32> -> vector<1024x136xf32>
    %get3A_28 = arith.constant 0 : index
    %get3A_29 = arith.constant 0 : index
    %get3A_30 = vector.load %arg1[%get3A_28, %get3A_29] : memref<1024x136xf32, #tpu.memory_space<vmem>>, vector<1024x136xf32>
    %sub3A_31 = arith.subf %get3A_30, %dot_general3A_27 : vector<1024x136xf32>
    %get3A_32 = arith.constant 0 : index
    %get3A_33 = arith.constant 0 : index
    %get3A_34 = vector.load %arg4[%get3A_32, %get3A_33] : memref<136x128xf32, #tpu.memory_space<vmem>>, vector<136x128xf32>
    %dot_general3A_35 = arith.constant dense<0.000000e+00> : vector<1024x128xf32>
    %dot_general3A_36 = tpu.matmul %sub3A_31, %get3A_34, %dot_general3A_35 {dimension_numbers = #tpu.dot_dimension_numbers<[1], [0], [0], [1], [0, 0, 1, 1], [], []>, transpose_lhs_hint = false} : vector<1024x136xf32>, vector<136x128xf32>, vector<1024x128xf32> -> vector<1024x128xf32>
    %get3A_37 = arith.constant 0 : index
    %get3A_38 = arith.constant 0 : index
    %get3A_39 = vector.load %arg5[%get3A_37, %get3A_38] : memref<1x128xf32, #tpu.memory_space<vmem>>, vector<1x128xf32>
    %add3A = vector.broadcast %get3A_39 : vector<1x128xf32> to vector<1024x128xf32>
    %add3A_40 = arith.addf %dot_general3A_36, %add3A : vector<1024x128xf32>
    %max3A = arith.constant 0.000000e+00 : f32
    %max3A_41 = vector.broadcast %max3A : f32 to vector<1024x128xf32>
    %max3A_42 = arith.maximumf %add3A_40, %max3A_41 : vector<1024x128xf32>
    %get3A_43 = arith.constant 0 : index
    %get3A_44 = arith.constant 0 : index
    %get3A_45 = vector.load %arg6[%get3A_43, %get3A_44] : memref<128x128xf32, #tpu.memory_space<vmem>>, vector<128x128xf32>
    %dot_general3A_46 = arith.constant dense<0.000000e+00> : vector<1024x128xf32>
    %dot_general3A_47 = tpu.matmul %max3A_42, %get3A_45, %dot_general3A_46 {dimension_numbers = #tpu.dot_dimension_numbers<[1], [0], [0], [1], [0, 0, 1, 1], [], []>, transpose_lhs_hint = false} : vector<1024x128xf32>, vector<128x128xf32>, vector<1024x128xf32> -> vector<1024x128xf32>
    %get3A_48 = arith.constant 0 : index
    %get3A_49 = arith.constant 0 : index
    %get3A_50 = vector.load %arg7[%get3A_48, %get3A_49] : memref<1x128xf32, #tpu.memory_space<vmem>>, vector<1x128xf32>
    %add3A_51 = vector.broadcast %get3A_50 : vector<1x128xf32> to vector<1024x128xf32>
    %add3A_52 = arith.addf %dot_general3A_47, %add3A_51 : vector<1024x128xf32>
    %max3A_53 = arith.constant 0.000000e+00 : f32
    %max3A_54 = vector.broadcast %max3A_53 : f32 to vector<1024x128xf32>
    %max3A_55 = arith.maximumf %add3A_52, %max3A_54 : vector<1024x128xf32>
    %get3A_56 = arith.constant 0 : index
    %get3A_57 = arith.constant 0 : index
    %get3A_58 = vector.load %arg8[%get3A_56, %get3A_57] : memref<128x256xf32, #tpu.memory_space<vmem>>, vector<128x256xf32>
    %dot_general3A_59 = arith.constant dense<0.000000e+00> : vector<1024x256xf32>
    %dot_general3A_60 = tpu.matmul %max3A_55, %get3A_58, %dot_general3A_59 {dimension_numbers = #tpu.dot_dimension_numbers<[1], [0], [0], [1], [0, 0, 1, 1], [], []>, transpose_lhs_hint = false} : vector<1024x128xf32>, vector<128x256xf32>, vector<1024x256xf32> -> vector<1024x256xf32>
    %get3A_61 = arith.constant 0 : index
    %get3A_62 = arith.constant 0 : index
    %get3A_63 = vector.load %arg9[%get3A_61, %get3A_62] : memref<1x256xf32, #tpu.memory_space<vmem>>, vector<1x256xf32>
    %add3A_64 = vector.broadcast %get3A_63 : vector<1x256xf32> to vector<1024x256xf32>
    %add3A_65 = arith.addf %dot_general3A_60, %add3A_64 : vector<1024x256xf32>
    %reshape3A = vector.shape_cast %add3A_65 : vector<1024x256xf32> to vector<16x64x256xf32>
    %iota3A_66 = tpu.iota {dimensions = array<i32: 1>} : vector<16x64x1xi32>
    %get3A_67 = arith.constant 0 : index
    %get3A_68 = arith.constant 0 : index
    %get3A_69 = vector.load %arg3[%get3A_67, %get3A_68] : memref<16x1xi32, #tpu.memory_space<vmem>>, vector<16x1xi32>
    %broadcast_in_dim3A = vector.shape_cast %get3A_69 : vector<16x1xi32> to vector<16x1x1xi32>
    %lt3A = vector.broadcast %broadcast_in_dim3A : vector<16x1x1xi32> to vector<16x64x1xi32>
    %lt3A_70 = arith.cmpi slt, %iota3A_66, %lt3A : vector<16x64x1xi32>
    %jit3A_71 = arith.constant -1.000000e+30 : f32
    %broadcast_in_dim3A_72 = vector.shape_cast %lt3A_70 : vector<16x64x1xi1> to vector<16x64x1xi1>
    %broadcast_in_dim3A_73 = vector.broadcast %broadcast_in_dim3A_72 : vector<16x64x1xi1> to vector<16x64x256xi1>
    %broadcast_in_dim3A_74 = vector.broadcast %jit3A_71 : f32 to vector<16x64x256xf32>
    %select_n3A_75 = arith.select %broadcast_in_dim3A_73, %reshape3A, %broadcast_in_dim3A_74 : vector<16x64x256xi1>, vector<16x64x256xf32>
    %reduce_max3A = arith.constant dense<0xFF800000> : vector<16x256xf32>
    %reduce_max3A_76 = vector.multi_reduction <maximumf>, %select_n3A_75, %reduce_max3A [1] : vector<16x64x256xf32> to vector<16x256xf32>
    %le3A = arith.constant -1.000000e+29 : f32
    %le3A_77 = vector.broadcast %le3A : f32 to vector<16x256xf32>
    %le3A_78 = arith.cmpf ole, %reduce_max3A_76, %le3A_77 : vector<16x256xf32>
    %jit3A_79 = arith.constant 0.000000e+00 : f32
    %broadcast_in_dim3A_80 = vector.broadcast %jit3A_79 : f32 to vector<16x256xf32>
    %select_n3A_81 = arith.select %le3A_78, %broadcast_in_dim3A_80, %reduce_max3A_76 : vector<16x256xi1>, vector<16x256xf32>
    %swap3A = arith.constant 0 : index
    %swap3A_82 = arith.constant 0 : index
    %swap3A_83 = vector.load %arg10[%swap3A, %swap3A_82] : memref<16x256xf32, #tpu.memory_space<vmem>>, vector<16x256xf32>
    tpu.vector_store %arg10[%swap3A, %swap3A_82], %select_n3A_81 {strides = array<i32>} : memref<16x256xf32, #tpu.memory_space<vmem>>, vector<16x256xf32>,
    return
  }
  func.func @transform_0(%arg0: i32) -> (i32, i32) {
    %c0_i32 = arith.constant 0 : i32
    %c0_i32_0 = arith.constant 0 : i32
    return %arg0, %c0_i32 : i32, i32
  }
  func.func @transform_1(%arg0: i32) -> (i32, i32) {
    %c0_i32 = arith.constant 0 : i32
    %c0_i32_0 = arith.constant 0 : i32
    return %arg0, %c0_i32 : i32, i32
  }
  func.func @transform_2(%arg0: i32) -> (i32, i32) {
    %c0_i32 = arith.constant 0 : i32
    %c0_i32_0 = arith.constant 0 : i32
    return %arg0, %c0_i32 : i32, i32
  }
  func.func @transform_3(%arg0: i32) -> (i32, i32) {
    %c0_i32 = arith.constant 0 : i32
    %c0_i32_0 = arith.constant 0 : i32
    %c0_i32_1 = arith.constant 0 : i32
    return %c0_i32, %c0_i32_0 : i32, i32
  }
  func.func @transform_4(%arg0: i32) -> (i32, i32) {
    %c0_i32 = arith.constant 0 : i32
    %c0_i32_0 = arith.constant 0 : i32
    %c0_i32_1 = arith.constant 0 : i32
    return %c0_i32, %c0_i32_0 : i32, i32
  }
  func.func @transform_5(%arg0: i32) -> (i32, i32) {
    %c0_i32 = arith.constant 0 : i32
    %c0_i32_0 = arith.constant 0 : i32
    %c0_i32_1 = arith.constant 0 : i32
    return %c0_i32, %c0_i32_0 : i32, i32
  }
  func.func @transform_6(%arg0: i32) -> (i32, i32) {
    %c0_i32 = arith.constant 0 : i32
    %c0_i32_0 = arith.constant 0 : i32
    %c0_i32_1 = arith.constant 0 : i32
    return %c0_i32, %c0_i32_0 : i32, i32
  }
  func.func @transform_7(%arg0: i32) -> (i32, i32) {
    %c0_i32 = arith.constant 0 : i32
    %c0_i32_0 = arith.constant 0 : i32
    %c0_i32_1 = arith.constant 0 : i32
    return %c0_i32, %c0_i32_0 : i32, i32
  }
  func.func @transform_8(%arg0: i32) -> (i32, i32) {
    %c0_i32 = arith.constant 0 : i32
    %c0_i32_0 = arith.constant 0 : i32
    %c0_i32_1 = arith.constant 0 : i32
    return %c0_i32, %c0_i32_0 : i32, i32
  }
  func.func @transform_9(%arg0: i32) -> (i32, i32) {
    %c0_i32 = arith.constant 0 : i32
    %c0_i32_0 = arith.constant 0 : i32
    return %arg0, %c0_i32 : i32, i32
  }
}

module attributes {stable_mosaic.version = 14 : i64} {
  func.func @_sa3fp3_body(%arg0: memref<512x256xf32, #tpu.memory_space<vmem>>, %arg1: memref<512x8xf32, #tpu.memory_space<vmem>>, %arg2: memref<256x256xf32, #tpu.memory_space<vmem>>, %arg3: memref<8x256xf32, #tpu.memory_space<vmem>>, %arg4: memref<1x256xf32, #tpu.memory_space<vmem>>, %arg5: memref<256x512xf32, #tpu.memory_space<vmem>>, %arg6: memref<1x512xf32, #tpu.memory_space<vmem>>, %arg7: memref<512x1024xf32, #tpu.memory_space<vmem>>, %arg8: memref<1x1024xf32, #tpu.memory_space<vmem>>, %arg9: memref<1024x256xf32, #tpu.memory_space<vmem>>, %arg10: memref<256x256xf32, #tpu.memory_space<vmem>>, %arg11: memref<1x256xf32, #tpu.memory_space<vmem>>, %arg12: memref<256x256xf32, #tpu.memory_space<vmem>>, %arg13: memref<1x256xf32, #tpu.memory_space<vmem>>, %arg14: memref<512x256xf32, #tpu.memory_space<vmem>>) attributes {dimension_semantics = [], scalar_prefetch = 0 : i64, scratch_operands = 0 : i64, tpu.core_type = #tpu.core_type<tc>} {
    %get3A = arith.constant 0 : index
    %get3A_0 = arith.constant 0 : index
    %get3A_1 = vector.load %arg0[%get3A, %get3A_0] : memref<512x256xf32, #tpu.memory_space<vmem>>, vector<512x256xf32>
    %get3A_2 = arith.constant 0 : index
    %get3A_3 = arith.constant 0 : index
    %get3A_4 = vector.load %arg2[%get3A_2, %get3A_3] : memref<256x256xf32, #tpu.memory_space<vmem>>, vector<256x256xf32>
    %dot_general3A = arith.constant dense<0.000000e+00> : vector<512x256xf32>
    %dot_general3A_5 = tpu.matmul %get3A_1, %get3A_4, %dot_general3A {dimension_numbers = #tpu.dot_dimension_numbers<[1], [0], [0], [1], [0, 0, 1, 1], [], []>, transpose_lhs_hint = false} : vector<512x256xf32>, vector<256x256xf32>, vector<512x256xf32> -> vector<512x256xf32>
    %get3A_6 = arith.constant 0 : index
    %get3A_7 = arith.constant 0 : index
    %get3A_8 = vector.load %arg1[%get3A_6, %get3A_7] : memref<512x8xf32, #tpu.memory_space<vmem>>, vector<512x8xf32>
    %get3A_9 = arith.constant 0 : index
    %get3A_10 = arith.constant 0 : index
    %get3A_11 = vector.load %arg3[%get3A_9, %get3A_10] : memref<8x256xf32, #tpu.memory_space<vmem>>, vector<8x256xf32>
    %dot_general3A_12 = arith.constant dense<0.000000e+00> : vector<512x256xf32>
    %dot_general3A_13 = tpu.matmul %get3A_8, %get3A_11, %dot_general3A_12 {dimension_numbers = #tpu.dot_dimension_numbers<[1], [0], [0], [1], [0, 0, 1, 1], [], []>, transpose_lhs_hint = false} : vector<512x8xf32>, vector<8x256xf32>, vector<512x256xf32> -> vector<512x256xf32>
    %add3A = arith.addf %dot_general3A_5, %dot_general3A_13 : vector<512x256xf32>
    %get3A_14 = arith.constant 0 : index
    %get3A_15 = arith.constant 0 : index
    %get3A_16 = vector.load %arg4[%get3A_14, %get3A_15] : memref<1x256xf32, #tpu.memory_space<vmem>>, vector<1x256xf32>
    %add3A_17 = vector.broadcast %get3A_16 : vector<1x256xf32> to vector<512x256xf32>
    %add3A_18 = arith.addf %add3A, %add3A_17 : vector<512x256xf32>
    %max3A = arith.constant 0.000000e+00 : f32
    %max3A_19 = vector.broadcast %max3A : f32 to vector<512x256xf32>
    %max3A_20 = arith.maximumf %add3A_18, %max3A_19 : vector<512x256xf32>
    %get3A_21 = arith.constant 0 : index
    %get3A_22 = arith.constant 0 : index
    %get3A_23 = vector.load %arg5[%get3A_21, %get3A_22] : memref<256x512xf32, #tpu.memory_space<vmem>>, vector<256x512xf32>
    %dot_general3A_24 = arith.constant dense<0.000000e+00> : vector<512x512xf32>
    %dot_general3A_25 = tpu.matmul %max3A_20, %get3A_23, %dot_general3A_24 {dimension_numbers = #tpu.dot_dimension_numbers<[1], [0], [0], [1], [0, 0, 1, 1], [], []>, transpose_lhs_hint = false} : vector<512x256xf32>, vector<256x512xf32>, vector<512x512xf32> -> vector<512x512xf32>
    %get3A_26 = arith.constant 0 : index
    %get3A_27 = arith.constant 0 : index
    %get3A_28 = vector.load %arg6[%get3A_26, %get3A_27] : memref<1x512xf32, #tpu.memory_space<vmem>>, vector<1x512xf32>
    %add3A_29 = vector.broadcast %get3A_28 : vector<1x512xf32> to vector<512x512xf32>
    %add3A_30 = arith.addf %dot_general3A_25, %add3A_29 : vector<512x512xf32>
    %max3A_31 = arith.constant 0.000000e+00 : f32
    %max3A_32 = vector.broadcast %max3A_31 : f32 to vector<512x512xf32>
    %max3A_33 = arith.maximumf %add3A_30, %max3A_32 : vector<512x512xf32>
    %get3A_34 = arith.constant 0 : index
    %get3A_35 = arith.constant 0 : index
    %get3A_36 = vector.load %arg7[%get3A_34, %get3A_35] : memref<512x1024xf32, #tpu.memory_space<vmem>>, vector<512x1024xf32>
    %dot_general3A_37 = arith.constant dense<0.000000e+00> : vector<512x1024xf32>
    %dot_general3A_38 = tpu.matmul %max3A_33, %get3A_36, %dot_general3A_37 {dimension_numbers = #tpu.dot_dimension_numbers<[1], [0], [0], [1], [0, 0, 1, 1], [], []>, transpose_lhs_hint = false} : vector<512x512xf32>, vector<512x1024xf32>, vector<512x1024xf32> -> vector<512x1024xf32>
    %get3A_39 = arith.constant 0 : index
    %get3A_40 = arith.constant 0 : index
    %get3A_41 = vector.load %arg8[%get3A_39, %get3A_40] : memref<1x1024xf32, #tpu.memory_space<vmem>>, vector<1x1024xf32>
    %add3A_42 = vector.broadcast %get3A_41 : vector<1x1024xf32> to vector<512x1024xf32>
    %add3A_43 = arith.addf %dot_general3A_38, %add3A_42 : vector<512x1024xf32>
    %iota3A = tpu.iota {dimensions = array<i32: 0>} : vector<512x1024xi32>
    %lt3A = arith.constant 410 : i32
    %lt3A_44 = vector.broadcast %lt3A : i32 to vector<512x1024xi32>
    %lt3A_45 = arith.cmpi slt, %iota3A, %lt3A_44 : vector<512x1024xi32>
    %jit3A = arith.constant 0xFF800000 : f32
    %broadcast_in_dim3A = vector.broadcast %jit3A : f32 to vector<512x1024xf32>
    %select_n3A = arith.select %lt3A_45, %add3A_43, %broadcast_in_dim3A : vector<512x1024xi1>, vector<512x1024xf32>
    %reduce_max3A = arith.constant dense<0xFF800000> : vector<1024xf32>
    %reduce_max3A_46 = vector.multi_reduction <maximumf>, %select_n3A, %reduce_max3A [0] : vector<512x1024xf32> to vector<1024xf32>
    %broadcast_in_dim3A_47 = vector.shape_cast %reduce_max3A_46 : vector<1024xf32> to vector<1x1024xf32>
    %get3A_48 = arith.constant 0 : index
    %get3A_49 = arith.constant 0 : index
    %get3A_50 = vector.load %arg9[%get3A_48, %get3A_49] : memref<1024x256xf32, #tpu.memory_space<vmem>>, vector<1024x256xf32>
    %dot_general3A_51 = arith.constant dense<0.000000e+00> : vector<1x256xf32>
    %dot_general3A_52 = tpu.matmul %broadcast_in_dim3A_47, %get3A_50, %dot_general3A_51 {dimension_numbers = #tpu.dot_dimension_numbers<[1], [0], [0], [1], [0, 0, 1, 1], [], []>, transpose_lhs_hint = false} : vector<1x1024xf32>, vector<1024x256xf32>, vector<1x256xf32> -> vector<1x256xf32>
    %get3A_53 = arith.constant 0 : index
    %get3A_54 = arith.constant 0 : index
    %get3A_55 = vector.load %arg11[%get3A_53, %get3A_54] : memref<1x256xf32, #tpu.memory_space<vmem>>, vector<1x256xf32>
    %add3A_56 = arith.addf %dot_general3A_52, %get3A_55 : vector<1x256xf32>
    %get3A_57 = arith.constant 0 : index
    %get3A_58 = arith.constant 0 : index
    %get3A_59 = vector.load %arg10[%get3A_57, %get3A_58] : memref<256x256xf32, #tpu.memory_space<vmem>>, vector<256x256xf32>
    %dot_general3A_60 = arith.constant dense<0.000000e+00> : vector<512x256xf32>
    %dot_general3A_61 = tpu.matmul %get3A_1, %get3A_59, %dot_general3A_60 {dimension_numbers = #tpu.dot_dimension_numbers<[1], [0], [0], [1], [0, 0, 1, 1], [], []>, transpose_lhs_hint = false} : vector<512x256xf32>, vector<256x256xf32>, vector<512x256xf32> -> vector<512x256xf32>
    %add3A_62 = vector.broadcast %add3A_56 : vector<1x256xf32> to vector<512x256xf32>
    %add3A_63 = arith.addf %dot_general3A_61, %add3A_62 : vector<512x256xf32>
    %max3A_64 = arith.constant 0.000000e+00 : f32
    %max3A_65 = vector.broadcast %max3A_64 : f32 to vector<512x256xf32>
    %max3A_66 = arith.maximumf %add3A_63, %max3A_65 : vector<512x256xf32>
    %get3A_67 = arith.constant 0 : index
    %get3A_68 = arith.constant 0 : index
    %get3A_69 = vector.load %arg12[%get3A_67, %get3A_68] : memref<256x256xf32, #tpu.memory_space<vmem>>, vector<256x256xf32>
    %dot_general3A_70 = arith.constant dense<0.000000e+00> : vector<512x256xf32>
    %dot_general3A_71 = tpu.matmul %max3A_66, %get3A_69, %dot_general3A_70 {dimension_numbers = #tpu.dot_dimension_numbers<[1], [0], [0], [1], [0, 0, 1, 1], [], []>, transpose_lhs_hint = false} : vector<512x256xf32>, vector<256x256xf32>, vector<512x256xf32> -> vector<512x256xf32>
    %get3A_72 = arith.constant 0 : index
    %get3A_73 = arith.constant 0 : index
    %get3A_74 = vector.load %arg13[%get3A_72, %get3A_73] : memref<1x256xf32, #tpu.memory_space<vmem>>, vector<1x256xf32>
    %add3A_75 = vector.broadcast %get3A_74 : vector<1x256xf32> to vector<512x256xf32>
    %add3A_76 = arith.addf %dot_general3A_71, %add3A_75 : vector<512x256xf32>
    %swap3A = arith.constant 0 : index
    %swap3A_77 = arith.constant 0 : index
    %swap3A_78 = vector.load %arg14[%swap3A, %swap3A_77] : memref<512x256xf32, #tpu.memory_space<vmem>>, vector<512x256xf32>
    tpu.vector_store %arg14[%swap3A, %swap3A_77], %add3A_76 {strides = array<i32>} : memref<512x256xf32, #tpu.memory_space<vmem>>, vector<512x256xf32>,
    return
  }
}

module attributes {stable_mosaic.version = 14 : i64} {
  func.func @_knn_fp2_body(%arg0: i32, %arg1: memref<128x8xf32, #tpu.memory_space<vmem>>, %arg2: memref<3x512xf32, #tpu.memory_space<vmem>>, %arg3: memref<512x256xf32, #tpu.memory_space<vmem>>, %arg4: memref<128x128xf32, #tpu.memory_space<vmem>>, %arg5: memref<256x256xf32, #tpu.memory_space<vmem>>, %arg6: memref<128x256xf32, #tpu.memory_space<vmem>>, %arg7: memref<1x256xf32, #tpu.memory_space<vmem>>, %arg8: memref<256x128xf32, #tpu.memory_space<vmem>>, %arg9: memref<1x128xf32, #tpu.memory_space<vmem>>, %arg10: memref<128x128xf32, #tpu.memory_space<vmem>>) attributes {dimension_semantics = [#tpu.dimension_semantics<arbitrary>], iteration_bounds = array<i64: 13>, scalar_prefetch = 0 : i64, scratch_operands = 0 : i64, tpu.core_type = #tpu.core_type<tc>, window_params = [{transform_indices = @transform_0, window_bounds = array<i64: 128, 8>}, {pipeline_mode = #tpu.pipeline_mode<synchronous>, transform_indices = @transform_1, window_bounds = array<i64: 3, 512>}, {pipeline_mode = #tpu.pipeline_mode<synchronous>, transform_indices = @transform_2, window_bounds = array<i64: 512, 256>}, {transform_indices = @transform_3, window_bounds = array<i64: 128, 128>}, {pipeline_mode = #tpu.pipeline_mode<synchronous>, transform_indices = @transform_4, window_bounds = array<i64: 256, 256>}, {pipeline_mode = #tpu.pipeline_mode<synchronous>, transform_indices = @transform_5, window_bounds = array<i64: 128, 256>}, {pipeline_mode = #tpu.pipeline_mode<synchronous>, transform_indices = @transform_6, window_bounds = array<i64: 1, 256>}, {pipeline_mode = #tpu.pipeline_mode<synchronous>, transform_indices = @transform_7, window_bounds = array<i64: 256, 128>}, {pipeline_mode = #tpu.pipeline_mode<synchronous>, transform_indices = @transform_8, window_bounds = array<i64: 1, 128>}, {transform_indices = @transform_9, window_bounds = array<i64: 128, 128>}]} {
    %get3A = arith.constant 0 : index
    %get3A_0 = arith.constant 0 : index
    %get3A_1 = vector.load %arg1[%get3A, %get3A_0] : memref<128x8xf32, #tpu.memory_space<vmem>>, vector<128x1xf32>
    %get3A_2 = arith.constant 0 : index
    %get3A_3 = arith.constant 1 : index
    %get3A_4 = vector.load %arg1[%get3A_2, %get3A_3] : memref<128x8xf32, #tpu.memory_space<vmem>>, vector<128x1xf32>
    %get3A_5 = arith.constant 0 : index
    %get3A_6 = arith.constant 2 : index
    %get3A_7 = vector.load %arg1[%get3A_5, %get3A_6] : memref<128x8xf32, #tpu.memory_space<vmem>>, vector<128x1xf32>
    %get3A_8 = arith.constant 0 : index
    %get3A_9 = arith.constant 0 : index
    %get3A_10 = vector.load %arg2[%get3A_8, %get3A_9] : memref<3x512xf32, #tpu.memory_space<vmem>>, vector<1x512xf32>
    %get3A_11 = arith.constant 1 : index
    %get3A_12 = arith.constant 0 : index
    %get3A_13 = vector.load %arg2[%get3A_11, %get3A_12] : memref<3x512xf32, #tpu.memory_space<vmem>>, vector<1x512xf32>
    %get3A_14 = arith.constant 2 : index
    %get3A_15 = arith.constant 0 : index
    %get3A_16 = vector.load %arg2[%get3A_14, %get3A_15] : memref<3x512xf32, #tpu.memory_space<vmem>>, vector<1x512xf32>
    %sub3A = vector.broadcast %get3A_1 : vector<128x1xf32> to vector<128x512xf32>
    %sub3A_17 = vector.broadcast %get3A_10 : vector<1x512xf32> to vector<128x512xf32>
    %sub3A_18 = arith.subf %sub3A, %sub3A_17 : vector<128x512xf32>
    %integer_pow3A = arith.mulf %sub3A_18, %sub3A_18 : vector<128x512xf32>
    %sub3A_19 = vector.broadcast %get3A_4 : vector<128x1xf32> to vector<128x512xf32>
    %sub3A_20 = vector.broadcast %get3A_13 : vector<1x512xf32> to vector<128x512xf32>
    %sub3A_21 = arith.subf %sub3A_19, %sub3A_20 : vector<128x512xf32>
    %integer_pow3A_22 = arith.mulf %sub3A_21, %sub3A_21 : vector<128x512xf32>
    %add3A = arith.addf %integer_pow3A, %integer_pow3A_22 : vector<128x512xf32>
    %sub3A_23 = vector.broadcast %get3A_7 : vector<128x1xf32> to vector<128x512xf32>
    %sub3A_24 = vector.broadcast %get3A_16 : vector<1x512xf32> to vector<128x512xf32>
    %sub3A_25 = arith.subf %sub3A_23, %sub3A_24 : vector<128x512xf32>
    %integer_pow3A_26 = arith.mulf %sub3A_25, %sub3A_25 : vector<128x512xf32>
    %add3A_27 = arith.addf %add3A, %integer_pow3A_26 : vector<128x512xf32>
    %iota3A = tpu.iota {dimensions = array<i32: 1>} : vector<128x512xi32>
    %lt3A = arith.constant 410 : i32
    %lt3A_28 = vector.broadcast %lt3A : i32 to vector<128x512xi32>
    %lt3A_29 = arith.cmpi slt, %iota3A, %lt3A_28 : vector<128x512xi32>
    %jit3A = arith.constant 0x7F800000 : f32
    %broadcast_in_dim3A = vector.broadcast %jit3A : f32 to vector<128x512xf32>
    %select_n3A = arith.select %lt3A_29, %add3A_27, %broadcast_in_dim3A : vector<128x512xi1>, vector<128x512xf32>
    %broadcast_in_dim3A_30 = arith.constant 0.000000e+00 : f32
    %broadcast_in_dim3A_31 = vector.broadcast %broadcast_in_dim3A_30 : f32 to vector<128x512xf32>
    %broadcast_in_dim3A_32 = arith.constant 0.000000e+00 : f32
    %broadcast_in_dim3A_33 = vector.broadcast %broadcast_in_dim3A_32 : f32 to vector<128x1xf32>
    %reduce_min3A = arith.constant dense<0x7F800000> : vector<128xf32>
    %reduce_min3A_34 = vector.multi_reduction <minimumf>, %select_n3A, %reduce_min3A [1] : vector<128x512xf32> to vector<128xf32>
    %broadcast_in_dim3A_35 = vector.shape_cast %reduce_min3A_34 : vector<128xf32> to vector<128x1xf32>
    %eq3A = vector.broadcast %broadcast_in_dim3A_35 : vector<128x1xf32> to vector<128x512xf32>
    %eq3A_36 = arith.cmpf oeq, %select_n3A, %eq3A : vector<128x512xf32>
    %jit3A_37 = arith.constant 1073741824 : i32
    %broadcast_in_dim3A_38 = vector.broadcast %jit3A_37 : i32 to vector<128x512xi32>
    %select_n3A_39 = arith.select %eq3A_36, %iota3A, %broadcast_in_dim3A_38 : vector<128x512xi1>, vector<128x512xi32>
    %reduce_min3A_40 = arith.constant dense<2147483647> : vector<128xi32>
    %reduce_min3A_41 = vector.multi_reduction <minsi>, %select_n3A_39, %reduce_min3A_40 [1] : vector<128x512xi32> to vector<128xi32>
    %broadcast_in_dim3A_42 = vector.shape_cast %reduce_min3A_41 : vector<128xi32> to vector<128x1xi32>
    %max3A = arith.constant 1.000000e-16 : f32
    %max3A_43 = vector.broadcast %max3A : f32 to vector<128x1xf32>
    %max3A_44 = arith.maximumf %broadcast_in_dim3A_35, %max3A_43 : vector<128x1xf32>
    %div3A = arith.constant 1.000000e+00 : f32
    %div3A_45 = vector.broadcast %div3A : f32 to vector<128x1xf32>
    %div3A_46 = arith.divf %div3A_45, %max3A_44 : vector<128x1xf32>
    %eq3A_47 = vector.broadcast %broadcast_in_dim3A_42 : vector<128x1xi32> to vector<128x512xi32>
    %eq3A_48 = arith.cmpi eq, %iota3A, %eq3A_47 : vector<128x512xi32>
    %jit3A_49 = arith.constant 0.000000e+00 : f32
    %broadcast_in_dim3A_50 = vector.shape_cast %div3A_46 : vector<128x1xf32> to vector<128x1xf32>
    %broadcast_in_dim3A_51 = vector.broadcast %broadcast_in_dim3A_50 : vector<128x1xf32> to vector<128x512xf32>
    %broadcast_in_dim3A_52 = vector.broadcast %jit3A_49 : f32 to vector<128x512xf32>
    %select_n3A_53 = arith.select %eq3A_48, %broadcast_in_dim3A_51, %broadcast_in_dim3A_52 : vector<128x512xi1>, vector<128x512xf32>
    %add3A_54 = arith.addf %broadcast_in_dim3A_31, %select_n3A_53 : vector<128x512xf32>
    %add3A_55 = arith.addf %broadcast_in_dim3A_33, %div3A_46 : vector<128x1xf32>
    %eq3A_56 = vector.broadcast %broadcast_in_dim3A_42 : vector<128x1xi32> to vector<128x512xi32>
    %eq3A_57 = arith.cmpi eq, %iota3A, %eq3A_56 : vector<128x512xi32>
    %jit3A_58 = arith.constant 0x7F800000 : f32
    %broadcast_in_dim3A_59 = vector.broadcast %jit3A_58 : f32 to vector<128x512xf32>
    %select_n3A_60 = arith.select %eq3A_57, %broadcast_in_dim3A_59, %select_n3A : vector<128x512xi1>, vector<128x512xf32>
    %reduce_min3A_61 = arith.constant dense<0x7F800000> : vector<128xf32>
    %reduce_min3A_62 = vector.multi_reduction <minimumf>, %select_n3A_60, %reduce_min3A_61 [1] : vector<128x512xf32> to vector<128xf32>
    %broadcast_in_dim3A_63 = vector.shape_cast %reduce_min3A_62 : vector<128xf32> to vector<128x1xf32>
    %eq3A_64 = vector.broadcast %broadcast_in_dim3A_63 : vector<128x1xf32> to vector<128x512xf32>
    %eq3A_65 = arith.cmpf oeq, %select_n3A_60, %eq3A_64 : vector<128x512xf32>
    %jit3A_66 = arith.constant 1073741824 : i32
    %broadcast_in_dim3A_67 = vector.broadcast %jit3A_66 : i32 to vector<128x512xi32>
    %select_n3A_68 = arith.select %eq3A_65, %iota3A, %broadcast_in_dim3A_67 : vector<128x512xi1>, vector<128x512xi32>
    %reduce_min3A_69 = arith.constant dense<2147483647> : vector<128xi32>
    %reduce_min3A_70 = vector.multi_reduction <minsi>, %select_n3A_68, %reduce_min3A_69 [1] : vector<128x512xi32> to vector<128xi32>
    %broadcast_in_dim3A_71 = vector.shape_cast %reduce_min3A_70 : vector<128xi32> to vector<128x1xi32>
    %max3A_72 = arith.constant 1.000000e-16 : f32
    %max3A_73 = vector.broadcast %max3A_72 : f32 to vector<128x1xf32>
    %max3A_74 = arith.maximumf %broadcast_in_dim3A_63, %max3A_73 : vector<128x1xf32>
    %div3A_75 = arith.constant 1.000000e+00 : f32
    %div3A_76 = vector.broadcast %div3A_75 : f32 to vector<128x1xf32>
    %div3A_77 = arith.divf %div3A_76, %max3A_74 : vector<128x1xf32>
    %eq3A_78 = vector.broadcast %broadcast_in_dim3A_71 : vector<128x1xi32> to vector<128x512xi32>
    %eq3A_79 = arith.cmpi eq, %iota3A, %eq3A_78 : vector<128x512xi32>
    %jit3A_80 = arith.constant 0.000000e+00 : f32
    %broadcast_in_dim3A_81 = vector.shape_cast %div3A_77 : vector<128x1xf32> to vector<128x1xf32>
    %broadcast_in_dim3A_82 = vector.broadcast %broadcast_in_dim3A_81 : vector<128x1xf32> to vector<128x512xf32>
    %broadcast_in_dim3A_83 = vector.broadcast %jit3A_80 : f32 to vector<128x512xf32>
    %select_n3A_84 = arith.select %eq3A_79, %broadcast_in_dim3A_82, %broadcast_in_dim3A_83 : vector<128x512xi1>, vector<128x512xf32>
    %add3A_85 = arith.addf %add3A_54, %select_n3A_84 : vector<128x512xf32>
    %add3A_86 = arith.addf %add3A_55, %div3A_77 : vector<128x1xf32>
    %eq3A_87 = vector.broadcast %broadcast_in_dim3A_71 : vector<128x1xi32> to vector<128x512xi32>
    %eq3A_88 = arith.cmpi eq, %iota3A, %eq3A_87 : vector<128x512xi32>
    %jit3A_89 = arith.constant 0x7F800000 : f32
    %broadcast_in_dim3A_90 = vector.broadcast %jit3A_89 : f32 to vector<128x512xf32>
    %select_n3A_91 = arith.select %eq3A_88, %broadcast_in_dim3A_90, %select_n3A_60 : vector<128x512xi1>, vector<128x512xf32>
    %reduce_min3A_92 = arith.constant dense<0x7F800000> : vector<128xf32>
    %reduce_min3A_93 = vector.multi_reduction <minimumf>, %select_n3A_91, %reduce_min3A_92 [1] : vector<128x512xf32> to vector<128xf32>
    %broadcast_in_dim3A_94 = vector.shape_cast %reduce_min3A_93 : vector<128xf32> to vector<128x1xf32>
    %eq3A_95 = vector.broadcast %broadcast_in_dim3A_94 : vector<128x1xf32> to vector<128x512xf32>
    %eq3A_96 = arith.cmpf oeq, %select_n3A_91, %eq3A_95 : vector<128x512xf32>
    %jit3A_97 = arith.constant 1073741824 : i32
    %broadcast_in_dim3A_98 = vector.broadcast %jit3A_97 : i32 to vector<128x512xi32>
    %select_n3A_99 = arith.select %eq3A_96, %iota3A, %broadcast_in_dim3A_98 : vector<128x512xi1>, vector<128x512xi32>
    %reduce_min3A_100 = arith.constant dense<2147483647> : vector<128xi32>
    %reduce_min3A_101 = vector.multi_reduction <minsi>, %select_n3A_99, %reduce_min3A_100 [1] : vector<128x512xi32> to vector<128xi32>
    %broadcast_in_dim3A_102 = vector.shape_cast %reduce_min3A_101 : vector<128xi32> to vector<128x1xi32>
    %max3A_103 = arith.constant 1.000000e-16 : f32
    %max3A_104 = vector.broadcast %max3A_103 : f32 to vector<128x1xf32>
    %max3A_105 = arith.maximumf %broadcast_in_dim3A_94, %max3A_104 : vector<128x1xf32>
    %div3A_106 = arith.constant 1.000000e+00 : f32
    %div3A_107 = vector.broadcast %div3A_106 : f32 to vector<128x1xf32>
    %div3A_108 = arith.divf %div3A_107, %max3A_105 : vector<128x1xf32>
    %eq3A_109 = vector.broadcast %broadcast_in_dim3A_102 : vector<128x1xi32> to vector<128x512xi32>
    %eq3A_110 = arith.cmpi eq, %iota3A, %eq3A_109 : vector<128x512xi32>
    %jit3A_111 = arith.constant 0.000000e+00 : f32
    %broadcast_in_dim3A_112 = vector.shape_cast %div3A_108 : vector<128x1xf32> to vector<128x1xf32>
    %broadcast_in_dim3A_113 = vector.broadcast %broadcast_in_dim3A_112 : vector<128x1xf32> to vector<128x512xf32>
    %broadcast_in_dim3A_114 = vector.broadcast %jit3A_111 : f32 to vector<128x512xf32>
    %select_n3A_115 = arith.select %eq3A_110, %broadcast_in_dim3A_113, %broadcast_in_dim3A_114 : vector<128x512xi1>, vector<128x512xf32>
    %add3A_116 = arith.addf %add3A_85, %select_n3A_115 : vector<128x512xf32>
    %add3A_117 = arith.addf %add3A_86, %div3A_108 : vector<128x1xf32>
    %get3A_118 = arith.constant 0 : index
    %get3A_119 = arith.constant 0 : index
    %get3A_120 = vector.load %arg3[%get3A_118, %get3A_119] : memref<512x256xf32, #tpu.memory_space<vmem>>, vector<512x256xf32>
    %dot_general3A = arith.constant dense<0.000000e+00> : vector<128x256xf32>
    %dot_general3A_121 = tpu.matmul %add3A_116, %get3A_120, %dot_general3A {dimension_numbers = #tpu.dot_dimension_numbers<[1], [0], [0], [1], [0, 0, 1, 1], [], []>, precision = #tpu.contract_precision<fp32>, transpose_lhs_hint = false} : vector<128x512xf32>, vector<512x256xf32>, vector<128x256xf32> -> vector<128x256xf32>
    %div3A_122 = vector.broadcast %add3A_117 : vector<128x1xf32> to vector<128x256xf32>
    %div3A_123 = arith.divf %dot_general3A_121, %div3A_122 : vector<128x256xf32>
    %get3A_124 = arith.constant 0 : index
    %get3A_125 = arith.constant 0 : index
    %get3A_126 = vector.load %arg5[%get3A_124, %get3A_125] : memref<256x256xf32, #tpu.memory_space<vmem>>, vector<256x256xf32>
    %dot_general3A_127 = arith.constant dense<0.000000e+00> : vector<128x256xf32>
    %dot_general3A_128 = tpu.matmul %div3A_123, %get3A_126, %dot_general3A_127 {dimension_numbers = #tpu.dot_dimension_numbers<[1], [0], [0], [1], [0, 0, 1, 1], [], []>, transpose_lhs_hint = false} : vector<128x256xf32>, vector<256x256xf32>, vector<128x256xf32> -> vector<128x256xf32>
    %get3A_129 = arith.constant 0 : index
    %get3A_130 = arith.constant 0 : index
    %get3A_131 = vector.load %arg4[%get3A_129, %get3A_130] : memref<128x128xf32, #tpu.memory_space<vmem>>, vector<128x128xf32>
    %get3A_132 = arith.constant 0 : index
    %get3A_133 = arith.constant 0 : index
    %get3A_134 = vector.load %arg6[%get3A_132, %get3A_133] : memref<128x256xf32, #tpu.memory_space<vmem>>, vector<128x256xf32>
    %dot_general3A_135 = arith.constant dense<0.000000e+00> : vector<128x256xf32>
    %dot_general3A_136 = tpu.matmul %get3A_131, %get3A_134, %dot_general3A_135 {dimension_numbers = #tpu.dot_dimension_numbers<[1], [0], [0], [1], [0, 0, 1, 1], [], []>, transpose_lhs_hint = false} : vector<128x128xf32>, vector<128x256xf32>, vector<128x256xf32> -> vector<128x256xf32>
    %add3A_137 = arith.addf %dot_general3A_128, %dot_general3A_136 : vector<128x256xf32>
    %get3A_138 = arith.constant 0 : index
    %get3A_139 = arith.constant 0 : index
    %get3A_140 = vector.load %arg7[%get3A_138, %get3A_139] : memref<1x256xf32, #tpu.memory_space<vmem>>, vector<1x256xf32>
    %add3A_141 = vector.broadcast %get3A_140 : vector<1x256xf32> to vector<128x256xf32>
    %add3A_142 = arith.addf %add3A_137, %add3A_141 : vector<128x256xf32>
    %max3A_143 = arith.constant 0.000000e+00 : f32
    %max3A_144 = vector.broadcast %max3A_143 : f32 to vector<128x256xf32>
    %max3A_145 = arith.maximumf %add3A_142, %max3A_144 : vector<128x256xf32>
    %get3A_146 = arith.constant 0 : index
    %get3A_147 = arith.constant 0 : index
    %get3A_148 = vector.load %arg8[%get3A_146, %get3A_147] : memref<256x128xf32, #tpu.memory_space<vmem>>, vector<256x128xf32>
    %dot_general3A_149 = arith.constant dense<0.000000e+00> : vector<128x128xf32>
    %dot_general3A_150 = tpu.matmul %max3A_145, %get3A_148, %dot_general3A_149 {dimension_numbers = #tpu.dot_dimension_numbers<[1], [0], [0], [1], [0, 0, 1, 1], [], []>, transpose_lhs_hint = false} : vector<128x256xf32>, vector<256x128xf32>, vector<128x128xf32> -> vector<128x128xf32>
    %get3A_151 = arith.constant 0 : index
    %get3A_152 = arith.constant 0 : index
    %get3A_153 = vector.load %arg9[%get3A_151, %get3A_152] : memref<1x128xf32, #tpu.memory_space<vmem>>, vector<1x128xf32>
    %add3A_154 = vector.broadcast %get3A_153 : vector<1x128xf32> to vector<128x128xf32>
    %add3A_155 = arith.addf %dot_general3A_150, %add3A_154 : vector<128x128xf32>
    %swap3A = arith.constant 0 : index
    %swap3A_156 = arith.constant 0 : index
    %swap3A_157 = vector.load %arg10[%swap3A, %swap3A_156] : memref<128x128xf32, #tpu.memory_space<vmem>>, vector<128x128xf32>
    tpu.vector_store %arg10[%swap3A, %swap3A_156], %add3A_155 {strides = array<i32>} : memref<128x128xf32, #tpu.memory_space<vmem>>, vector<128x128xf32>,
    return
  }
  func.func @transform_0(%arg0: i32) -> (i32, i32) {
    %c0_i32 = arith.constant 0 : i32
    %c0_i32_0 = arith.constant 0 : i32
    return %arg0, %c0_i32 : i32, i32
  }
  func.func @transform_1(%arg0: i32) -> (i32, i32) {
    %c0_i32 = arith.constant 0 : i32
    %c0_i32_0 = arith.constant 0 : i32
    %c0_i32_1 = arith.constant 0 : i32
    return %c0_i32, %c0_i32_0 : i32, i32
  }
  func.func @transform_2(%arg0: i32) -> (i32, i32) {
    %c0_i32 = arith.constant 0 : i32
    %c0_i32_0 = arith.constant 0 : i32
    %c0_i32_1 = arith.constant 0 : i32
    return %c0_i32, %c0_i32_0 : i32, i32
  }
  func.func @transform_3(%arg0: i32) -> (i32, i32) {
    %c0_i32 = arith.constant 0 : i32
    %c0_i32_0 = arith.constant 0 : i32
    return %arg0, %c0_i32 : i32, i32
  }
  func.func @transform_4(%arg0: i32) -> (i32, i32) {
    %c0_i32 = arith.constant 0 : i32
    %c0_i32_0 = arith.constant 0 : i32
    %c0_i32_1 = arith.constant 0 : i32
    return %c0_i32, %c0_i32_0 : i32, i32
  }
  func.func @transform_5(%arg0: i32) -> (i32, i32) {
    %c0_i32 = arith.constant 0 : i32
    %c0_i32_0 = arith.constant 0 : i32
    %c0_i32_1 = arith.constant 0 : i32
    return %c0_i32, %c0_i32_0 : i32, i32
  }
  func.func @transform_6(%arg0: i32) -> (i32, i32) {
    %c0_i32 = arith.constant 0 : i32
    %c0_i32_0 = arith.constant 0 : i32
    %c0_i32_1 = arith.constant 0 : i32
    return %c0_i32, %c0_i32_0 : i32, i32
  }
  func.func @transform_7(%arg0: i32) -> (i32, i32) {
    %c0_i32 = arith.constant 0 : i32
    %c0_i32_0 = arith.constant 0 : i32
    %c0_i32_1 = arith.constant 0 : i32
    return %c0_i32, %c0_i32_0 : i32, i32
  }
  func.func @transform_8(%arg0: i32) -> (i32, i32) {
    %c0_i32 = arith.constant 0 : i32
    %c0_i32_0 = arith.constant 0 : i32
    %c0_i32_1 = arith.constant 0 : i32
    return %c0_i32, %c0_i32_0 : i32, i32
  }
  func.func @transform_9(%arg0: i32) -> (i32, i32) {
    %c0_i32 = arith.constant 0 : i32
    %c0_i32_0 = arith.constant 0 : i32
    return %arg0, %c0_i32 : i32, i32
  }
}

module attributes {stable_mosaic.version = 14 : i64} {
  func.func @_knn_fp1_head_body(%arg0: i32, %arg1: memref<128x8xf32, #tpu.memory_space<vmem>>, %arg2: memref<128x8xf32, #tpu.memory_space<vmem>>, %arg3: memref<3x1664xf32, #tpu.memory_space<vmem>>, %arg4: memref<1664x128xf32, #tpu.memory_space<vmem>>, %arg5: memref<128x128xf32, #tpu.memory_space<vmem>>, %arg6: memref<8x128xf32, #tpu.memory_space<vmem>>, %arg7: memref<1x128xf32, #tpu.memory_space<vmem>>, %arg8: memref<128x128xf32, #tpu.memory_space<vmem>>, %arg9: memref<1x128xf32, #tpu.memory_space<vmem>>, %arg10: memref<128x128xf32, #tpu.memory_space<vmem>>, %arg11: memref<1x128xf32, #tpu.memory_space<vmem>>, %arg12: memref<128x128xf32, #tpu.memory_space<vmem>>, %arg13: memref<1x128xf32, #tpu.memory_space<vmem>>, %arg14: memref<128x128xf32, #tpu.memory_space<vmem>>, %arg15: memref<1x128xf32, #tpu.memory_space<vmem>>, %arg16: memref<128x128xf32, #tpu.memory_space<vmem>>, %arg17: memref<1x128xf32, #tpu.memory_space<vmem>>, %arg18: memref<128x128xf32, #tpu.memory_space<vmem>>) attributes {dimension_semantics = [#tpu.dimension_semantics<arbitrary>], iteration_bounds = array<i64: 64>, scalar_prefetch = 0 : i64, scratch_operands = 0 : i64, tpu.core_type = #tpu.core_type<tc>, window_params = [{transform_indices = @transform_0, window_bounds = array<i64: 128, 8>}, {transform_indices = @transform_1, window_bounds = array<i64: 128, 8>}, {pipeline_mode = #tpu.pipeline_mode<synchronous>, transform_indices = @transform_2, window_bounds = array<i64: 3, 1664>}, {pipeline_mode = #tpu.pipeline_mode<synchronous>, transform_indices = @transform_3, window_bounds = array<i64: 1664, 128>}, {pipeline_mode = #tpu.pipeline_mode<synchronous>, transform_indices = @transform_4, window_bounds = array<i64: 128, 128>}, {pipeline_mode = #tpu.pipeline_mode<synchronous>, transform_indices = @transform_5, window_bounds = array<i64: 8, 128>}, {pipeline_mode = #tpu.pipeline_mode<synchronous>, transform_indices = @transform_6, window_bounds = array<i64: 1, 128>}, {pipeline_mode = #tpu.pipeline_mode<synchronous>, transform_indices = @transform_7, window_bounds = array<i64: 128, 128>}, {pipeline_mode = #tpu.pipeline_mode<synchronous>, transform_indices = @transform_8, window_bounds = array<i64: 1, 128>}, {pipeline_mode = #tpu.pipeline_mode<synchronous>, transform_indices = @transform_9, window_bounds = array<i64: 128, 128>}, {pipeline_mode = #tpu.pipeline_mode<synchronous>, transform_indices = @transform_10, window_bounds = array<i64: 1, 128>}, {pipeline_mode = #tpu.pipeline_mode<synchronous>, transform_indices = @transform_11, window_bounds = array<i64: 128, 128>}, {pipeline_mode = #tpu.pipeline_mode<synchronous>, transform_indices = @transform_12, window_bounds = array<i64: 1, 128>}, {pipeline_mode = #tpu.pipeline_mode<synchronous>, transform_indices = @transform_13, window_bounds = array<i64: 128, 128>}, {pipeline_mode = #tpu.pipeline_mode<synchronous>, transform_indices = @transform_14, window_bounds = array<i64: 1, 128>}, {pipeline_mode = #tpu.pipeline_mode<synchronous>, transform_indices = @transform_15, window_bounds = array<i64: 128, 128>}, {pipeline_mode = #tpu.pipeline_mode<synchronous>, transform_indices = @transform_16, window_bounds = array<i64: 1, 128>}, {transform_indices = @transform_17, window_bounds = array<i64: 128, 128>}]} {
    %get3A = arith.constant 0 : index
    %get3A_0 = arith.constant 0 : index
    %get3A_1 = vector.load %arg1[%get3A, %get3A_0] : memref<128x8xf32, #tpu.memory_space<vmem>>, vector<128x1xf32>
    %get3A_2 = arith.constant 0 : index
    %get3A_3 = arith.constant 1 : index
    %get3A_4 = vector.load %arg1[%get3A_2, %get3A_3] : memref<128x8xf32, #tpu.memory_space<vmem>>, vector<128x1xf32>
    %get3A_5 = arith.constant 0 : index
    %get3A_6 = arith.constant 2 : index
    %get3A_7 = vector.load %arg1[%get3A_5, %get3A_6] : memref<128x8xf32, #tpu.memory_space<vmem>>, vector<128x1xf32>
    %get3A_8 = arith.constant 0 : index
    %get3A_9 = arith.constant 0 : index
    %get3A_10 = vector.load %arg3[%get3A_8, %get3A_9] : memref<3x1664xf32, #tpu.memory_space<vmem>>, vector<1x1664xf32>
    %get3A_11 = arith.constant 1 : index
    %get3A_12 = arith.constant 0 : index
    %get3A_13 = vector.load %arg3[%get3A_11, %get3A_12] : memref<3x1664xf32, #tpu.memory_space<vmem>>, vector<1x1664xf32>
    %get3A_14 = arith.constant 2 : index
    %get3A_15 = arith.constant 0 : index
    %get3A_16 = vector.load %arg3[%get3A_14, %get3A_15] : memref<3x1664xf32, #tpu.memory_space<vmem>>, vector<1x1664xf32>
    %sub3A = vector.broadcast %get3A_1 : vector<128x1xf32> to vector<128x1664xf32>
    %sub3A_17 = vector.broadcast %get3A_10 : vector<1x1664xf32> to vector<128x1664xf32>
    %sub3A_18 = arith.subf %sub3A, %sub3A_17 : vector<128x1664xf32>
    %integer_pow3A = arith.mulf %sub3A_18, %sub3A_18 : vector<128x1664xf32>
    %sub3A_19 = vector.broadcast %get3A_4 : vector<128x1xf32> to vector<128x1664xf32>
    %sub3A_20 = vector.broadcast %get3A_13 : vector<1x1664xf32> to vector<128x1664xf32>
    %sub3A_21 = arith.subf %sub3A_19, %sub3A_20 : vector<128x1664xf32>
    %integer_pow3A_22 = arith.mulf %sub3A_21, %sub3A_21 : vector<128x1664xf32>
    %add3A = arith.addf %integer_pow3A, %integer_pow3A_22 : vector<128x1664xf32>
    %sub3A_23 = vector.broadcast %get3A_7 : vector<128x1xf32> to vector<128x1664xf32>
    %sub3A_24 = vector.broadcast %get3A_16 : vector<1x1664xf32> to vector<128x1664xf32>
    %sub3A_25 = arith.subf %sub3A_23, %sub3A_24 : vector<128x1664xf32>
    %integer_pow3A_26 = arith.mulf %sub3A_25, %sub3A_25 : vector<128x1664xf32>
    %add3A_27 = arith.addf %add3A, %integer_pow3A_26 : vector<128x1664xf32>
    %iota3A = tpu.iota {dimensions = array<i32: 1>} : vector<128x1664xi32>
    %lt3A = arith.constant 1639 : i32
    %lt3A_28 = vector.broadcast %lt3A : i32 to vector<128x1664xi32>
    %lt3A_29 = arith.cmpi slt, %iota3A, %lt3A_28 : vector<128x1664xi32>
    %jit3A = arith.constant 0x7F800000 : f32
    %broadcast_in_dim3A = vector.broadcast %jit3A : f32 to vector<128x1664xf32>
    %select_n3A = arith.select %lt3A_29, %add3A_27, %broadcast_in_dim3A : vector<128x1664xi1>, vector<128x1664xf32>
    %broadcast_in_dim3A_30 = arith.constant 0.000000e+00 : f32
    %broadcast_in_dim3A_31 = vector.broadcast %broadcast_in_dim3A_30 : f32 to vector<128x1664xf32>
    %broadcast_in_dim3A_32 = arith.constant 0.000000e+00 : f32
    %broadcast_in_dim3A_33 = vector.broadcast %broadcast_in_dim3A_32 : f32 to vector<128x1xf32>
    %reduce_min3A = arith.constant dense<0x7F800000> : vector<128xf32>
    %reduce_min3A_34 = vector.multi_reduction <minimumf>, %select_n3A, %reduce_min3A [1] : vector<128x1664xf32> to vector<128xf32>
    %broadcast_in_dim3A_35 = vector.shape_cast %reduce_min3A_34 : vector<128xf32> to vector<128x1xf32>
    %eq3A = vector.broadcast %broadcast_in_dim3A_35 : vector<128x1xf32> to vector<128x1664xf32>
    %eq3A_36 = arith.cmpf oeq, %select_n3A, %eq3A : vector<128x1664xf32>
    %jit3A_37 = arith.constant 1073741824 : i32
    %broadcast_in_dim3A_38 = vector.broadcast %jit3A_37 : i32 to vector<128x1664xi32>
    %select_n3A_39 = arith.select %eq3A_36, %iota3A, %broadcast_in_dim3A_38 : vector<128x1664xi1>, vector<128x1664xi32>
    %reduce_min3A_40 = arith.constant dense<2147483647> : vector<128xi32>
    %reduce_min3A_41 = vector.multi_reduction <minsi>, %select_n3A_39, %reduce_min3A_40 [1] : vector<128x1664xi32> to vector<128xi32>
    %broadcast_in_dim3A_42 = vector.shape_cast %reduce_min3A_41 : vector<128xi32> to vector<128x1xi32>
    %max3A = arith.constant 1.000000e-16 : f32
    %max3A_43 = vector.broadcast %max3A : f32 to vector<128x1xf32>
    %max3A_44 = arith.maximumf %broadcast_in_dim3A_35, %max3A_43 : vector<128x1xf32>
    %div3A = arith.constant 1.000000e+00 : f32
    %div3A_45 = vector.broadcast %div3A : f32 to vector<128x1xf32>
    %div3A_46 = arith.divf %div3A_45, %max3A_44 : vector<128x1xf32>
    %eq3A_47 = vector.broadcast %broadcast_in_dim3A_42 : vector<128x1xi32> to vector<128x1664xi32>
    %eq3A_48 = arith.cmpi eq, %iota3A, %eq3A_47 : vector<128x1664xi32>
    %jit3A_49 = arith.constant 0.000000e+00 : f32
    %broadcast_in_dim3A_50 = vector.shape_cast %div3A_46 : vector<128x1xf32> to vector<128x1xf32>
    %broadcast_in_dim3A_51 = vector.broadcast %broadcast_in_dim3A_50 : vector<128x1xf32> to vector<128x1664xf32>
    %broadcast_in_dim3A_52 = vector.broadcast %jit3A_49 : f32 to vector<128x1664xf32>
    %select_n3A_53 = arith.select %eq3A_48, %broadcast_in_dim3A_51, %broadcast_in_dim3A_52 : vector<128x1664xi1>, vector<128x1664xf32>
    %add3A_54 = arith.addf %broadcast_in_dim3A_31, %select_n3A_53 : vector<128x1664xf32>
    %add3A_55 = arith.addf %broadcast_in_dim3A_33, %div3A_46 : vector<128x1xf32>
    %eq3A_56 = vector.broadcast %broadcast_in_dim3A_42 : vector<128x1xi32> to vector<128x1664xi32>
    %eq3A_57 = arith.cmpi eq, %iota3A, %eq3A_56 : vector<128x1664xi32>
    %jit3A_58 = arith.constant 0x7F800000 : f32
    %broadcast_in_dim3A_59 = vector.broadcast %jit3A_58 : f32 to vector<128x1664xf32>
    %select_n3A_60 = arith.select %eq3A_57, %broadcast_in_dim3A_59, %select_n3A : vector<128x1664xi1>, vector<128x1664xf32>
    %reduce_min3A_61 = arith.constant dense<0x7F800000> : vector<128xf32>
    %reduce_min3A_62 = vector.multi_reduction <minimumf>, %select_n3A_60, %reduce_min3A_61 [1] : vector<128x1664xf32> to vector<128xf32>
    %broadcast_in_dim3A_63 = vector.shape_cast %reduce_min3A_62 : vector<128xf32> to vector<128x1xf32>
    %eq3A_64 = vector.broadcast %broadcast_in_dim3A_63 : vector<128x1xf32> to vector<128x1664xf32>
    %eq3A_65 = arith.cmpf oeq, %select_n3A_60, %eq3A_64 : vector<128x1664xf32>
    %jit3A_66 = arith.constant 1073741824 : i32
    %broadcast_in_dim3A_67 = vector.broadcast %jit3A_66 : i32 to vector<128x1664xi32>
    %select_n3A_68 = arith.select %eq3A_65, %iota3A, %broadcast_in_dim3A_67 : vector<128x1664xi1>, vector<128x1664xi32>
    %reduce_min3A_69 = arith.constant dense<2147483647> : vector<128xi32>
    %reduce_min3A_70 = vector.multi_reduction <minsi>, %select_n3A_68, %reduce_min3A_69 [1] : vector<128x1664xi32> to vector<128xi32>
    %broadcast_in_dim3A_71 = vector.shape_cast %reduce_min3A_70 : vector<128xi32> to vector<128x1xi32>
    %max3A_72 = arith.constant 1.000000e-16 : f32
    %max3A_73 = vector.broadcast %max3A_72 : f32 to vector<128x1xf32>
    %max3A_74 = arith.maximumf %broadcast_in_dim3A_63, %max3A_73 : vector<128x1xf32>
    %div3A_75 = arith.constant 1.000000e+00 : f32
    %div3A_76 = vector.broadcast %div3A_75 : f32 to vector<128x1xf32>
    %div3A_77 = arith.divf %div3A_76, %max3A_74 : vector<128x1xf32>
    %eq3A_78 = vector.broadcast %broadcast_in_dim3A_71 : vector<128x1xi32> to vector<128x1664xi32>
    %eq3A_79 = arith.cmpi eq, %iota3A, %eq3A_78 : vector<128x1664xi32>
    %jit3A_80 = arith.constant 0.000000e+00 : f32
    %broadcast_in_dim3A_81 = vector.shape_cast %div3A_77 : vector<128x1xf32> to vector<128x1xf32>
    %broadcast_in_dim3A_82 = vector.broadcast %broadcast_in_dim3A_81 : vector<128x1xf32> to vector<128x1664xf32>
    %broadcast_in_dim3A_83 = vector.broadcast %jit3A_80 : f32 to vector<128x1664xf32>
    %select_n3A_84 = arith.select %eq3A_79, %broadcast_in_dim3A_82, %broadcast_in_dim3A_83 : vector<128x1664xi1>, vector<128x1664xf32>
    %add3A_85 = arith.addf %add3A_54, %select_n3A_84 : vector<128x1664xf32>
    %add3A_86 = arith.addf %add3A_55, %div3A_77 : vector<128x1xf32>
    %eq3A_87 = vector.broadcast %broadcast_in_dim3A_71 : vector<128x1xi32> to vector<128x1664xi32>
    %eq3A_88 = arith.cmpi eq, %iota3A, %eq3A_87 : vector<128x1664xi32>
    %jit3A_89 = arith.constant 0x7F800000 : f32
    %broadcast_in_dim3A_90 = vector.broadcast %jit3A_89 : f32 to vector<128x1664xf32>
    %select_n3A_91 = arith.select %eq3A_88, %broadcast_in_dim3A_90, %select_n3A_60 : vector<128x1664xi1>, vector<128x1664xf32>
    %reduce_min3A_92 = arith.constant dense<0x7F800000> : vector<128xf32>
    %reduce_min3A_93 = vector.multi_reduction <minimumf>, %select_n3A_91, %reduce_min3A_92 [1] : vector<128x1664xf32> to vector<128xf32>
    %broadcast_in_dim3A_94 = vector.shape_cast %reduce_min3A_93 : vector<128xf32> to vector<128x1xf32>
    %eq3A_95 = vector.broadcast %broadcast_in_dim3A_94 : vector<128x1xf32> to vector<128x1664xf32>
    %eq3A_96 = arith.cmpf oeq, %select_n3A_91, %eq3A_95 : vector<128x1664xf32>
    %jit3A_97 = arith.constant 1073741824 : i32
    %broadcast_in_dim3A_98 = vector.broadcast %jit3A_97 : i32 to vector<128x1664xi32>
    %select_n3A_99 = arith.select %eq3A_96, %iota3A, %broadcast_in_dim3A_98 : vector<128x1664xi1>, vector<128x1664xi32>
    %reduce_min3A_100 = arith.constant dense<2147483647> : vector<128xi32>
    %reduce_min3A_101 = vector.multi_reduction <minsi>, %select_n3A_99, %reduce_min3A_100 [1] : vector<128x1664xi32> to vector<128xi32>
    %broadcast_in_dim3A_102 = vector.shape_cast %reduce_min3A_101 : vector<128xi32> to vector<128x1xi32>
    %max3A_103 = arith.constant 1.000000e-16 : f32
    %max3A_104 = vector.broadcast %max3A_103 : f32 to vector<128x1xf32>
    %max3A_105 = arith.maximumf %broadcast_in_dim3A_94, %max3A_104 : vector<128x1xf32>
    %div3A_106 = arith.constant 1.000000e+00 : f32
    %div3A_107 = vector.broadcast %div3A_106 : f32 to vector<128x1xf32>
    %div3A_108 = arith.divf %div3A_107, %max3A_105 : vector<128x1xf32>
    %eq3A_109 = vector.broadcast %broadcast_in_dim3A_102 : vector<128x1xi32> to vector<128x1664xi32>
    %eq3A_110 = arith.cmpi eq, %iota3A, %eq3A_109 : vector<128x1664xi32>
    %jit3A_111 = arith.constant 0.000000e+00 : f32
    %broadcast_in_dim3A_112 = vector.shape_cast %div3A_108 : vector<128x1xf32> to vector<128x1xf32>
    %broadcast_in_dim3A_113 = vector.broadcast %broadcast_in_dim3A_112 : vector<128x1xf32> to vector<128x1664xf32>
    %broadcast_in_dim3A_114 = vector.broadcast %jit3A_111 : f32 to vector<128x1664xf32>
    %select_n3A_115 = arith.select %eq3A_110, %broadcast_in_dim3A_113, %broadcast_in_dim3A_114 : vector<128x1664xi1>, vector<128x1664xf32>
    %add3A_116 = arith.addf %add3A_85, %select_n3A_115 : vector<128x1664xf32>
    %add3A_117 = arith.addf %add3A_86, %div3A_108 : vector<128x1xf32>
    %get3A_118 = arith.constant 0 : index
    %get3A_119 = arith.constant 0 : index
    %get3A_120 = vector.load %arg4[%get3A_118, %get3A_119] : memref<1664x128xf32, #tpu.memory_space<vmem>>, vector<1664x128xf32>
    %dot_general3A = arith.constant dense<0.000000e+00> : vector<128x128xf32>
    %dot_general3A_121 = tpu.matmul %add3A_116, %get3A_120, %dot_general3A {dimension_numbers = #tpu.dot_dimension_numbers<[1], [0], [0], [1], [0, 0, 1, 1], [], []>, precision = #tpu.contract_precision<fp32>, transpose_lhs_hint = false} : vector<128x1664xf32>, vector<1664x128xf32>, vector<128x128xf32> -> vector<128x128xf32>
    %div3A_122 = vector.broadcast %add3A_117 : vector<128x1xf32> to vector<128x128xf32>
    %div3A_123 = arith.divf %dot_general3A_121, %div3A_122 : vector<128x128xf32>
    %get3A_124 = arith.constant 0 : index
    %get3A_125 = arith.constant 0 : index
    %get3A_126 = vector.load %arg5[%get3A_124, %get3A_125] : memref<128x128xf32, #tpu.memory_space<vmem>>, vector<128x128xf32>
    %dot_general3A_127 = arith.constant dense<0.000000e+00> : vector<128x128xf32>
    %dot_general3A_128 = tpu.matmul %div3A_123, %get3A_126, %dot_general3A_127 {dimension_numbers = #tpu.dot_dimension_numbers<[1], [0], [0], [1], [0, 0, 1, 1], [], []>, transpose_lhs_hint = false} : vector<128x128xf32>, vector<128x128xf32>, vector<128x128xf32> -> vector<128x128xf32>
    %get3A_129 = arith.constant 0 : index
    %get3A_130 = arith.constant 0 : index
    %get3A_131 = vector.load %arg2[%get3A_129, %get3A_130] : memref<128x8xf32, #tpu.memory_space<vmem>>, vector<128x8xf32>
    %get3A_132 = arith.constant 0 : index
    %get3A_133 = arith.constant 0 : index
    %get3A_134 = vector.load %arg6[%get3A_132, %get3A_133] : memref<8x128xf32, #tpu.memory_space<vmem>>, vector<8x128xf32>
    %dot_general3A_135 = arith.constant dense<0.000000e+00> : vector<128x128xf32>
    %dot_general3A_136 = tpu.matmul %get3A_131, %get3A_134, %dot_general3A_135 {dimension_numbers = #tpu.dot_dimension_numbers<[1], [0], [0], [1], [0, 0, 1, 1], [], []>, transpose_lhs_hint = false} : vector<128x8xf32>, vector<8x128xf32>, vector<128x128xf32> -> vector<128x128xf32>
    %add3A_137 = arith.addf %dot_general3A_128, %dot_general3A_136 : vector<128x128xf32>
    %get3A_138 = arith.constant 0 : index
    %get3A_139 = arith.constant 0 : index
    %get3A_140 = vector.load %arg7[%get3A_138, %get3A_139] : memref<1x128xf32, #tpu.memory_space<vmem>>, vector<1x128xf32>
    %add3A_141 = vector.broadcast %get3A_140 : vector<1x128xf32> to vector<128x128xf32>
    %add3A_142 = arith.addf %add3A_137, %add3A_141 : vector<128x128xf32>
    %max3A_143 = arith.constant 0.000000e+00 : f32
    %max3A_144 = vector.broadcast %max3A_143 : f32 to vector<128x128xf32>
    %max3A_145 = arith.maximumf %add3A_142, %max3A_144 : vector<128x128xf32>
    %get3A_146 = arith.constant 0 : index
    %get3A_147 = arith.constant 0 : index
    %get3A_148 = vector.load %arg8[%get3A_146, %get3A_147] : memref<128x128xf32, #tpu.memory_space<vmem>>, vector<128x128xf32>
    %dot_general3A_149 = arith.constant dense<0.000000e+00> : vector<128x128xf32>
    %dot_general3A_150 = tpu.matmul %max3A_145, %get3A_148, %dot_general3A_149 {dimension_numbers = #tpu.dot_dimension_numbers<[1], [0], [0], [1], [0, 0, 1, 1], [], []>, transpose_lhs_hint = false} : vector<128x128xf32>, vector<128x128xf32>, vector<128x128xf32> -> vector<128x128xf32>
    %get3A_151 = arith.constant 0 : index
    %get3A_152 = arith.constant 0 : index
    %get3A_153 = vector.load %arg9[%get3A_151, %get3A_152] : memref<1x128xf32, #tpu.memory_space<vmem>>, vector<1x128xf32>
    %add3A_154 = vector.broadcast %get3A_153 : vector<1x128xf32> to vector<128x128xf32>
    %add3A_155 = arith.addf %dot_general3A_150, %add3A_154 : vector<128x128xf32>
    %max3A_156 = arith.constant 0.000000e+00 : f32
    %max3A_157 = vector.broadcast %max3A_156 : f32 to vector<128x128xf32>
    %max3A_158 = arith.maximumf %add3A_155, %max3A_157 : vector<128x128xf32>
    %get3A_159 = arith.constant 0 : index
    %get3A_160 = arith.constant 0 : index
    %get3A_161 = vector.load %arg10[%get3A_159, %get3A_160] : memref<128x128xf32, #tpu.memory_space<vmem>>, vector<128x128xf32>
    %dot_general3A_162 = arith.constant dense<0.000000e+00> : vector<128x128xf32>
    %dot_general3A_163 = tpu.matmul %max3A_158, %get3A_161, %dot_general3A_162 {dimension_numbers = #tpu.dot_dimension_numbers<[1], [0], [0], [1], [0, 0, 1, 1], [], []>, transpose_lhs_hint = false} : vector<128x128xf32>, vector<128x128xf32>, vector<128x128xf32> -> vector<128x128xf32>
    %get3A_164 = arith.constant 0 : index
    %get3A_165 = arith.constant 0 : index
    %get3A_166 = vector.load %arg11[%get3A_164, %get3A_165] : memref<1x128xf32, #tpu.memory_space<vmem>>, vector<1x128xf32>
    %add3A_167 = vector.broadcast %get3A_166 : vector<1x128xf32> to vector<128x128xf32>
    %add3A_168 = arith.addf %dot_general3A_163, %add3A_167 : vector<128x128xf32>
    %get3A_169 = arith.constant 0 : index
    %get3A_170 = arith.constant 0 : index
    %get3A_171 = vector.load %arg12[%get3A_169, %get3A_170] : memref<128x128xf32, #tpu.memory_space<vmem>>, vector<128x128xf32>
    %dot_general3A_172 = arith.constant dense<0.000000e+00> : vector<128x128xf32>
    %dot_general3A_173 = tpu.matmul %add3A_168, %get3A_171, %dot_general3A_172 {dimension_numbers = #tpu.dot_dimension_numbers<[1], [0], [0], [1], [0, 0, 1, 1], [], []>, transpose_lhs_hint = false} : vector<128x128xf32>, vector<128x128xf32>, vector<128x128xf32> -> vector<128x128xf32>
    %get3A_174 = arith.constant 0 : index
    %get3A_175 = arith.constant 0 : index
    %get3A_176 = vector.load %arg13[%get3A_174, %get3A_175] : memref<1x128xf32, #tpu.memory_space<vmem>>, vector<1x128xf32>
    %add3A_177 = vector.broadcast %get3A_176 : vector<1x128xf32> to vector<128x128xf32>
    %add3A_178 = arith.addf %dot_general3A_173, %add3A_177 : vector<128x128xf32>
    %max3A_179 = arith.constant 0.000000e+00 : f32
    %max3A_180 = vector.broadcast %max3A_179 : f32 to vector<128x128xf32>
    %max3A_181 = arith.maximumf %add3A_178, %max3A_180 : vector<128x128xf32>
    %get3A_182 = arith.constant 0 : index
    %get3A_183 = arith.constant 0 : index
    %get3A_184 = vector.load %arg14[%get3A_182, %get3A_183] : memref<128x128xf32, #tpu.memory_space<vmem>>, vector<128x128xf32>
    %dot_general3A_185 = arith.constant dense<0.000000e+00> : vector<128x128xf32>
    %dot_general3A_186 = tpu.matmul %max3A_181, %get3A_184, %dot_general3A_185 {dimension_numbers = #tpu.dot_dimension_numbers<[1], [0], [0], [1], [0, 0, 1, 1], [], []>, transpose_lhs_hint = false} : vector<128x128xf32>, vector<128x128xf32>, vector<128x128xf32> -> vector<128x128xf32>
    %get3A_187 = arith.constant 0 : index
    %get3A_188 = arith.constant 0 : index
    %get3A_189 = vector.load %arg15[%get3A_187, %get3A_188] : memref<1x128xf32, #tpu.memory_space<vmem>>, vector<1x128xf32>
    %add3A_190 = vector.broadcast %get3A_189 : vector<1x128xf32> to vector<128x128xf32>
    %add3A_191 = arith.addf %dot_general3A_186, %add3A_190 : vector<128x128xf32>
    %max3A_192 = arith.constant 0.000000e+00 : f32
    %max3A_193 = vector.broadcast %max3A_192 : f32 to vector<128x128xf32>
    %max3A_194 = arith.maximumf %add3A_191, %max3A_193 : vector<128x128xf32>
    %get3A_195 = arith.constant 0 : index
    %get3A_196 = arith.constant 0 : index
    %get3A_197 = vector.load %arg16[%get3A_195, %get3A_196] : memref<128x128xf32, #tpu.memory_space<vmem>>, vector<128x128xf32>
    %dot_general3A_198 = arith.constant dense<0.000000e+00> : vector<128x128xf32>
    %dot_general3A_199 = tpu.matmul %max3A_194, %get3A_197, %dot_general3A_198 {dimension_numbers = #tpu.dot_dimension_numbers<[1], [0], [0], [1], [0, 0, 1, 1], [], []>, transpose_lhs_hint = false} : vector<128x128xf32>, vector<128x128xf32>, vector<128x128xf32> -> vector<128x128xf32>
    %get3A_200 = arith.constant 0 : index
    %get3A_201 = arith.constant 0 : index
    %get3A_202 = vector.load %arg17[%get3A_200, %get3A_201] : memref<1x128xf32, #tpu.memory_space<vmem>>, vector<1x128xf32>
    %add3A_203 = vector.broadcast %get3A_202 : vector<1x128xf32> to vector<128x128xf32>
    %add3A_204 = arith.addf %dot_general3A_199, %add3A_203 : vector<128x128xf32>
    %swap3A = arith.constant 0 : index
    %swap3A_205 = arith.constant 0 : index
    %swap3A_206 = vector.load %arg18[%swap3A, %swap3A_205] : memref<128x128xf32, #tpu.memory_space<vmem>>, vector<128x128xf32>
    tpu.vector_store %arg18[%swap3A, %swap3A_205], %add3A_204 {strides = array<i32>} : memref<128x128xf32, #tpu.memory_space<vmem>>, vector<128x128xf32>,
    return
  }
  func.func @transform_0(%arg0: i32) -> (i32, i32) {
    %c0_i32 = arith.constant 0 : i32
    %c0_i32_0 = arith.constant 0 : i32
    return %arg0, %c0_i32 : i32, i32
  }
  func.func @transform_1(%arg0: i32) -> (i32, i32) {
    %c0_i32 = arith.constant 0 : i32
    %c0_i32_0 = arith.constant 0 : i32
    return %arg0, %c0_i32 : i32, i32
  }
  func.func @transform_2(%arg0: i32) -> (i32, i32) {
    %c0_i32 = arith.constant 0 : i32
    %c0_i32_0 = arith.constant 0 : i32
    %c0_i32_1 = arith.constant 0 : i32
    return %c0_i32, %c0_i32_0 : i32, i32
  }
  func.func @transform_3(%arg0: i32) -> (i32, i32) {
    %c0_i32 = arith.constant 0 : i32
    %c0_i32_0 = arith.constant 0 : i32
    %c0_i32_1 = arith.constant 0 : i32
    return %c0_i32, %c0_i32_0 : i32, i32
  }
  func.func @transform_4(%arg0: i32) -> (i32, i32) {
    %c0_i32 = arith.constant 0 : i32
    %c0_i32_0 = arith.constant 0 : i32
    %c0_i32_1 = arith.constant 0 : i32
    return %c0_i32, %c0_i32_0 : i32, i32
  }
  func.func @transform_5(%arg0: i32) -> (i32, i32) {
    %c0_i32 = arith.constant 0 : i32
    %c0_i32_0 = arith.constant 0 : i32
    %c0_i32_1 = arith.constant 0 : i32
    return %c0_i32, %c0_i32_0 : i32, i32
  }
  func.func @transform_6(%arg0: i32) -> (i32, i32) {
    %c0_i32 = arith.constant 0 : i32
    %c0_i32_0 = arith.constant 0 : i32
    %c0_i32_1 = arith.constant 0 : i32
    return %c0_i32, %c0_i32_0 : i32, i32
  }
  func.func @transform_7(%arg0: i32) -> (i32, i32) {
    %c0_i32 = arith.constant 0 : i32
    %c0_i32_0 = arith.constant 0 : i32
    %c0_i32_1 = arith.constant 0 : i32
    return %c0_i32, %c0_i32_0 : i32, i32
  }
  func.func @transform_8(%arg0: i32) -> (i32, i32) {
    %c0_i32 = arith.constant 0 : i32
    %c0_i32_0 = arith.constant 0 : i32
    %c0_i32_1 = arith.constant 0 : i32
    return %c0_i32, %c0_i32_0 : i32, i32
  }
  func.func @transform_9(%arg0: i32) -> (i32, i32) {
    %c0_i32 = arith.constant 0 : i32
    %c0_i32_0 = arith.constant 0 : i32
    %c0_i32_1 = arith.constant 0 : i32
    return %c0_i32, %c0_i32_0 : i32, i32
  }
  func.func @transform_10(%arg0: i32) -> (i32, i32) {
    %c0_i32 = arith.constant 0 : i32
    %c0_i32_0 = arith.constant 0 : i32
    %c0_i32_1 = arith.constant 0 : i32
    return %c0_i32, %c0_i32_0 : i32, i32
  }
  func.func @transform_11(%arg0: i32) -> (i32, i32) {
    %c0_i32 = arith.constant 0 : i32
    %c0_i32_0 = arith.constant 0 : i32
    %c0_i32_1 = arith.constant 0 : i32
    return %c0_i32, %c0_i32_0 : i32, i32
  }
  func.func @transform_12(%arg0: i32) -> (i32, i32) {
    %c0_i32 = arith.constant 0 : i32
    %c0_i32_0 = arith.constant 0 : i32
    %c0_i32_1 = arith.constant 0 : i32
    return %c0_i32, %c0_i32_0 : i32, i32
  }
  func.func @transform_13(%arg0: i32) -> (i32, i32) {
    %c0_i32 = arith.constant 0 : i32
    %c0_i32_0 = arith.constant 0 : i32
    %c0_i32_1 = arith.constant 0 : i32
    return %c0_i32, %c0_i32_0 : i32, i32
  }
  func.func @transform_14(%arg0: i32) -> (i32, i32) {
    %c0_i32 = arith.constant 0 : i32
    %c0_i32_0 = arith.constant 0 : i32
    %c0_i32_1 = arith.constant 0 : i32
    return %c0_i32, %c0_i32_0 : i32, i32
  }
  func.func @transform_15(%arg0: i32) -> (i32, i32) {
    %c0_i32 = arith.constant 0 : i32
    %c0_i32_0 = arith.constant 0 : i32
    %c0_i32_1 = arith.constant 0 : i32
    return %c0_i32, %c0_i32_0 : i32, i32
  }
  func.func @transform_16(%arg0: i32) -> (i32, i32) {
    %c0_i32 = arith.constant 0 : i32
    %c0_i32_0 = arith.constant 0 : i32
    %c0_i32_1 = arith.constant 0 : i32
    return %c0_i32, %c0_i32_0 : i32, i32
  }
  func.func @transform_17(%arg0: i32) -> (i32, i32) {
    %c0_i32 = arith.constant 0 : i32
    %c0_i32_0 = arith.constant 0 : i32
    return %arg0, %c0_i32 : i32, i32
  }
}

</mosaic_0001>

<sc_bundles>
// kernel: kernel.15.cloned.1.call-start
scs
__scs_entry_jumppad:
0x0: {  	(pc) =	sbr.rel $0x88, $3  }
0x1: {  	(tag) =	ssettag $0x0;
	lr =	simm.s32 $0x1  }
0x2: {  	[smem:$0x3F79] =	sst lr;
	_ =	strace $0xD0000000  }
0x3: {  	_ = 	snop  }
0x4: {  	_ = 	snop  }
0x5: {  	_ = 	snop  }
0x6: {  	_ = 	snop  }
0x7: {  	_ = 	snop  }
__scs_overlays_trampoline_lowered:
0x8: {  	[smem:$0x3F88] =	sst s0  }
0x9: {  	[smem:$0x3F89] =	sst s1  }
0xa: {  	[smem:$0x3F8A] =	sst s2  }
0xb: {  	[smem:$0x3F8B] =	sst s3  }
0xc: {  	[smem:$0x3F8C] =	sst s4  }
0xd: {  	[smem:$0x3F8D] =	sst s5  }
0xe: {  	[smem:$0x3F8E] =	sst s6  }
0xf: {  	[smem:$0x3F8F] =	sst s7  }
0x10: {  	[smem:$0x3F90] =	sst s8  }
0x11: {  	[smem:$0x3F91] =	sst s9;
	s0 =	simm.s32 @!p0 $0x0  }
0x12: {  	s1 =	sld [smem:$0x3F77];
	s0 =	simm.s32 @p0 $0x1  }
0x13: {  	[smem:$0x3F92] =	sst s0;
	s0 =	simm.s32 @!p1 $0x0  }
0x14: {  	s2 =	sld [smem:$0x3F76];
	s0 =	simm.s32 @p1 $0x1  }
0x15: {  	[smem:$0x3F93] =	sst s0;
	s0 =	simm.s32 @!p2 $0x0  }
0x16: {  	s3 =	sld [smem:$0x3FDB];
	s0 =	simm.s32 @p2 $0x1  }
0x17: {  	s4 =	simm.s32 $0x1BF5;
	[smem:$0x3F95] =	sst s0  }
0x18: {  	s0 =	sld [smem:$0x3F78];
	_ =	swait.ge [sflag:s4], $0x0  }
0x19: {  	s7 =	sld [smem:$0x3F79]  }
0x1a: {  	s8 =	sadd.s32 $0xFFFFE003, lr  }
0x1b: {  	s9 =	sadd.s32 $0xFFFFFEF7, lr;
	s5 =	simm.s32 $0xFFFFFFFF;
	p2 =	slt.u32 s8, $0xFFFFF086  }
0x1c: {  	p1 =	slt.u32 s9, $0xF7A;
	s5 =	simm.s32 @!p2 $0x0  }
0x1d: {  	s5 =	simm.s32 @p1 $0x1;
	p0 =	seq.s32 s7, s2  }
0x1e: {  	s7 =	smul.u32 @!p0 $0xF7A, s2;
	p2 =	seq.s32 @!p0 s5, $0x0  }
0x1f: {  	s9 =	smul.u32 $0xF7A, s1;
	s8 =	simm.s32 @!p0 $0x1BF5;
	p2 =	por !p2, p0  }
0x20: {  	[sflag:s8] =	ssyncset.s32 @!p0 $0xFFFFF086;
	s6 =	sadd.s32 @!p0 s3, s7;
	s7 =	simm.s32 @!p0 $0x108  }
0x21: {  	s3 =	sadd.s32 s3, s9;
	s6 =	sadd.s32 @!p0 $0x88, s6;
	s7 =	simm.s32 @p2 $0x1082  }
0x22: {  	[simem:s7], [sflag:s8] =	dma.local @!p0 [hbm:s6], $0xF7A  }
0x23: {  	s9 =	sor.u32 $0xD0000000, s2;
	s6 =	simm.s32 $0x108;
	_ =	swait.ge @!p0 [sflag:s8], $0x0  }
0x24: {  	s3 =	sadd.s32 $0x88, s3;
	s6 =	simm.s32 @!p1 $0x1082;
	[sflag:s4] =	ssyncset.s32 $0xFFFFF086  }
0x25: {  	[simem:s6], [sflag:s4] =	dma.local [hbm:s3], $0xF7A  }
0x26: {  	[smem:$0x3F79] =	sst s1;
	(tag) =	ssettag s2;
	_ =	strace s9  }
0x27: {  	s1 =	sld [smem:$0x3F89]  }
0x28: {  	s2 =	sld [smem:$0x3F8A]  }
0x29: {  	s4 =	sld [smem:$0x3F8C]  }
0x2a: {  	p0 =	seq.s32 s5, $0x0;
	s5 =	sld [smem:$0x3F8D]  }
0x2b: {  	s6 =	sld [smem:$0x3F8E]  }
0x2c: {  	s7 =	sld [smem:$0x3F8F]  }
0x2d: {  	s3 =	simm.s32 $0x108;
	s8 =	sld [smem:$0x3F90]  }
0x2e: {  	s3 =	simm.s32 @!p0 $0x1082;
	s9 =	sld [smem:$0x3F91]  }
0x2f: {  	lr =	sadd.s32 s0, s3;
	s0 =	sld [smem:$0x3F88]  }
0x30: {  	s3 =	sld [smem:$0x3F8B]  }
0x31: {  	[smem:$0x3F94] =	sst s10  }
0x32: {  	s10 =	sld [smem:$0x3F92];
	_ =	sdelay $0x3  }
0x33: {  	p0 =	seq.s32 s10, $0x1;
	s10 =	sld [smem:$0x3F94];
	_ =	sdelay $0x3  }
0x34: {  	[smem:$0x3F94] =	sst s10  }
0x35: {  	s10 =	sld [smem:$0x3F93];
	_ =	sdelay $0x3  }
0x36: {  	p1 =	seq.s32 s10, $0x1;
	s10 =	sld [smem:$0x3F94];
	_ =	sdelay $0x3  }
0x37: {  	[smem:$0x3F94] =	sst s10  }
0x38: {  	s10 =	sld [smem:$0x3F95]  }
0x39: {  	_ = 	snop;
	(pc) =	sbr.ind lr, $3  }
0x3a: {  	_ = 	snop  }
0x3b: {  	_ = 	snop  }
0x3c: {  	p2 =	seq.s32 s10, $0x1;
	s10 =	sld [smem:$0x3F94]  }
0x3d: {  	_ =	shalt  }
0x3e: {  	_ =	shalt  }
0x3f: {  	_ =	shalt  }
0x40: {  	_ =	shalt  }
0x41: {  	_ =	shalt  }
0x42: {  	_ =	shalt  }
0x43: {  	_ =	shalt  }
0x44: {  	_ =	shalt  }
0x45: {  	_ =	shalt  }
0x46: {  	_ =	shalt  }
0x47: {  	_ =	shalt  }
0x48: {  	_ =	shalt  }
0x49: {  	_ =	shalt  }
0x4a: {  	_ =	shalt  }
0x4b: {  	_ =	shalt  }
0x4c: {  	_ =	shalt  }
0x4d: {  	_ =	shalt  }
0x4e: {  	_ =	shalt  }
0x4f: {  	_ =	shalt  }
0x50: {  	_ =	shalt  }
0x51: {  	_ =	shalt  }
0x52: {  	_ =	shalt  }
0x53: {  	_ =	shalt  }
0x54: {  	_ =	shalt  }
0x55: {  	_ =	shalt  }
0x56: {  	_ =	shalt  }
0x57: {  	_ =	shalt  }
0x58: {  	_ =	shalt  }
0x59: {  	_ =	shalt  }
0x5a: {  	_ =	shalt  }
0x5b: {  	_ =	shalt  }
0x5c: {  	_ =	shalt  }
0x5d: {  	_ =	shalt  }
0x5e: {  	_ =	shalt  }
0x5f: {  	_ =	shalt  }
0x60: {  	_ =	shalt  }
0x61: {  	_ =	shalt  }
0x62: {  	_ =	shalt  }
0x63: {  	_ =	shalt  }
0x64: {  	_ =	shalt  }
0x65: {  	_ =	shalt  }
0x66: {  	_ =	shalt  }
0x67: {  	_ =	shalt  }
0x68: {  	_ =	shalt  }
0x69: {  	_ =	shalt  }
0x6a: {  	_ =	shalt  }
0x6b: {  	_ =	shalt  }
0x6c: {  	_ =	shalt  }
0x6d: {  	_ =	shalt  }
0x6e: {  	_ =	shalt  }
0x6f: {  	_ =	shalt  }
0x70: {  	_ =	shalt  }
0x71: {  	_ =	shalt  }
0x72: {  	_ =	shalt  }
0x73: {  	_ =	shalt  }
0x74: {  	_ =	shalt  }
0x75: {  	_ =	shalt  }
0x76: {  	_ =	shalt  }
0x77: {  	_ =	shalt  }
0x78: {  	_ =	shalt  }
0x79: {  	_ =	shalt  }
0x7a: {  	_ =	shalt  }
0x7b: {  	_ =	shalt  }
0x7c: {  	_ =	shalt  }
0x7d: {  	_ =	shalt  }
0x7e: {  	_ =	shalt  }
0x7f: {  	_ =	shalt  }
0x80: {  	_ =	shalt  }
0x81: {  	_ =	shalt  }
0x82: {  	_ =	shalt  }
0x83: {  	_ =	shalt  }
0x84: {  	_ =	shalt  }
0x85: {  	_ =	shalt  }
0x86: {  	_ =	shalt  }
0x87: {  	_ =	shalt  }
.Lfunc_end0:
.L_simem_size_0:
called_computation_lowered:
.L_overlay_start_0:
0x88: {  	s2 =	sld [smem:$0x3FD9]  }
0x89: {  	s3 =	sld [smem:$0x3FFE];
	_ =	sdelay $0x1  }
0x8a: {  	s1 =	srdreg.scid  }
0x8b: {  	s0 =	sand.u32 $0x1, s1  }
0x8c: {  	s16 =	sshll.u32 s0, $0xA;
	s2 =	sadd.s32 s3, s2  }
0x8d: {  	s2 =	sadd.s32 s2, s16  }
0x8e: {  	[smem:$0x3FA0] =	sst s2  }
0x8f: {  	_ = 	snop  }
0x90: {  	(tm) =	ssettm $0x1  }
0x91: {  	s17 =	sld [smem:$0x3FFB];
	_ =	sdelay $0x3  }
0x92: {  	_ =	strace s17  }
0x93: {  	s2 =	sld [smem:$0x3FFC];
	_ =	sdelay $0x3  }
0x94: {  	_ =	strace s2  }
0x95: {  	s2 =	sld [smem:$0x3FFD];
	_ =	sdelay $0x3  }
0x96: {  	_ =	strace s2  }
0x97: {  	_ =	strace $0x8FFFFFFF  }
0x98: {  	s18 =	sld [smem:$0x3FDB];
	_ =	sdelay $0x1  }
0x99: {  	s19 =	simm.s32 $_scs_section_size  }
0x9a: {  	s4 =	simm.s32 $_size__tile_overlayer_lowered;
	s5 =	simm.s32 $_tile_overlayer_lowered  }
0x9b: {  	s22 =	simm.s32 $0x1BFF;
	s21 =	sshll.u32 s5, $0x1;
	s2 =	sadd.s32 s19, s18  }
0x9c: {  	s6 =	simm.s32 $0x0;
	s20 =	sshll.u32 s4, $0x1;
	s4 =	sadd.s32 s21, s2  }
0x9d: {  	[timem:s6], [sflag:s22] =	dma.local [hbm:s4], s20  }
0x9e: {  	_ =	swait.ge [sflag:s22], s20  }
0x9f: {  	s3 =	ssub.s32 $0x0, s20;
	[sflag:s22] =	ssyncset.done $0x0  }
0xa0: {  	[sflag:s22] =	ssyncadd.s32 s3;
	_ =	sdelay $0x1  }
0xa1: {  	s23 =	simm.s32 $0x1B8B  }
0xa2: {  	_ =	swait.ge [sflag:s23], $0x1  }
0xa3: {  	[sflag:s23] =	ssyncset.done $0x0  }
0xa4: {  	s25 =	simm.s32 $0x1B8E;
	s24 =	sld [smem:$0x3FFE];
	[sflag:s23] =	ssyncadd.s32 $0xFFFFFFFF  }
0xa5: {  	s26 =	simm.s32 $execute0_lowered;
	[smem:$0x3FD2] =	sst s25  }
0xa6: {  	s4 =	sshll.u32 s26, $0x1;
	_ =	strace $0x80000046;
	[dreg:$0x1] =	wrdreg $0xFFFFFFFF  }
0xa7: {  	s28 =	simm.s32 $_size_execute0_lowered;
	s2 =	sadd.s32 s2, s4;
	[dreg:$0x0] =	wrdreg $0x0  }
0xa8: {  	s4 =	sshll.u32 s28, $0x1;
	[dreg:$0x2] =	wrdreg s2  }
0xa9: {  	[dreg:$0x3] =	wrdreg s4  }
0xaa: {  	[dreg:$0x4] =	wrdreg $0xC0  }
0xab: {  	_ =	task [dreg:s6], $0x5FFFF  }
0xac: {  	[dreg:$0x1] =	wrdreg $0xFFFFFFFF  }
0xad: {  	[dreg:$0x0] =	wrdreg $0x60  }
0xae: {  	[dreg:$0x2] =	wrdreg s24  }
0xaf: {  	[dreg:$0x3] =	wrdreg $0xA  }
0xb0: {  	_ =	task.clear_ibuf [dreg:s6], $0x4FFFF;
	_ =	strace $0x90000046  }
0xb1: {  	s29 =	simm.s32 $0xA;
	_ =	strace $0x80000048  }
0xb2: {  	_ =	swait.ge [sflag:s29], $0x1  }
0xb3: {  	[sflag:s29] =	ssyncadd.s32 $0xFFFFFFFF  }
0xb4: {  	_ =	strace $0x90000048  }
0xb5: {  	_ =	sfence  }
0xb6: {  	s30 =	sld [smem:$0x0];
	_ =	sdelay $0x2  }
0xb7: {  	s31 =	sshll.u32 s1, $0xD;
	s1 =	sshrl.u32 s1, $0x2  }
0xb8: {  	s3 =	sand.u32 $0x4000, s31;
	s1 =	sadd.s32 s1, s30  }
0xb9: {  	s0 =	sor.u32 s3, s0;
	s1 =	sshll.u32 s1, $0x11  }
0xba: {  	s0 =	sor.u32 s1, s0  }
0xbb: {  	s0 =	sadd.s32 $0x8F2B, s0  }
0xbc: {  	[sflag:s0] =	ssyncadd.remote.s32 $0x1  }
0xbd: {  	_ =	sfence.sel $0xFFFF  }
0xbe: {  	[dreg:$0x0] =	wrdreg $0xFFFFFFFF;
	(pc) =	sbr.abs _section_cstart, $3  }
0xbf: {  	[dreg:$0x1] =	wrdreg $0xFFFFFFFF  }
0xc0: {  	_ =	task.clear_ibuf [dreg:s6], $0x2FFFF;
	_ =	strace $0x9FFFFFFF  }
0xc1: {  	(tm) =	ssettm $0x7FFFFFFF  }
tec
execute0_lowered:
.L_overlay_start_1:
0x0: {  	(tag) =	ssettag $0x1  }
0x1: {  	s5 =	rddreg [dreg:$0x0]  }
0x2: {  	s0 =	rddreg [dreg:$0x1];
	s1 =	simm.s32 $0x0  }
0x3: {  	s2 =	srdreg.scid;
	s10 =	simm.s32 $0x80;
	s11 =	simm.s32 $0x400  }
0x4: {  	s12 =	simm.s32 $0x4080;
	s13 =	simm.s32 $0x0;
	[smem:$0x7FF] =	sst s1  }
0x5: {  	s6 =	sand.u32 $0x1, s2;
	s2 =	stileid.u32;
	s3 =	sadd.s32 $0xCE00, s5  }
0x6: {  	s4 =	sadd.s32 $0x1ACE00, s5;
	s5 =	sadd.s32 $0x1AD000, s5;
	s7 =	ssub.s32 $0x2, s6  }
0x7: {  	_ =	strace $0x80000047;
	s9 =	sshll.u32 s2, $0x1;
	s8 =	sshrl.u32 s7, $0x1  }
0x8: {  	s6 =	sor.u32 s6, s9;
	s9 =	simm.s32 $0x1;
	s7 =	ssub.s32 s7, s8  }
0x9: {  	v0 =	vimm.s32 $0x0;
	s6 =	smul.u32 $0x34, s6;
	s8 =	simm.s32 $0x4100;
	s7 =	smax.u32 s7, $0x1  }
.LBB2_1:
0xa: {  	[tilespmem:s8], [sflag:$0x1] =	stream.linear.gather [hbm4b:s4+s1], $0x680, $0x38;
	[tilespmem:$0x4780] =	vst v63  }
0xb: {  	_ =	swait.ge [sflag:s9], $0x680  }
0xc: {  	[sflag:s9] =	ssyncset.done $0x0  }
0xd: {  	s14 =	simm.s32 $0x0;
	[sflag:s9] =	ssyncadd.s32 $0xFFFFF980  }
.LBB2_2:
0xe: {  	s17 =	sadd.s32 s6, s14  }
0xf: {  	s15 =	sshrl.u32 s17, $0x3;
	s16 =	sshll.u32 s17, $0x7  }
0x10: {  	s16 =	sand.u32 $0x380, s16;
	s18 =	sshll.u32 s15, $0x10  }
0x11: {  	s18 =	sor.u32 s16, s18  }
0x12: {  	s18 =	sshrl.u32 s18, $0x3  }
0x13: {  	s19 =	simm.s32 $0x0;
	s18 =	sadd.s32 s3, s18  }
0x14: {  	[tilespmem:s19], [sflag:$0x1] =	stream.strided.gather [hbm4b:s18+s10], $0x2000, s11, s10, $0x38;
	[tilespmem:$0x4780] =	vst v63  }
0x15: {  	_ =	swait.ge [sflag:s9], $0x2000  }
0x16: {  	[sflag:s9] =	ssyncset.done $0x0  }
0x17: {  	s26 =	sand.u32 $0x1FFFFFF0, s17;
	[sflag:s9] =	ssyncadd.s32 $0xFFFFE000  }
0x18: {  	v1 =	vld [tilespmem:s26+$0x4100];
	[tilespmem:$0x2000] =	vst v0  }
0x19: {  	[tilespmem:$0x2010] =	vst v0  }
0x1a: {  	[tilespmem:$0x2020] =	vst v0  }
0x1b: {  	[tilespmem:$0x2030] =	vst v0  }
0x1c: {  	s28 =	simm.s32 $0x20;
	[tilespmem:$0x2040] =	vst v0  }
0x1d: {  	v3 =	vld [tilespmem:s28+$0xFFFFFFE0];
	_ =	sdelay $0x1  }
0x1e: {  	v2 =	vmov s17  }
0x1f: {  	v1 =	vperm.xlane v1, v2;
	_ =	sdelay $0x1  }
0x20: {  	v2 =	vlaneseq.u32;
	vm0 =	vle.f32 v3, v1  }
0x21: {  	[tilespmem:s19+$0x2000] =	vst.msk vm0, v2;
	v3 =	vmpcnt.ones.xlane vm0  }
0x22: {  	v4 =	vld [tilespmem:s28+$0xFFFFFFF0]  }
0x23: {  	(v2sf) =	vpush v3, $0x0;
	_ =	sdelay $0x3  }
0x24: {  	vm13 =	vle.f32 v4, v1  }
0x25: {  	v3 =	vmpcnt.ones.xlane vm13;
	_ =	sdelay $0x1  }
0x26: {  	(v2sf) =	vpush v3, $0x0;
	_ =	sdelay $0x7  }
0x27: {  	s29 =	spop (v2sf)  }
0x28: {  	v3 =	vadd.s32 $0x10, v2;
	s17 =	sadd.s32 $0x0, s29  }
0x29: {  	[tilespmem:s17+$0x2000] =	vst.msk vm13, v3  }
0x2a: {  	v3 =	vld [tilespmem:s28+$0x0];
	_ =	sdelay $0x3  }
0x2b: {  	s30 =	spop (v2sf)  }
0x2c: {  	v4 =	vadd.s32 $0x20, v2;
	s17 =	sadd.s32 s17, s30;
	vm14 =	vle.f32 v3, v1  }
0x2d: {  	[tilespmem:s17+$0x2000] =	vst.msk vm14, v4;
	v4 =	vmpcnt.ones.xlane vm14  }
0x2e: {  	v3 =	vld [tilespmem:s28+$0x10]  }
0x2f: {  	(v2sf) =	vpush v4, $0x0;
	_ =	sdelay $0x3  }
0x30: {  	vm15 =	vle.f32 v3, v1  }
0x31: {  	v3 =	vmpcnt.ones.xlane vm15;
	_ =	sdelay $0x1  }
0x32: {  	(v2sf) =	vpush v3, $0x0;
	_ =	sdelay $0x7  }
0x33: {  	s31 =	spop (v2sf)  }
0x34: {  	v3 =	vadd.s32 $0x30, v2;
	s19 =	sadd.s32 s17, s31  }
0x35: {  	s17 =	simm.s32 $0x60;
	[tilespmem:s19+$0x2000] =	vst.msk vm15, v3  }
0x36: {  	v3 =	vld [tilespmem:s17+$0xFFFFFFE0];
	_ =	sdelay $0x3  }
0x37: {  	s18 =	simm.s32 $0x4;
	s20 =	spop (v2sf)  }
.LBB2_3:
0x38: {  	s18 =	sadd.s32 $0x4, s18;
	vm0 =	vle.f32 v3, v1;
	s19 =	sadd.s32 s19, s20;
	v2 =	vadd.s32 $0x40, v2  }
0x39: {  	p0 =	slt.u32 s18, $0x1FC;
	[tilespmem:s19+$0x2000] =	vst.msk vm0, v2;
	v3 =	vmpcnt.ones.xlane vm0  }
0x3a: {  	v4 =	vld [tilespmem:s17+$0xFFFFFFF0]  }
0x3b: {  	(v2sf) =	vpush v3, $0x0;
	_ =	sdelay $0x3  }
0x3c: {  	vm0 =	vle.f32 v4, v1  }
0x3d: {  	v3 =	vmpcnt.ones.xlane vm0;
	_ =	sdelay $0x1  }
0x3e: {  	(v2sf) =	vpush v3, $0x0;
	_ =	sdelay $0x7  }
0x3f: {  	s20 =	spop (v2sf)  }
0x40: {  	v3 =	vadd.s32 $0x10, v2;
	s19 =	sadd.s32 s19, s20  }
0x41: {  	[tilespmem:s19+$0x2000] =	vst.msk vm0, v3  }
0x42: {  	v3 =	vld [tilespmem:s17+$0x0];
	_ =	sdelay $0x3  }
0x43: {  	s20 =	spop (v2sf)  }
0x44: {  	v4 =	vadd.s32 $0x20, v2;
	s19 =	sadd.s32 s19, s20;
	vm0 =	vle.f32 v3, v1  }
0x45: {  	[tilespmem:s19+$0x2000] =	vst.msk vm0, v4;
	v3 =	vmpcnt.ones.xlane vm0  }
0x46: {  	v4 =	vld [tilespmem:s17+$0x10]  }
0x47: {  	(v2sf) =	vpush v3, $0x0;
	_ =	sdelay $0x3  }
0x48: {  	vm0 =	vle.f32 v4, v1  }
0x49: {  	v3 =	vmpcnt.ones.xlane vm0;
	_ =	sdelay $0x1  }
0x4a: {  	(v2sf) =	vpush v3, $0x0;
	_ =	sdelay $0x7  }
0x4b: {  	s20 =	spop (v2sf)  }
0x4c: {  	v3 =	vadd.s32 $0x30, v2;
	s19 =	sadd.s32 s19, s20  }
0x4d: {  	s17 =	sadd.s32 $0x40, s17;
	[tilespmem:s19+$0x2000] =	vst.msk vm0, v3  }
.Ltmp0:
0x4e: {  	v3 =	vld [tilespmem:s17+$0xFFFFFFE0];
	(pc) =	sbr.rel @p0 .LBB2_3-.Ltmp0, $2  }
0x4f: {  	_ =	sdelay $0x2  }
0x50: {  	s20 =	spop (v2sf)  }
0x51: {  	vm0 =	vle.f32 v3, v1;
	s18 =	sadd.s32 s19, s20;
	v2 =	vadd.s32 $0x40, v2  }
0x52: {  	[tilespmem:s18+$0x2000] =	vst.msk vm0, v2;
	v3 =	vmpcnt.ones.xlane vm0  }
0x53: {  	v4 =	vld [tilespmem:s17+$0xFFFFFFF0]  }
0x54: {  	(v2sf) =	vpush v3, $0x0;
	_ =	sdelay $0x3  }
0x55: {  	vm13 =	vle.f32 v4, v1  }
0x56: {  	v3 =	vmpcnt.ones.xlane vm13;
	_ =	sdelay $0x1  }
0x57: {  	(v2sf) =	vpush v3, $0x0;
	_ =	sdelay $0x7  }
0x58: {  	s28 =	spop (v2sf)  }
0x59: {  	v3 =	vadd.s32 $0x10, v2;
	s18 =	sadd.s32 s18, s28  }
0x5a: {  	[tilespmem:s18+$0x2000] =	vst.msk vm13, v3  }
0x5b: {  	v3 =	vld [tilespmem:s17+$0x0];
	_ =	sdelay $0x3  }
0x5c: {  	s29 =	spop (v2sf)  }
0x5d: {  	v62 =	vadd.s32 $0x20, v2;
	s18 =	sadd.s32 s18, s29;
	vm14 =	vle.f32 v3, v1  }
0x5e: {  	[tilespmem:s18+$0x2000] =	vst.msk vm14, v62;
	v3 =	vmpcnt.ones.xlane vm14  }
0x5f: {  	v4 =	vld [tilespmem:s17+$0x10]  }
0x60: {  	(v2sf) =	vpush v3, $0x0;
	_ =	sdelay $0x3  }
0x61: {  	vm15 =	vle.f32 v4, v1  }
0x62: {  	v1 =	vmpcnt.ones.xlane vm15;
	_ =	sdelay $0x1  }
0x63: {  	(v2sf) =	vpush v1, $0x0;
	_ =	sdelay $0x7  }
0x64: {  	s30 =	spop (v2sf)  }
0x65: {  	v1 =	vadd.s32 $0x30, v2;
	s17 =	sadd.s32 s18, s30  }
0x66: {  	[tilespmem:s17+$0x2000] =	vst.msk vm15, v1  }
0x67: {  	v1 =	vld [tilespmem:$0x2000]  }
0x68: {  	v2 =	vld [tilespmem:$0x2010]  }
0x69: {  	v3 =	vld [tilespmem:$0x2020];
	[tilespmem:$0x40D0] =	vst v0  }
0x6a: {  	v63 =	vld [tilespmem:$0x2030];
	[tilespmem:$0x40E0] =	vst v0  }
0x6b: {  	[tilespmem:$0x40F0] =	vst v0;
	s31 =	spop (v2sf)  }
0x6c: {  	s17 =	sadd.s32 s17, s31;
	[tilespmem:$0x4080] =	vst v1  }
0x6d: {  	s15 =	sshll.u32 s15, $0xA;
	[tilespmem:$0x4090] =	vst v2;
	p0 =	slt.s32 s17, $0x40  }
0x6e: {  	s14 =	sadd.s32 $0x1, s14;
	s15 =	sor.u32 s16, s15;
	[tilespmem:$0x40A0] =	vst v3;
	s17 =	simm.s32 @!p0 $0x40  }
0x6f: {  	s15 =	sshrl.u32 s15, $0x3;
	[tilespmem:$0x40B0] =	vst v63;
	p0 =	sne.s32 s14, $0x34;
	v1 =	vmov s17  }
.Ltmp1:
0x70: {  	s15 =	sadd.s32 s5, s15;
	[tilespmem:$0x40C0] =	vst v1;
	(pc) =	sbr.rel @p0 .LBB2_2-.Ltmp1, $4  }
0x71: {  	[hbm4b:s15+s1] =	stream.linear.scatter [tilespmem:s12], [sflag:$0x1], $0x80, $0x38;
	[tilespmem:$0x4780] =	vst v63  }
0x72: {  	_ =	swait.ge [sflag:s9], $0x80  }
0x73: {  	[sflag:s9] =	ssyncset.done $0x0  }
0x74: {  	[sflag:s9] =	ssyncadd.s32 $0xFFFFFF80  }
0x75: {  	s13 =	sadd.s32 $0x1, s13  }
0x76: {  	p0 =	sne.s32 s13, s7  }
.Ltmp2:
0x77: {  	_ = 	snop;
	(pc) =	sbr.rel @p0 .LBB2_1-.Ltmp2, $1  }
0x78: {  	_ =	sdelay $0x3  }
0x79: {  	_ =	sfence.sel $0x180000  }
0x7a: {  	[bflag:$0x0] =	sbarrier.arrive $0xFFFF  }
0x7b: {  	p0 =	sne.s32 s2, $0x0;
	_ =	strace $0x90000047  }
0x7c: {  	s0 =	sadd.s32 @!p0 $0x100000, s0;
	[bflag:$0x2] =	sbarrier.arrive $0xFFFF  }
0x7d: {  	[sflag:s0] =	ssyncadd.tile.s32 @!p0 $0x1;
	_ =	shalt  }
.Lfunc_end2:
_tile_overlayer_lowered:
.L_overlay_start_2:
0x7e: {  	(tag) =	ssettag $0x2  }
0x7f: {  	s0 =	rddreg [dreg:$0x0];
	s2 =	stileid.u32  }
0x80: {  	s1 =	rddreg [dreg:$0x1];
	p0 =	sne.s32 s2, $0x0  }
0x81: {  	s3 =	rddreg [dreg:$0x2];
	[bflag:$0x3] =	sbarrier.arrive $0xFFFF;
	s2 =	simm.s32 @!p0 $0x1C01  }
0x82: {  	[timem:s3], [sflag:s2] =	dma.local @!p0 [hbm:s0], s1  }
0x83: {  	s0 =	simm.s32 @!p0 $0x1  }
0x84: {  	_ =	swait.ge @!p0 [sflag:s0], s1  }
0x85: {  	s1 =	ssub.s32 @!p0 $0x0, s1;
	[sflag:s0] =	ssyncset.done @!p0 $0x0  }
0x86: {  	[sflag:s0] =	ssyncadd.s32 @!p0 s1  }
0x87: {  	[bflag:$0x3] =	sbarrier.arrive $0xFFFF  }
0x88: {  	_ =	shalt  }

// kernel: kernel.18.cloned.1.call-start
scs
__scs_entry_jumppad:
0x0: {  	(pc) =	sbr.rel $0x88, $3  }
0x1: {  	(tag) =	ssettag $0x0;
	lr =	simm.s32 $0x1  }
0x2: {  	[smem:$0x3F79] =	sst lr;
	_ =	strace $0xD0000000  }
0x3: {  	_ = 	snop  }
0x4: {  	_ = 	snop  }
0x5: {  	_ = 	snop  }
0x6: {  	_ = 	snop  }
0x7: {  	_ = 	snop  }
__scs_overlays_trampoline_lowered:
0x8: {  	[smem:$0x3F88] =	sst s0  }
0x9: {  	[smem:$0x3F89] =	sst s1  }
0xa: {  	[smem:$0x3F8A] =	sst s2  }
0xb: {  	[smem:$0x3F8B] =	sst s3  }
0xc: {  	[smem:$0x3F8C] =	sst s4  }
0xd: {  	[smem:$0x3F8D] =	sst s5  }
0xe: {  	[smem:$0x3F8E] =	sst s6  }
0xf: {  	[smem:$0x3F8F] =	sst s7  }
0x10: {  	[smem:$0x3F90] =	sst s8  }
0x11: {  	[smem:$0x3F91] =	sst s9;
	s0 =	simm.s32 @!p0 $0x0  }
0x12: {  	s1 =	sld [smem:$0x3F77];
	s0 =	simm.s32 @p0 $0x1  }
0x13: {  	[smem:$0x3F92] =	sst s0;
	s0 =	simm.s32 @!p1 $0x0  }
0x14: {  	s2 =	sld [smem:$0x3F76];
	s0 =	simm.s32 @p1 $0x1  }
0x15: {  	[smem:$0x3F93] =	sst s0;
	s0 =	simm.s32 @!p2 $0x0  }
0x16: {  	s3 =	sld [smem:$0x3FDB];
	s0 =	simm.s32 @p2 $0x1  }
0x17: {  	s4 =	simm.s32 $0x1BF5;
	[smem:$0x3F95] =	sst s0  }
0x18: {  	s0 =	sld [smem:$0x3F78];
	_ =	swait.ge [sflag:s4], $0x0  }
0x19: {  	s7 =	sld [smem:$0x3F79]  }
0x1a: {  	s8 =	sadd.s32 $0xFFFFE003, lr  }
0x1b: {  	s9 =	sadd.s32 $0xFFFFFEF7, lr;
	s5 =	simm.s32 $0xFFFFFFFF;
	p2 =	slt.u32 s8, $0xFFFFF086  }
0x1c: {  	p1 =	slt.u32 s9, $0xF7A;
	s5 =	simm.s32 @!p2 $0x0  }
0x1d: {  	s5 =	simm.s32 @p1 $0x1;
	p0 =	seq.s32 s7, s2  }
0x1e: {  	s7 =	smul.u32 @!p0 $0xF7A, s2;
	p2 =	seq.s32 @!p0 s5, $0x0  }
0x1f: {  	s9 =	smul.u32 $0xF7A, s1;
	s8 =	simm.s32 @!p0 $0x1BF5;
	p2 =	por !p2, p0  }
0x20: {  	[sflag:s8] =	ssyncset.s32 @!p0 $0xFFFFF086;
	s6 =	sadd.s32 @!p0 s3, s7;
	s7 =	simm.s32 @!p0 $0x108  }
0x21: {  	s3 =	sadd.s32 s3, s9;
	s6 =	sadd.s32 @!p0 $0x88, s6;
	s7 =	simm.s32 @p2 $0x1082  }
0x22: {  	[simem:s7], [sflag:s8] =	dma.local @!p0 [hbm:s6], $0xF7A  }
0x23: {  	s9 =	sor.u32 $0xD0000000, s2;
	s6 =	simm.s32 $0x108;
	_ =	swait.ge @!p0 [sflag:s8], $0x0  }
0x24: {  	s3 =	sadd.s32 $0x88, s3;
	s6 =	simm.s32 @!p1 $0x1082;
	[sflag:s4] =	ssyncset.s32 $0xFFFFF086  }
0x25: {  	[simem:s6], [sflag:s4] =	dma.local [hbm:s3], $0xF7A  }
0x26: {  	[smem:$0x3F79] =	sst s1;
	(tag) =	ssettag s2;
	_ =	strace s9  }
0x27: {  	s1 =	sld [smem:$0x3F89]  }
0x28: {  	s2 =	sld [smem:$0x3F8A]  }
0x29: {  	s4 =	sld [smem:$0x3F8C]  }
0x2a: {  	p0 =	seq.s32 s5, $0x0;
	s5 =	sld [smem:$0x3F8D]  }
0x2b: {  	s6 =	sld [smem:$0x3F8E]  }
0x2c: {  	s7 =	sld [smem:$0x3F8F]  }
0x2d: {  	s3 =	simm.s32 $0x108;
	s8 =	sld [smem:$0x3F90]  }
0x2e: {  	s3 =	simm.s32 @!p0 $0x1082;
	s9 =	sld [smem:$0x3F91]  }
0x2f: {  	lr =	sadd.s32 s0, s3;
	s0 =	sld [smem:$0x3F88]  }
0x30: {  	s3 =	sld [smem:$0x3F8B]  }
0x31: {  	[smem:$0x3F94] =	sst s10  }
0x32: {  	s10 =	sld [smem:$0x3F92];
	_ =	sdelay $0x3  }
0x33: {  	p0 =	seq.s32 s10, $0x1;
	s10 =	sld [smem:$0x3F94];
	_ =	sdelay $0x3  }
0x34: {  	[smem:$0x3F94] =	sst s10  }
0x35: {  	s10 =	sld [smem:$0x3F93];
	_ =	sdelay $0x3  }
0x36: {  	p1 =	seq.s32 s10, $0x1;
	s10 =	sld [smem:$0x3F94];
	_ =	sdelay $0x3  }
0x37: {  	[smem:$0x3F94] =	sst s10  }
0x38: {  	s10 =	sld [smem:$0x3F95]  }
0x39: {  	_ = 	snop;
	(pc) =	sbr.ind lr, $3  }
0x3a: {  	_ = 	snop  }
0x3b: {  	_ = 	snop  }
0x3c: {  	p2 =	seq.s32 s10, $0x1;
	s10 =	sld [smem:$0x3F94]  }
0x3d: {  	_ =	shalt  }
0x3e: {  	_ =	shalt  }
0x3f: {  	_ =	shalt  }
0x40: {  	_ =	shalt  }
0x41: {  	_ =	shalt  }
0x42: {  	_ =	shalt  }
0x43: {  	_ =	shalt  }
0x44: {  	_ =	shalt  }
0x45: {  	_ =	shalt  }
0x46: {  	_ =	shalt  }
0x47: {  	_ =	shalt  }
0x48: {  	_ =	shalt  }
0x49: {  	_ =	shalt  }
0x4a: {  	_ =	shalt  }
0x4b: {  	_ =	shalt  }
0x4c: {  	_ =	shalt  }
0x4d: {  	_ =	shalt  }
0x4e: {  	_ =	shalt  }
0x4f: {  	_ =	shalt  }
0x50: {  	_ =	shalt  }
0x51: {  	_ =	shalt  }
0x52: {  	_ =	shalt  }
0x53: {  	_ =	shalt  }
0x54: {  	_ =	shalt  }
0x55: {  	_ =	shalt  }
0x56: {  	_ =	shalt  }
0x57: {  	_ =	shalt  }
0x58: {  	_ =	shalt  }
0x59: {  	_ =	shalt  }
0x5a: {  	_ =	shalt  }
0x5b: {  	_ =	shalt  }
0x5c: {  	_ =	shalt  }
0x5d: {  	_ =	shalt  }
0x5e: {  	_ =	shalt  }
0x5f: {  	_ =	shalt  }
0x60: {  	_ =	shalt  }
0x61: {  	_ =	shalt  }
0x62: {  	_ =	shalt  }
0x63: {  	_ =	shalt  }
0x64: {  	_ =	shalt  }
0x65: {  	_ =	shalt  }
0x66: {  	_ =	shalt  }
0x67: {  	_ =	shalt  }
0x68: {  	_ =	shalt  }
0x69: {  	_ =	shalt  }
0x6a: {  	_ =	shalt  }
0x6b: {  	_ =	shalt  }
0x6c: {  	_ =	shalt  }
0x6d: {  	_ =	shalt  }
0x6e: {  	_ =	shalt  }
0x6f: {  	_ =	shalt  }
0x70: {  	_ =	shalt  }
0x71: {  	_ =	shalt  }
0x72: {  	_ =	shalt  }
0x73: {  	_ =	shalt  }
0x74: {  	_ =	shalt  }
0x75: {  	_ =	shalt  }
0x76: {  	_ =	shalt  }
0x77: {  	_ =	shalt  }
0x78: {  	_ =	shalt  }
0x79: {  	_ =	shalt  }
0x7a: {  	_ =	shalt  }
0x7b: {  	_ =	shalt  }
0x7c: {  	_ =	shalt  }
0x7d: {  	_ =	shalt  }
0x7e: {  	_ =	shalt  }
0x7f: {  	_ =	shalt  }
0x80: {  	_ =	shalt  }
0x81: {  	_ =	shalt  }
0x82: {  	_ =	shalt  }
0x83: {  	_ =	shalt  }
0x84: {  	_ =	shalt  }
0x85: {  	_ =	shalt  }
0x86: {  	_ =	shalt  }
0x87: {  	_ =	shalt  }
.Lfunc_end0:
.L_simem_size_0:
called_computation.1_lowered:
.L_overlay_start_0:
0x88: {  	s2 =	sld [smem:$0x3FD9]  }
0x89: {  	s3 =	sld [smem:$0x3FFE];
	_ =	sdelay $0x1  }
0x8a: {  	s1 =	srdreg.scid  }
0x8b: {  	s0 =	sand.u32 $0x1, s1  }
0x8c: {  	s17 =	sshll.u32 s0, $0xA;
	s2 =	sadd.s32 s3, s2  }
0x8d: {  	s2 =	sadd.s32 s2, s17  }
0x8e: {  	[smem:$0x3FA0] =	sst s2  }
0x8f: {  	_ = 	snop  }
0x90: {  	s18 =	sld [smem:$0x3FD0];
	(tm) =	ssettm $0x1  }
0x91: {  	s19 =	sld [smem:$0x3FFB];
	_ =	sdelay $0x3  }
0x92: {  	_ =	strace s19  }
0x93: {  	s2 =	sld [smem:$0x3FFC];
	_ =	sdelay $0x3  }
0x94: {  	_ =	strace s2  }
0x95: {  	s2 =	sld [smem:$0x3FFD];
	_ =	sdelay $0x3  }
0x96: {  	_ =	strace s2  }
0x97: {  	_ =	strace $0x8FFFFFFF  }
0x98: {  	s20 =	sld [smem:$0x3FDB];
	_ =	sdelay $0x1  }
0x99: {  	s4 =	simm.s32 $_scs_section_size  }
0x9a: {  	s5 =	simm.s32 $_size__tile_overlayer_lowered;
	s6 =	simm.s32 $_tile_overlayer_lowered  }
0x9b: {  	s7 =	simm.s32 $0x1BFF;
	s21 =	sshll.u32 s6, $0x1;
	s4 =	sadd.s32 s4, s20  }
0x9c: {  	s22 =	simm.s32 $0x0;
	s5 =	sshll.u32 s5, $0x1;
	s6 =	sadd.s32 s21, s4  }
0x9d: {  	[timem:s22], [sflag:s7] =	dma.local [hbm:s6], s5  }
0x9e: {  	_ =	swait.ge [sflag:s7], s5  }
0x9f: {  	s5 =	ssub.s32 $0x0, s5;
	[sflag:s7] =	ssyncset.done $0x0  }
0xa0: {  	[sflag:s7] =	ssyncadd.s32 s5;
	_ =	sdelay $0x1  }
0xa1: {  	s23 =	simm.s32 $0x1B8B  }
0xa2: {  	_ =	swait.ge [sflag:s23], $0x1  }
0xa3: {  	[sflag:s23] =	ssyncset.done $0x0  }
0xa4: {  	[sflag:s23] =	ssyncadd.s32 $0xFFFFFFFF  }
0xa5: {  	s5 =	sld [smem:$0x0]  }
0xa6: {  	s6 =	sand.u32 $0xFFFFFFFE, s1  }
0xa7: {  	p0 =	sne.s32 s1, s6  }
0xa8: {  	s6 =	sshll.u32 @p0 s6, $0xE  }
0xa9: {  	s6 =	sadd.s32 @p0 $0x11B8D, s6;
	s7 =	sshll.u32 @p0 s5, $0x11  }
0xaa: {  	s6 =	sor.u32 @p0 s7, s6  }
0xab: {  	[sflag:s6] =	ssyncadd.remote.s32 @p0 $0x1;
	_ =	sdelay $0x1  }
0xac: {  	s6 =	simm.s32 @p0 $0x1B8D  }
0xad: {  	_ =	swait.eq @p0 [sflag:s6], $0x1  }
0xae: {  	[sflag:s6] =	ssyncadd.s32 @p0 $0xFFFFFFFF  }
0xaf: {  	s7 =	sshll.u32 @!p0 s1, $0xE  }
0xb0: {  	s7 =	sor.u32 @!p0 $0x4000, s7;
	s6 =	simm.s32 @!p0 $0x1B8D  }
0xb1: {  	s5 =	sshll.u32 @!p0 s5, $0x11;
	s7 =	sadd.s32 @!p0 $0x11B8D, s7;
	_ =	swait.eq @!p0 [sflag:s6], $0x1  }
0xb2: {  	s5 =	sor.u32 @!p0 s5, s7;
	[sflag:s6] =	ssyncadd.s32 @!p0 $0xFFFFFFFF  }
0xb3: {  	s25 =	simm.s32 $0x1B8E;
	s24 =	sld [smem:$0x3FFE];
	[sflag:s5] =	ssyncadd.remote.s32 @!p0 $0x1  }
0xb4: {  	s26 =	simm.s32 $execute0_lowered;
	[smem:$0x3FD2] =	sst s25  }
0xb5: {  	s6 =	sshll.u32 s26, $0x1;
	_ =	strace $0x8000004C;
	[dreg:$0x1] =	wrdreg $0xFFFFFFFF  }
0xb6: {  	s28 =	simm.s32 $_size_execute0_lowered;
	s4 =	sadd.s32 s4, s6;
	[dreg:$0x0] =	wrdreg $0x0  }
0xb7: {  	s6 =	sshll.u32 s28, $0x1;
	[dreg:$0x2] =	wrdreg s4  }
0xb8: {  	[dreg:$0x3] =	wrdreg s6  }
0xb9: {  	[dreg:$0x4] =	wrdreg $0xC0  }
0xba: {  	_ =	task [dreg:s22], $0x5FFFF  }
0xbb: {  	[dreg:$0x1] =	wrdreg $0xFFFFFFFF  }
0xbc: {  	[dreg:$0x0] =	wrdreg $0x60  }
0xbd: {  	[dreg:$0x2] =	wrdreg s18  }
0xbe: {  	[dreg:$0x3] =	wrdreg s24  }
0xbf: {  	[dreg:$0x4] =	wrdreg $0xA  }
0xc0: {  	_ =	task.clear_ibuf [dreg:s22], $0x5FFFF;
	_ =	strace $0x9000004C  }
0xc1: {  	s29 =	simm.s32 $0xA;
	_ =	strace $0x8000004E  }
0xc2: {  	_ =	swait.ge [sflag:s29], $0x1  }
0xc3: {  	[sflag:s29] =	ssyncadd.s32 $0xFFFFFFFF  }
0xc4: {  	_ =	strace $0x9000004E  }
0xc5: {  	_ =	sfence  }
0xc6: {  	s30 =	sld [smem:$0x0];
	_ =	sdelay $0x2  }
0xc7: {  	s31 =	sshll.u32 s1, $0xD;
	s1 =	sshrl.u32 s1, $0x2  }
0xc8: {  	s4 =	sand.u32 $0x4000, s31;
	s1 =	sadd.s32 s1, s30  }
0xc9: {  	s0 =	sor.u32 s4, s0;
	s1 =	sshll.u32 s1, $0x11  }
0xca: {  	s0 =	sor.u32 s1, s0  }
0xcb: {  	s0 =	sadd.s32 $0x8F2B, s0  }
0xcc: {  	[sflag:s0] =	ssyncadd.remote.s32 $0x1  }
0xcd: {  	_ =	sfence.sel $0xFFFF  }
0xce: {  	[dreg:$0x0] =	wrdreg $0xFFFFFFFF;
	(pc) =	sbr.abs _section_cstart, $3  }
0xcf: {  	[dreg:$0x1] =	wrdreg $0xFFFFFFFF  }
0xd0: {  	_ =	task.clear_ibuf [dreg:s22], $0x2FFFF;
	_ =	strace $0x9FFFFFFF  }
0xd1: {  	(tm) =	ssettm $0x7FFFFFFF  }
tec
execute0_lowered:
.L_overlay_start_1:
0x0: {  	(tag) =	ssettag $0x1  }
0x1: {  	s1 =	srdreg.scid;
	s0 =	stileid.u32  }
0x2: {  	s2 =	rddreg [dreg:$0x0];
	s6 =	sand.u32 $0x1, s1;
	s30 =	sshll.u32 s0, $0x1  }
0x3: {  	s8 =	rddreg [dreg:$0x1];
	s7 =	sor.u32 s6, s30  }
0x4: {  	s3 =	simm.s32 $0x0;
	s1 =	rddreg [dreg:$0x2];
	s4 =	smul.u32 $0x1A0, s7  }
0x5: {  	[smem:$0x7FF] =	sst s3  }
0x6: {  	_ =	strace $0x8000004D;
	s10 =	ssub.s32 $0x2, s6;
	s4 =	sadd.s32 s4, s8  }
0x7: {  	s6 =	simm.s32 $0xD00;
	s5 =	sadd.s32 $0xCE00, s4;
	s4 =	simm.s32 $0x2  }
0x8: {  	[tilespmem:s3], [sflag:$0x2] =	stream.linear.gather [hbm4b:s5+s3], $0xD00, $0x38;
	[tilespmem:$0xDD00] =	vst v63  }
0x9: {  	s9 =	smul.u32 $0x1A00, s7;
	s11 =	sshrl.u32 s10, $0x1;
	_ =	swait.ge [sflag:s4], $0xD00  }
0xa: {  	s7 =	simm.s32 $0x1;
	s31 =	ssub.s32 s10, s11;
	[sflag:s4] =	ssyncset.done $0x0  }
0xb: {  	s8 =	sadd.s32 s9, s8;
	s9 =	smax.u32 s31, $0x1;
	[sflag:s4] =	ssyncadd.s32 $0xFFFFF300  }
0xc: {  	[tilespmem:s6], [sflag:$0x1] =	stream.indirect.gather [hbm4b:s2+s6], $0x10, s3, s6, $0xb8;
	[tilespmem:$0xDD00] =	vst v63  }
0xd: {  	p0 =	sne.s32 s9, $0x1;
	_ =	swait.ge [sflag:s7], $0xD000  }
.Ltmp0:
0xe: {  	[sflag:s7] =	ssyncset.done $0x0;
	(pc) =	sbr.rel @!p0 .LBB2_2-.Ltmp0, $4  }
0xf: {  	s8 =	sadd.s32 $0x10200, s8;
	[sflag:s7] =	ssyncadd.s32 $0xFFFF3000  }
0x10: {  	[hbm4b:s8+s3] =	stream.linear.scatter [tilespmem:s6], [sflag:$0x2], $0xD000, $0x38;
	[tilespmem:$0xDD00] =	vst v63  }
0x11: {  	_ =	swait.ge [sflag:s4], $0xD000  }
0x12: {  	s9 =	sadd.s32 $0xFFFFFFFF, s9;
	[sflag:s4] =	ssyncset.done $0x0  }
.LBB2_1:
0x13: {  	p0 =	sne.s32 s9, $0x1;
	s9 =	sadd.s32 $0xFFFFFFFF, s9;
	[sflag:s4] =	ssyncadd.s32 $0xFFFF3000  }
0x14: {  	[tilespmem:s3], [sflag:$0x2] =	stream.linear.gather [hbm4b:s5+s3], $0xD00, $0x38;
	[tilespmem:$0xDD00] =	vst v63  }
0x15: {  	_ =	swait.ge [sflag:s4], $0xD00  }
0x16: {  	[sflag:s4] =	ssyncset.done $0x0  }
0x17: {  	[sflag:s4] =	ssyncadd.s32 $0xFFFFF300  }
0x18: {  	[tilespmem:s6], [sflag:$0x1] =	stream.indirect.gather [hbm4b:s2+s6], $0x10, s3, s6, $0xb8;
	[tilespmem:$0xDD00] =	vst v63  }
0x19: {  	_ =	swait.ge [sflag:s7], $0xD000  }
.Ltmp1:
0x1a: {  	[sflag:s7] =	ssyncset.done $0x0;
	(pc) =	sbr.rel @p0 .LBB2_1-.Ltmp1, $4  }
0x1b: {  	[sflag:s7] =	ssyncadd.s32 $0xFFFF3000  }
0x1c: {  	[hbm4b:s8+s3] =	stream.linear.scatter [tilespmem:s6], [sflag:$0x2], $0xD000, $0x38;
	[tilespmem:$0xDD00] =	vst v63  }
0x1d: {  	_ =	swait.ge [sflag:s4], $0xD000  }
0x1e: {  	[sflag:s4] =	ssyncset.done $0x0  }
.LBB2_2:
0x1f: {  	[sflag:s4] =	ssyncadd.s32 $0xFFFF3000  }
0x20: {  	_ =	sfence.sel $0x180000  }
0x21: {  	[bflag:$0x0] =	sbarrier.arrive $0xFFFF  }
0x22: {  	p0 =	sne.s32 s0, $0x0;
	_ =	strace $0x9000004D  }
0x23: {  	s0 =	sadd.s32 @!p0 $0x100000, s1;
	[bflag:$0x2] =	sbarrier.arrive $0xFFFF  }
0x24: {  	[sflag:s0] =	ssyncadd.tile.s32 @!p0 $0x1;
	_ =	shalt  }
.Lfunc_end2:
_tile_overlayer_lowered:
.L_overlay_start_2:
0x25: {  	(tag) =	ssettag $0x2  }
0x26: {  	s0 =	rddreg [dreg:$0x0];
	s2 =	stileid.u32  }
0x27: {  	s1 =	rddreg [dreg:$0x1];
	p0 =	sne.s32 s2, $0x0  }
0x28: {  	s3 =	rddreg [dreg:$0x2];
	[bflag:$0x3] =	sbarrier.arrive $0xFFFF;
	s2 =	simm.s32 @!p0 $0x1C02  }
0x29: {  	[timem:s3], [sflag:s2] =	dma.local @!p0 [hbm:s0], s1  }
0x2a: {  	s0 =	simm.s32 @!p0 $0x2  }
0x2b: {  	_ =	swait.ge @!p0 [sflag:s0], s1  }
0x2c: {  	s1 =	ssub.s32 @!p0 $0x0, s1;
	[sflag:s0] =	ssyncset.done @!p0 $0x0  }
0x2d: {  	[sflag:s0] =	ssyncadd.s32 @!p0 s1  }
0x2e: {  	[bflag:$0x3] =	sbarrier.arrive $0xFFFF  }
0x2f: {  	_ =	shalt  }

// kernel: kernel.21.cloned.1.call-start
scs
__scs_entry_jumppad:
0x0: {  	(pc) =	sbr.rel $0x88, $3  }
0x1: {  	(tag) =	ssettag $0x0;
	lr =	simm.s32 $0x1  }
0x2: {  	[smem:$0x3F79] =	sst lr;
	_ =	strace $0xD0000000  }
0x3: {  	_ = 	snop  }
0x4: {  	_ = 	snop  }
0x5: {  	_ = 	snop  }
0x6: {  	_ = 	snop  }
0x7: {  	_ = 	snop  }
__scs_overlays_trampoline_lowered:
0x8: {  	[smem:$0x3F88] =	sst s0  }
0x9: {  	[smem:$0x3F89] =	sst s1  }
0xa: {  	[smem:$0x3F8A] =	sst s2  }
0xb: {  	[smem:$0x3F8B] =	sst s3  }
0xc: {  	[smem:$0x3F8C] =	sst s4  }
0xd: {  	[smem:$0x3F8D] =	sst s5  }
0xe: {  	[smem:$0x3F8E] =	sst s6  }
0xf: {  	[smem:$0x3F8F] =	sst s7  }
0x10: {  	[smem:$0x3F90] =	sst s8  }
0x11: {  	[smem:$0x3F91] =	sst s9;
	s0 =	simm.s32 @!p0 $0x0  }
0x12: {  	s1 =	sld [smem:$0x3F77];
	s0 =	simm.s32 @p0 $0x1  }
0x13: {  	[smem:$0x3F92] =	sst s0;
	s0 =	simm.s32 @!p1 $0x0  }
0x14: {  	s2 =	sld [smem:$0x3F76];
	s0 =	simm.s32 @p1 $0x1  }
0x15: {  	[smem:$0x3F93] =	sst s0;
	s0 =	simm.s32 @!p2 $0x0  }
0x16: {  	s3 =	sld [smem:$0x3FDB];
	s0 =	simm.s32 @p2 $0x1  }
0x17: {  	s4 =	simm.s32 $0x1BF5;
	[smem:$0x3F95] =	sst s0  }
0x18: {  	s0 =	sld [smem:$0x3F78];
	_ =	swait.ge [sflag:s4], $0x0  }
0x19: {  	s7 =	sld [smem:$0x3F79]  }
0x1a: {  	s8 =	sadd.s32 $0xFFFFE003, lr  }
0x1b: {  	s9 =	sadd.s32 $0xFFFFFEF7, lr;
	s5 =	simm.s32 $0xFFFFFFFF;
	p2 =	slt.u32 s8, $0xFFFFF086  }
0x1c: {  	p1 =	slt.u32 s9, $0xF7A;
	s5 =	simm.s32 @!p2 $0x0  }
0x1d: {  	s5 =	simm.s32 @p1 $0x1;
	p0 =	seq.s32 s7, s2  }
0x1e: {  	s7 =	smul.u32 @!p0 $0xF7A, s2;
	p2 =	seq.s32 @!p0 s5, $0x0  }
0x1f: {  	s9 =	smul.u32 $0xF7A, s1;
	s8 =	simm.s32 @!p0 $0x1BF5;
	p2 =	por !p2, p0  }
0x20: {  	[sflag:s8] =	ssyncset.s32 @!p0 $0xFFFFF086;
	s6 =	sadd.s32 @!p0 s3, s7;
	s7 =	simm.s32 @!p0 $0x108  }
0x21: {  	s3 =	sadd.s32 s3, s9;
	s6 =	sadd.s32 @!p0 $0x88, s6;
	s7 =	simm.s32 @p2 $0x1082  }
0x22: {  	[simem:s7], [sflag:s8] =	dma.local @!p0 [hbm:s6], $0xF7A  }
0x23: {  	s9 =	sor.u32 $0xD0000000, s2;
	s6 =	simm.s32 $0x108;
	_ =	swait.ge @!p0 [sflag:s8], $0x0  }
0x24: {  	s3 =	sadd.s32 $0x88, s3;
	s6 =	simm.s32 @!p1 $0x1082;
	[sflag:s4] =	ssyncset.s32 $0xFFFFF086  }
0x25: {  	[simem:s6], [sflag:s4] =	dma.local [hbm:s3], $0xF7A  }
0x26: {  	[smem:$0x3F79] =	sst s1;
	(tag) =	ssettag s2;
	_ =	strace s9  }
0x27: {  	s1 =	sld [smem:$0x3F89]  }
0x28: {  	s2 =	sld [smem:$0x3F8A]  }
0x29: {  	s4 =	sld [smem:$0x3F8C]  }
0x2a: {  	p0 =	seq.s32 s5, $0x0;
	s5 =	sld [smem:$0x3F8D]  }
0x2b: {  	s6 =	sld [smem:$0x3F8E]  }
0x2c: {  	s7 =	sld [smem:$0x3F8F]  }
0x2d: {  	s3 =	simm.s32 $0x108;
	s8 =	sld [smem:$0x3F90]  }
0x2e: {  	s3 =	simm.s32 @!p0 $0x1082;
	s9 =	sld [smem:$0x3F91]  }
0x2f: {  	lr =	sadd.s32 s0, s3;
	s0 =	sld [smem:$0x3F88]  }
0x30: {  	s3 =	sld [smem:$0x3F8B]  }
0x31: {  	[smem:$0x3F94] =	sst s10  }
0x32: {  	s10 =	sld [smem:$0x3F92];
	_ =	sdelay $0x3  }
0x33: {  	p0 =	seq.s32 s10, $0x1;
	s10 =	sld [smem:$0x3F94];
	_ =	sdelay $0x3  }
0x34: {  	[smem:$0x3F94] =	sst s10  }
0x35: {  	s10 =	sld [smem:$0x3F93];
	_ =	sdelay $0x3  }
0x36: {  	p1 =	seq.s32 s10, $0x1;
	s10 =	sld [smem:$0x3F94];
	_ =	sdelay $0x3  }
0x37: {  	[smem:$0x3F94] =	sst s10  }
0x38: {  	s10 =	sld [smem:$0x3F95]  }
0x39: {  	_ = 	snop;
	(pc) =	sbr.ind lr, $3  }
0x3a: {  	_ = 	snop  }
0x3b: {  	_ = 	snop  }
0x3c: {  	p2 =	seq.s32 s10, $0x1;
	s10 =	sld [smem:$0x3F94]  }
0x3d: {  	_ =	shalt  }
0x3e: {  	_ =	shalt  }
0x3f: {  	_ =	shalt  }
0x40: {  	_ =	shalt  }
0x41: {  	_ =	shalt  }
0x42: {  	_ =	shalt  }
0x43: {  	_ =	shalt  }
0x44: {  	_ =	shalt  }
0x45: {  	_ =	shalt  }
0x46: {  	_ =	shalt  }
0x47: {  	_ =	shalt  }
0x48: {  	_ =	shalt  }
0x49: {  	_ =	shalt  }
0x4a: {  	_ =	shalt  }
0x4b: {  	_ =	shalt  }
0x4c: {  	_ =	shalt  }
0x4d: {  	_ =	shalt  }
0x4e: {  	_ =	shalt  }
0x4f: {  	_ =	shalt  }
0x50: {  	_ =	shalt  }
0x51: {  	_ =	shalt  }
0x52: {  	_ =	shalt  }
0x53: {  	_ =	shalt  }
0x54: {  	_ =	shalt  }
0x55: {  	_ =	shalt  }
0x56: {  	_ =	shalt  }
0x57: {  	_ =	shalt  }
0x58: {  	_ =	shalt  }
0x59: {  	_ =	shalt  }
0x5a: {  	_ =	shalt  }
0x5b: {  	_ =	shalt  }
0x5c: {  	_ =	shalt  }
0x5d: {  	_ =	shalt  }
0x5e: {  	_ =	shalt  }
0x5f: {  	_ =	shalt  }
0x60: {  	_ =	shalt  }
0x61: {  	_ =	shalt  }
0x62: {  	_ =	shalt  }
0x63: {  	_ =	shalt  }
0x64: {  	_ =	shalt  }
0x65: {  	_ =	shalt  }
0x66: {  	_ =	shalt  }
0x67: {  	_ =	shalt  }
0x68: {  	_ =	shalt  }
0x69: {  	_ =	shalt  }
0x6a: {  	_ =	shalt  }
0x6b: {  	_ =	shalt  }
0x6c: {  	_ =	shalt  }
0x6d: {  	_ =	shalt  }
0x6e: {  	_ =	shalt  }
0x6f: {  	_ =	shalt  }
0x70: {  	_ =	shalt  }
0x71: {  	_ =	shalt  }
0x72: {  	_ =	shalt  }
0x73: {  	_ =	shalt  }
0x74: {  	_ =	shalt  }
0x75: {  	_ =	shalt  }
0x76: {  	_ =	shalt  }
0x77: {  	_ =	shalt  }
0x78: {  	_ =	shalt  }
0x79: {  	_ =	shalt  }
0x7a: {  	_ =	shalt  }
0x7b: {  	_ =	shalt  }
0x7c: {  	_ =	shalt  }
0x7d: {  	_ =	shalt  }
0x7e: {  	_ =	shalt  }
0x7f: {  	_ =	shalt  }
0x80: {  	_ =	shalt  }
0x81: {  	_ =	shalt  }
0x82: {  	_ =	shalt  }
0x83: {  	_ =	shalt  }
0x84: {  	_ =	shalt  }
0x85: {  	_ =	shalt  }
0x86: {  	_ =	shalt  }
0x87: {  	_ =	shalt  }
.Lfunc_end0:
.L_simem_size_0:
called_computation.2_lowered:
.L_overlay_start_0:
0x88: {  	s2 =	sld [smem:$0x3FD9]  }
0x89: {  	s3 =	sld [smem:$0x3FFE];
	_ =	sdelay $0x1  }
0x8a: {  	s1 =	srdreg.scid  }
0x8b: {  	s0 =	sand.u32 $0x1, s1  }
0x8c: {  	s17 =	sshll.u32 s0, $0xA;
	s2 =	sadd.s32 s3, s2  }
0x8d: {  	s2 =	sadd.s32 s2, s17  }
0x8e: {  	[smem:$0x3FA0] =	sst s2  }
0x8f: {  	_ = 	snop  }
0x90: {  	(tm) =	ssettm $0x1  }
0x91: {  	s18 =	sld [smem:$0x3FFB];
	_ =	sdelay $0x3  }
0x92: {  	_ =	strace s18  }
0x93: {  	s2 =	sld [smem:$0x3FFC];
	_ =	sdelay $0x3  }
0x94: {  	_ =	strace s2  }
0x95: {  	s2 =	sld [smem:$0x3FFD];
	_ =	sdelay $0x3  }
0x96: {  	_ =	strace s2  }
0x97: {  	_ =	strace $0x8FFFFFFF  }
0x98: {  	s19 =	sld [smem:$0x3FDB];
	_ =	sdelay $0x1  }
0x99: {  	s20 =	simm.s32 $_scs_section_size  }
0x9a: {  	s4 =	simm.s32 $_size__tile_overlayer_lowered;
	s5 =	simm.s32 $_tile_overlayer_lowered  }
0x9b: {  	s6 =	simm.s32 $0x1BFF;
	s21 =	sshll.u32 s5, $0x1;
	s3 =	sadd.s32 s20, s19  }
0x9c: {  	s22 =	simm.s32 $0x0;
	s4 =	sshll.u32 s4, $0x1;
	s5 =	sadd.s32 s21, s3  }
0x9d: {  	[timem:s22], [sflag:s6] =	dma.local [hbm:s5], s4  }
0x9e: {  	_ =	swait.ge [sflag:s6], s4  }
0x9f: {  	s4 =	ssub.s32 $0x0, s4;
	[sflag:s6] =	ssyncset.done $0x0  }
0xa0: {  	[sflag:s6] =	ssyncadd.s32 s4;
	_ =	sdelay $0x1  }
0xa1: {  	s23 =	simm.s32 $0x1B8B  }
0xa2: {  	_ =	swait.ge [sflag:s23], $0x1  }
0xa3: {  	[sflag:s23] =	ssyncset.done $0x0  }
0xa4: {  	[sflag:s23] =	ssyncadd.s32 $0xFFFFFFFF  }
0xa5: {  	s4 =	sld [smem:$0x0]  }
0xa6: {  	s5 =	sand.u32 $0xFFFFFFFE, s1  }
0xa7: {  	p0 =	sne.s32 s1, s5  }
0xa8: {  	s5 =	sshll.u32 @p0 s5, $0xE  }
0xa9: {  	s5 =	sadd.s32 @p0 $0x11B8D, s5;
	s6 =	sshll.u32 @p0 s4, $0x11  }
0xaa: {  	s5 =	sor.u32 @p0 s6, s5  }
0xab: {  	[sflag:s5] =	ssyncadd.remote.s32 @p0 $0x1;
	_ =	sdelay $0x1  }
0xac: {  	s5 =	simm.s32 @p0 $0x1B8D  }
0xad: {  	_ =	swait.eq @p0 [sflag:s5], $0x1  }
0xae: {  	[sflag:s5] =	ssyncadd.s32 @p0 $0xFFFFFFFF  }
0xaf: {  	s6 =	sshll.u32 @!p0 s1, $0xE  }
0xb0: {  	s6 =	sor.u32 @!p0 $0x4000, s6;
	s5 =	simm.s32 @!p0 $0x1B8D  }
0xb1: {  	s4 =	sshll.u32 @!p0 s4, $0x11;
	s6 =	sadd.s32 @!p0 $0x11B8D, s6;
	_ =	swait.eq @!p0 [sflag:s5], $0x1  }
0xb2: {  	s4 =	sor.u32 @!p0 s4, s6;
	[sflag:s5] =	ssyncadd.s32 @!p0 $0xFFFFFFFF  }
0xb3: {  	s25 =	simm.s32 $0x1B8E;
	s24 =	sld [smem:$0x3FFE];
	[sflag:s4] =	ssyncadd.remote.s32 @!p0 $0x1  }
0xb4: {  	s26 =	simm.s32 $execute0_lowered;
	[smem:$0x3FD2] =	sst s25  }
0xb5: {  	s5 =	sshll.u32 s26, $0x1;
	_ =	strace $0x80000049;
	[dreg:$0x1] =	wrdreg $0xFFFFFFFF  }
0xb6: {  	s28 =	simm.s32 $_size_execute0_lowered;
	s3 =	sadd.s32 s3, s5;
	[dreg:$0x0] =	wrdreg $0x0  }
0xb7: {  	s5 =	sshll.u32 s28, $0x1;
	[dreg:$0x2] =	wrdreg s3  }
0xb8: {  	[dreg:$0x3] =	wrdreg s5  }
0xb9: {  	[dreg:$0x4] =	wrdreg $0xC0  }
0xba: {  	_ =	task [dreg:s22], $0x5FFFF  }
0xbb: {  	[dreg:$0x1] =	wrdreg $0xFFFFFFFF  }
0xbc: {  	[dreg:$0x0] =	wrdreg $0x60  }
0xbd: {  	[dreg:$0x2] =	wrdreg s24  }
0xbe: {  	[dreg:$0x3] =	wrdreg $0x9  }
0xbf: {  	_ =	task.clear_ibuf [dreg:s22], $0x4FFFF;
	_ =	strace $0x90000049  }
0xc0: {  	s29 =	simm.s32 $0x9;
	_ =	strace $0x8000004B  }
0xc1: {  	_ =	swait.ge [sflag:s29], $0x1  }
0xc2: {  	[sflag:s29] =	ssyncadd.s32 $0xFFFFFFFF  }
0xc3: {  	_ =	strace $0x9000004B  }
0xc4: {  	_ =	sfence  }
0xc5: {  	s30 =	sld [smem:$0x0];
	_ =	sdelay $0x2  }
0xc6: {  	s31 =	sshll.u32 s1, $0xD;
	s1 =	sshrl.u32 s1, $0x2  }
0xc7: {  	s4 =	sand.u32 $0x4000, s31;
	s1 =	sadd.s32 s1, s30  }
0xc8: {  	s0 =	sor.u32 s4, s0;
	s1 =	sshll.u32 s1, $0x11  }
0xc9: {  	s0 =	sor.u32 s1, s0  }
0xca: {  	s0 =	sadd.s32 $0x8F2B, s0  }
0xcb: {  	[sflag:s0] =	ssyncadd.remote.s32 $0x1  }
0xcc: {  	_ =	sfence.sel $0xFFFF  }
0xcd: {  	[dreg:$0x0] =	wrdreg $0xFFFFFFFF;
	(pc) =	sbr.abs _section_cstart, $3  }
0xce: {  	[dreg:$0x1] =	wrdreg $0xFFFFFFFF  }
0xcf: {  	_ =	task.clear_ibuf [dreg:s22], $0x2FFFF;
	_ =	strace $0x9FFFFFFF  }
0xd0: {  	(tm) =	ssettm $0x7FFFFFFF  }
0xd1: {  	_ =	shalt  }
tec
execute0_lowered:
.L_overlay_start_1:
0x0: {  	(tag) =	ssettag $0x1  }
0x1: {  	s6 =	rddreg [dreg:$0x0]  }
0x2: {  	s0 =	rddreg [dreg:$0x1];
	s1 =	simm.s32 $0x0;
	s2 =	srdreg.scid  }
0x3: {  	s11 =	simm.s32 $0x80;
	s12 =	simm.s32 $0x400;
	s13 =	simm.s32 $0xD80  }
0x4: {  	s14 =	simm.s32 $0x0;
	[smem:$0x7FF] =	sst s1;
	s4 =	sand.u32 $0x1, s2  }
0x5: {  	s3 =	sadd.s32 $0x1B3800, s6;
	s2 =	stileid.u32;
	_ =	strace $0x8000004A  }
0x6: {  	s5 =	ssub.s32 $0x2, s4;
	s8 =	sshll.u32 s2, $0x5;
	s9 =	sshll.u32 s4, $0x4  }
0x7: {  	s4 =	sadd.s32 $0x1CD800, s6;
	s6 =	sadd.s32 $0x1CDA00, s6;
	s7 =	sshrl.u32 s5, $0x1  }
0x8: {  	s10 =	ssub.s32 s5, s7;
	s5 =	sor.u32 s9, s8;
	s9 =	simm.s32 $0xE00  }
0x9: {  	v0 =	vimm.s32 $0x0;
	s7 =	sshrl.u32 s5, $0x4;
	s8 =	smax.u32 s10, $0x1;
	s10 =	simm.s32 $0x1  }
.LBB2_1:
0xa: {  	[tilespmem:s9], [sflag:$0x1] =	stream.linear.gather [hbm4b:s4+s1], $0x200, $0x38;
	[tilespmem:$0x1000] =	vst v63  }
0xb: {  	_ =	swait.ge [sflag:s10], $0x200  }
0xc: {  	[sflag:s10] =	ssyncset.done $0x0  }
0xd: {  	s15 =	simm.s32 $0x0;
	[sflag:s10] =	ssyncadd.s32 $0xFFFFFE00  }
.LBB2_2:
0xe: {  	s18 =	sor.u32 s5, s15  }
0xf: {  	s16 =	sshrl.u32 s18, $0x3  }
0x10: {  	s17 =	sshll.u32 s15, $0x7;
	s19 =	smul.u32 $0x3400, s16  }
0x11: {  	p1 =	sne.s32 s15, $0x0;
	s17 =	sand.u32 $0x380, s17;
	p0 =	seq.s32 s18, $0x0  }
0x12: {  	p0 =	por !p1, !p0;
	s19 =	sor.u32 s17, s19  }
0x13: {  	s18 =	simm.s32 $0x1;
	p0 =	por !p0, !p0;
	s19 =	sshrl.u32 s19, $0x3  }
0x14: {  	s20 =	simm.s32 $0x0;
	s18 =	simm.s32 @!p0 $0x0;
	s19 =	sadd.s32 s3, s19  }
0x15: {  	[tilespmem:s20], [sflag:$0x1] =	stream.strided.gather [hbm4b:s19+s11], $0x680, s12, s11, $0x38;
	[tilespmem:$0x1000] =	vst v63  }
0x16: {  	s18 =	ssub.s32 s7, s18;
	_ =	swait.ge [sflag:s10], $0x680  }
0x17: {  	s18 =	sshll.u32 s18, $0x6;
	[sflag:s10] =	ssyncset.done $0x0  }
0x18: {  	s18 =	sshra.s32 s18, $0x2;
	[sflag:s10] =	ssyncadd.s32 $0xFFFFF980  }
0x19: {  	v1 =	vld [tilespmem:s18+$0xE00];
	[tilespmem:$0x680] =	vst v0  }
0x1a: {  	[tilespmem:$0x690] =	vst v0  }
0x1b: {  	[tilespmem:$0x6A0] =	vst v0  }
0x1c: {  	[tilespmem:$0x6B0] =	vst v0  }
0x1d: {  	s28 =	simm.s32 $0x20;
	[tilespmem:$0x6C0] =	vst v0  }
0x1e: {  	v3 =	vld [tilespmem:s28+$0xFFFFFFE0];
	_ =	sdelay $0x1  }
0x1f: {  	v2 =	vmov s15  }
0x20: {  	v1 =	vperm.xlane v1, v2;
	_ =	sdelay $0x1  }
0x21: {  	v2 =	vlaneseq.u32;
	vm0 =	vle.f32 v3, v1  }
0x22: {  	[tilespmem:s20+$0x680] =	vst.msk vm0, v2;
	v3 =	vmpcnt.ones.xlane vm0  }
0x23: {  	v4 =	vld [tilespmem:s28+$0xFFFFFFF0]  }
0x24: {  	(v2sf) =	vpush v3, $0x0;
	_ =	sdelay $0x3  }
0x25: {  	vm13 =	vle.f32 v4, v1  }
0x26: {  	v3 =	vmpcnt.ones.xlane vm13;
	_ =	sdelay $0x1  }
0x27: {  	(v2sf) =	vpush v3, $0x0;
	_ =	sdelay $0x7  }
0x28: {  	s29 =	spop (v2sf)  }
0x29: {  	v3 =	vadd.s32 $0x10, v2;
	s19 =	sadd.s32 $0x0, s29  }
0x2a: {  	[tilespmem:s19+$0x680] =	vst.msk vm13, v3  }
0x2b: {  	v3 =	vld [tilespmem:s28+$0x0];
	_ =	sdelay $0x3  }
0x2c: {  	s30 =	spop (v2sf)  }
0x2d: {  	v4 =	vadd.s32 $0x20, v2;
	s19 =	sadd.s32 s19, s30;
	vm14 =	vle.f32 v3, v1  }
0x2e: {  	[tilespmem:s19+$0x680] =	vst.msk vm14, v4;
	v4 =	vmpcnt.ones.xlane vm14  }
0x2f: {  	v3 =	vld [tilespmem:s28+$0x10]  }
0x30: {  	(v2sf) =	vpush v4, $0x0;
	_ =	sdelay $0x3  }
0x31: {  	vm15 =	vle.f32 v3, v1  }
0x32: {  	v3 =	vmpcnt.ones.xlane vm15;
	_ =	sdelay $0x1  }
0x33: {  	(v2sf) =	vpush v3, $0x0;
	_ =	sdelay $0x7  }
0x34: {  	s31 =	spop (v2sf)  }
0x35: {  	v3 =	vadd.s32 $0x30, v2;
	s20 =	sadd.s32 s19, s31  }
0x36: {  	s18 =	simm.s32 $0x60;
	[tilespmem:s20+$0x680] =	vst.msk vm15, v3  }
0x37: {  	v3 =	vld [tilespmem:s18+$0xFFFFFFE0];
	_ =	sdelay $0x3  }
0x38: {  	s19 =	simm.s32 $0x4;
	s21 =	spop (v2sf)  }
.LBB2_3:
0x39: {  	s19 =	sadd.s32 $0x4, s19;
	vm0 =	vle.f32 v3, v1;
	s20 =	sadd.s32 s20, s21;
	v2 =	vadd.s32 $0x40, v2  }
0x3a: {  	p0 =	slt.u32 s19, $0x64;
	[tilespmem:s20+$0x680] =	vst.msk vm0, v2;
	v3 =	vmpcnt.ones.xlane vm0  }
0x3b: {  	v4 =	vld [tilespmem:s18+$0xFFFFFFF0]  }
0x3c: {  	(v2sf) =	vpush v3, $0x0;
	_ =	sdelay $0x3  }
0x3d: {  	vm0 =	vle.f32 v4, v1  }
0x3e: {  	v3 =	vmpcnt.ones.xlane vm0;
	_ =	sdelay $0x1  }
0x3f: {  	(v2sf) =	vpush v3, $0x0;
	_ =	sdelay $0x7  }
0x40: {  	s21 =	spop (v2sf)  }
0x41: {  	v3 =	vadd.s32 $0x10, v2;
	s20 =	sadd.s32 s20, s21  }
0x42: {  	[tilespmem:s20+$0x680] =	vst.msk vm0, v3  }
0x43: {  	v3 =	vld [tilespmem:s18+$0x0];
	_ =	sdelay $0x3  }
0x44: {  	s21 =	spop (v2sf)  }
0x45: {  	v4 =	vadd.s32 $0x20, v2;
	s20 =	sadd.s32 s20, s21;
	vm0 =	vle.f32 v3, v1  }
0x46: {  	[tilespmem:s20+$0x680] =	vst.msk vm0, v4;
	v3 =	vmpcnt.ones.xlane vm0  }
0x47: {  	v4 =	vld [tilespmem:s18+$0x10]  }
0x48: {  	(v2sf) =	vpush v3, $0x0;
	_ =	sdelay $0x3  }
0x49: {  	vm0 =	vle.f32 v4, v1  }
0x4a: {  	v3 =	vmpcnt.ones.xlane vm0;
	_ =	sdelay $0x1  }
0x4b: {  	(v2sf) =	vpush v3, $0x0;
	_ =	sdelay $0x7  }
0x4c: {  	s21 =	spop (v2sf)  }
0x4d: {  	v3 =	vadd.s32 $0x30, v2;
	s20 =	sadd.s32 s20, s21  }
0x4e: {  	s18 =	sadd.s32 $0x40, s18;
	[tilespmem:s20+$0x680] =	vst.msk vm0, v3  }
.Ltmp0:
0x4f: {  	v3 =	vld [tilespmem:s18+$0xFFFFFFE0];
	(pc) =	sbr.rel @p0 .LBB2_3-.Ltmp0, $2  }
0x50: {  	_ =	sdelay $0x2  }
0x51: {  	s21 =	spop (v2sf)  }
0x52: {  	vm0 =	vle.f32 v3, v1;
	s19 =	sadd.s32 s20, s21;
	v2 =	vadd.s32 $0x40, v2  }
0x53: {  	[tilespmem:s19+$0x680] =	vst.msk vm0, v2;
	v3 =	vmpcnt.ones.xlane vm0  }
0x54: {  	v4 =	vld [tilespmem:s18+$0xFFFFFFF0]  }
0x55: {  	(v2sf) =	vpush v3, $0x0;
	_ =	sdelay $0x3  }
0x56: {  	vm13 =	vle.f32 v4, v1  }
0x57: {  	v3 =	vmpcnt.ones.xlane vm13;
	_ =	sdelay $0x1  }
0x58: {  	(v2sf) =	vpush v3, $0x0;
	_ =	sdelay $0x7  }
0x59: {  	s28 =	spop (v2sf)  }
0x5a: {  	v3 =	vadd.s32 $0x10, v2;
	s19 =	sadd.s32 s19, s28  }
0x5b: {  	[tilespmem:s19+$0x680] =	vst.msk vm13, v3  }
0x5c: {  	v3 =	vld [tilespmem:s18+$0x0];
	_ =	sdelay $0x3  }
0x5d: {  	s29 =	spop (v2sf)  }
0x5e: {  	v62 =	vadd.s32 $0x20, v2;
	s19 =	sadd.s32 s19, s29;
	vm14 =	vle.f32 v3, v1  }
0x5f: {  	[tilespmem:s19+$0x680] =	vst.msk vm14, v62;
	v3 =	vmpcnt.ones.xlane vm14  }
0x60: {  	v4 =	vld [tilespmem:s18+$0x10]  }
0x61: {  	(v2sf) =	vpush v3, $0x0;
	_ =	sdelay $0x3  }
0x62: {  	vm15 =	vle.f32 v4, v1  }
0x63: {  	v1 =	vmpcnt.ones.xlane vm15;
	_ =	sdelay $0x1  }
0x64: {  	(v2sf) =	vpush v1, $0x0;
	_ =	sdelay $0x7  }
0x65: {  	s30 =	spop (v2sf)  }
0x66: {  	v1 =	vadd.s32 $0x30, v2;
	s18 =	sadd.s32 s19, s30  }
0x67: {  	[tilespmem:s18+$0x680] =	vst.msk vm15, v1  }
0x68: {  	v1 =	vld [tilespmem:$0x680]  }
0x69: {  	v2 =	vld [tilespmem:$0x690]  }
0x6a: {  	v3 =	vld [tilespmem:$0x6A0];
	[tilespmem:$0xDD0] =	vst v0  }
0x6b: {  	v63 =	vld [tilespmem:$0x6B0];
	[tilespmem:$0xDE0] =	vst v0  }
0x6c: {  	[tilespmem:$0xDF0] =	vst v0;
	s31 =	spop (v2sf)  }
0x6d: {  	s18 =	sadd.s32 s18, s31;
	[tilespmem:$0xD80] =	vst v1  }
0x6e: {  	s16 =	sshll.u32 s16, $0xA;
	[tilespmem:$0xD90] =	vst v2;
	p0 =	slt.s32 s18, $0x40  }
0x6f: {  	s15 =	sadd.s32 $0x1, s15;
	s16 =	sor.u32 s17, s16;
	[tilespmem:$0xDA0] =	vst v3;
	s18 =	simm.s32 @!p0 $0x40  }
0x70: {  	s16 =	sshrl.u32 s16, $0x3;
	[tilespmem:$0xDB0] =	vst v63;
	p0 =	sne.s32 s15, $0x10;
	v1 =	vmov s18  }
.Ltmp1:
0x71: {  	s16 =	sadd.s32 s6, s16;
	[tilespmem:$0xDC0] =	vst v1;
	(pc) =	sbr.rel @p0 .LBB2_2-.Ltmp1, $4  }
0x72: {  	[hbm4b:s16+s1] =	stream.linear.scatter [tilespmem:s13], [sflag:$0x1], $0x80, $0x38;
	[tilespmem:$0x1000] =	vst v63  }
0x73: {  	_ =	swait.ge [sflag:s10], $0x80  }
0x74: {  	[sflag:s10] =	ssyncset.done $0x0  }
0x75: {  	[sflag:s10] =	ssyncadd.s32 $0xFFFFFF80  }
0x76: {  	s14 =	sadd.s32 $0x1, s14  }
0x77: {  	p0 =	sne.s32 s14, s8  }
.Ltmp2:
0x78: {  	_ = 	snop;
	(pc) =	sbr.rel @p0 .LBB2_1-.Ltmp2, $1  }
0x79: {  	_ =	sdelay $0x3  }
0x7a: {  	_ =	sfence.sel $0x180000  }
0x7b: {  	[bflag:$0x0] =	sbarrier.arrive $0xFFFF  }
0x7c: {  	p0 =	sne.s32 s2, $0x0;
	_ =	strace $0x9000004A  }
0x7d: {  	s0 =	sadd.s32 @!p0 $0x100000, s0;
	[bflag:$0x2] =	sbarrier.arrive $0xFFFF  }
0x7e: {  	[sflag:s0] =	ssyncadd.tile.s32 @!p0 $0x1;
	_ =	shalt  }
.Lfunc_end2:
_tile_overlayer_lowered:
.L_overlay_start_2:
0x7f: {  	(tag) =	ssettag $0x2  }
0x80: {  	s0 =	rddreg [dreg:$0x0];
	s2 =	stileid.u32  }
0x81: {  	s1 =	rddreg [dreg:$0x1];
	p0 =	sne.s32 s2, $0x0  }
0x82: {  	s3 =	rddreg [dreg:$0x2];
	[bflag:$0x3] =	sbarrier.arrive $0xFFFF;
	s2 =	simm.s32 @!p0 $0x1C01  }
0x83: {  	[timem:s3], [sflag:s2] =	dma.local @!p0 [hbm:s0], s1  }
0x84: {  	s0 =	simm.s32 @!p0 $0x1  }
0x85: {  	_ =	swait.ge @!p0 [sflag:s0], s1  }
0x86: {  	s1 =	ssub.s32 @!p0 $0x0, s1;
	[sflag:s0] =	ssyncset.done @!p0 $0x0  }
0x87: {  	[sflag:s0] =	ssyncadd.s32 @!p0 s1  }
0x88: {  	[bflag:$0x3] =	sbarrier.arrive $0xFFFF  }
0x89: {  	_ =	shalt  }

// kernel: kernel.24.cloned.1.call-start
scs
__scs_entry_jumppad:
0x0: {  	(pc) =	sbr.rel $0x88, $3  }
0x1: {  	(tag) =	ssettag $0x0;
	lr =	simm.s32 $0x1  }
0x2: {  	[smem:$0x3F79] =	sst lr;
	_ =	strace $0xD0000000  }
0x3: {  	_ = 	snop  }
0x4: {  	_ = 	snop  }
0x5: {  	_ = 	snop  }
0x6: {  	_ = 	snop  }
0x7: {  	_ = 	snop  }
__scs_overlays_trampoline_lowered:
0x8: {  	[smem:$0x3F88] =	sst s0  }
0x9: {  	[smem:$0x3F89] =	sst s1  }
0xa: {  	[smem:$0x3F8A] =	sst s2  }
0xb: {  	[smem:$0x3F8B] =	sst s3  }
0xc: {  	[smem:$0x3F8C] =	sst s4  }
0xd: {  	[smem:$0x3F8D] =	sst s5  }
0xe: {  	[smem:$0x3F8E] =	sst s6  }
0xf: {  	[smem:$0x3F8F] =	sst s7  }
0x10: {  	[smem:$0x3F90] =	sst s8  }
0x11: {  	[smem:$0x3F91] =	sst s9;
	s0 =	simm.s32 @!p0 $0x0  }
0x12: {  	s1 =	sld [smem:$0x3F77];
	s0 =	simm.s32 @p0 $0x1  }
0x13: {  	[smem:$0x3F92] =	sst s0;
	s0 =	simm.s32 @!p1 $0x0  }
0x14: {  	s2 =	sld [smem:$0x3F76];
	s0 =	simm.s32 @p1 $0x1  }
0x15: {  	[smem:$0x3F93] =	sst s0;
	s0 =	simm.s32 @!p2 $0x0  }
0x16: {  	s3 =	sld [smem:$0x3FDB];
	s0 =	simm.s32 @p2 $0x1  }
0x17: {  	s4 =	simm.s32 $0x1BF5;
	[smem:$0x3F95] =	sst s0  }
0x18: {  	s0 =	sld [smem:$0x3F78];
	_ =	swait.ge [sflag:s4], $0x0  }
0x19: {  	s7 =	sld [smem:$0x3F79]  }
0x1a: {  	s8 =	sadd.s32 $0xFFFFE003, lr  }
0x1b: {  	s9 =	sadd.s32 $0xFFFFFEF7, lr;
	s5 =	simm.s32 $0xFFFFFFFF;
	p2 =	slt.u32 s8, $0xFFFFF086  }
0x1c: {  	p1 =	slt.u32 s9, $0xF7A;
	s5 =	simm.s32 @!p2 $0x0  }
0x1d: {  	s5 =	simm.s32 @p1 $0x1;
	p0 =	seq.s32 s7, s2  }
0x1e: {  	s7 =	smul.u32 @!p0 $0xF7A, s2;
	p2 =	seq.s32 @!p0 s5, $0x0  }
0x1f: {  	s9 =	smul.u32 $0xF7A, s1;
	s8 =	simm.s32 @!p0 $0x1BF5;
	p2 =	por !p2, p0  }
0x20: {  	[sflag:s8] =	ssyncset.s32 @!p0 $0xFFFFF086;
	s6 =	sadd.s32 @!p0 s3, s7;
	s7 =	simm.s32 @!p0 $0x108  }
0x21: {  	s3 =	sadd.s32 s3, s9;
	s6 =	sadd.s32 @!p0 $0x88, s6;
	s7 =	simm.s32 @p2 $0x1082  }
0x22: {  	[simem:s7], [sflag:s8] =	dma.local @!p0 [hbm:s6], $0xF7A  }
0x23: {  	s9 =	sor.u32 $0xD0000000, s2;
	s6 =	simm.s32 $0x108;
	_ =	swait.ge @!p0 [sflag:s8], $0x0  }
0x24: {  	s3 =	sadd.s32 $0x88, s3;
	s6 =	simm.s32 @!p1 $0x1082;
	[sflag:s4] =	ssyncset.s32 $0xFFFFF086  }
0x25: {  	[simem:s6], [sflag:s4] =	dma.local [hbm:s3], $0xF7A  }
0x26: {  	[smem:$0x3F79] =	sst s1;
	(tag) =	ssettag s2;
	_ =	strace s9  }
0x27: {  	s1 =	sld [smem:$0x3F89]  }
0x28: {  	s2 =	sld [smem:$0x3F8A]  }
0x29: {  	s4 =	sld [smem:$0x3F8C]  }
0x2a: {  	p0 =	seq.s32 s5, $0x0;
	s5 =	sld [smem:$0x3F8D]  }
0x2b: {  	s6 =	sld [smem:$0x3F8E]  }
0x2c: {  	s7 =	sld [smem:$0x3F8F]  }
0x2d: {  	s3 =	simm.s32 $0x108;
	s8 =	sld [smem:$0x3F90]  }
0x2e: {  	s3 =	simm.s32 @!p0 $0x1082;
	s9 =	sld [smem:$0x3F91]  }
0x2f: {  	lr =	sadd.s32 s0, s3;
	s0 =	sld [smem:$0x3F88]  }
0x30: {  	s3 =	sld [smem:$0x3F8B]  }
0x31: {  	[smem:$0x3F94] =	sst s10  }
0x32: {  	s10 =	sld [smem:$0x3F92];
	_ =	sdelay $0x3  }
0x33: {  	p0 =	seq.s32 s10, $0x1;
	s10 =	sld [smem:$0x3F94];
	_ =	sdelay $0x3  }
0x34: {  	[smem:$0x3F94] =	sst s10  }
0x35: {  	s10 =	sld [smem:$0x3F93];
	_ =	sdelay $0x3  }
0x36: {  	p1 =	seq.s32 s10, $0x1;
	s10 =	sld [smem:$0x3F94];
	_ =	sdelay $0x3  }
0x37: {  	[smem:$0x3F94] =	sst s10  }
0x38: {  	s10 =	sld [smem:$0x3F95]  }
0x39: {  	_ = 	snop;
	(pc) =	sbr.ind lr, $3  }
0x3a: {  	_ = 	snop  }
0x3b: {  	_ = 	snop  }
0x3c: {  	p2 =	seq.s32 s10, $0x1;
	s10 =	sld [smem:$0x3F94]  }
0x3d: {  	_ =	shalt  }
0x3e: {  	_ =	shalt  }
0x3f: {  	_ =	shalt  }
0x40: {  	_ =	shalt  }
0x41: {  	_ =	shalt  }
0x42: {  	_ =	shalt  }
0x43: {  	_ =	shalt  }
0x44: {  	_ =	shalt  }
0x45: {  	_ =	shalt  }
0x46: {  	_ =	shalt  }
0x47: {  	_ =	shalt  }
0x48: {  	_ =	shalt  }
0x49: {  	_ =	shalt  }
0x4a: {  	_ =	shalt  }
0x4b: {  	_ =	shalt  }
0x4c: {  	_ =	shalt  }
0x4d: {  	_ =	shalt  }
0x4e: {  	_ =	shalt  }
0x4f: {  	_ =	shalt  }
0x50: {  	_ =	shalt  }
0x51: {  	_ =	shalt  }
0x52: {  	_ =	shalt  }
0x53: {  	_ =	shalt  }
0x54: {  	_ =	shalt  }
0x55: {  	_ =	shalt  }
0x56: {  	_ =	shalt  }
0x57: {  	_ =	shalt  }
0x58: {  	_ =	shalt  }
0x59: {  	_ =	shalt  }
0x5a: {  	_ =	shalt  }
0x5b: {  	_ =	shalt  }
0x5c: {  	_ =	shalt  }
0x5d: {  	_ =	shalt  }
0x5e: {  	_ =	shalt  }
0x5f: {  	_ =	shalt  }
0x60: {  	_ =	shalt  }
0x61: {  	_ =	shalt  }
0x62: {  	_ =	shalt  }
0x63: {  	_ =	shalt  }
0x64: {  	_ =	shalt  }
0x65: {  	_ =	shalt  }
0x66: {  	_ =	shalt  }
0x67: {  	_ =	shalt  }
0x68: {  	_ =	shalt  }
0x69: {  	_ =	shalt  }
0x6a: {  	_ =	shalt  }
0x6b: {  	_ =	shalt  }
0x6c: {  	_ =	shalt  }
0x6d: {  	_ =	shalt  }
0x6e: {  	_ =	shalt  }
0x6f: {  	_ =	shalt  }
0x70: {  	_ =	shalt  }
0x71: {  	_ =	shalt  }
0x72: {  	_ =	shalt  }
0x73: {  	_ =	shalt  }
0x74: {  	_ =	shalt  }
0x75: {  	_ =	shalt  }
0x76: {  	_ =	shalt  }
0x77: {  	_ =	shalt  }
0x78: {  	_ =	shalt  }
0x79: {  	_ =	shalt  }
0x7a: {  	_ =	shalt  }
0x7b: {  	_ =	shalt  }
0x7c: {  	_ =	shalt  }
0x7d: {  	_ =	shalt  }
0x7e: {  	_ =	shalt  }
0x7f: {  	_ =	shalt  }
0x80: {  	_ =	shalt  }
0x81: {  	_ =	shalt  }
0x82: {  	_ =	shalt  }
0x83: {  	_ =	shalt  }
0x84: {  	_ =	shalt  }
0x85: {  	_ =	shalt  }
0x86: {  	_ =	shalt  }
0x87: {  	_ =	shalt  }
.Lfunc_end0:
.L_simem_size_0:
called_computation.3_lowered:
.L_overlay_start_0:
0x88: {  	s2 =	sld [smem:$0x3FD9]  }
0x89: {  	s3 =	sld [smem:$0x3FFE];
	_ =	sdelay $0x1  }
0x8a: {  	s1 =	srdreg.scid  }
0x8b: {  	s0 =	sand.u32 $0x1, s1  }
0x8c: {  	s16 =	sshll.u32 s0, $0xA;
	s2 =	sadd.s32 s3, s2  }
0x8d: {  	s2 =	sadd.s32 s2, s16  }
0x8e: {  	[smem:$0x3FA0] =	sst s2  }
0x8f: {  	_ = 	snop  }
0x90: {  	(tm) =	ssettm $0x1  }
0x91: {  	s17 =	sld [smem:$0x3FFB];
	_ =	sdelay $0x3  }
0x92: {  	_ =	strace s17  }
0x93: {  	s2 =	sld [smem:$0x3FFC];
	_ =	sdelay $0x3  }
0x94: {  	_ =	strace s2  }
0x95: {  	s2 =	sld [smem:$0x3FFD];
	_ =	sdelay $0x3  }
0x96: {  	_ =	strace s2  }
0x97: {  	_ =	strace $0x8FFFFFFF  }
0x98: {  	s18 =	sld [smem:$0x3FDB];
	_ =	sdelay $0x1  }
0x99: {  	s19 =	simm.s32 $_scs_section_size  }
0x9a: {  	s4 =	simm.s32 $_size__tile_overlayer_lowered;
	s5 =	simm.s32 $_tile_overlayer_lowered  }
0x9b: {  	s22 =	simm.s32 $0x1BFF;
	s21 =	sshll.u32 s5, $0x1;
	s2 =	sadd.s32 s19, s18  }
0x9c: {  	s6 =	simm.s32 $0x0;
	s20 =	sshll.u32 s4, $0x1;
	s4 =	sadd.s32 s21, s2  }
0x9d: {  	[timem:s6], [sflag:s22] =	dma.local [hbm:s4], s20  }
0x9e: {  	_ =	swait.ge [sflag:s22], s20  }
0x9f: {  	s3 =	ssub.s32 $0x0, s20;
	[sflag:s22] =	ssyncset.done $0x0  }
0xa0: {  	[sflag:s22] =	ssyncadd.s32 s3;
	_ =	sdelay $0x1  }
0xa1: {  	s23 =	simm.s32 $0x1B8B  }
0xa2: {  	_ =	swait.ge [sflag:s23], $0x1  }
0xa3: {  	[sflag:s23] =	ssyncset.done $0x0  }
0xa4: {  	s25 =	simm.s32 $0x1B8E;
	s24 =	sld [smem:$0x3FFE];
	[sflag:s23] =	ssyncadd.s32 $0xFFFFFFFF  }
0xa5: {  	s26 =	simm.s32 $execute0_lowered;
	[smem:$0x3FD2] =	sst s25  }
0xa6: {  	s4 =	sshll.u32 s26, $0x1;
	_ =	strace $0x8000004F;
	[dreg:$0x1] =	wrdreg $0xFFFFFFFF  }
0xa7: {  	s28 =	simm.s32 $_size_execute0_lowered;
	s2 =	sadd.s32 s2, s4;
	[dreg:$0x0] =	wrdreg $0x0  }
0xa8: {  	s4 =	sshll.u32 s28, $0x1;
	[dreg:$0x2] =	wrdreg s2  }
0xa9: {  	[dreg:$0x3] =	wrdreg s4  }
0xaa: {  	[dreg:$0x4] =	wrdreg $0xC0  }
0xab: {  	_ =	task [dreg:s6], $0x5FFFF  }
0xac: {  	[dreg:$0x1] =	wrdreg $0xFFFFFFFF  }
0xad: {  	[dreg:$0x0] =	wrdreg $0x60  }
0xae: {  	[dreg:$0x2] =	wrdreg s24  }
0xaf: {  	[dreg:$0x3] =	wrdreg $0x9  }
0xb0: {  	_ =	task.clear_ibuf [dreg:s6], $0x4FFFF;
	_ =	strace $0x9000004F  }
0xb1: {  	s29 =	simm.s32 $0x9;
	_ =	strace $0x80000051  }
0xb2: {  	_ =	swait.ge [sflag:s29], $0x1  }
0xb3: {  	[sflag:s29] =	ssyncadd.s32 $0xFFFFFFFF  }
0xb4: {  	_ =	strace $0x90000051  }
0xb5: {  	_ =	sfence  }
0xb6: {  	s30 =	sld [smem:$0x0];
	_ =	sdelay $0x2  }
0xb7: {  	s31 =	sshll.u32 s1, $0xD;
	s1 =	sshrl.u32 s1, $0x2  }
0xb8: {  	s3 =	sand.u32 $0x4000, s31;
	s1 =	sadd.s32 s1, s30  }
0xb9: {  	s0 =	sor.u32 s3, s0;
	s1 =	sshll.u32 s1, $0x11  }
0xba: {  	s0 =	sor.u32 s1, s0  }
0xbb: {  	s0 =	sadd.s32 $0x8F2B, s0  }
0xbc: {  	[sflag:s0] =	ssyncadd.remote.s32 $0x1  }
0xbd: {  	_ =	sfence.sel $0xFFFF  }
0xbe: {  	[dreg:$0x0] =	wrdreg $0xFFFFFFFF;
	(pc) =	sbr.abs _section_cstart, $3  }
0xbf: {  	[dreg:$0x1] =	wrdreg $0xFFFFFFFF  }
0xc0: {  	_ =	task.clear_ibuf [dreg:s6], $0x2FFFF;
	_ =	strace $0x9FFFFFFF  }
0xc1: {  	(tm) =	ssettm $0x7FFFFFFF  }
tec
execute0_lowered:
.L_overlay_start_1:
0x0: {  	(tag) =	ssettag $0x1  }
0x1: {  	s1 =	srdreg.scid  }
0x2: {  	s0 =	stileid.u32;
	s16 =	sand.u32 $0x1, s1  }
0x3: {  	s30 =	sshll.u32 s0, $0xB;
	s2 =	sshll.u32 s16, $0xA  }
0x4: {  	s9 =	rddreg [dreg:$0x0];
	s11 =	sor.u32 s2, s30  }
0x5: {  	s1 =	rddreg [dreg:$0x1];
	s2 =	simm.s32 $0x0;
	s3 =	sshrl.u32 s11, $0x3  }
0x6: {  	[smem:$0x7FF] =	sst s2;
	s3 =	sadd.s32 s3, s9  }
0x7: {  	_ =	strace $0x80000050;
	s4 =	sadd.s32 $0x1B3800, s3;
	s3 =	simm.s32 $0x3  }
0x8: {  	[tilespmem:s2], [sflag:$0x3] =	stream.linear.gather [hbm4b:s4+s2], $0x400, $0x38;
	[tilespmem:$0x11400] =	vst v63  }
0x9: {  	_ =	swait.ge [sflag:s3], $0x400  }
0xa: {  	s6 =	simm.s32 $0x100;
	s7 =	simm.s32 $0x400;
	[sflag:s3] =	ssyncset.done $0x0  }
0xb: {  	s8 =	simm.s32 $0x1;
	s5 =	sadd.s32 $0x1B4800, s9;
	[sflag:s3] =	ssyncadd.s32 $0xFFFFFC00  }
0xc: {  	[tilespmem:s7], [sflag:$0x1] =	stream.indirect.gather [hbm4b:s5+s6], $0x88, s2, s6, $0xb8;
	[tilespmem:$0x11400] =	vst v63  }
0xd: {  	_ =	swait.ge [sflag:s8], $0x8800  }
0xe: {  	s12 =	sadd.s32 $0xCE00, s9;
	[sflag:s8] =	ssyncset.done $0x0  }
0xf: {  	s10 =	smul.u32 $0x11, s11;
	s9 =	simm.s32 $0x8C00;
	[sflag:s8] =	ssyncadd.s32 $0xFFFF7800  }
0x10: {  	[tilespmem:s9], [sflag:$0x2] =	stream.indirect.gather [hbm4b:s5+s6], $0x88, s6, s6, $0xb8;
	[tilespmem:$0x11400] =	vst v63  }
0x11: {  	s10 =	sadd.s32 s12, s10  }
0x12: {  	[hbm4b:s10+s2] =	stream.linear.scatter [tilespmem:s7], [sflag:$0x3], $0x8800, $0x38;
	[tilespmem:$0x11400] =	vst v63  }
0x13: {  	_ =	swait.ge [sflag:s3], $0x8800  }
0x14: {  	[sflag:s3] =	ssyncset.done $0x0  }
0x15: {  	s13 =	smul.u32 $0x88, s11;
	s11 =	simm.s32 $0x2;
	[sflag:s3] =	ssyncadd.s32 $0xFFFF7800  }
0x16: {  	_ =	swait.ge [sflag:s11], $0x8800  }
0x17: {  	s13 =	sshrl.u32 s13, $0x3;
	[sflag:s11] =	ssyncset.done $0x0  }
0x18: {  	s17 =	sadd.s32 s12, s13;
	s12 =	simm.s32 $0x200;
	[sflag:s11] =	ssyncadd.s32 $0xFFFF7800  }
0x19: {  	[tilespmem:s7], [sflag:$0x1] =	stream.indirect.gather [hbm4b:s5+s6], $0x88, s12, s6, $0xb8;
	[tilespmem:$0x11400] =	vst v63  }
0x1a: {  	s13 =	sadd.s32 $0x1100, s17  }
0x1b: {  	[hbm4b:s13+s2] =	stream.linear.scatter [tilespmem:s9], [sflag:$0x3], $0x8800, $0x38;
	[tilespmem:$0x11400] =	vst v63  }
0x1c: {  	_ =	swait.ge [sflag:s3], $0x8800  }
0x1d: {  	[sflag:s3] =	ssyncset.done $0x0  }
0x1e: {  	[sflag:s3] =	ssyncadd.s32 $0xFFFF7800  }
0x1f: {  	_ =	swait.ge [sflag:s8], $0x8800  }
0x20: {  	[sflag:s8] =	ssyncset.done $0x0  }
0x21: {  	s14 =	simm.s32 $0x300;
	[sflag:s8] =	ssyncadd.s32 $0xFFFF7800  }
0x22: {  	[tilespmem:s9], [sflag:$0x2] =	stream.indirect.gather [hbm4b:s5+s6], $0x88, s14, s6, $0xb8;
	[tilespmem:$0x11400] =	vst v63  }
0x23: {  	s16 =	ssub.s32 $0x2, s16;
	s15 =	sadd.s32 $0x2200, s17  }
0x24: {  	[hbm4b:s15+s2] =	stream.linear.scatter [tilespmem:s7], [sflag:$0x3], $0x8800, $0x38;
	[tilespmem:$0x11400] =	vst v63  }
0x25: {  	s18 =	sshrl.u32 s16, $0x1;
	_ =	swait.ge [sflag:s3], $0x8800  }
0x26: {  	s18 =	ssub.s32 s16, s18;
	[sflag:s3] =	ssyncset.done $0x0  }
0x27: {  	s31 =	smax.u32 s18, $0x1;
	[sflag:s3] =	ssyncadd.s32 $0xFFFF7800  }
0x28: {  	p0 =	sne.s32 s31, $0x1;
	_ =	swait.ge [sflag:s11], $0x8800  }
.Ltmp0:
0x29: {  	[sflag:s11] =	ssyncset.done $0x0;
	(pc) =	sbr.rel @!p0 .LBB2_2-.Ltmp0, $4  }
0x2a: {  	s16 =	sadd.s32 $0x3300, s17;
	[sflag:s11] =	ssyncadd.s32 $0xFFFF7800  }
0x2b: {  	[hbm4b:s16+s2] =	stream.linear.scatter [tilespmem:s9], [sflag:$0x3], $0x8800, $0x38;
	[tilespmem:$0x11400] =	vst v63  }
0x2c: {  	_ =	swait.ge [sflag:s3], $0x8800  }
0x2d: {  	s17 =	sadd.s32 $0xFFFFFFFF, s31;
	[sflag:s3] =	ssyncset.done $0x0  }
.LBB2_1:
0x2e: {  	p0 =	sne.s32 s17, $0x1;
	s17 =	sadd.s32 $0xFFFFFFFF, s17;
	[sflag:s3] =	ssyncadd.s32 $0xFFFF7800  }
0x2f: {  	[tilespmem:s2], [sflag:$0x3] =	stream.linear.gather [hbm4b:s4+s2], $0x400, $0x38;
	[tilespmem:$0x11400] =	vst v63  }
0x30: {  	_ =	swait.ge [sflag:s3], $0x400  }
0x31: {  	[sflag:s3] =	ssyncset.done $0x0  }
0x32: {  	[sflag:s3] =	ssyncadd.s32 $0xFFFFFC00  }
0x33: {  	[tilespmem:s7], [sflag:$0x1] =	stream.indirect.gather [hbm4b:s5+s6], $0x88, s2, s6, $0xb8;
	[tilespmem:$0x11400] =	vst v63  }
0x34: {  	_ =	swait.ge [sflag:s8], $0x8800  }
0x35: {  	[sflag:s8] =	ssyncset.done $0x0  }
0x36: {  	[sflag:s8] =	ssyncadd.s32 $0xFFFF7800  }
0x37: {  	[tilespmem:s9], [sflag:$0x2] =	stream.indirect.gather [hbm4b:s5+s6], $0x88, s6, s6, $0xb8;
	[tilespmem:$0x11400] =	vst v63  }
0x38: {  	_ = 	snop  }
0x39: {  	[hbm4b:s10+s2] =	stream.linear.scatter [tilespmem:s7], [sflag:$0x3], $0x8800, $0x38;
	[tilespmem:$0x11400] =	vst v63  }
0x3a: {  	_ =	swait.ge [sflag:s3], $0x8800  }
0x3b: {  	[sflag:s3] =	ssyncset.done $0x0  }
0x3c: {  	[sflag:s3] =	ssyncadd.s32 $0xFFFF7800  }
0x3d: {  	_ =	swait.ge [sflag:s11], $0x8800  }
0x3e: {  	[sflag:s11] =	ssyncset.done $0x0  }
0x3f: {  	[sflag:s11] =	ssyncadd.s32 $0xFFFF7800  }
0x40: {  	[tilespmem:s7], [sflag:$0x1] =	stream.indirect.gather [hbm4b:s5+s6], $0x88, s12, s6, $0xb8;
	[tilespmem:$0x11400] =	vst v63  }
0x41: {  	_ = 	snop  }
0x42: {  	[hbm4b:s13+s2] =	stream.linear.scatter [tilespmem:s9], [sflag:$0x3], $0x8800, $0x38;
	[tilespmem:$0x11400] =	vst v63  }
0x43: {  	_ =	swait.ge [sflag:s3], $0x8800  }
0x44: {  	[sflag:s3] =	ssyncset.done $0x0  }
0x45: {  	[sflag:s3] =	ssyncadd.s32 $0xFFFF7800  }
0x46: {  	_ =	swait.ge [sflag:s8], $0x8800  }
0x47: {  	[sflag:s8] =	ssyncset.done $0x0  }
0x48: {  	[sflag:s8] =	ssyncadd.s32 $0xFFFF7800  }
0x49: {  	[tilespmem:s9], [sflag:$0x2] =	stream.indirect.gather [hbm4b:s5+s6], $0x88, s14, s6, $0xb8;
	[tilespmem:$0x11400] =	vst v63  }
0x4a: {  	_ = 	snop  }
0x4b: {  	[hbm4b:s15+s2] =	stream.linear.scatter [tilespmem:s7], [sflag:$0x3], $0x8800, $0x38;
	[tilespmem:$0x11400] =	vst v63  }
0x4c: {  	_ =	swait.ge [sflag:s3], $0x8800  }
0x4d: {  	[sflag:s3] =	ssyncset.done $0x0  }
0x4e: {  	[sflag:s3] =	ssyncadd.s32 $0xFFFF7800  }
0x4f: {  	_ =	swait.ge [sflag:s11], $0x8800  }
.Ltmp1:
0x50: {  	[sflag:s11] =	ssyncset.done $0x0;
	(pc) =	sbr.rel @p0 .LBB2_1-.Ltmp1, $4  }
0x51: {  	[sflag:s11] =	ssyncadd.s32 $0xFFFF7800  }
0x52: {  	[hbm4b:s16+s2] =	stream.linear.scatter [tilespmem:s9], [sflag:$0x3], $0x8800, $0x38;
	[tilespmem:$0x11400] =	vst v63  }
0x53: {  	_ =	swait.ge [sflag:s3], $0x8800  }
0x54: {  	[sflag:s3] =	ssyncset.done $0x0  }
.LBB2_2:
0x55: {  	[sflag:s3] =	ssyncadd.s32 $0xFFFF7800  }
0x56: {  	_ =	sfence.sel $0x180000  }
0x57: {  	[bflag:$0x0] =	sbarrier.arrive $0xFFFF  }
0x58: {  	p0 =	sne.s32 s0, $0x0;
	_ =	strace $0x90000050  }
0x59: {  	s0 =	sadd.s32 @!p0 $0x100000, s1;
	[bflag:$0x2] =	sbarrier.arrive $0xFFFF  }
0x5a: {  	[sflag:s0] =	ssyncadd.tile.s32 @!p0 $0x1;
	_ =	shalt  }
.Lfunc_end2:
_tile_overlayer_lowered:
.L_overlay_start_2:
0x5b: {  	(tag) =	ssettag $0x2  }
0x5c: {  	s0 =	rddreg [dreg:$0x0];
	s2 =	stileid.u32  }
0x5d: {  	s1 =	rddreg [dreg:$0x1];
	p0 =	sne.s32 s2, $0x0  }
0x5e: {  	s3 =	rddreg [dreg:$0x2];
	[bflag:$0x3] =	sbarrier.arrive $0xFFFF;
	s2 =	simm.s32 @!p0 $0x1C03  }
0x5f: {  	[timem:s3], [sflag:s2] =	dma.local @!p0 [hbm:s0], s1  }
0x60: {  	s0 =	simm.s32 @!p0 $0x3  }
0x61: {  	_ =	swait.ge @!p0 [sflag:s0], s1  }
0x62: {  	s1 =	ssub.s32 @!p0 $0x0, s1;
	[sflag:s0] =	ssyncset.done @!p0 $0x0  }
0x63: {  	[sflag:s0] =	ssyncadd.s32 @!p0 s1  }
0x64: {  	[bflag:$0x3] =	sbarrier.arrive $0xFFFF  }
0x65: {  	_ =	shalt  }

</sc_bundles>
